<compile_context>
chip_gen: v7x
topology: tpu7x:2x2x1
jax: 0.10.2.dev20260603
libtpu: 0.0.44.dev20260713+nightly
codegen_flags: <defaults>
</compile_context>

<pallas_src>
import functools

import jax
import jax.numpy as jnp
from jax import lax
from jax.experimental import pallas as pl
from jax.experimental.pallas import tpu as pltpu
from jax.experimental.pallas import tpu_sc as plsc

N = 10000
E = 320000
C = 128
H = 8
HC = C // H
BD = 16

NWORK = 32
EB = 32
EPW = 10048
E_PAD = EPW * NWORK
NCHUNK = EPW // EB
N_PAD = 10112
ROWS_PER_SUB = N_PAD // 16
DFLAT = N_PAD * H
DENROWS = EB * H // 128
DTOT = DFLAT + 1024
DROWS_PER_SUB = DTOT // 16


def _qkv_body(recv_ref, send_ref, wq_ref, wk_ref, wv_ref, q_ref, kv_ref):
    send = send_ref[...]
    q_ref[...] = jnp.dot(recv_ref[...], wq_ref[...],
                         preferred_element_type=jnp.float32)
    kv_ref[:, :C] = jnp.dot(send, wk_ref[...],
                            preferred_element_type=jnp.float32)
    kv_ref[:, C:] = jnp.dot(send, wv_ref[...],
                            preferred_element_type=jnp.float32)


def _qkv_proj(receivers, senders, W_Q, W_K, W_V):
    return pl.pallas_call(
        _qkv_body,
        out_shape=(jax.ShapeDtypeStruct((N, C), jnp.float32),
                   jax.ShapeDtypeStruct((N, 2 * C), jnp.float32)),
    )(receivers, senders, W_Q, W_K, W_V)


def _eemb_body(ea_ref, we_ref, out_ref):
    out_ref[...] = jnp.dot(ea_ref[...], we_ref[...],
                           preferred_element_type=jnp.float32)


def _eemb_proj(edge_attrs_p, W_E):
    blk = EPW
    return pl.pallas_call(
        _eemb_body,
        grid=(E_PAD // blk,),
        in_specs=[
            pl.BlockSpec((blk, BD), lambda i: (i, 0)),
            pl.BlockSpec((BD, C), lambda i: (0, 0)),
        ],
        out_specs=pl.BlockSpec((blk, C), lambda i: (i, 0)),
        out_shape=jax.ShapeDtypeStruct((E_PAD, C), jnp.float32),
    )(edge_attrs_p, W_E)


def _edge_body(q_hbm, kv_hbm, e_hbm, src_hbm, dst_hbm, att_hbm, zero_hbm,
               zerod_hbm, outm_hbm, outd_hbm,
               src0, src1, dst0, dst1, sd0, sd1,
               q0, q1, kv0, kv1, e0, e1, m0, m1, att_v,
               dval0, dval1, di00, di01, di10, di11,
               accum, accum_d,
               semi0, semi1, semg0, semg1, sems0, sems1):
    cid = lax.axis_index("c")
    sid = lax.axis_index("s")
    wid = sid * 2 + cid
    srcs = (src0, src1)
    dsts = (dst0, dst1)
    sdst = (sd0, sd1)
    qs = (q0, q1)
    kvs = (kv0, kv1)
    es = (e0, e1)
    msgs = (m0, m1)
    dvals = (dval0, dval1)
    dis = ((di00, di01), (di10, di11))
    semi = (semi0, semi1)
    semg = (semg0, semg1)
    sems = (sems0, sems1)

    row0 = sid * ROWS_PER_SUB
    drow0 = sid * DROWS_PER_SUB
    pltpu.sync_copy(zero_hbm.at[pl.ds(row0, ROWS_PER_SUB)],
                    accum.at[pl.ds(row0, ROWS_PER_SUB)])
    pltpu.sync_copy(zerod_hbm.at[pl.ds(drow0, DROWS_PER_SUB)],
                    accum_d.at[pl.ds(drow0, DROWS_PER_SUB)])
    pltpu.sync_copy(att_hbm, att_v)
    plsc.subcore_barrier()

    lanes = lax.iota(jnp.int32, 16)
    folds = [jnp.bitwise_xor(lanes, k) for k in (8, 4, 2, 1)]
    lane_hi = jnp.where(lanes >= 8, 1, 0)
    lane_and7 = jnp.bitwise_and(lanes, 7)
    bcasts = [jnp.full((16,), k, jnp.int32) for k in range(16)]
    npairs = EB // 2

    def issue_idx(i, p):
        base = wid * EPW + i * EB
        pltpu.async_copy(src_hbm.at[pl.ds(base, EB)], srcs[p], semi[p])
        pltpu.async_copy(dst_hbm.at[pl.ds(base, EB)], dsts[p], semi[p])

    def wait_idx(p):
        pltpu.make_async_copy(src_hbm.at[pl.ds(0, EB)], srcs[p], semi[p]).wait()
        pltpu.make_async_copy(dst_hbm.at[pl.ds(0, EB)], dsts[p], semi[p]).wait()

    def issue_gathers(i, p):
        base = wid * EPW + i * EB
        pltpu.async_copy(q_hbm.at[dsts[p]], qs[p], semg[p])
        pltpu.async_copy(kv_hbm.at[srcs[p]], kvs[p], semg[p])
        pltpu.async_copy(e_hbm.at[pl.ds(base, EB)], es[p], semg[p])

    def wait_gathers(p):
        pltpu.make_async_copy(q_hbm.at[dsts[p]], qs[p], semg[p]).wait()
        pltpu.make_async_copy(kv_hbm.at[srcs[p]], kvs[p], semg[p]).wait()
        pltpu.make_async_copy(e_hbm.at[pl.ds(0, EB)], es[p], semg[p]).wait()

    def issue_scatters(p):
        pltpu.async_copy(msgs[p], accum.at[sdst[p]], sems[p], add=True)
        for j in range(DENROWS):
            pltpu.async_copy(dvals[p].at[pl.ds(j * 128, 128)],
                             accum_d.at[dis[p][j]], sems[p], add=True)

    def wait_scatters(p):
        pltpu.make_async_copy(msgs[p], accum.at[sdst[p]], sems[p]).wait()
        for j in range(DENROWS):
            pltpu.make_async_copy(dvals[p].at[pl.ds(j * 128, 128)],
                                  accum_d.at[dis[p][j]], sems[p]).wait()

    def compute(p):
        q_v, kv_v, e_v, msg_v = qs[p], kvs[p], es[p], msgs[p]
        for off in (0, 16):
            sdst[p][pl.ds(off, 16)] = dsts[p][pl.ds(off, 16)]
        for j in range(DENROWS):
            def gidx(g, _, dij=dis[p][j]):
                dvreg = dsts[p][pl.ds((g // 8) * 16, 16)]
                cg = 2 * (g % 8) + lane_hi
                dpair = dvreg.at[cg].get(mode="promise_in_bounds")
                dij[pl.ds((g % 8) * 16, 16)] = dpair * 8 + lane_and7
                return 0

            lax.fori_loop(j * 8, (j + 1) * 8, gidx, 0)

        def pair(e2, _):
            pv = jnp.zeros((16,), jnp.float32)
            for half in range(2):
                ee = e2 * 2 + half
                for h in range(H):
                    sl = pl.ds(h * HC, HC)
                    s = q_v[ee, sl] + kv_v[ee, sl] + e_v[ee, sl]
                    s = jnp.where(s >= 0.0, s, 0.01 * s)
                    wv = att_v[h, :] * s
                    for fx in folds:
                        wv = wv + wv.at[fx].get(mode="promise_in_bounds")
                    wx = jnp.exp(jnp.minimum(wv, 60.0))
                    pv = pv + jnp.where(lanes == half * 8 + h, wx, 0.0)
            dvals[p][pl.ds(e2 * 16, 16)] = pv
            return 0

        lax.fori_loop(0, npairs, pair, 0)

        def pair2(e2, _):
            dvv = dvals[p][pl.ds(e2 * 16, 16)]
            for half in range(2):
                ee = e2 * 2 + half
                for h in range(H):
                    wxb = dvv.at[bcasts[half * 8 + h]].get(
                        mode="promise_in_bounds")
                    msg_v[ee, pl.ds(h * HC, HC)] = (
                        wxb * kv_v[ee, pl.ds(C + h * HC, HC)])
            return 0

        lax.fori_loop(0, npairs, pair2, 0)

    issue_idx(0, 0)
    wait_idx(0)
    issue_gathers(0, 0)
    issue_idx(1, 1)

    def body2(t, _):
        for b in range(2):
            i = 2 * t + b
            wait_gathers(b)
            compute(b)
            issue_scatters(b)

            @pl.when(i >= 1)
            def _():
                wait_scatters(1 - b)

            @pl.when(i < NCHUNK - 1)
            def _():
                wait_idx(1 - b)
                issue_gathers(i + 1, 1 - b)

            @pl.when(i < NCHUNK - 2)
            def _():
                issue_idx(i + 2, b)
        return 0

    lax.fori_loop(0, NCHUNK // 2, body2, 0)
    wait_scatters((NCHUNK - 1) % 2)
    plsc.subcore_barrier()
    pltpu.sync_copy(accum.at[pl.ds(row0, ROWS_PER_SUB)],
                    outm_hbm.at[cid, pl.ds(row0, ROWS_PER_SUB)])
    pltpu.sync_copy(accum_d.at[pl.ds(drow0, DROWS_PER_SUB)],
                    outd_hbm.at[pl.ds(cid * DTOT + drow0, DROWS_PER_SUB)])


def _edge_pass(Qn, KVn, Eemb, src, dst, att2, zeros, zerosd):
    f = functools.partial(
        pl.kernel, _edge_body,
        out_type=(jax.ShapeDtypeStruct((2, N_PAD, C), jnp.float32),
                  jax.ShapeDtypeStruct((2 * DTOT,), jnp.float32)),
        mesh=plsc.VectorSubcoreMesh(core_axis_name="c", subcore_axis_name="s"),
        scratch_types=(
            [pltpu.VMEM((EB,), jnp.int32)] * 6
            + [pltpu.VMEM((EB, C), jnp.float32),
               pltpu.VMEM((EB, C), jnp.float32),
               pltpu.VMEM((EB, 2 * C), jnp.float32),
               pltpu.VMEM((EB, 2 * C), jnp.float32),
               pltpu.VMEM((EB, C), jnp.float32),
               pltpu.VMEM((EB, C), jnp.float32),
               pltpu.VMEM((EB, C), jnp.float32),
               pltpu.VMEM((EB, C), jnp.float32),
               pltpu.VMEM((H, HC), jnp.float32)]
            + [pltpu.VMEM((DENROWS * 128,), jnp.float32)] * 2
            + [pltpu.VMEM((128,), jnp.int32)] * 4
            + [pltpu.VMEM_SHARED((N_PAD, C), jnp.float32),
               pltpu.VMEM_SHARED((DTOT,), jnp.float32)]
            + [pltpu.SemaphoreType.DMA] * 6
        ),
    )()
    return f(Qn, KVn, Eemb, src, dst, att2, zeros, zerosd)


def _final_body(pm_ref, pd_ref, out_ref):
    msg = pm_ref[0] + pm_ref[1]
    den = pd_ref[0] + pd_ref[1]
    out_ref[...] = jnp.where(den > 0.0, msg / den, 0.0)


def _finalize(pm, pd):
    blk = N_PAD
    return pl.pallas_call(
        _final_body,
        grid=(N_PAD // blk,),
        in_specs=[
            pl.BlockSpec((2, blk, C), lambda i: (0, i, 0)),
            pl.BlockSpec((2, blk, C), lambda i: (0, i, 0)),
        ],
        out_specs=pl.BlockSpec((blk, C), lambda i: (i, 0)),
        out_shape=jax.ShapeDtypeStruct((N_PAD, C), jnp.float32),
    )(pm, pd)


def kernel(senders, receivers, edge_indices, edge_attrs, W_Q, W_K, W_V, W_E, attention):
    src = edge_indices[0]
    dst = edge_indices[1]
    epw0 = E // NWORK
    src_p = jnp.pad(src.reshape(NWORK, epw0),
                    ((0, 0), (0, EPW - epw0))).reshape(E_PAD)
    dst_p = jnp.pad(dst.reshape(NWORK, epw0),
                    ((0, 0), (0, EPW - epw0)),
                    constant_values=N).reshape(E_PAD)
    ea_p = jnp.pad(edge_attrs.reshape(NWORK, epw0, BD),
                   ((0, 0), (0, EPW - epw0), (0, 0))).reshape(E_PAD, BD)
    Qn, KVn = _qkv_proj(receivers, senders, W_Q, W_K, W_V)
    Eemb = _eemb_proj(ea_p, W_E)
    att2 = attention.reshape(H, HC)
    zeros = jnp.zeros((N_PAD, C), jnp.float32)
    zerosd = jnp.zeros((DTOT,), jnp.float32)
    pm, pd = _edge_pass(Qn, KVn, Eemb, src_p, dst_p, att2, zeros, zerosd)
    denx = jnp.repeat(pd.reshape(2, DTOT)[:, :DFLAT].reshape(2, N_PAD, H),
                      HC, axis=2)
    return _finalize(pm, denx)[:N]

# --- scband reference (transcript-rebuilt; emitter-appended) ---
"""Pipeline reference for scband-attention-block-54400055771902 (READ-ONLY COPY).

The authoritative reference and input builder live on the scoring server;
editing this copy changes nothing except your own understanding.
"""

import jax, jax.numpy as jnp
import numpy as np

N = 10000
E = 320000
C = 128
H = 8
HC = C // H
BD = 16


def setup_inputs(seed: int = 0) -> dict:
    key = jax.random.key(seed)
    ks = jax.random.split(key, 9)
    senders = jax.random.normal(ks[0], (N, C), dtype=jnp.float32)
    receivers = jax.random.normal(ks[1], (N, C), dtype=jnp.float32)
    edge_indices = jax.random.randint(ks[2], (2, E), 0, N, dtype=jnp.int32)
    edge_attrs = jax.random.normal(ks[3], (E, BD), dtype=jnp.float32)
    # learned params (stored as [in, out] so forward is x @ W)
    W_Q = jax.random.normal(ks[4], (C, C), dtype=jnp.float32) * (1.0 / np.sqrt(C))
    W_K = jax.random.normal(ks[5], (C, C), dtype=jnp.float32) * (1.0 / np.sqrt(C))
    W_V = jax.random.normal(ks[6], (C, C), dtype=jnp.float32) * (1.0 / np.sqrt(C))
    W_E = jax.random.normal(ks[7], (BD, C), dtype=jnp.float32) * (1.0 / np.sqrt(BD))
    attention = jax.random.normal(ks[8], (1, H, HC), dtype=jnp.float32) * (1.0 / np.sqrt(HC))
    return {
        "senders": senders,
        "receivers": receivers,
        "edge_indices": edge_indices,
        "edge_attrs": edge_attrs,
        "W_Q": W_Q,
        "W_K": W_K,
        "W_V": W_V,
        "W_E": W_E,
        "attention": attention,
    }


def _leaky_relu(x, slope=0.01):
    return jnp.where(x >= 0, x, slope * x)


def reference(senders, receivers, edge_indices, edge_attrs, W_Q, W_K, W_V, W_E, attention):
    src = edge_indices[0]
    dst = edge_indices[1]
    Eemb = edge_attrs @ W_E                      # [E, C]
    Q = (receivers @ W_Q)[dst]                   # gather by dst
    K = (senders @ W_K)[src]                     # gather by src
    V = (senders @ W_V)[src]
    s = (Q + K + Eemb).reshape(-1, H, HC)
    weights = jnp.sum(attention * _leaky_relu(s), axis=2)   # [E, H]
    # scatter_softmax over dst segments
    m = jax.ops.segment_max(weights, dst, num_segments=N)   # [N, H]
    wexp = jnp.exp(weights - m[dst])
    denom = jax.ops.segment_sum(wexp, dst, num_segments=N)
    soft = wexp / denom[dst]                                # [E, H]
    Vh = V.reshape(-1, H, HC)
    msgs = (soft[..., None] * Vh).reshape(-1, C)            # [E, C]
    embedding = jax.ops.segment_sum(msgs, dst, num_segments=N)  # scatter-add
    return embedding

if __name__ == "__main__":
    import jax
    _d = setup_inputs()
    print(jax.jit(kernel)(*tuple(_d.values())))

</pallas_src>

<mosaic_0001>
#map = affine_map<(d0, d1) -> (0, 0)>
#map1 = affine_map<(d0, d1) -> (0)>
#map2 = affine_map<(d0, d1) -> (0, 0, 0)>
module attributes {stable_mosaic.version = 14 : i64} {
  func.func @_edge_body(%arg0: i32, %arg1: i32, %arg2: memref<10000x128xf32, #tpu.memory_space<hbm>>, %arg3: memref<10000x256xf32, #tpu.memory_space<hbm>>, %arg4: memref<321536x128xf32, #tpu.memory_space<hbm>>, %arg5: memref<321536xi32, #tpu.memory_space<hbm>>, %arg6: memref<321536xi32, #tpu.memory_space<hbm>>, %arg7: memref<8x16xf32, #tpu.memory_space<hbm>>, %arg8: memref<10112x128xf32, #tpu.memory_space<hbm>>, %arg9: memref<81920xf32, #tpu.memory_space<hbm>>, %arg10: memref<2x10112x128xf32, #tpu.memory_space<hbm>>, %arg11: memref<163840xf32, #tpu.memory_space<hbm>>, %arg12: memref<32xi32, #tpu.memory_space<vmem>>, %arg13: memref<32xi32, #tpu.memory_space<vmem>>, %arg14: memref<32xi32, #tpu.memory_space<vmem>>, %arg15: memref<32xi32, #tpu.memory_space<vmem>>, %arg16: memref<32xi32, #tpu.memory_space<vmem>>, %arg17: memref<32xi32, #tpu.memory_space<vmem>>, %arg18: memref<32x128xf32, #tpu.memory_space<vmem>>, %arg19: memref<32x128xf32, #tpu.memory_space<vmem>>, %arg20: memref<32x256xf32, #tpu.memory_space<vmem>>, %arg21: memref<32x256xf32, #tpu.memory_space<vmem>>, %arg22: memref<32x128xf32, #tpu.memory_space<vmem>>, %arg23: memref<32x128xf32, #tpu.memory_space<vmem>>, %arg24: memref<32x128xf32, #tpu.memory_space<vmem>>, %arg25: memref<32x128xf32, #tpu.memory_space<vmem>>, %arg26: memref<8x16xf32, #tpu.memory_space<vmem>>, %arg27: memref<256xf32, #tpu.memory_space<vmem>>, %arg28: memref<256xf32, #tpu.memory_space<vmem>>, %arg29: memref<128xi32, #tpu.memory_space<vmem>>, %arg30: memref<128xi32, #tpu.memory_space<vmem>>, %arg31: memref<128xi32, #tpu.memory_space<vmem>>, %arg32: memref<128xi32, #tpu.memory_space<vmem>>, %arg33: memref<10112x128xf32, #tpu.memory_space<vmem_shared>>, %arg34: memref<81920xf32, #tpu.memory_space<vmem_shared>>, %arg35: memref<!tpu.dma_semaphore, #tpu.memory_space<semaphore_mem>>, %arg36: memref<!tpu.dma_semaphore, #tpu.memory_space<semaphore_mem>>, %arg37: memref<!tpu.dma_semaphore, #tpu.memory_space<semaphore_mem>>, %arg38: memref<!tpu.dma_semaphore, #tpu.memory_space<semaphore_mem>>, %arg39: memref<!tpu.dma_semaphore, #tpu.memory_space<semaphore_mem>>, %arg40: memref<!tpu.dma_semaphore, #tpu.memory_space<semaphore_mem>>) attributes {dimension_semantics = [#tpu.dimension_semantics<core_parallel>, #tpu.dimension_semantics<subcore_parallel>], iteration_bounds = array<i64: 2, 16>, scalar_prefetch = 0 : i64, scratch_operands = 29 : i64, tpu.core_type = #tpu.core_type<sc_vector_subcore>, window_params = [{transform_indices = #map}, {transform_indices = #map}, {transform_indices = #map}, {transform_indices = #map1}, {transform_indices = #map1}, {transform_indices = #map}, {transform_indices = #map}, {transform_indices = #map1}, {transform_indices = #map2}, {transform_indices = #map1}]} {
    %mul3A = arith.constant 2 : i32
    %mul3A_0 = arith.muli %arg1, %mul3A : i32
    %add3A = arith.addi %mul3A_0, %arg0 : i32
    %mul3A_1 = arith.constant 632 : i32
    %mul3A_2 = arith.muli %arg1, %mul3A_1 : i32
    %mul3A_3 = arith.constant 5120 : i32
    %mul3A_4 = arith.muli %arg1, %mul3A_3 : i32
    "tpu.region"() ({
      %run_scoped3A = tpu.sem_alloc : memref<!tpu.dma_semaphore, #tpu.memory_space<semaphore_mem>>
      %dma_start3A_111 = arith.constant 0 : i32
      %dma_start3A_112 = tpu.memref_slice %arg33[%mul3A_2, %dma_start3A_111] : memref<10112x128xf32, #tpu.memory_space<vmem_shared>> -> memref<632x128xf32, #tpu.memory_space<vmem_shared>>
      %dma_start3A_113 = arith.constant 0 : i32
      %dma_start3A_114 = tpu.memref_slice %arg8[%mul3A_2, %dma_start3A_113] : memref<10112x128xf32, #tpu.memory_space<hbm>> -> memref<632x128xf32, #tpu.memory_space<hbm>>
      tpu.enqueue_dma source(%dma_start3A_114 : memref<632x128xf32, #tpu.memory_space<hbm>>) target(%dma_start3A_112 : memref<632x128xf32, #tpu.memory_space<vmem_shared>>) target_semaphore(%run_scoped3A : memref<!tpu.dma_semaphore, #tpu.memory_space<semaphore_mem>>)
      %dma_wait3A_115 = arith.constant 0 : i32
      %dma_wait3A_116 = tpu.memref_slice %arg33[%mul3A_2, %dma_wait3A_115] : memref<10112x128xf32, #tpu.memory_space<vmem_shared>> -> memref<632x128xf32, #tpu.memory_space<vmem_shared>>
      %dma_wait3A_117 = arith.constant 0 : i32
      %dma_wait3A_118 = tpu.memref_slice %arg8[%mul3A_2, %dma_wait3A_117] : memref<10112x128xf32, #tpu.memory_space<hbm>> -> memref<632x128xf32, #tpu.memory_space<hbm>>
      tpu.wait_dma2 semaphore(%run_scoped3A : memref<!tpu.dma_semaphore, #tpu.memory_space<semaphore_mem>>) src(%dma_wait3A_118 : memref<632x128xf32, #tpu.memory_space<hbm>>) dst(%dma_wait3A_116 : memref<632x128xf32, #tpu.memory_space<vmem_shared>>)
      tpu.yield
    }) : () -> ()
    "tpu.region"() ({
      %run_scoped3A = tpu.sem_alloc : memref<!tpu.dma_semaphore, #tpu.memory_space<semaphore_mem>>
      %dma_start3A_111 = tpu.memref_slice %arg34[%mul3A_4] : memref<81920xf32, #tpu.memory_space<vmem_shared>> -> memref<5120xf32, #tpu.memory_space<vmem_shared>>
      %dma_start3A_112 = tpu.memref_slice %arg9[%mul3A_4] : memref<81920xf32, #tpu.memory_space<hbm>> -> memref<5120xf32, #tpu.memory_space<hbm>>
      tpu.enqueue_dma source(%dma_start3A_112 : memref<5120xf32, #tpu.memory_space<hbm>>) target(%dma_start3A_111 : memref<5120xf32, #tpu.memory_space<vmem_shared>>) target_semaphore(%run_scoped3A : memref<!tpu.dma_semaphore, #tpu.memory_space<semaphore_mem>>)
      %dma_wait3A_113 = tpu.memref_slice %arg34[%mul3A_4] : memref<81920xf32, #tpu.memory_space<vmem_shared>> -> memref<5120xf32, #tpu.memory_space<vmem_shared>>
      %dma_wait3A_114 = tpu.memref_slice %arg9[%mul3A_4] : memref<81920xf32, #tpu.memory_space<hbm>> -> memref<5120xf32, #tpu.memory_space<hbm>>
      tpu.wait_dma2 semaphore(%run_scoped3A : memref<!tpu.dma_semaphore, #tpu.memory_space<semaphore_mem>>) src(%dma_wait3A_114 : memref<5120xf32, #tpu.memory_space<hbm>>) dst(%dma_wait3A_113 : memref<5120xf32, #tpu.memory_space<vmem_shared>>)
      tpu.yield
    }) : () -> ()
    "tpu.region"() ({
      %run_scoped3A = tpu.sem_alloc : memref<!tpu.dma_semaphore, #tpu.memory_space<semaphore_mem>>
      tpu.enqueue_dma source(%arg7 : memref<8x16xf32, #tpu.memory_space<hbm>>) target(%arg26 : memref<8x16xf32, #tpu.memory_space<vmem>>) target_semaphore(%run_scoped3A : memref<!tpu.dma_semaphore, #tpu.memory_space<semaphore_mem>>)
      tpu.wait_dma2 semaphore(%run_scoped3A : memref<!tpu.dma_semaphore, #tpu.memory_space<semaphore_mem>>) src(%arg7 : memref<8x16xf32, #tpu.memory_space<hbm>>) dst(%arg26 : memref<8x16xf32, #tpu.memory_space<vmem>>)
      tpu.yield
    }) : () -> ()
    %barrier3A = arith.constant 0 : index
    tpu.barrier barrier_id(%barrier3A)
    %iota3A = tpu.iota {dimensions = array<i32: 0>} : vector<16xi32>
    %xor3A = arith.constant 8 : i32
    %xor3A_5 = vector.broadcast %xor3A : i32 to vector<16xi32>
    %xor3A_6 = arith.xori %iota3A, %xor3A_5 : vector<16xi32>
    %xor3A_7 = arith.constant 4 : i32
    %xor3A_8 = vector.broadcast %xor3A_7 : i32 to vector<16xi32>
    %xor3A_9 = arith.xori %iota3A, %xor3A_8 : vector<16xi32>
    %xor3A_10 = arith.constant 2 : i32
    %xor3A_11 = vector.broadcast %xor3A_10 : i32 to vector<16xi32>
    %xor3A_12 = arith.xori %iota3A, %xor3A_11 : vector<16xi32>
    %xor3A_13 = arith.constant 1 : i32
    %xor3A_14 = vector.broadcast %xor3A_13 : i32 to vector<16xi32>
    %xor3A_15 = arith.xori %iota3A, %xor3A_14 : vector<16xi32>
    %ge3A = arith.constant 8 : i32
    %ge3A_16 = vector.broadcast %ge3A : i32 to vector<16xi32>
    %ge3A_17 = arith.cmpi sge, %iota3A, %ge3A_16 : vector<16xi32>
    %jit3A = arith.constant 1 : i32
    %jit3A_18 = arith.constant 0 : i32
    %broadcast_in_dim3A = vector.broadcast %jit3A : i32 to vector<16xi32>
    %broadcast_in_dim3A_19 = vector.broadcast %jit3A_18 : i32 to vector<16xi32>
    %select_n3A = arith.select %ge3A_17, %broadcast_in_dim3A, %broadcast_in_dim3A_19 : vector<16xi1>, vector<16xi32>
    %and3A = arith.constant 7 : i32
    %and3A_20 = vector.broadcast %and3A : i32 to vector<16xi32>
    %and3A_21 = arith.andi %iota3A, %and3A_20 : vector<16xi32>
    %broadcast_in_dim3A_22 = arith.constant 0 : i32
    %broadcast_in_dim3A_23 = vector.broadcast %broadcast_in_dim3A_22 : i32 to vector<16xi32>
    %broadcast_in_dim3A_24 = arith.constant 1 : i32
    %broadcast_in_dim3A_25 = vector.broadcast %broadcast_in_dim3A_24 : i32 to vector<16xi32>
    %broadcast_in_dim3A_26 = arith.constant 2 : i32
    %broadcast_in_dim3A_27 = vector.broadcast %broadcast_in_dim3A_26 : i32 to vector<16xi32>
    %broadcast_in_dim3A_28 = arith.constant 3 : i32
    %broadcast_in_dim3A_29 = vector.broadcast %broadcast_in_dim3A_28 : i32 to vector<16xi32>
    %broadcast_in_dim3A_30 = arith.constant 4 : i32
    %broadcast_in_dim3A_31 = vector.broadcast %broadcast_in_dim3A_30 : i32 to vector<16xi32>
    %broadcast_in_dim3A_32 = arith.constant 5 : i32
    %broadcast_in_dim3A_33 = vector.broadcast %broadcast_in_dim3A_32 : i32 to vector<16xi32>
    %broadcast_in_dim3A_34 = arith.constant 6 : i32
    %broadcast_in_dim3A_35 = vector.broadcast %broadcast_in_dim3A_34 : i32 to vector<16xi32>
    %broadcast_in_dim3A_36 = arith.constant 7 : i32
    %broadcast_in_dim3A_37 = vector.broadcast %broadcast_in_dim3A_36 : i32 to vector<16xi32>
    %broadcast_in_dim3A_38 = arith.constant 8 : i32
    %broadcast_in_dim3A_39 = vector.broadcast %broadcast_in_dim3A_38 : i32 to vector<16xi32>
    %broadcast_in_dim3A_40 = arith.constant 9 : i32
    %broadcast_in_dim3A_41 = vector.broadcast %broadcast_in_dim3A_40 : i32 to vector<16xi32>
    %broadcast_in_dim3A_42 = arith.constant 10 : i32
    %broadcast_in_dim3A_43 = vector.broadcast %broadcast_in_dim3A_42 : i32 to vector<16xi32>
    %broadcast_in_dim3A_44 = arith.constant 11 : i32
    %broadcast_in_dim3A_45 = vector.broadcast %broadcast_in_dim3A_44 : i32 to vector<16xi32>
    %broadcast_in_dim3A_46 = arith.constant 12 : i32
    %broadcast_in_dim3A_47 = vector.broadcast %broadcast_in_dim3A_46 : i32 to vector<16xi32>
    %broadcast_in_dim3A_48 = arith.constant 13 : i32
    %broadcast_in_dim3A_49 = vector.broadcast %broadcast_in_dim3A_48 : i32 to vector<16xi32>
    %broadcast_in_dim3A_50 = arith.constant 14 : i32
    %broadcast_in_dim3A_51 = vector.broadcast %broadcast_in_dim3A_50 : i32 to vector<16xi32>
    %broadcast_in_dim3A_52 = arith.constant 15 : i32
    %broadcast_in_dim3A_53 = vector.broadcast %broadcast_in_dim3A_52 : i32 to vector<16xi32>
    %mul3A_54 = arith.constant 10048 : i32
    %mul3A_55 = arith.muli %add3A, %mul3A_54 : i32
    %add3A_56 = arith.constant 0 : i32
    %add3A_57 = arith.addi %mul3A_55, %add3A_56 : i32
    %dma_start3A = tpu.memref_slice %arg5[%add3A_57] : memref<321536xi32, #tpu.memory_space<hbm>> -> memref<32xi32, #tpu.memory_space<hbm>>
    %dma_start3A_58 = tpu.memref_slice %arg5[%add3A_57] : memref<321536xi32, #tpu.memory_space<hbm>> -> memref<32xi32, #tpu.memory_space<hbm>>
    tpu.enqueue_dma source(%dma_start3A_58 : memref<32xi32, #tpu.memory_space<hbm>>) target(%arg12 : memref<32xi32, #tpu.memory_space<vmem>>) target_semaphore(%arg35 : memref<!tpu.dma_semaphore, #tpu.memory_space<semaphore_mem>>)
    %dma_start3A_59 = tpu.memref_slice %arg6[%add3A_57] : memref<321536xi32, #tpu.memory_space<hbm>> -> memref<32xi32, #tpu.memory_space<hbm>>
    %dma_start3A_60 = tpu.memref_slice %arg6[%add3A_57] : memref<321536xi32, #tpu.memory_space<hbm>> -> memref<32xi32, #tpu.memory_space<hbm>>
    tpu.enqueue_dma source(%dma_start3A_60 : memref<32xi32, #tpu.memory_space<hbm>>) target(%arg14 : memref<32xi32, #tpu.memory_space<vmem>>) target_semaphore(%arg35 : memref<!tpu.dma_semaphore, #tpu.memory_space<semaphore_mem>>)
    %dma_wait3A = arith.constant 0 : i32
    %dma_wait3A_61 = tpu.memref_slice %arg5[%dma_wait3A] : memref<321536xi32, #tpu.memory_space<hbm>> -> memref<32xi32, #tpu.memory_space<hbm>>
    %dma_wait3A_62 = arith.constant 0 : i32
    %dma_wait3A_63 = tpu.memref_slice %arg5[%dma_wait3A_62] : memref<321536xi32, #tpu.memory_space<hbm>> -> memref<32xi32, #tpu.memory_space<hbm>>
    tpu.wait_dma2 semaphore(%arg35 : memref<!tpu.dma_semaphore, #tpu.memory_space<semaphore_mem>>) src(%dma_wait3A_63 : memref<32xi32, #tpu.memory_space<hbm>>) dst(%arg12 : memref<32xi32, #tpu.memory_space<vmem>>)
    %dma_wait3A_64 = arith.constant 0 : i32
    %dma_wait3A_65 = tpu.memref_slice %arg6[%dma_wait3A_64] : memref<321536xi32, #tpu.memory_space<hbm>> -> memref<32xi32, #tpu.memory_space<hbm>>
    %dma_wait3A_66 = arith.constant 0 : i32
    %dma_wait3A_67 = tpu.memref_slice %arg6[%dma_wait3A_66] : memref<321536xi32, #tpu.memory_space<hbm>> -> memref<32xi32, #tpu.memory_space<hbm>>
    tpu.wait_dma2 semaphore(%arg35 : memref<!tpu.dma_semaphore, #tpu.memory_space<semaphore_mem>>) src(%dma_wait3A_67 : memref<32xi32, #tpu.memory_space<hbm>>) dst(%arg14 : memref<32xi32, #tpu.memory_space<vmem>>)
    %mul3A_68 = arith.constant 10048 : i32
    %mul3A_69 = arith.muli %add3A, %mul3A_68 : i32
    %add3A_70 = arith.constant 0 : i32
    %add3A_71 = arith.addi %mul3A_69, %add3A_70 : i32
    %dma_start3A_72 = arith.constant 0 : i32
    %dma_start3A_73 = arith.constant 0 : i32
    %dma_start3A_74 = tpu.memref_slice %arg2[%dma_start3A_72, %dma_start3A_73] : memref<10000x128xf32, #tpu.memory_space<hbm>> -> memref<10000x128xf32, #tpu.memory_space<hbm>>
    tpu.enqueue_indirect_dma source(%dma_start3A_74 : memref<10000x128xf32, #tpu.memory_space<hbm>>) target(%arg18 : memref<32x128xf32, #tpu.memory_space<vmem>>) offsets(%arg14 : memref<32xi32, #tpu.memory_space<vmem>>) semaphore(%arg37 : memref<!tpu.dma_semaphore, #tpu.memory_space<semaphore_mem>>)
    %dma_start3A_75 = arith.constant 0 : i32
    %dma_start3A_76 = arith.constant 0 : i32
    %dma_start3A_77 = tpu.memref_slice %arg3[%dma_start3A_75, %dma_start3A_76] : memref<10000x256xf32, #tpu.memory_space<hbm>> -> memref<10000x256xf32, #tpu.memory_space<hbm>>
    tpu.enqueue_indirect_dma source(%dma_start3A_77 : memref<10000x256xf32, #tpu.memory_space<hbm>>) target(%arg20 : memref<32x256xf32, #tpu.memory_space<vmem>>) offsets(%arg12 : memref<32xi32, #tpu.memory_space<vmem>>) semaphore(%arg37 : memref<!tpu.dma_semaphore, #tpu.memory_space<semaphore_mem>>)
    %dma_start3A_78 = arith.constant 0 : i32
    %dma_start3A_79 = tpu.memref_slice %arg4[%add3A_71, %dma_start3A_78] : memref<321536x128xf32, #tpu.memory_space<hbm>> -> memref<32x128xf32, #tpu.memory_space<hbm>>
    %dma_start3A_80 = arith.constant 0 : i32
    %dma_start3A_81 = tpu.memref_slice %arg4[%add3A_71, %dma_start3A_80] : memref<321536x128xf32, #tpu.memory_space<hbm>> -> memref<32x128xf32, #tpu.memory_space<hbm>>
    tpu.enqueue_dma source(%dma_start3A_81 : memref<32x128xf32, #tpu.memory_space<hbm>>) target(%arg22 : memref<32x128xf32, #tpu.memory_space<vmem>>) target_semaphore(%arg37 : memref<!tpu.dma_semaphore, #tpu.memory_space<semaphore_mem>>)
    %mul3A_82 = arith.constant 10048 : i32
    %mul3A_83 = arith.muli %add3A, %mul3A_82 : i32
    %add3A_84 = arith.constant 32 : i32
    %add3A_85 = arith.addi %mul3A_83, %add3A_84 : i32
    %dma_start3A_86 = tpu.memref_slice %arg5[%add3A_85] : memref<321536xi32, #tpu.memory_space<hbm>> -> memref<32xi32, #tpu.memory_space<hbm>>
    %dma_start3A_87 = tpu.memref_slice %arg5[%add3A_85] : memref<321536xi32, #tpu.memory_space<hbm>> -> memref<32xi32, #tpu.memory_space<hbm>>
    tpu.enqueue_dma source(%dma_start3A_87 : memref<32xi32, #tpu.memory_space<hbm>>) target(%arg13 : memref<32xi32, #tpu.memory_space<vmem>>) target_semaphore(%arg36 : memref<!tpu.dma_semaphore, #tpu.memory_space<semaphore_mem>>)
    %dma_start3A_88 = tpu.memref_slice %arg6[%add3A_85] : memref<321536xi32, #tpu.memory_space<hbm>> -> memref<32xi32, #tpu.memory_space<hbm>>
    %dma_start3A_89 = tpu.memref_slice %arg6[%add3A_85] : memref<321536xi32, #tpu.memory_space<hbm>> -> memref<32xi32, #tpu.memory_space<hbm>>
    tpu.enqueue_dma source(%dma_start3A_89 : memref<32xi32, #tpu.memory_space<hbm>>) target(%arg15 : memref<32xi32, #tpu.memory_space<vmem>>) target_semaphore(%arg36 : memref<!tpu.dma_semaphore, #tpu.memory_space<semaphore_mem>>)
    %scan3A = arith.constant 0 : i32
    %scan3A_90 = arith.constant 0 : i32
    %scan3A_91 = arith.constant 157 : i32
    %scan3A_92 = arith.addi %scan3A_90, %scan3A_91 : i32
    %scan3A_93 = arith.constant 1 : i32
    %scan3A_94 = scf.for %scan3A_111 = %scan3A_90 to %scan3A_92 step %scan3A_93 iter_args(%scan3A_112 = %scan3A) -> (i32)  : i32 {
      %mul3A_113 = arith.constant 2 : i32
      %mul3A_114 = arith.muli %mul3A_113, %scan3A_111 : i32
      %add3A_115 = arith.constant 0 : i32
      %add3A_116 = arith.addi %mul3A_114, %add3A_115 : i32
      %dma_wait3A_117 = arith.constant 0 : i32
      %dma_wait3A_118 = arith.constant 0 : i32
      %dma_wait3A_119 = tpu.memref_slice %arg2[%dma_wait3A_117, %dma_wait3A_118] : memref<10000x128xf32, #tpu.memory_space<hbm>> -> memref<10000x128xf32, #tpu.memory_space<hbm>>
      tpu.wait_indirect_dma semaphore(%arg37 : memref<!tpu.dma_semaphore, #tpu.memory_space<semaphore_mem>>) src(%dma_wait3A_119 : memref<10000x128xf32, #tpu.memory_space<hbm>>) dst(%arg18 : memref<32x128xf32, #tpu.memory_space<vmem>>)
      %dma_wait3A_120 = arith.constant 0 : i32
      %dma_wait3A_121 = arith.constant 0 : i32
      %dma_wait3A_122 = tpu.memref_slice %arg3[%dma_wait3A_120, %dma_wait3A_121] : memref<10000x256xf32, #tpu.memory_space<hbm>> -> memref<10000x256xf32, #tpu.memory_space<hbm>>
      tpu.wait_indirect_dma semaphore(%arg37 : memref<!tpu.dma_semaphore, #tpu.memory_space<semaphore_mem>>) src(%dma_wait3A_122 : memref<10000x256xf32, #tpu.memory_space<hbm>>) dst(%arg20 : memref<32x256xf32, #tpu.memory_space<vmem>>)
      %dma_wait3A_123 = arith.constant 0 : i32
      %dma_wait3A_124 = arith.constant 0 : i32
      %dma_wait3A_125 = tpu.memref_slice %arg4[%dma_wait3A_123, %dma_wait3A_124] : memref<321536x128xf32, #tpu.memory_space<hbm>> -> memref<32x128xf32, #tpu.memory_space<hbm>>
      %dma_wait3A_126 = arith.constant 0 : i32
      %dma_wait3A_127 = arith.constant 0 : i32
      %dma_wait3A_128 = tpu.memref_slice %arg4[%dma_wait3A_126, %dma_wait3A_127] : memref<321536x128xf32, #tpu.memory_space<hbm>> -> memref<32x128xf32, #tpu.memory_space<hbm>>
      tpu.wait_dma2 semaphore(%arg37 : memref<!tpu.dma_semaphore, #tpu.memory_space<semaphore_mem>>) src(%dma_wait3A_128 : memref<32x128xf32, #tpu.memory_space<hbm>>) dst(%arg22 : memref<32x128xf32, #tpu.memory_space<vmem>>)
      %get3A = arith.constant 0 : index
      %get3A_129 = tpu.vector_load %arg14[%get3A] {strides = array<i32>} : memref<32xi32, #tpu.memory_space<vmem>>, vector<16xi32>,
      %get3A_130 = vector.shape_cast %get3A_129 : vector<16xi32> to vector<16xi32>
      %swap3A = arith.constant 0 : index
      %swap3A_131 = tpu.vector_load %arg16[%swap3A] {strides = array<i32>} : memref<32xi32, #tpu.memory_space<vmem>>, vector<16xi32>,
      %swap3A_132 = vector.shape_cast %swap3A_131 : vector<16xi32> to vector<16xi32>
      %swap3A_133 = vector.shape_cast %get3A_130 : vector<16xi32> to vector<16xi32>
      tpu.vector_store %arg16[%swap3A], %swap3A_133 {strides = array<i32>} : memref<32xi32, #tpu.memory_space<vmem>>, vector<16xi32>,
      %get3A_134 = arith.constant 16 : index
      %get3A_135 = tpu.vector_load %arg14[%get3A_134] {strides = array<i32>} : memref<32xi32, #tpu.memory_space<vmem>>, vector<16xi32>,
      %get3A_136 = vector.shape_cast %get3A_135 : vector<16xi32> to vector<16xi32>
      %swap3A_137 = arith.constant 16 : index
      %swap3A_138 = tpu.vector_load %arg16[%swap3A_137] {strides = array<i32>} : memref<32xi32, #tpu.memory_space<vmem>>, vector<16xi32>,
      %swap3A_139 = vector.shape_cast %swap3A_138 : vector<16xi32> to vector<16xi32>
      %swap3A_140 = vector.shape_cast %get3A_136 : vector<16xi32> to vector<16xi32>
      tpu.vector_store %arg16[%swap3A_137], %swap3A_140 {strides = array<i32>} : memref<32xi32, #tpu.memory_space<vmem>>, vector<16xi32>,
      %scan3A_141 = arith.constant 0 : i32
      %scan3A_142 = arith.constant 0 : i32
      %scan3A_143 = arith.constant 8 : i32
      %scan3A_144 = arith.addi %scan3A_142, %scan3A_143 : i32
      %scan3A_145 = arith.constant 1 : i32
      %scan3A_146 = scf.for %scan3A_277 = %scan3A_142 to %scan3A_144 step %scan3A_145 iter_args(%scan3A_278 = %scan3A_141) -> (i32)  : i32 {
        %jit3A_279 = arith.constant 8 : i32
        %div3A = arith.divsi %scan3A_277, %jit3A_279 : i32
        %sign3A = arith.constant 0 : i32
        %sign3A_280 = arith.cmpi sgt, %scan3A_277, %sign3A : i32
        %sign3A_281 = arith.extui %sign3A_280 : i1 to i32
        %sign3A_282 = arith.constant 0 : i32
        %sign3A_283 = arith.cmpi slt, %scan3A_277, %sign3A_282 : i32
        %sign3A_284 = arith.extui %sign3A_283 : i1 to i32
        %sign3A_285 = arith.subi %sign3A_281, %sign3A_284 : i32
        %sign3A_286 = arith.constant 0 : i32
        %sign3A_287 = arith.cmpi sgt, %jit3A_279, %sign3A_286 : i32
        %sign3A_288 = arith.extui %sign3A_287 : i1 to i32
        %sign3A_289 = arith.constant 0 : i32
        %sign3A_290 = arith.cmpi slt, %jit3A_279, %sign3A_289 : i32
        %sign3A_291 = arith.extui %sign3A_290 : i1 to i32
        %sign3A_292 = arith.subi %sign3A_288, %sign3A_291 : i32
        %ne3A = arith.cmpi ne, %sign3A_285, %sign3A_292 : i32
        %rem3A = arith.remsi %scan3A_277, %jit3A_279 : i32
        %ne3A_293 = arith.constant 0 : i32
        %ne3A_294 = arith.cmpi ne, %rem3A, %ne3A_293 : i32
        %and3A_295 = arith.andi %ne3A, %ne3A_294 : i1
        %sub3A = arith.constant 1 : i32
        %sub3A_296 = arith.subi %div3A, %sub3A : i32
        %select_n3A_297 = arith.select %and3A_295, %sub3A_296, %div3A : i32
        %mul3A_298 = arith.constant 16 : i32
        %mul3A_299 = arith.muli %select_n3A_297, %mul3A_298 : i32
        %get3A_300 = arith.index_cast %mul3A_299 : i32 to index
        %get3A_301 = tpu.vector_load %arg14[%get3A_300] {strides = array<i32>} : memref<32xi32, #tpu.memory_space<vmem>>, vector<16xi32>,
        %get3A_302 = vector.shape_cast %get3A_301 : vector<16xi32> to vector<16xi32>
        %jit3A_303 = arith.constant 8 : i32
        %eq3A = arith.constant 0 : i32
        %eq3A_304 = arith.cmpi eq, %jit3A_303, %eq3A : i32
        %jit3A_305 = arith.constant 1 : i32
        %select_n3A_306 = arith.select %eq3A_304, %jit3A_305, %jit3A_303 : i32
        %rem3A_307 = arith.remsi %scan3A_277, %select_n3A_306 : i32
        %ne3A_308 = arith.constant 0 : i32
        %ne3A_309 = arith.cmpi ne, %rem3A_307, %ne3A_308 : i32
        %lt3A_310 = arith.constant 0 : i32
        %lt3A_311 = arith.cmpi slt, %rem3A_307, %lt3A_310 : i32
        %lt3A_312 = arith.constant 0 : i32
        %lt3A_313 = arith.cmpi slt, %select_n3A_306, %lt3A_312 : i32
        %ne3A_314 = arith.xori %lt3A_311, %lt3A_313 : i1
        %and3A_315 = arith.andi %ne3A_314, %ne3A_309 : i1
        %add3A_316 = arith.addi %rem3A_307, %select_n3A_306 : i32
        %select_n3A_317 = arith.select %and3A_315, %add3A_316, %rem3A_307 : i32
        %mul3A_318 = arith.constant 2 : i32
        %mul3A_319 = arith.muli %mul3A_318, %select_n3A_317 : i32
        %add3A_320 = vector.broadcast %mul3A_319 : i32 to vector<16xi32>
        %add3A_321 = arith.addi %add3A_320, %select_n3A : vector<16xi32>
        %lt3A_322 = arith.constant 0 : i32
        %lt3A_323 = vector.broadcast %lt3A_322 : i32 to vector<16xi32>
        %lt3A_324 = arith.cmpi slt, %add3A_321, %lt3A_323 : vector<16xi32>
        %add3A_325 = arith.constant 16 : i32
        %add3A_326 = vector.broadcast %add3A_325 : i32 to vector<16xi32>
        %add3A_327 = arith.addi %add3A_321, %add3A_326 : vector<16xi32>
        %select_n3A_328 = arith.select %lt3A_324, %add3A_327, %add3A_321 : vector<16xi1>, vector<16xi32>
        %broadcast_in_dim3A_329 = vector.shape_cast %select_n3A_328 : vector<16xi32> to vector<16x1xi32>
        %gather3A = vector.shape_cast %broadcast_in_dim3A_329 : vector<16x1xi32> to vector<16xi32>
        %gather3A_330 = tpu.dynamic_gather %get3A_302[%gather3A] in [0] : vector<16xi32>, vector<16xi32> -> vector<16xi32>
        %mul3A_331 = arith.constant 8 : i32
        %mul3A_332 = vector.broadcast %mul3A_331 : i32 to vector<16xi32>
        %mul3A_333 = arith.muli %gather3A_330, %mul3A_332 : vector<16xi32>
        %add3A_334 = arith.addi %mul3A_333, %and3A_21 : vector<16xi32>
        %jit3A_335 = arith.constant 8 : i32
        %eq3A_336 = arith.constant 0 : i32
        %eq3A_337 = arith.cmpi eq, %jit3A_335, %eq3A_336 : i32
        %jit3A_338 = arith.constant 1 : i32
        %select_n3A_339 = arith.select %eq3A_337, %jit3A_338, %jit3A_335 : i32
        %rem3A_340 = arith.remsi %scan3A_277, %select_n3A_339 : i32
        %ne3A_341 = arith.constant 0 : i32
        %ne3A_342 = arith.cmpi ne, %rem3A_340, %ne3A_341 : i32
        %lt3A_343 = arith.constant 0 : i32
        %lt3A_344 = arith.cmpi slt, %rem3A_340, %lt3A_343 : i32
        %lt3A_345 = arith.constant 0 : i32
        %lt3A_346 = arith.cmpi slt, %select_n3A_339, %lt3A_345 : i32
        %ne3A_347 = arith.xori %lt3A_344, %lt3A_346 : i1
        %and3A_348 = arith.andi %ne3A_347, %ne3A_342 : i1
        %add3A_349 = arith.addi %rem3A_340, %select_n3A_339 : i32
        %select_n3A_350 = arith.select %and3A_348, %add3A_349, %rem3A_340 : i32
        %mul3A_351 = arith.constant 16 : i32
        %mul3A_352 = arith.muli %select_n3A_350, %mul3A_351 : i32
        %swap3A_353 = arith.index_cast %mul3A_352 : i32 to index
        %swap3A_354 = tpu.vector_load %arg29[%swap3A_353] {strides = array<i32>} : memref<128xi32, #tpu.memory_space<vmem>>, vector<16xi32>,
        %swap3A_355 = vector.shape_cast %swap3A_354 : vector<16xi32> to vector<16xi32>
        %swap3A_356 = vector.shape_cast %add3A_334 : vector<16xi32> to vector<16xi32>
        tpu.vector_store %arg29[%swap3A_353], %swap3A_356 {strides = array<i32>} : memref<128xi32, #tpu.memory_space<vmem>>, vector<16xi32>,
        %scan3A_357 = arith.constant 0 : i32
        scf.yield %scan3A_357 : i32
      }
      %scan3A_147 = arith.constant 8 : i32
      %scan3A_148 = arith.constant 0 : i32
      %scan3A_149 = arith.constant 8 : i32
      %scan3A_150 = arith.constant 8 : i32
      %scan3A_151 = arith.addi %scan3A_149, %scan3A_150 : i32
      %scan3A_152 = arith.constant 1 : i32
      %scan3A_153 = scf.for %scan3A_277 = %scan3A_149 to %scan3A_151 step %scan3A_152 iter_args(%scan3A_278 = %scan3A_148) -> (i32)  : i32 {
        %jit3A_279 = arith.constant 8 : i32
        %div3A = arith.divsi %scan3A_277, %jit3A_279 : i32
        %sign3A = arith.constant 0 : i32
        %sign3A_280 = arith.cmpi sgt, %scan3A_277, %sign3A : i32
        %sign3A_281 = arith.extui %sign3A_280 : i1 to i32
        %sign3A_282 = arith.constant 0 : i32
        %sign3A_283 = arith.cmpi slt, %scan3A_277, %sign3A_282 : i32
        %sign3A_284 = arith.extui %sign3A_283 : i1 to i32
        %sign3A_285 = arith.subi %sign3A_281, %sign3A_284 : i32
        %sign3A_286 = arith.constant 0 : i32
        %sign3A_287 = arith.cmpi sgt, %jit3A_279, %sign3A_286 : i32
        %sign3A_288 = arith.extui %sign3A_287 : i1 to i32
        %sign3A_289 = arith.constant 0 : i32
        %sign3A_290 = arith.cmpi slt, %jit3A_279, %sign3A_289 : i32
        %sign3A_291 = arith.extui %sign3A_290 : i1 to i32
        %sign3A_292 = arith.subi %sign3A_288, %sign3A_291 : i32
        %ne3A = arith.cmpi ne, %sign3A_285, %sign3A_292 : i32
        %rem3A = arith.remsi %scan3A_277, %jit3A_279 : i32
        %ne3A_293 = arith.constant 0 : i32
        %ne3A_294 = arith.cmpi ne, %rem3A, %ne3A_293 : i32
        %and3A_295 = arith.andi %ne3A, %ne3A_294 : i1
        %sub3A = arith.constant 1 : i32
        %sub3A_296 = arith.subi %div3A, %sub3A : i32
        %select_n3A_297 = arith.select %and3A_295, %sub3A_296, %div3A : i32
        %mul3A_298 = arith.constant 16 : i32
        %mul3A_299 = arith.muli %select_n3A_297, %mul3A_298 : i32
        %get3A_300 = arith.index_cast %mul3A_299 : i32 to index
        %get3A_301 = tpu.vector_load %arg14[%get3A_300] {strides = array<i32>} : memref<32xi32, #tpu.memory_space<vmem>>, vector<16xi32>,
        %get3A_302 = vector.shape_cast %get3A_301 : vector<16xi32> to vector<16xi32>
        %jit3A_303 = arith.constant 8 : i32
        %eq3A = arith.constant 0 : i32
        %eq3A_304 = arith.cmpi eq, %jit3A_303, %eq3A : i32
        %jit3A_305 = arith.constant 1 : i32
        %select_n3A_306 = arith.select %eq3A_304, %jit3A_305, %jit3A_303 : i32
        %rem3A_307 = arith.remsi %scan3A_277, %select_n3A_306 : i32
        %ne3A_308 = arith.constant 0 : i32
        %ne3A_309 = arith.cmpi ne, %rem3A_307, %ne3A_308 : i32
        %lt3A_310 = arith.constant 0 : i32
        %lt3A_311 = arith.cmpi slt, %rem3A_307, %lt3A_310 : i32
        %lt3A_312 = arith.constant 0 : i32
        %lt3A_313 = arith.cmpi slt, %select_n3A_306, %lt3A_312 : i32
        %ne3A_314 = arith.xori %lt3A_311, %lt3A_313 : i1
        %and3A_315 = arith.andi %ne3A_314, %ne3A_309 : i1
        %add3A_316 = arith.addi %rem3A_307, %select_n3A_306 : i32
        %select_n3A_317 = arith.select %and3A_315, %add3A_316, %rem3A_307 : i32
        %mul3A_318 = arith.constant 2 : i32
        %mul3A_319 = arith.muli %mul3A_318, %select_n3A_317 : i32
        %add3A_320 = vector.broadcast %mul3A_319 : i32 to vector<16xi32>
        %add3A_321 = arith.addi %add3A_320, %select_n3A : vector<16xi32>
        %lt3A_322 = arith.constant 0 : i32
        %lt3A_323 = vector.broadcast %lt3A_322 : i32 to vector<16xi32>
        %lt3A_324 = arith.cmpi slt, %add3A_321, %lt3A_323 : vector<16xi32>
        %add3A_325 = arith.constant 16 : i32
        %add3A_326 = vector.broadcast %add3A_325 : i32 to vector<16xi32>
        %add3A_327 = arith.addi %add3A_321, %add3A_326 : vector<16xi32>
        %select_n3A_328 = arith.select %lt3A_324, %add3A_327, %add3A_321 : vector<16xi1>, vector<16xi32>
        %broadcast_in_dim3A_329 = vector.shape_cast %select_n3A_328 : vector<16xi32> to vector<16x1xi32>
        %gather3A = vector.shape_cast %broadcast_in_dim3A_329 : vector<16x1xi32> to vector<16xi32>
        %gather3A_330 = tpu.dynamic_gather %get3A_302[%gather3A] in [0] : vector<16xi32>, vector<16xi32> -> vector<16xi32>
        %mul3A_331 = arith.constant 8 : i32
        %mul3A_332 = vector.broadcast %mul3A_331 : i32 to vector<16xi32>
        %mul3A_333 = arith.muli %gather3A_330, %mul3A_332 : vector<16xi32>
        %add3A_334 = arith.addi %mul3A_333, %and3A_21 : vector<16xi32>
        %jit3A_335 = arith.constant 8 : i32
        %eq3A_336 = arith.constant 0 : i32
        %eq3A_337 = arith.cmpi eq, %jit3A_335, %eq3A_336 : i32
        %jit3A_338 = arith.constant 1 : i32
        %select_n3A_339 = arith.select %eq3A_337, %jit3A_338, %jit3A_335 : i32
        %rem3A_340 = arith.remsi %scan3A_277, %select_n3A_339 : i32
        %ne3A_341 = arith.constant 0 : i32
        %ne3A_342 = arith.cmpi ne, %rem3A_340, %ne3A_341 : i32
        %lt3A_343 = arith.constant 0 : i32
        %lt3A_344 = arith.cmpi slt, %rem3A_340, %lt3A_343 : i32
        %lt3A_345 = arith.constant 0 : i32
        %lt3A_346 = arith.cmpi slt, %select_n3A_339, %lt3A_345 : i32
        %ne3A_347 = arith.xori %lt3A_344, %lt3A_346 : i1
        %and3A_348 = arith.andi %ne3A_347, %ne3A_342 : i1
        %add3A_349 = arith.addi %rem3A_340, %select_n3A_339 : i32
        %select_n3A_350 = arith.select %and3A_348, %add3A_349, %rem3A_340 : i32
        %mul3A_351 = arith.constant 16 : i32
        %mul3A_352 = arith.muli %select_n3A_350, %mul3A_351 : i32
        %swap3A_353 = arith.index_cast %mul3A_352 : i32 to index
        %swap3A_354 = tpu.vector_load %arg30[%swap3A_353] {strides = array<i32>} : memref<128xi32, #tpu.memory_space<vmem>>, vector<16xi32>,
        %swap3A_355 = vector.shape_cast %swap3A_354 : vector<16xi32> to vector<16xi32>
        %swap3A_356 = vector.shape_cast %add3A_334 : vector<16xi32> to vector<16xi32>
        tpu.vector_store %arg30[%swap3A_353], %swap3A_356 {strides = array<i32>} : memref<128xi32, #tpu.memory_space<vmem>>, vector<16xi32>,
        %scan3A_357 = arith.constant 0 : i32
        scf.yield %scan3A_357 : i32
      }
      %scan3A_154 = arith.constant 8 : i32
      %scan3A_155 = arith.constant 0 : i32
      %scan3A_156 = arith.constant 0 : i32
      %scan3A_157 = arith.constant 16 : i32
      %scan3A_158 = arith.addi %scan3A_156, %scan3A_157 : i32
      %scan3A_159 = arith.constant 1 : i32
      %scan3A_160 = scf.for %scan3A_277 = %scan3A_156 to %scan3A_158 step %scan3A_159 iter_args(%scan3A_278 = %scan3A_155) -> (i32)  : i32 {
        %broadcast_in_dim3A_279 = arith.constant 0.000000e+00 : f32
        %broadcast_in_dim3A_280 = vector.broadcast %broadcast_in_dim3A_279 : f32 to vector<16xf32>
        %mul3A_281 = arith.constant 2 : i32
        %mul3A_282 = arith.muli %scan3A_277, %mul3A_281 : i32
        %add3A_283 = arith.constant 0 : i32
        %add3A_284 = arith.addi %mul3A_282, %add3A_283 : i32
        %get3A_285 = arith.index_cast %add3A_284 : i32 to index
        %get3A_286 = arith.constant 0 : index
        %get3A_287 = tpu.vector_load %arg18[%get3A_285, %get3A_286] {strides = array<i32>} : memref<32x128xf32, #tpu.memory_space<vmem>>, vector<1x16xf32>,
        %get3A_288 = vector.shape_cast %get3A_287 : vector<1x16xf32> to vector<16xf32>
        %get3A_289 = arith.index_cast %add3A_284 : i32 to index
        %get3A_290 = arith.constant 0 : index
        %get3A_291 = tpu.vector_load %arg20[%get3A_289, %get3A_290] {strides = array<i32>} : memref<32x256xf32, #tpu.memory_space<vmem>>, vector<1x16xf32>,
        %get3A_292 = vector.shape_cast %get3A_291 : vector<1x16xf32> to vector<16xf32>
        %add3A_293 = arith.addf %get3A_288, %get3A_292 : vector<16xf32>
        %get3A_294 = arith.index_cast %add3A_284 : i32 to index
        %get3A_295 = arith.constant 0 : index
        %get3A_296 = tpu.vector_load %arg22[%get3A_294, %get3A_295] {strides = array<i32>} : memref<32x128xf32, #tpu.memory_space<vmem>>, vector<1x16xf32>,
        %get3A_297 = vector.shape_cast %get3A_296 : vector<1x16xf32> to vector<16xf32>
        %add3A_298 = arith.addf %add3A_293, %get3A_297 : vector<16xf32>
        %ge3A_299 = arith.constant 0.000000e+00 : f32
        %ge3A_300 = vector.broadcast %ge3A_299 : f32 to vector<16xf32>
        %ge3A_301 = arith.cmpf oge, %add3A_298, %ge3A_300 : vector<16xf32>
        %mul3A_302 = arith.constant 0.00999999977 : f32
        %mul3A_303 = vector.broadcast %mul3A_302 : f32 to vector<16xf32>
        %mul3A_304 = arith.mulf %mul3A_303, %add3A_298 : vector<16xf32>
        %select_n3A_305 = arith.select %ge3A_301, %add3A_298, %mul3A_304 : vector<16xi1>, vector<16xf32>
        %get3A_306 = arith.constant 0 : i32
        %get3A_307 = arith.index_cast %get3A_306 : i32 to index
        %get3A_308 = arith.constant 0 : index
        %get3A_309 = tpu.vector_load %arg26[%get3A_307, %get3A_308] {strides = array<i32>} : memref<8x16xf32, #tpu.memory_space<vmem>>, vector<1x16xf32>,
        %get3A_310 = vector.shape_cast %get3A_309 : vector<1x16xf32> to vector<16xf32>
        %mul3A_311 = arith.mulf %get3A_310, %select_n3A_305 : vector<16xf32>
        %lt3A_312 = arith.constant 0 : i32
        %lt3A_313 = vector.broadcast %lt3A_312 : i32 to vector<16xi32>
        %lt3A_314 = arith.cmpi slt, %xor3A_6, %lt3A_313 : vector<16xi32>
        %add3A_315 = arith.constant 16 : i32
        %add3A_316 = vector.broadcast %add3A_315 : i32 to vector<16xi32>
        %add3A_317 = arith.addi %xor3A_6, %add3A_316 : vector<16xi32>
        %select_n3A_318 = arith.select %lt3A_314, %add3A_317, %xor3A_6 : vector<16xi1>, vector<16xi32>
        %broadcast_in_dim3A_319 = vector.shape_cast %select_n3A_318 : vector<16xi32> to vector<16x1xi32>
        %gather3A = vector.shape_cast %broadcast_in_dim3A_319 : vector<16x1xi32> to vector<16xi32>
        %gather3A_320 = tpu.dynamic_gather %mul3A_311[%gather3A] in [0] : vector<16xf32>, vector<16xi32> -> vector<16xf32>
        %add3A_321 = arith.addf %mul3A_311, %gather3A_320 : vector<16xf32>
        %lt3A_322 = arith.constant 0 : i32
        %lt3A_323 = vector.broadcast %lt3A_322 : i32 to vector<16xi32>
        %lt3A_324 = arith.cmpi slt, %xor3A_9, %lt3A_323 : vector<16xi32>
        %add3A_325 = arith.constant 16 : i32
        %add3A_326 = vector.broadcast %add3A_325 : i32 to vector<16xi32>
        %add3A_327 = arith.addi %xor3A_9, %add3A_326 : vector<16xi32>
        %select_n3A_328 = arith.select %lt3A_324, %add3A_327, %xor3A_9 : vector<16xi1>, vector<16xi32>
        %broadcast_in_dim3A_329 = vector.shape_cast %select_n3A_328 : vector<16xi32> to vector<16x1xi32>
        %gather3A_330 = vector.shape_cast %broadcast_in_dim3A_329 : vector<16x1xi32> to vector<16xi32>
        %gather3A_331 = tpu.dynamic_gather %add3A_321[%gather3A_330] in [0] : vector<16xf32>, vector<16xi32> -> vector<16xf32>
        %add3A_332 = arith.addf %add3A_321, %gather3A_331 : vector<16xf32>
        %lt3A_333 = arith.constant 0 : i32
        %lt3A_334 = vector.broadcast %lt3A_333 : i32 to vector<16xi32>
        %lt3A_335 = arith.cmpi slt, %xor3A_12, %lt3A_334 : vector<16xi32>
        %add3A_336 = arith.constant 16 : i32
        %add3A_337 = vector.broadcast %add3A_336 : i32 to vector<16xi32>
        %add3A_338 = arith.addi %xor3A_12, %add3A_337 : vector<16xi32>
        %select_n3A_339 = arith.select %lt3A_335, %add3A_338, %xor3A_12 : vector<16xi1>, vector<16xi32>
        %broadcast_in_dim3A_340 = vector.shape_cast %select_n3A_339 : vector<16xi32> to vector<16x1xi32>
        %gather3A_341 = vector.shape_cast %broadcast_in_dim3A_340 : vector<16x1xi32> to vector<16xi32>
        %gather3A_342 = tpu.dynamic_gather %add3A_332[%gather3A_341] in [0] : vector<16xf32>, vector<16xi32> -> vector<16xf32>
        %add3A_343 = arith.addf %add3A_332, %gather3A_342 : vector<16xf32>
        %lt3A_344 = arith.constant 0 : i32
        %lt3A_345 = vector.broadcast %lt3A_344 : i32 to vector<16xi32>
        %lt3A_346 = arith.cmpi slt, %xor3A_15, %lt3A_345 : vector<16xi32>
        %add3A_347 = arith.constant 16 : i32
        %add3A_348 = vector.broadcast %add3A_347 : i32 to vector<16xi32>
        %add3A_349 = arith.addi %xor3A_15, %add3A_348 : vector<16xi32>
        %select_n3A_350 = arith.select %lt3A_346, %add3A_349, %xor3A_15 : vector<16xi1>, vector<16xi32>
        %broadcast_in_dim3A_351 = vector.shape_cast %select_n3A_350 : vector<16xi32> to vector<16x1xi32>
        %gather3A_352 = vector.shape_cast %broadcast_in_dim3A_351 : vector<16x1xi32> to vector<16xi32>
        %gather3A_353 = tpu.dynamic_gather %add3A_343[%gather3A_352] in [0] : vector<16xf32>, vector<16xi32> -> vector<16xf32>
        %add3A_354 = arith.addf %add3A_343, %gather3A_353 : vector<16xf32>
        %min3A = arith.constant 6.000000e+01 : f32
        %min3A_355 = vector.broadcast %min3A : f32 to vector<16xf32>
        %min3A_356 = arith.minimumf %add3A_354, %min3A_355 : vector<16xf32>
        %exp3A = math.exp %min3A_356 : vector<16xf32>
        %eq3A = arith.constant 0 : i32
        %eq3A_357 = vector.broadcast %eq3A : i32 to vector<16xi32>
        %eq3A_358 = arith.cmpi eq, %iota3A, %eq3A_357 : vector<16xi32>
        %jit3A_359 = arith.constant 0.000000e+00 : f32
        %broadcast_in_dim3A_360 = vector.broadcast %jit3A_359 : f32 to vector<16xf32>
        %select_n3A_361 = arith.select %eq3A_358, %exp3A, %broadcast_in_dim3A_360 : vector<16xi1>, vector<16xf32>
        %add3A_362 = arith.addf %broadcast_in_dim3A_280, %select_n3A_361 : vector<16xf32>
        %get3A_363 = arith.index_cast %add3A_284 : i32 to index
        %get3A_364 = arith.constant 16 : index
        %get3A_365 = tpu.vector_load %arg18[%get3A_363, %get3A_364] {strides = array<i32>} : memref<32x128xf32, #tpu.memory_space<vmem>>, vector<1x16xf32>,
        %get3A_366 = vector.shape_cast %get3A_365 : vector<1x16xf32> to vector<16xf32>
        %get3A_367 = arith.index_cast %add3A_284 : i32 to index
        %get3A_368 = arith.constant 16 : index
        %get3A_369 = tpu.vector_load %arg20[%get3A_367, %get3A_368] {strides = array<i32>} : memref<32x256xf32, #tpu.memory_space<vmem>>, vector<1x16xf32>,
        %get3A_370 = vector.shape_cast %get3A_369 : vector<1x16xf32> to vector<16xf32>
        %add3A_371 = arith.addf %get3A_366, %get3A_370 : vector<16xf32>
        %get3A_372 = arith.index_cast %add3A_284 : i32 to index
        %get3A_373 = arith.constant 16 : index
        %get3A_374 = tpu.vector_load %arg22[%get3A_372, %get3A_373] {strides = array<i32>} : memref<32x128xf32, #tpu.memory_space<vmem>>, vector<1x16xf32>,
        %get3A_375 = vector.shape_cast %get3A_374 : vector<1x16xf32> to vector<16xf32>
        %add3A_376 = arith.addf %add3A_371, %get3A_375 : vector<16xf32>
        %ge3A_377 = arith.constant 0.000000e+00 : f32
        %ge3A_378 = vector.broadcast %ge3A_377 : f32 to vector<16xf32>
        %ge3A_379 = arith.cmpf oge, %add3A_376, %ge3A_378 : vector<16xf32>
        %mul3A_380 = arith.constant 0.00999999977 : f32
        %mul3A_381 = vector.broadcast %mul3A_380 : f32 to vector<16xf32>
        %mul3A_382 = arith.mulf %mul3A_381, %add3A_376 : vector<16xf32>
        %select_n3A_383 = arith.select %ge3A_379, %add3A_376, %mul3A_382 : vector<16xi1>, vector<16xf32>
        %get3A_384 = arith.constant 1 : i32
        %get3A_385 = arith.index_cast %get3A_384 : i32 to index
        %get3A_386 = arith.constant 0 : index
        %get3A_387 = tpu.vector_load %arg26[%get3A_385, %get3A_386] {strides = array<i32>} : memref<8x16xf32, #tpu.memory_space<vmem>>, vector<1x16xf32>,
        %get3A_388 = vector.shape_cast %get3A_387 : vector<1x16xf32> to vector<16xf32>
        %mul3A_389 = arith.mulf %get3A_388, %select_n3A_383 : vector<16xf32>
        %lt3A_390 = arith.constant 0 : i32
        %lt3A_391 = vector.broadcast %lt3A_390 : i32 to vector<16xi32>
        %lt3A_392 = arith.cmpi slt, %xor3A_6, %lt3A_391 : vector<16xi32>
        %add3A_393 = arith.constant 16 : i32
        %add3A_394 = vector.broadcast %add3A_393 : i32 to vector<16xi32>
        %add3A_395 = arith.addi %xor3A_6, %add3A_394 : vector<16xi32>
        %select_n3A_396 = arith.select %lt3A_392, %add3A_395, %xor3A_6 : vector<16xi1>, vector<16xi32>
        %broadcast_in_dim3A_397 = vector.shape_cast %select_n3A_396 : vector<16xi32> to vector<16x1xi32>
        %gather3A_398 = vector.shape_cast %broadcast_in_dim3A_397 : vector<16x1xi32> to vector<16xi32>
        %gather3A_399 = tpu.dynamic_gather %mul3A_389[%gather3A_398] in [0] : vector<16xf32>, vector<16xi32> -> vector<16xf32>
        %add3A_400 = arith.addf %mul3A_389, %gather3A_399 : vector<16xf32>
        %lt3A_401 = arith.constant 0 : i32
        %lt3A_402 = vector.broadcast %lt3A_401 : i32 to vector<16xi32>
        %lt3A_403 = arith.cmpi slt, %xor3A_9, %lt3A_402 : vector<16xi32>
        %add3A_404 = arith.constant 16 : i32
        %add3A_405 = vector.broadcast %add3A_404 : i32 to vector<16xi32>
        %add3A_406 = arith.addi %xor3A_9, %add3A_405 : vector<16xi32>
        %select_n3A_407 = arith.select %lt3A_403, %add3A_406, %xor3A_9 : vector<16xi1>, vector<16xi32>
        %broadcast_in_dim3A_408 = vector.shape_cast %select_n3A_407 : vector<16xi32> to vector<16x1xi32>
        %gather3A_409 = vector.shape_cast %broadcast_in_dim3A_408 : vector<16x1xi32> to vector<16xi32>
        %gather3A_410 = tpu.dynamic_gather %add3A_400[%gather3A_409] in [0] : vector<16xf32>, vector<16xi32> -> vector<16xf32>
        %add3A_411 = arith.addf %add3A_400, %gather3A_410 : vector<16xf32>
        %lt3A_412 = arith.constant 0 : i32
        %lt3A_413 = vector.broadcast %lt3A_412 : i32 to vector<16xi32>
        %lt3A_414 = arith.cmpi slt, %xor3A_12, %lt3A_413 : vector<16xi32>
        %add3A_415 = arith.constant 16 : i32
        %add3A_416 = vector.broadcast %add3A_415 : i32 to vector<16xi32>
        %add3A_417 = arith.addi %xor3A_12, %add3A_416 : vector<16xi32>
        %select_n3A_418 = arith.select %lt3A_414, %add3A_417, %xor3A_12 : vector<16xi1>, vector<16xi32>
        %broadcast_in_dim3A_419 = vector.shape_cast %select_n3A_418 : vector<16xi32> to vector<16x1xi32>
        %gather3A_420 = vector.shape_cast %broadcast_in_dim3A_419 : vector<16x1xi32> to vector<16xi32>
        %gather3A_421 = tpu.dynamic_gather %add3A_411[%gather3A_420] in [0] : vector<16xf32>, vector<16xi32> -> vector<16xf32>
        %add3A_422 = arith.addf %add3A_411, %gather3A_421 : vector<16xf32>
        %lt3A_423 = arith.constant 0 : i32
        %lt3A_424 = vector.broadcast %lt3A_423 : i32 to vector<16xi32>
        %lt3A_425 = arith.cmpi slt, %xor3A_15, %lt3A_424 : vector<16xi32>
        %add3A_426 = arith.constant 16 : i32
        %add3A_427 = vector.broadcast %add3A_426 : i32 to vector<16xi32>
        %add3A_428 = arith.addi %xor3A_15, %add3A_427 : vector<16xi32>
        %select_n3A_429 = arith.select %lt3A_425, %add3A_428, %xor3A_15 : vector<16xi1>, vector<16xi32>
        %broadcast_in_dim3A_430 = vector.shape_cast %select_n3A_429 : vector<16xi32> to vector<16x1xi32>
        %gather3A_431 = vector.shape_cast %broadcast_in_dim3A_430 : vector<16x1xi32> to vector<16xi32>
        %gather3A_432 = tpu.dynamic_gather %add3A_422[%gather3A_431] in [0] : vector<16xf32>, vector<16xi32> -> vector<16xf32>
        %add3A_433 = arith.addf %add3A_422, %gather3A_432 : vector<16xf32>
        %min3A_434 = arith.constant 6.000000e+01 : f32
        %min3A_435 = vector.broadcast %min3A_434 : f32 to vector<16xf32>
        %min3A_436 = arith.minimumf %add3A_433, %min3A_435 : vector<16xf32>
        %exp3A_437 = math.exp %min3A_436 : vector<16xf32>
        %eq3A_438 = arith.constant 1 : i32
        %eq3A_439 = vector.broadcast %eq3A_438 : i32 to vector<16xi32>
        %eq3A_440 = arith.cmpi eq, %iota3A, %eq3A_439 : vector<16xi32>
        %jit3A_441 = arith.constant 0.000000e+00 : f32
        %broadcast_in_dim3A_442 = vector.broadcast %jit3A_441 : f32 to vector<16xf32>
        %select_n3A_443 = arith.select %eq3A_440, %exp3A_437, %broadcast_in_dim3A_442 : vector<16xi1>, vector<16xf32>
        %add3A_444 = arith.addf %add3A_362, %select_n3A_443 : vector<16xf32>
        %get3A_445 = arith.index_cast %add3A_284 : i32 to index
        %get3A_446 = arith.constant 32 : index
        %get3A_447 = tpu.vector_load %arg18[%get3A_445, %get3A_446] {strides = array<i32>} : memref<32x128xf32, #tpu.memory_space<vmem>>, vector<1x16xf32>,
        %get3A_448 = vector.shape_cast %get3A_447 : vector<1x16xf32> to vector<16xf32>
        %get3A_449 = arith.index_cast %add3A_284 : i32 to index
        %get3A_450 = arith.constant 32 : index
        %get3A_451 = tpu.vector_load %arg20[%get3A_449, %get3A_450] {strides = array<i32>} : memref<32x256xf32, #tpu.memory_space<vmem>>, vector<1x16xf32>,
        %get3A_452 = vector.shape_cast %get3A_451 : vector<1x16xf32> to vector<16xf32>
        %add3A_453 = arith.addf %get3A_448, %get3A_452 : vector<16xf32>
        %get3A_454 = arith.index_cast %add3A_284 : i32 to index
        %get3A_455 = arith.constant 32 : index
        %get3A_456 = tpu.vector_load %arg22[%get3A_454, %get3A_455] {strides = array<i32>} : memref<32x128xf32, #tpu.memory_space<vmem>>, vector<1x16xf32>,
        %get3A_457 = vector.shape_cast %get3A_456 : vector<1x16xf32> to vector<16xf32>
        %add3A_458 = arith.addf %add3A_453, %get3A_457 : vector<16xf32>
        %ge3A_459 = arith.constant 0.000000e+00 : f32
        %ge3A_460 = vector.broadcast %ge3A_459 : f32 to vector<16xf32>
        %ge3A_461 = arith.cmpf oge, %add3A_458, %ge3A_460 : vector<16xf32>
        %mul3A_462 = arith.constant 0.00999999977 : f32
        %mul3A_463 = vector.broadcast %mul3A_462 : f32 to vector<16xf32>
        %mul3A_464 = arith.mulf %mul3A_463, %add3A_458 : vector<16xf32>
        %select_n3A_465 = arith.select %ge3A_461, %add3A_458, %mul3A_464 : vector<16xi1>, vector<16xf32>
        %get3A_466 = arith.constant 2 : i32
        %get3A_467 = arith.index_cast %get3A_466 : i32 to index
        %get3A_468 = arith.constant 0 : index
        %get3A_469 = tpu.vector_load %arg26[%get3A_467, %get3A_468] {strides = array<i32>} : memref<8x16xf32, #tpu.memory_space<vmem>>, vector<1x16xf32>,
        %get3A_470 = vector.shape_cast %get3A_469 : vector<1x16xf32> to vector<16xf32>
        %mul3A_471 = arith.mulf %get3A_470, %select_n3A_465 : vector<16xf32>
        %lt3A_472 = arith.constant 0 : i32
        %lt3A_473 = vector.broadcast %lt3A_472 : i32 to vector<16xi32>
        %lt3A_474 = arith.cmpi slt, %xor3A_6, %lt3A_473 : vector<16xi32>
        %add3A_475 = arith.constant 16 : i32
        %add3A_476 = vector.broadcast %add3A_475 : i32 to vector<16xi32>
        %add3A_477 = arith.addi %xor3A_6, %add3A_476 : vector<16xi32>
        %select_n3A_478 = arith.select %lt3A_474, %add3A_477, %xor3A_6 : vector<16xi1>, vector<16xi32>
        %broadcast_in_dim3A_479 = vector.shape_cast %select_n3A_478 : vector<16xi32> to vector<16x1xi32>
        %gather3A_480 = vector.shape_cast %broadcast_in_dim3A_479 : vector<16x1xi32> to vector<16xi32>
        %gather3A_481 = tpu.dynamic_gather %mul3A_471[%gather3A_480] in [0] : vector<16xf32>, vector<16xi32> -> vector<16xf32>
        %add3A_482 = arith.addf %mul3A_471, %gather3A_481 : vector<16xf32>
        %lt3A_483 = arith.constant 0 : i32
        %lt3A_484 = vector.broadcast %lt3A_483 : i32 to vector<16xi32>
        %lt3A_485 = arith.cmpi slt, %xor3A_9, %lt3A_484 : vector<16xi32>
        %add3A_486 = arith.constant 16 : i32
        %add3A_487 = vector.broadcast %add3A_486 : i32 to vector<16xi32>
        %add3A_488 = arith.addi %xor3A_9, %add3A_487 : vector<16xi32>
        %select_n3A_489 = arith.select %lt3A_485, %add3A_488, %xor3A_9 : vector<16xi1>, vector<16xi32>
        %broadcast_in_dim3A_490 = vector.shape_cast %select_n3A_489 : vector<16xi32> to vector<16x1xi32>
        %gather3A_491 = vector.shape_cast %broadcast_in_dim3A_490 : vector<16x1xi32> to vector<16xi32>
        %gather3A_492 = tpu.dynamic_gather %add3A_482[%gather3A_491] in [0] : vector<16xf32>, vector<16xi32> -> vector<16xf32>
        %add3A_493 = arith.addf %add3A_482, %gather3A_492 : vector<16xf32>
        %lt3A_494 = arith.constant 0 : i32
        %lt3A_495 = vector.broadcast %lt3A_494 : i32 to vector<16xi32>
        %lt3A_496 = arith.cmpi slt, %xor3A_12, %lt3A_495 : vector<16xi32>
        %add3A_497 = arith.constant 16 : i32
        %add3A_498 = vector.broadcast %add3A_497 : i32 to vector<16xi32>
        %add3A_499 = arith.addi %xor3A_12, %add3A_498 : vector<16xi32>
        %select_n3A_500 = arith.select %lt3A_496, %add3A_499, %xor3A_12 : vector<16xi1>, vector<16xi32>
        %broadcast_in_dim3A_501 = vector.shape_cast %select_n3A_500 : vector<16xi32> to vector<16x1xi32>
        %gather3A_502 = vector.shape_cast %broadcast_in_dim3A_501 : vector<16x1xi32> to vector<16xi32>
        %gather3A_503 = tpu.dynamic_gather %add3A_493[%gather3A_502] in [0] : vector<16xf32>, vector<16xi32> -> vector<16xf32>
        %add3A_504 = arith.addf %add3A_493, %gather3A_503 : vector<16xf32>
        %lt3A_505 = arith.constant 0 : i32
        %lt3A_506 = vector.broadcast %lt3A_505 : i32 to vector<16xi32>
        %lt3A_507 = arith.cmpi slt, %xor3A_15, %lt3A_506 : vector<16xi32>
        %add3A_508 = arith.constant 16 : i32
        %add3A_509 = vector.broadcast %add3A_508 : i32 to vector<16xi32>
        %add3A_510 = arith.addi %xor3A_15, %add3A_509 : vector<16xi32>
        %select_n3A_511 = arith.select %lt3A_507, %add3A_510, %xor3A_15 : vector<16xi1>, vector<16xi32>
        %broadcast_in_dim3A_512 = vector.shape_cast %select_n3A_511 : vector<16xi32> to vector<16x1xi32>
        %gather3A_513 = vector.shape_cast %broadcast_in_dim3A_512 : vector<16x1xi32> to vector<16xi32>
        %gather3A_514 = tpu.dynamic_gather %add3A_504[%gather3A_513] in [0] : vector<16xf32>, vector<16xi32> -> vector<16xf32>
        %add3A_515 = arith.addf %add3A_504, %gather3A_514 : vector<16xf32>
        %min3A_516 = arith.constant 6.000000e+01 : f32
        %min3A_517 = vector.broadcast %min3A_516 : f32 to vector<16xf32>
        %min3A_518 = arith.minimumf %add3A_515, %min3A_517 : vector<16xf32>
        %exp3A_519 = math.exp %min3A_518 : vector<16xf32>
        %eq3A_520 = arith.constant 2 : i32
        %eq3A_521 = vector.broadcast %eq3A_520 : i32 to vector<16xi32>
        %eq3A_522 = arith.cmpi eq, %iota3A, %eq3A_521 : vector<16xi32>
        %jit3A_523 = arith.constant 0.000000e+00 : f32
        %broadcast_in_dim3A_524 = vector.broadcast %jit3A_523 : f32 to vector<16xf32>
        %select_n3A_525 = arith.select %eq3A_522, %exp3A_519, %broadcast_in_dim3A_524 : vector<16xi1>, vector<16xf32>
        %add3A_526 = arith.addf %add3A_444, %select_n3A_525 : vector<16xf32>
        %get3A_527 = arith.index_cast %add3A_284 : i32 to index
        %get3A_528 = arith.constant 48 : index
        %get3A_529 = tpu.vector_load %arg18[%get3A_527, %get3A_528] {strides = array<i32>} : memref<32x128xf32, #tpu.memory_space<vmem>>, vector<1x16xf32>,
        %get3A_530 = vector.shape_cast %get3A_529 : vector<1x16xf32> to vector<16xf32>
        %get3A_531 = arith.index_cast %add3A_284 : i32 to index
        %get3A_532 = arith.constant 48 : index
        %get3A_533 = tpu.vector_load %arg20[%get3A_531, %get3A_532] {strides = array<i32>} : memref<32x256xf32, #tpu.memory_space<vmem>>, vector<1x16xf32>,
        %get3A_534 = vector.shape_cast %get3A_533 : vector<1x16xf32> to vector<16xf32>
        %add3A_535 = arith.addf %get3A_530, %get3A_534 : vector<16xf32>
        %get3A_536 = arith.index_cast %add3A_284 : i32 to index
        %get3A_537 = arith.constant 48 : index
        %get3A_538 = tpu.vector_load %arg22[%get3A_536, %get3A_537] {strides = array<i32>} : memref<32x128xf32, #tpu.memory_space<vmem>>, vector<1x16xf32>,
        %get3A_539 = vector.shape_cast %get3A_538 : vector<1x16xf32> to vector<16xf32>
        %add3A_540 = arith.addf %add3A_535, %get3A_539 : vector<16xf32>
        %ge3A_541 = arith.constant 0.000000e+00 : f32
        %ge3A_542 = vector.broadcast %ge3A_541 : f32 to vector<16xf32>
        %ge3A_543 = arith.cmpf oge, %add3A_540, %ge3A_542 : vector<16xf32>
        %mul3A_544 = arith.constant 0.00999999977 : f32
        %mul3A_545 = vector.broadcast %mul3A_544 : f32 to vector<16xf32>
        %mul3A_546 = arith.mulf %mul3A_545, %add3A_540 : vector<16xf32>
        %select_n3A_547 = arith.select %ge3A_543, %add3A_540, %mul3A_546 : vector<16xi1>, vector<16xf32>
        %get3A_548 = arith.constant 3 : i32
        %get3A_549 = arith.index_cast %get3A_548 : i32 to index
        %get3A_550 = arith.constant 0 : index
        %get3A_551 = tpu.vector_load %arg26[%get3A_549, %get3A_550] {strides = array<i32>} : memref<8x16xf32, #tpu.memory_space<vmem>>, vector<1x16xf32>,
        %get3A_552 = vector.shape_cast %get3A_551 : vector<1x16xf32> to vector<16xf32>
        %mul3A_553 = arith.mulf %get3A_552, %select_n3A_547 : vector<16xf32>
        %lt3A_554 = arith.constant 0 : i32
        %lt3A_555 = vector.broadcast %lt3A_554 : i32 to vector<16xi32>
        %lt3A_556 = arith.cmpi slt, %xor3A_6, %lt3A_555 : vector<16xi32>
        %add3A_557 = arith.constant 16 : i32
        %add3A_558 = vector.broadcast %add3A_557 : i32 to vector<16xi32>
        %add3A_559 = arith.addi %xor3A_6, %add3A_558 : vector<16xi32>
        %select_n3A_560 = arith.select %lt3A_556, %add3A_559, %xor3A_6 : vector<16xi1>, vector<16xi32>
        %broadcast_in_dim3A_561 = vector.shape_cast %select_n3A_560 : vector<16xi32> to vector<16x1xi32>
        %gather3A_562 = vector.shape_cast %broadcast_in_dim3A_561 : vector<16x1xi32> to vector<16xi32>
        %gather3A_563 = tpu.dynamic_gather %mul3A_553[%gather3A_562] in [0] : vector<16xf32>, vector<16xi32> -> vector<16xf32>
        %add3A_564 = arith.addf %mul3A_553, %gather3A_563 : vector<16xf32>
        %lt3A_565 = arith.constant 0 : i32
        %lt3A_566 = vector.broadcast %lt3A_565 : i32 to vector<16xi32>
        %lt3A_567 = arith.cmpi slt, %xor3A_9, %lt3A_566 : vector<16xi32>
        %add3A_568 = arith.constant 16 : i32
        %add3A_569 = vector.broadcast %add3A_568 : i32 to vector<16xi32>
        %add3A_570 = arith.addi %xor3A_9, %add3A_569 : vector<16xi32>
        %select_n3A_571 = arith.select %lt3A_567, %add3A_570, %xor3A_9 : vector<16xi1>, vector<16xi32>
        %broadcast_in_dim3A_572 = vector.shape_cast %select_n3A_571 : vector<16xi32> to vector<16x1xi32>
        %gather3A_573 = vector.shape_cast %broadcast_in_dim3A_572 : vector<16x1xi32> to vector<16xi32>
        %gather3A_574 = tpu.dynamic_gather %add3A_564[%gather3A_573] in [0] : vector<16xf32>, vector<16xi32> -> vector<16xf32>
        %add3A_575 = arith.addf %add3A_564, %gather3A_574 : vector<16xf32>
        %lt3A_576 = arith.constant 0 : i32
        %lt3A_577 = vector.broadcast %lt3A_576 : i32 to vector<16xi32>
        %lt3A_578 = arith.cmpi slt, %xor3A_12, %lt3A_577 : vector<16xi32>
        %add3A_579 = arith.constant 16 : i32
        %add3A_580 = vector.broadcast %add3A_579 : i32 to vector<16xi32>
        %add3A_581 = arith.addi %xor3A_12, %add3A_580 : vector<16xi32>
        %select_n3A_582 = arith.select %lt3A_578, %add3A_581, %xor3A_12 : vector<16xi1>, vector<16xi32>
        %broadcast_in_dim3A_583 = vector.shape_cast %select_n3A_582 : vector<16xi32> to vector<16x1xi32>
        %gather3A_584 = vector.shape_cast %broadcast_in_dim3A_583 : vector<16x1xi32> to vector<16xi32>
        %gather3A_585 = tpu.dynamic_gather %add3A_575[%gather3A_584] in [0] : vector<16xf32>, vector<16xi32> -> vector<16xf32>
        %add3A_586 = arith.addf %add3A_575, %gather3A_585 : vector<16xf32>
        %lt3A_587 = arith.constant 0 : i32
        %lt3A_588 = vector.broadcast %lt3A_587 : i32 to vector<16xi32>
        %lt3A_589 = arith.cmpi slt, %xor3A_15, %lt3A_588 : vector<16xi32>
        %add3A_590 = arith.constant 16 : i32
        %add3A_591 = vector.broadcast %add3A_590 : i32 to vector<16xi32>
        %add3A_592 = arith.addi %xor3A_15, %add3A_591 : vector<16xi32>
        %select_n3A_593 = arith.select %lt3A_589, %add3A_592, %xor3A_15 : vector<16xi1>, vector<16xi32>
        %broadcast_in_dim3A_594 = vector.shape_cast %select_n3A_593 : vector<16xi32> to vector<16x1xi32>
        %gather3A_595 = vector.shape_cast %broadcast_in_dim3A_594 : vector<16x1xi32> to vector<16xi32>
        %gather3A_596 = tpu.dynamic_gather %add3A_586[%gather3A_595] in [0] : vector<16xf32>, vector<16xi32> -> vector<16xf32>
        %add3A_597 = arith.addf %add3A_586, %gather3A_596 : vector<16xf32>
        %min3A_598 = arith.constant 6.000000e+01 : f32
        %min3A_599 = vector.broadcast %min3A_598 : f32 to vector<16xf32>
        %min3A_600 = arith.minimumf %add3A_597, %min3A_599 : vector<16xf32>
        %exp3A_601 = math.exp %min3A_600 : vector<16xf32>
        %eq3A_602 = arith.constant 3 : i32
        %eq3A_603 = vector.broadcast %eq3A_602 : i32 to vector<16xi32>
        %eq3A_604 = arith.cmpi eq, %iota3A, %eq3A_603 : vector<16xi32>
        %jit3A_605 = arith.constant 0.000000e+00 : f32
        %broadcast_in_dim3A_606 = vector.broadcast %jit3A_605 : f32 to vector<16xf32>
        %select_n3A_607 = arith.select %eq3A_604, %exp3A_601, %broadcast_in_dim3A_606 : vector<16xi1>, vector<16xf32>
        %add3A_608 = arith.addf %add3A_526, %select_n3A_607 : vector<16xf32>
        %get3A_609 = arith.index_cast %add3A_284 : i32 to index
        %get3A_610 = arith.constant 64 : index
        %get3A_611 = tpu.vector_load %arg18[%get3A_609, %get3A_610] {strides = array<i32>} : memref<32x128xf32, #tpu.memory_space<vmem>>, vector<1x16xf32>,
        %get3A_612 = vector.shape_cast %get3A_611 : vector<1x16xf32> to vector<16xf32>
        %get3A_613 = arith.index_cast %add3A_284 : i32 to index
        %get3A_614 = arith.constant 64 : index
        %get3A_615 = tpu.vector_load %arg20[%get3A_613, %get3A_614] {strides = array<i32>} : memref<32x256xf32, #tpu.memory_space<vmem>>, vector<1x16xf32>,
        %get3A_616 = vector.shape_cast %get3A_615 : vector<1x16xf32> to vector<16xf32>
        %add3A_617 = arith.addf %get3A_612, %get3A_616 : vector<16xf32>
        %get3A_618 = arith.index_cast %add3A_284 : i32 to index
        %get3A_619 = arith.constant 64 : index
        %get3A_620 = tpu.vector_load %arg22[%get3A_618, %get3A_619] {strides = array<i32>} : memref<32x128xf32, #tpu.memory_space<vmem>>, vector<1x16xf32>,
        %get3A_621 = vector.shape_cast %get3A_620 : vector<1x16xf32> to vector<16xf32>
        %add3A_622 = arith.addf %add3A_617, %get3A_621 : vector<16xf32>
        %ge3A_623 = arith.constant 0.000000e+00 : f32
        %ge3A_624 = vector.broadcast %ge3A_623 : f32 to vector<16xf32>
        %ge3A_625 = arith.cmpf oge, %add3A_622, %ge3A_624 : vector<16xf32>
        %mul3A_626 = arith.constant 0.00999999977 : f32
        %mul3A_627 = vector.broadcast %mul3A_626 : f32 to vector<16xf32>
        %mul3A_628 = arith.mulf %mul3A_627, %add3A_622 : vector<16xf32>
        %select_n3A_629 = arith.select %ge3A_625, %add3A_622, %mul3A_628 : vector<16xi1>, vector<16xf32>
        %get3A_630 = arith.constant 4 : i32
        %get3A_631 = arith.index_cast %get3A_630 : i32 to index
        %get3A_632 = arith.constant 0 : index
        %get3A_633 = tpu.vector_load %arg26[%get3A_631, %get3A_632] {strides = array<i32>} : memref<8x16xf32, #tpu.memory_space<vmem>>, vector<1x16xf32>,
        %get3A_634 = vector.shape_cast %get3A_633 : vector<1x16xf32> to vector<16xf32>
        %mul3A_635 = arith.mulf %get3A_634, %select_n3A_629 : vector<16xf32>
        %lt3A_636 = arith.constant 0 : i32
        %lt3A_637 = vector.broadcast %lt3A_636 : i32 to vector<16xi32>
        %lt3A_638 = arith.cmpi slt, %xor3A_6, %lt3A_637 : vector<16xi32>
        %add3A_639 = arith.constant 16 : i32
        %add3A_640 = vector.broadcast %add3A_639 : i32 to vector<16xi32>
        %add3A_641 = arith.addi %xor3A_6, %add3A_640 : vector<16xi32>
        %select_n3A_642 = arith.select %lt3A_638, %add3A_641, %xor3A_6 : vector<16xi1>, vector<16xi32>
        %broadcast_in_dim3A_643 = vector.shape_cast %select_n3A_642 : vector<16xi32> to vector<16x1xi32>
        %gather3A_644 = vector.shape_cast %broadcast_in_dim3A_643 : vector<16x1xi32> to vector<16xi32>
        %gather3A_645 = tpu.dynamic_gather %mul3A_635[%gather3A_644] in [0] : vector<16xf32>, vector<16xi32> -> vector<16xf32>
        %add3A_646 = arith.addf %mul3A_635, %gather3A_645 : vector<16xf32>
        %lt3A_647 = arith.constant 0 : i32
        %lt3A_648 = vector.broadcast %lt3A_647 : i32 to vector<16xi32>
        %lt3A_649 = arith.cmpi slt, %xor3A_9, %lt3A_648 : vector<16xi32>
        %add3A_650 = arith.constant 16 : i32
        %add3A_651 = vector.broadcast %add3A_650 : i32 to vector<16xi32>
        %add3A_652 = arith.addi %xor3A_9, %add3A_651 : vector<16xi32>
        %select_n3A_653 = arith.select %lt3A_649, %add3A_652, %xor3A_9 : vector<16xi1>, vector<16xi32>
        %broadcast_in_dim3A_654 = vector.shape_cast %select_n3A_653 : vector<16xi32> to vector<16x1xi32>
        %gather3A_655 = vector.shape_cast %broadcast_in_dim3A_654 : vector<16x1xi32> to vector<16xi32>
        %gather3A_656 = tpu.dynamic_gather %add3A_646[%gather3A_655] in [0] : vector<16xf32>, vector<16xi32> -> vector<16xf32>
        %add3A_657 = arith.addf %add3A_646, %gather3A_656 : vector<16xf32>
        %lt3A_658 = arith.constant 0 : i32
        %lt3A_659 = vector.broadcast %lt3A_658 : i32 to vector<16xi32>
        %lt3A_660 = arith.cmpi slt, %xor3A_12, %lt3A_659 : vector<16xi32>
        %add3A_661 = arith.constant 16 : i32
        %add3A_662 = vector.broadcast %add3A_661 : i32 to vector<16xi32>
        %add3A_663 = arith.addi %xor3A_12, %add3A_662 : vector<16xi32>
        %select_n3A_664 = arith.select %lt3A_660, %add3A_663, %xor3A_12 : vector<16xi1>, vector<16xi32>
        %broadcast_in_dim3A_665 = vector.shape_cast %select_n3A_664 : vector<16xi32> to vector<16x1xi32>
        %gather3A_666 = vector.shape_cast %broadcast_in_dim3A_665 : vector<16x1xi32> to vector<16xi32>
        %gather3A_667 = tpu.dynamic_gather %add3A_657[%gather3A_666] in [0] : vector<16xf32>, vector<16xi32> -> vector<16xf32>
        %add3A_668 = arith.addf %add3A_657, %gather3A_667 : vector<16xf32>
        %lt3A_669 = arith.constant 0 : i32
        %lt3A_670 = vector.broadcast %lt3A_669 : i32 to vector<16xi32>
        %lt3A_671 = arith.cmpi slt, %xor3A_15, %lt3A_670 : vector<16xi32>
        %add3A_672 = arith.constant 16 : i32
        %add3A_673 = vector.broadcast %add3A_672 : i32 to vector<16xi32>
        %add3A_674 = arith.addi %xor3A_15, %add3A_673 : vector<16xi32>
        %select_n3A_675 = arith.select %lt3A_671, %add3A_674, %xor3A_15 : vector<16xi1>, vector<16xi32>
        %broadcast_in_dim3A_676 = vector.shape_cast %select_n3A_675 : vector<16xi32> to vector<16x1xi32>
        %gather3A_677 = vector.shape_cast %broadcast_in_dim3A_676 : vector<16x1xi32> to vector<16xi32>
        %gather3A_678 = tpu.dynamic_gather %add3A_668[%gather3A_677] in [0] : vector<16xf32>, vector<16xi32> -> vector<16xf32>
        %add3A_679 = arith.addf %add3A_668, %gather3A_678 : vector<16xf32>
        %min3A_680 = arith.constant 6.000000e+01 : f32
        %min3A_681 = vector.broadcast %min3A_680 : f32 to vector<16xf32>
        %min3A_682 = arith.minimumf %add3A_679, %min3A_681 : vector<16xf32>
        %exp3A_683 = math.exp %min3A_682 : vector<16xf32>
        %eq3A_684 = arith.constant 4 : i32
        %eq3A_685 = vector.broadcast %eq3A_684 : i32 to vector<16xi32>
        %eq3A_686 = arith.cmpi eq, %iota3A, %eq3A_685 : vector<16xi32>
        %jit3A_687 = arith.constant 0.000000e+00 : f32
        %broadcast_in_dim3A_688 = vector.broadcast %jit3A_687 : f32 to vector<16xf32>
        %select_n3A_689 = arith.select %eq3A_686, %exp3A_683, %broadcast_in_dim3A_688 : vector<16xi1>, vector<16xf32>
        %add3A_690 = arith.addf %add3A_608, %select_n3A_689 : vector<16xf32>
        %get3A_691 = arith.index_cast %add3A_284 : i32 to index
        %get3A_692 = arith.constant 80 : index
        %get3A_693 = tpu.vector_load %arg18[%get3A_691, %get3A_692] {strides = array<i32>} : memref<32x128xf32, #tpu.memory_space<vmem>>, vector<1x16xf32>,
        %get3A_694 = vector.shape_cast %get3A_693 : vector<1x16xf32> to vector<16xf32>
        %get3A_695 = arith.index_cast %add3A_284 : i32 to index
        %get3A_696 = arith.constant 80 : index
        %get3A_697 = tpu.vector_load %arg20[%get3A_695, %get3A_696] {strides = array<i32>} : memref<32x256xf32, #tpu.memory_space<vmem>>, vector<1x16xf32>,
        %get3A_698 = vector.shape_cast %get3A_697 : vector<1x16xf32> to vector<16xf32>
        %add3A_699 = arith.addf %get3A_694, %get3A_698 : vector<16xf32>
        %get3A_700 = arith.index_cast %add3A_284 : i32 to index
        %get3A_701 = arith.constant 80 : index
        %get3A_702 = tpu.vector_load %arg22[%get3A_700, %get3A_701] {strides = array<i32>} : memref<32x128xf32, #tpu.memory_space<vmem>>, vector<1x16xf32>,
        %get3A_703 = vector.shape_cast %get3A_702 : vector<1x16xf32> to vector<16xf32>
        %add3A_704 = arith.addf %add3A_699, %get3A_703 : vector<16xf32>
        %ge3A_705 = arith.constant 0.000000e+00 : f32
        %ge3A_706 = vector.broadcast %ge3A_705 : f32 to vector<16xf32>
        %ge3A_707 = arith.cmpf oge, %add3A_704, %ge3A_706 : vector<16xf32>
        %mul3A_708 = arith.constant 0.00999999977 : f32
        %mul3A_709 = vector.broadcast %mul3A_708 : f32 to vector<16xf32>
        %mul3A_710 = arith.mulf %mul3A_709, %add3A_704 : vector<16xf32>
        %select_n3A_711 = arith.select %ge3A_707, %add3A_704, %mul3A_710 : vector<16xi1>, vector<16xf32>
        %get3A_712 = arith.constant 5 : i32
        %get3A_713 = arith.index_cast %get3A_712 : i32 to index
        %get3A_714 = arith.constant 0 : index
        %get3A_715 = tpu.vector_load %arg26[%get3A_713, %get3A_714] {strides = array<i32>} : memref<8x16xf32, #tpu.memory_space<vmem>>, vector<1x16xf32>,
        %get3A_716 = vector.shape_cast %get3A_715 : vector<1x16xf32> to vector<16xf32>
        %mul3A_717 = arith.mulf %get3A_716, %select_n3A_711 : vector<16xf32>
        %lt3A_718 = arith.constant 0 : i32
        %lt3A_719 = vector.broadcast %lt3A_718 : i32 to vector<16xi32>
        %lt3A_720 = arith.cmpi slt, %xor3A_6, %lt3A_719 : vector<16xi32>
        %add3A_721 = arith.constant 16 : i32
        %add3A_722 = vector.broadcast %add3A_721 : i32 to vector<16xi32>
        %add3A_723 = arith.addi %xor3A_6, %add3A_722 : vector<16xi32>
        %select_n3A_724 = arith.select %lt3A_720, %add3A_723, %xor3A_6 : vector<16xi1>, vector<16xi32>
        %broadcast_in_dim3A_725 = vector.shape_cast %select_n3A_724 : vector<16xi32> to vector<16x1xi32>
        %gather3A_726 = vector.shape_cast %broadcast_in_dim3A_725 : vector<16x1xi32> to vector<16xi32>
        %gather3A_727 = tpu.dynamic_gather %mul3A_717[%gather3A_726] in [0] : vector<16xf32>, vector<16xi32> -> vector<16xf32>
        %add3A_728 = arith.addf %mul3A_717, %gather3A_727 : vector<16xf32>
        %lt3A_729 = arith.constant 0 : i32
        %lt3A_730 = vector.broadcast %lt3A_729 : i32 to vector<16xi32>
        %lt3A_731 = arith.cmpi slt, %xor3A_9, %lt3A_730 : vector<16xi32>
        %add3A_732 = arith.constant 16 : i32
        %add3A_733 = vector.broadcast %add3A_732 : i32 to vector<16xi32>
        %add3A_734 = arith.addi %xor3A_9, %add3A_733 : vector<16xi32>
        %select_n3A_735 = arith.select %lt3A_731, %add3A_734, %xor3A_9 : vector<16xi1>, vector<16xi32>
        %broadcast_in_dim3A_736 = vector.shape_cast %select_n3A_735 : vector<16xi32> to vector<16x1xi32>
        %gather3A_737 = vector.shape_cast %broadcast_in_dim3A_736 : vector<16x1xi32> to vector<16xi32>
        %gather3A_738 = tpu.dynamic_gather %add3A_728[%gather3A_737] in [0] : vector<16xf32>, vector<16xi32> -> vector<16xf32>
        %add3A_739 = arith.addf %add3A_728, %gather3A_738 : vector<16xf32>
        %lt3A_740 = arith.constant 0 : i32
        %lt3A_741 = vector.broadcast %lt3A_740 : i32 to vector<16xi32>
        %lt3A_742 = arith.cmpi slt, %xor3A_12, %lt3A_741 : vector<16xi32>
        %add3A_743 = arith.constant 16 : i32
        %add3A_744 = vector.broadcast %add3A_743 : i32 to vector<16xi32>
        %add3A_745 = arith.addi %xor3A_12, %add3A_744 : vector<16xi32>
        %select_n3A_746 = arith.select %lt3A_742, %add3A_745, %xor3A_12 : vector<16xi1>, vector<16xi32>
        %broadcast_in_dim3A_747 = vector.shape_cast %select_n3A_746 : vector<16xi32> to vector<16x1xi32>
        %gather3A_748 = vector.shape_cast %broadcast_in_dim3A_747 : vector<16x1xi32> to vector<16xi32>
        %gather3A_749 = tpu.dynamic_gather %add3A_739[%gather3A_748] in [0] : vector<16xf32>, vector<16xi32> -> vector<16xf32>
        %add3A_750 = arith.addf %add3A_739, %gather3A_749 : vector<16xf32>
        %lt3A_751 = arith.constant 0 : i32
        %lt3A_752 = vector.broadcast %lt3A_751 : i32 to vector<16xi32>
        %lt3A_753 = arith.cmpi slt, %xor3A_15, %lt3A_752 : vector<16xi32>
        %add3A_754 = arith.constant 16 : i32
        %add3A_755 = vector.broadcast %add3A_754 : i32 to vector<16xi32>
        %add3A_756 = arith.addi %xor3A_15, %add3A_755 : vector<16xi32>
        %select_n3A_757 = arith.select %lt3A_753, %add3A_756, %xor3A_15 : vector<16xi1>, vector<16xi32>
        %broadcast_in_dim3A_758 = vector.shape_cast %select_n3A_757 : vector<16xi32> to vector<16x1xi32>
        %gather3A_759 = vector.shape_cast %broadcast_in_dim3A_758 : vector<16x1xi32> to vector<16xi32>
        %gather3A_760 = tpu.dynamic_gather %add3A_750[%gather3A_759] in [0] : vector<16xf32>, vector<16xi32> -> vector<16xf32>
        %add3A_761 = arith.addf %add3A_750, %gather3A_760 : vector<16xf32>
        %min3A_762 = arith.constant 6.000000e+01 : f32
        %min3A_763 = vector.broadcast %min3A_762 : f32 to vector<16xf32>
        %min3A_764 = arith.minimumf %add3A_761, %min3A_763 : vector<16xf32>
        %exp3A_765 = math.exp %min3A_764 : vector<16xf32>
        %eq3A_766 = arith.constant 5 : i32
        %eq3A_767 = vector.broadcast %eq3A_766 : i32 to vector<16xi32>
        %eq3A_768 = arith.cmpi eq, %iota3A, %eq3A_767 : vector<16xi32>
        %jit3A_769 = arith.constant 0.000000e+00 : f32
        %broadcast_in_dim3A_770 = vector.broadcast %jit3A_769 : f32 to vector<16xf32>
        %select_n3A_771 = arith.select %eq3A_768, %exp3A_765, %broadcast_in_dim3A_770 : vector<16xi1>, vector<16xf32>
        %add3A_772 = arith.addf %add3A_690, %select_n3A_771 : vector<16xf32>
        %get3A_773 = arith.index_cast %add3A_284 : i32 to index
        %get3A_774 = arith.constant 96 : index
        %get3A_775 = tpu.vector_load %arg18[%get3A_773, %get3A_774] {strides = array<i32>} : memref<32x128xf32, #tpu.memory_space<vmem>>, vector<1x16xf32>,
        %get3A_776 = vector.shape_cast %get3A_775 : vector<1x16xf32> to vector<16xf32>
        %get3A_777 = arith.index_cast %add3A_284 : i32 to index
        %get3A_778 = arith.constant 96 : index
        %get3A_779 = tpu.vector_load %arg20[%get3A_777, %get3A_778] {strides = array<i32>} : memref<32x256xf32, #tpu.memory_space<vmem>>, vector<1x16xf32>,
        %get3A_780 = vector.shape_cast %get3A_779 : vector<1x16xf32> to vector<16xf32>
        %add3A_781 = arith.addf %get3A_776, %get3A_780 : vector<16xf32>
        %get3A_782 = arith.index_cast %add3A_284 : i32 to index
        %get3A_783 = arith.constant 96 : index
        %get3A_784 = tpu.vector_load %arg22[%get3A_782, %get3A_783] {strides = array<i32>} : memref<32x128xf32, #tpu.memory_space<vmem>>, vector<1x16xf32>,
        %get3A_785 = vector.shape_cast %get3A_784 : vector<1x16xf32> to vector<16xf32>
        %add3A_786 = arith.addf %add3A_781, %get3A_785 : vector<16xf32>
        %ge3A_787 = arith.constant 0.000000e+00 : f32
        %ge3A_788 = vector.broadcast %ge3A_787 : f32 to vector<16xf32>
        %ge3A_789 = arith.cmpf oge, %add3A_786, %ge3A_788 : vector<16xf32>
        %mul3A_790 = arith.constant 0.00999999977 : f32
        %mul3A_791 = vector.broadcast %mul3A_790 : f32 to vector<16xf32>
        %mul3A_792 = arith.mulf %mul3A_791, %add3A_786 : vector<16xf32>
        %select_n3A_793 = arith.select %ge3A_789, %add3A_786, %mul3A_792 : vector<16xi1>, vector<16xf32>
        %get3A_794 = arith.constant 6 : i32
        %get3A_795 = arith.index_cast %get3A_794 : i32 to index
        %get3A_796 = arith.constant 0 : index
        %get3A_797 = tpu.vector_load %arg26[%get3A_795, %get3A_796] {strides = array<i32>} : memref<8x16xf32, #tpu.memory_space<vmem>>, vector<1x16xf32>,
        %get3A_798 = vector.shape_cast %get3A_797 : vector<1x16xf32> to vector<16xf32>
        %mul3A_799 = arith.mulf %get3A_798, %select_n3A_793 : vector<16xf32>
        %lt3A_800 = arith.constant 0 : i32
        %lt3A_801 = vector.broadcast %lt3A_800 : i32 to vector<16xi32>
        %lt3A_802 = arith.cmpi slt, %xor3A_6, %lt3A_801 : vector<16xi32>
        %add3A_803 = arith.constant 16 : i32
        %add3A_804 = vector.broadcast %add3A_803 : i32 to vector<16xi32>
        %add3A_805 = arith.addi %xor3A_6, %add3A_804 : vector<16xi32>
        %select_n3A_806 = arith.select %lt3A_802, %add3A_805, %xor3A_6 : vector<16xi1>, vector<16xi32>
        %broadcast_in_dim3A_807 = vector.shape_cast %select_n3A_806 : vector<16xi32> to vector<16x1xi32>
        %gather3A_808 = vector.shape_cast %broadcast_in_dim3A_807 : vector<16x1xi32> to vector<16xi32>
        %gather3A_809 = tpu.dynamic_gather %mul3A_799[%gather3A_808] in [0] : vector<16xf32>, vector<16xi32> -> vector<16xf32>
        %add3A_810 = arith.addf %mul3A_799, %gather3A_809 : vector<16xf32>
        %lt3A_811 = arith.constant 0 : i32
        %lt3A_812 = vector.broadcast %lt3A_811 : i32 to vector<16xi32>
        %lt3A_813 = arith.cmpi slt, %xor3A_9, %lt3A_812 : vector<16xi32>
        %add3A_814 = arith.constant 16 : i32
        %add3A_815 = vector.broadcast %add3A_814 : i32 to vector<16xi32>
        %add3A_816 = arith.addi %xor3A_9, %add3A_815 : vector<16xi32>
        %select_n3A_817 = arith.select %lt3A_813, %add3A_816, %xor3A_9 : vector<16xi1>, vector<16xi32>
        %broadcast_in_dim3A_818 = vector.shape_cast %select_n3A_817 : vector<16xi32> to vector<16x1xi32>
        %gather3A_819 = vector.shape_cast %broadcast_in_dim3A_818 : vector<16x1xi32> to vector<16xi32>
        %gather3A_820 = tpu.dynamic_gather %add3A_810[%gather3A_819] in [0] : vector<16xf32>, vector<16xi32> -> vector<16xf32>
        %add3A_821 = arith.addf %add3A_810, %gather3A_820 : vector<16xf32>
        %lt3A_822 = arith.constant 0 : i32
        %lt3A_823 = vector.broadcast %lt3A_822 : i32 to vector<16xi32>
        %lt3A_824 = arith.cmpi slt, %xor3A_12, %lt3A_823 : vector<16xi32>
        %add3A_825 = arith.constant 16 : i32
        %add3A_826 = vector.broadcast %add3A_825 : i32 to vector<16xi32>
        %add3A_827 = arith.addi %xor3A_12, %add3A_826 : vector<16xi32>
        %select_n3A_828 = arith.select %lt3A_824, %add3A_827, %xor3A_12 : vector<16xi1>, vector<16xi32>
        %broadcast_in_dim3A_829 = vector.shape_cast %select_n3A_828 : vector<16xi32> to vector<16x1xi32>
        %gather3A_830 = vector.shape_cast %broadcast_in_dim3A_829 : vector<16x1xi32> to vector<16xi32>
        %gather3A_831 = tpu.dynamic_gather %add3A_821[%gather3A_830] in [0] : vector<16xf32>, vector<16xi32> -> vector<16xf32>
        %add3A_832 = arith.addf %add3A_821, %gather3A_831 : vector<16xf32>
        %lt3A_833 = arith.constant 0 : i32
        %lt3A_834 = vector.broadcast %lt3A_833 : i32 to vector<16xi32>
        %lt3A_835 = arith.cmpi slt, %xor3A_15, %lt3A_834 : vector<16xi32>
        %add3A_836 = arith.constant 16 : i32
        %add3A_837 = vector.broadcast %add3A_836 : i32 to vector<16xi32>
        %add3A_838 = arith.addi %xor3A_15, %add3A_837 : vector<16xi32>
        %select_n3A_839 = arith.select %lt3A_835, %add3A_838, %xor3A_15 : vector<16xi1>, vector<16xi32>
        %broadcast_in_dim3A_840 = vector.shape_cast %select_n3A_839 : vector<16xi32> to vector<16x1xi32>
        %gather3A_841 = vector.shape_cast %broadcast_in_dim3A_840 : vector<16x1xi32> to vector<16xi32>
        %gather3A_842 = tpu.dynamic_gather %add3A_832[%gather3A_841] in [0] : vector<16xf32>, vector<16xi32> -> vector<16xf32>
        %add3A_843 = arith.addf %add3A_832, %gather3A_842 : vector<16xf32>
        %min3A_844 = arith.constant 6.000000e+01 : f32
        %min3A_845 = vector.broadcast %min3A_844 : f32 to vector<16xf32>
        %min3A_846 = arith.minimumf %add3A_843, %min3A_845 : vector<16xf32>
        %exp3A_847 = math.exp %min3A_846 : vector<16xf32>
        %eq3A_848 = arith.constant 6 : i32
        %eq3A_849 = vector.broadcast %eq3A_848 : i32 to vector<16xi32>
        %eq3A_850 = arith.cmpi eq, %iota3A, %eq3A_849 : vector<16xi32>
        %jit3A_851 = arith.constant 0.000000e+00 : f32
        %broadcast_in_dim3A_852 = vector.broadcast %jit3A_851 : f32 to vector<16xf32>
        %select_n3A_853 = arith.select %eq3A_850, %exp3A_847, %broadcast_in_dim3A_852 : vector<16xi1>, vector<16xf32>
        %add3A_854 = arith.addf %add3A_772, %select_n3A_853 : vector<16xf32>
        %get3A_855 = arith.index_cast %add3A_284 : i32 to index
        %get3A_856 = arith.constant 112 : index
        %get3A_857 = tpu.vector_load %arg18[%get3A_855, %get3A_856] {strides = array<i32>} : memref<32x128xf32, #tpu.memory_space<vmem>>, vector<1x16xf32>,
        %get3A_858 = vector.shape_cast %get3A_857 : vector<1x16xf32> to vector<16xf32>
        %get3A_859 = arith.index_cast %add3A_284 : i32 to index
        %get3A_860 = arith.constant 112 : index
        %get3A_861 = tpu.vector_load %arg20[%get3A_859, %get3A_860] {strides = array<i32>} : memref<32x256xf32, #tpu.memory_space<vmem>>, vector<1x16xf32>,
        %get3A_862 = vector.shape_cast %get3A_861 : vector<1x16xf32> to vector<16xf32>
        %add3A_863 = arith.addf %get3A_858, %get3A_862 : vector<16xf32>
        %get3A_864 = arith.index_cast %add3A_284 : i32 to index
        %get3A_865 = arith.constant 112 : index
        %get3A_866 = tpu.vector_load %arg22[%get3A_864, %get3A_865] {strides = array<i32>} : memref<32x128xf32, #tpu.memory_space<vmem>>, vector<1x16xf32>,
        %get3A_867 = vector.shape_cast %get3A_866 : vector<1x16xf32> to vector<16xf32>
        %add3A_868 = arith.addf %add3A_863, %get3A_867 : vector<16xf32>
        %ge3A_869 = arith.constant 0.000000e+00 : f32
        %ge3A_870 = vector.broadcast %ge3A_869 : f32 to vector<16xf32>
        %ge3A_871 = arith.cmpf oge, %add3A_868, %ge3A_870 : vector<16xf32>
        %mul3A_872 = arith.constant 0.00999999977 : f32
        %mul3A_873 = vector.broadcast %mul3A_872 : f32 to vector<16xf32>
        %mul3A_874 = arith.mulf %mul3A_873, %add3A_868 : vector<16xf32>
        %select_n3A_875 = arith.select %ge3A_871, %add3A_868, %mul3A_874 : vector<16xi1>, vector<16xf32>
        %get3A_876 = arith.constant 7 : i32
        %get3A_877 = arith.index_cast %get3A_876 : i32 to index
        %get3A_878 = arith.constant 0 : index
        %get3A_879 = tpu.vector_load %arg26[%get3A_877, %get3A_878] {strides = array<i32>} : memref<8x16xf32, #tpu.memory_space<vmem>>, vector<1x16xf32>,
        %get3A_880 = vector.shape_cast %get3A_879 : vector<1x16xf32> to vector<16xf32>
        %mul3A_881 = arith.mulf %get3A_880, %select_n3A_875 : vector<16xf32>
        %lt3A_882 = arith.constant 0 : i32
        %lt3A_883 = vector.broadcast %lt3A_882 : i32 to vector<16xi32>
        %lt3A_884 = arith.cmpi slt, %xor3A_6, %lt3A_883 : vector<16xi32>
        %add3A_885 = arith.constant 16 : i32
        %add3A_886 = vector.broadcast %add3A_885 : i32 to vector<16xi32>
        %add3A_887 = arith.addi %xor3A_6, %add3A_886 : vector<16xi32>
        %select_n3A_888 = arith.select %lt3A_884, %add3A_887, %xor3A_6 : vector<16xi1>, vector<16xi32>
        %broadcast_in_dim3A_889 = vector.shape_cast %select_n3A_888 : vector<16xi32> to vector<16x1xi32>
        %gather3A_890 = vector.shape_cast %broadcast_in_dim3A_889 : vector<16x1xi32> to vector<16xi32>
        %gather3A_891 = tpu.dynamic_gather %mul3A_881[%gather3A_890] in [0] : vector<16xf32>, vector<16xi32> -> vector<16xf32>
        %add3A_892 = arith.addf %mul3A_881, %gather3A_891 : vector<16xf32>
        %lt3A_893 = arith.constant 0 : i32
        %lt3A_894 = vector.broadcast %lt3A_893 : i32 to vector<16xi32>
        %lt3A_895 = arith.cmpi slt, %xor3A_9, %lt3A_894 : vector<16xi32>
        %add3A_896 = arith.constant 16 : i32
        %add3A_897 = vector.broadcast %add3A_896 : i32 to vector<16xi32>
        %add3A_898 = arith.addi %xor3A_9, %add3A_897 : vector<16xi32>
        %select_n3A_899 = arith.select %lt3A_895, %add3A_898, %xor3A_9 : vector<16xi1>, vector<16xi32>
        %broadcast_in_dim3A_900 = vector.shape_cast %select_n3A_899 : vector<16xi32> to vector<16x1xi32>
        %gather3A_901 = vector.shape_cast %broadcast_in_dim3A_900 : vector<16x1xi32> to vector<16xi32>
        %gather3A_902 = tpu.dynamic_gather %add3A_892[%gather3A_901] in [0] : vector<16xf32>, vector<16xi32> -> vector<16xf32>
        %add3A_903 = arith.addf %add3A_892, %gather3A_902 : vector<16xf32>
        %lt3A_904 = arith.constant 0 : i32
        %lt3A_905 = vector.broadcast %lt3A_904 : i32 to vector<16xi32>
        %lt3A_906 = arith.cmpi slt, %xor3A_12, %lt3A_905 : vector<16xi32>
        %add3A_907 = arith.constant 16 : i32
        %add3A_908 = vector.broadcast %add3A_907 : i32 to vector<16xi32>
        %add3A_909 = arith.addi %xor3A_12, %add3A_908 : vector<16xi32>
        %select_n3A_910 = arith.select %lt3A_906, %add3A_909, %xor3A_12 : vector<16xi1>, vector<16xi32>
        %broadcast_in_dim3A_911 = vector.shape_cast %select_n3A_910 : vector<16xi32> to vector<16x1xi32>
        %gather3A_912 = vector.shape_cast %broadcast_in_dim3A_911 : vector<16x1xi32> to vector<16xi32>
        %gather3A_913 = tpu.dynamic_gather %add3A_903[%gather3A_912] in [0] : vector<16xf32>, vector<16xi32> -> vector<16xf32>
        %add3A_914 = arith.addf %add3A_903, %gather3A_913 : vector<16xf32>
        %lt3A_915 = arith.constant 0 : i32
        %lt3A_916 = vector.broadcast %lt3A_915 : i32 to vector<16xi32>
        %lt3A_917 = arith.cmpi slt, %xor3A_15, %lt3A_916 : vector<16xi32>
        %add3A_918 = arith.constant 16 : i32
        %add3A_919 = vector.broadcast %add3A_918 : i32 to vector<16xi32>
        %add3A_920 = arith.addi %xor3A_15, %add3A_919 : vector<16xi32>
        %select_n3A_921 = arith.select %lt3A_917, %add3A_920, %xor3A_15 : vector<16xi1>, vector<16xi32>
        %broadcast_in_dim3A_922 = vector.shape_cast %select_n3A_921 : vector<16xi32> to vector<16x1xi32>
        %gather3A_923 = vector.shape_cast %broadcast_in_dim3A_922 : vector<16x1xi32> to vector<16xi32>
        %gather3A_924 = tpu.dynamic_gather %add3A_914[%gather3A_923] in [0] : vector<16xf32>, vector<16xi32> -> vector<16xf32>
        %add3A_925 = arith.addf %add3A_914, %gather3A_924 : vector<16xf32>
        %min3A_926 = arith.constant 6.000000e+01 : f32
        %min3A_927 = vector.broadcast %min3A_926 : f32 to vector<16xf32>
        %min3A_928 = arith.minimumf %add3A_925, %min3A_927 : vector<16xf32>
        %exp3A_929 = math.exp %min3A_928 : vector<16xf32>
        %eq3A_930 = arith.constant 7 : i32
        %eq3A_931 = vector.broadcast %eq3A_930 : i32 to vector<16xi32>
        %eq3A_932 = arith.cmpi eq, %iota3A, %eq3A_931 : vector<16xi32>
        %jit3A_933 = arith.constant 0.000000e+00 : f32
        %broadcast_in_dim3A_934 = vector.broadcast %jit3A_933 : f32 to vector<16xf32>
        %select_n3A_935 = arith.select %eq3A_932, %exp3A_929, %broadcast_in_dim3A_934 : vector<16xi1>, vector<16xf32>
        %add3A_936 = arith.addf %add3A_854, %select_n3A_935 : vector<16xf32>
        %mul3A_937 = arith.constant 2 : i32
        %mul3A_938 = arith.muli %scan3A_277, %mul3A_937 : i32
        %add3A_939 = arith.constant 1 : i32
        %add3A_940 = arith.addi %mul3A_938, %add3A_939 : i32
        %get3A_941 = arith.index_cast %add3A_940 : i32 to index
        %get3A_942 = arith.constant 0 : index
        %get3A_943 = tpu.vector_load %arg18[%get3A_941, %get3A_942] {strides = array<i32>} : memref<32x128xf32, #tpu.memory_space<vmem>>, vector<1x16xf32>,
        %get3A_944 = vector.shape_cast %get3A_943 : vector<1x16xf32> to vector<16xf32>
        %get3A_945 = arith.index_cast %add3A_940 : i32 to index
        %get3A_946 = arith.constant 0 : index
        %get3A_947 = tpu.vector_load %arg20[%get3A_945, %get3A_946] {strides = array<i32>} : memref<32x256xf32, #tpu.memory_space<vmem>>, vector<1x16xf32>,
        %get3A_948 = vector.shape_cast %get3A_947 : vector<1x16xf32> to vector<16xf32>
        %add3A_949 = arith.addf %get3A_944, %get3A_948 : vector<16xf32>
        %get3A_950 = arith.index_cast %add3A_940 : i32 to index
        %get3A_951 = arith.constant 0 : index
        %get3A_952 = tpu.vector_load %arg22[%get3A_950, %get3A_951] {strides = array<i32>} : memref<32x128xf32, #tpu.memory_space<vmem>>, vector<1x16xf32>,
        %get3A_953 = vector.shape_cast %get3A_952 : vector<1x16xf32> to vector<16xf32>
        %add3A_954 = arith.addf %add3A_949, %get3A_953 : vector<16xf32>
        %ge3A_955 = arith.constant 0.000000e+00 : f32
        %ge3A_956 = vector.broadcast %ge3A_955 : f32 to vector<16xf32>
        %ge3A_957 = arith.cmpf oge, %add3A_954, %ge3A_956 : vector<16xf32>
        %mul3A_958 = arith.constant 0.00999999977 : f32
        %mul3A_959 = vector.broadcast %mul3A_958 : f32 to vector<16xf32>
        %mul3A_960 = arith.mulf %mul3A_959, %add3A_954 : vector<16xf32>
        %select_n3A_961 = arith.select %ge3A_957, %add3A_954, %mul3A_960 : vector<16xi1>, vector<16xf32>
        %get3A_962 = arith.constant 0 : i32
        %get3A_963 = arith.index_cast %get3A_962 : i32 to index
        %get3A_964 = arith.constant 0 : index
        %get3A_965 = tpu.vector_load %arg26[%get3A_963, %get3A_964] {strides = array<i32>} : memref<8x16xf32, #tpu.memory_space<vmem>>, vector<1x16xf32>,
        %get3A_966 = vector.shape_cast %get3A_965 : vector<1x16xf32> to vector<16xf32>
        %mul3A_967 = arith.mulf %get3A_966, %select_n3A_961 : vector<16xf32>
        %lt3A_968 = arith.constant 0 : i32
        %lt3A_969 = vector.broadcast %lt3A_968 : i32 to vector<16xi32>
        %lt3A_970 = arith.cmpi slt, %xor3A_6, %lt3A_969 : vector<16xi32>
        %add3A_971 = arith.constant 16 : i32
        %add3A_972 = vector.broadcast %add3A_971 : i32 to vector<16xi32>
        %add3A_973 = arith.addi %xor3A_6, %add3A_972 : vector<16xi32>
        %select_n3A_974 = arith.select %lt3A_970, %add3A_973, %xor3A_6 : vector<16xi1>, vector<16xi32>
        %broadcast_in_dim3A_975 = vector.shape_cast %select_n3A_974 : vector<16xi32> to vector<16x1xi32>
        %gather3A_976 = vector.shape_cast %broadcast_in_dim3A_975 : vector<16x1xi32> to vector<16xi32>
        %gather3A_977 = tpu.dynamic_gather %mul3A_967[%gather3A_976] in [0] : vector<16xf32>, vector<16xi32> -> vector<16xf32>
        %add3A_978 = arith.addf %mul3A_967, %gather3A_977 : vector<16xf32>
        %lt3A_979 = arith.constant 0 : i32
        %lt3A_980 = vector.broadcast %lt3A_979 : i32 to vector<16xi32>
        %lt3A_981 = arith.cmpi slt, %xor3A_9, %lt3A_980 : vector<16xi32>
        %add3A_982 = arith.constant 16 : i32
        %add3A_983 = vector.broadcast %add3A_982 : i32 to vector<16xi32>
        %add3A_984 = arith.addi %xor3A_9, %add3A_983 : vector<16xi32>
        %select_n3A_985 = arith.select %lt3A_981, %add3A_984, %xor3A_9 : vector<16xi1>, vector<16xi32>
        %broadcast_in_dim3A_986 = vector.shape_cast %select_n3A_985 : vector<16xi32> to vector<16x1xi32>
        %gather3A_987 = vector.shape_cast %broadcast_in_dim3A_986 : vector<16x1xi32> to vector<16xi32>
        %gather3A_988 = tpu.dynamic_gather %add3A_978[%gather3A_987] in [0] : vector<16xf32>, vector<16xi32> -> vector<16xf32>
        %add3A_989 = arith.addf %add3A_978, %gather3A_988 : vector<16xf32>
        %lt3A_990 = arith.constant 0 : i32
        %lt3A_991 = vector.broadcast %lt3A_990 : i32 to vector<16xi32>
        %lt3A_992 = arith.cmpi slt, %xor3A_12, %lt3A_991 : vector<16xi32>
        %add3A_993 = arith.constant 16 : i32
        %add3A_994 = vector.broadcast %add3A_993 : i32 to vector<16xi32>
        %add3A_995 = arith.addi %xor3A_12, %add3A_994 : vector<16xi32>
        %select_n3A_996 = arith.select %lt3A_992, %add3A_995, %xor3A_12 : vector<16xi1>, vector<16xi32>
        %broadcast_in_dim3A_997 = vector.shape_cast %select_n3A_996 : vector<16xi32> to vector<16x1xi32>
        %gather3A_998 = vector.shape_cast %broadcast_in_dim3A_997 : vector<16x1xi32> to vector<16xi32>
        %gather3A_999 = tpu.dynamic_gather %add3A_989[%gather3A_998] in [0] : vector<16xf32>, vector<16xi32> -> vector<16xf32>
        %add3A_1000 = arith.addf %add3A_989, %gather3A_999 : vector<16xf32>
        %lt3A_1001 = arith.constant 0 : i32
        %lt3A_1002 = vector.broadcast %lt3A_1001 : i32 to vector<16xi32>
        %lt3A_1003 = arith.cmpi slt, %xor3A_15, %lt3A_1002 : vector<16xi32>
        %add3A_1004 = arith.constant 16 : i32
        %add3A_1005 = vector.broadcast %add3A_1004 : i32 to vector<16xi32>
        %add3A_1006 = arith.addi %xor3A_15, %add3A_1005 : vector<16xi32>
        %select_n3A_1007 = arith.select %lt3A_1003, %add3A_1006, %xor3A_15 : vector<16xi1>, vector<16xi32>
        %broadcast_in_dim3A_1008 = vector.shape_cast %select_n3A_1007 : vector<16xi32> to vector<16x1xi32>
        %gather3A_1009 = vector.shape_cast %broadcast_in_dim3A_1008 : vector<16x1xi32> to vector<16xi32>
        %gather3A_1010 = tpu.dynamic_gather %add3A_1000[%gather3A_1009] in [0] : vector<16xf32>, vector<16xi32> -> vector<16xf32>
        %add3A_1011 = arith.addf %add3A_1000, %gather3A_1010 : vector<16xf32>
        %min3A_1012 = arith.constant 6.000000e+01 : f32
        %min3A_1013 = vector.broadcast %min3A_1012 : f32 to vector<16xf32>
        %min3A_1014 = arith.minimumf %add3A_1011, %min3A_1013 : vector<16xf32>
        %exp3A_1015 = math.exp %min3A_1014 : vector<16xf32>
        %eq3A_1016 = arith.constant 8 : i32
        %eq3A_1017 = vector.broadcast %eq3A_1016 : i32 to vector<16xi32>
        %eq3A_1018 = arith.cmpi eq, %iota3A, %eq3A_1017 : vector<16xi32>
        %jit3A_1019 = arith.constant 0.000000e+00 : f32
        %broadcast_in_dim3A_1020 = vector.broadcast %jit3A_1019 : f32 to vector<16xf32>
        %select_n3A_1021 = arith.select %eq3A_1018, %exp3A_1015, %broadcast_in_dim3A_1020 : vector<16xi1>, vector<16xf32>
        %add3A_1022 = arith.addf %add3A_936, %select_n3A_1021 : vector<16xf32>
        %get3A_1023 = arith.index_cast %add3A_940 : i32 to index
        %get3A_1024 = arith.constant 16 : index
        %get3A_1025 = tpu.vector_load %arg18[%get3A_1023, %get3A_1024] {strides = array<i32>} : memref<32x128xf32, #tpu.memory_space<vmem>>, vector<1x16xf32>,
        %get3A_1026 = vector.shape_cast %get3A_1025 : vector<1x16xf32> to vector<16xf32>
        %get3A_1027 = arith.index_cast %add3A_940 : i32 to index
        %get3A_1028 = arith.constant 16 : index
        %get3A_1029 = tpu.vector_load %arg20[%get3A_1027, %get3A_1028] {strides = array<i32>} : memref<32x256xf32, #tpu.memory_space<vmem>>, vector<1x16xf32>,
        %get3A_1030 = vector.shape_cast %get3A_1029 : vector<1x16xf32> to vector<16xf32>
        %add3A_1031 = arith.addf %get3A_1026, %get3A_1030 : vector<16xf32>
        %get3A_1032 = arith.index_cast %add3A_940 : i32 to index
        %get3A_1033 = arith.constant 16 : index
        %get3A_1034 = tpu.vector_load %arg22[%get3A_1032, %get3A_1033] {strides = array<i32>} : memref<32x128xf32, #tpu.memory_space<vmem>>, vector<1x16xf32>,
        %get3A_1035 = vector.shape_cast %get3A_1034 : vector<1x16xf32> to vector<16xf32>
        %add3A_1036 = arith.addf %add3A_1031, %get3A_1035 : vector<16xf32>
        %ge3A_1037 = arith.constant 0.000000e+00 : f32
        %ge3A_1038 = vector.broadcast %ge3A_1037 : f32 to vector<16xf32>
        %ge3A_1039 = arith.cmpf oge, %add3A_1036, %ge3A_1038 : vector<16xf32>
        %mul3A_1040 = arith.constant 0.00999999977 : f32
        %mul3A_1041 = vector.broadcast %mul3A_1040 : f32 to vector<16xf32>
        %mul3A_1042 = arith.mulf %mul3A_1041, %add3A_1036 : vector<16xf32>
        %select_n3A_1043 = arith.select %ge3A_1039, %add3A_1036, %mul3A_1042 : vector<16xi1>, vector<16xf32>
        %get3A_1044 = arith.constant 1 : i32
        %get3A_1045 = arith.index_cast %get3A_1044 : i32 to index
        %get3A_1046 = arith.constant 0 : index
        %get3A_1047 = tpu.vector_load %arg26[%get3A_1045, %get3A_1046] {strides = array<i32>} : memref<8x16xf32, #tpu.memory_space<vmem>>, vector<1x16xf32>,
        %get3A_1048 = vector.shape_cast %get3A_1047 : vector<1x16xf32> to vector<16xf32>
        %mul3A_1049 = arith.mulf %get3A_1048, %select_n3A_1043 : vector<16xf32>
        %lt3A_1050 = arith.constant 0 : i32
        %lt3A_1051 = vector.broadcast %lt3A_1050 : i32 to vector<16xi32>
        %lt3A_1052 = arith.cmpi slt, %xor3A_6, %lt3A_1051 : vector<16xi32>
        %add3A_1053 = arith.constant 16 : i32
        %add3A_1054 = vector.broadcast %add3A_1053 : i32 to vector<16xi32>
        %add3A_1055 = arith.addi %xor3A_6, %add3A_1054 : vector<16xi32>
        %select_n3A_1056 = arith.select %lt3A_1052, %add3A_1055, %xor3A_6 : vector<16xi1>, vector<16xi32>
        %broadcast_in_dim3A_1057 = vector.shape_cast %select_n3A_1056 : vector<16xi32> to vector<16x1xi32>
        %gather3A_1058 = vector.shape_cast %broadcast_in_dim3A_1057 : vector<16x1xi32> to vector<16xi32>
        %gather3A_1059 = tpu.dynamic_gather %mul3A_1049[%gather3A_1058] in [0] : vector<16xf32>, vector<16xi32> -> vector<16xf32>
        %add3A_1060 = arith.addf %mul3A_1049, %gather3A_1059 : vector<16xf32>
        %lt3A_1061 = arith.constant 0 : i32
        %lt3A_1062 = vector.broadcast %lt3A_1061 : i32 to vector<16xi32>
        %lt3A_1063 = arith.cmpi slt, %xor3A_9, %lt3A_1062 : vector<16xi32>
        %add3A_1064 = arith.constant 16 : i32
        %add3A_1065 = vector.broadcast %add3A_1064 : i32 to vector<16xi32>
        %add3A_1066 = arith.addi %xor3A_9, %add3A_1065 : vector<16xi32>
        %select_n3A_1067 = arith.select %lt3A_1063, %add3A_1066, %xor3A_9 : vector<16xi1>, vector<16xi32>
        %broadcast_in_dim3A_1068 = vector.shape_cast %select_n3A_1067 : vector<16xi32> to vector<16x1xi32>
        %gather3A_1069 = vector.shape_cast %broadcast_in_dim3A_1068 : vector<16x1xi32> to vector<16xi32>
        %gather3A_1070 = tpu.dynamic_gather %add3A_1060[%gather3A_1069] in [0] : vector<16xf32>, vector<16xi32> -> vector<16xf32>
        %add3A_1071 = arith.addf %add3A_1060, %gather3A_1070 : vector<16xf32>
        %lt3A_1072 = arith.constant 0 : i32
        %lt3A_1073 = vector.broadcast %lt3A_1072 : i32 to vector<16xi32>
        %lt3A_1074 = arith.cmpi slt, %xor3A_12, %lt3A_1073 : vector<16xi32>
        %add3A_1075 = arith.constant 16 : i32
        %add3A_1076 = vector.broadcast %add3A_1075 : i32 to vector<16xi32>
        %add3A_1077 = arith.addi %xor3A_12, %add3A_1076 : vector<16xi32>
        %select_n3A_1078 = arith.select %lt3A_1074, %add3A_1077, %xor3A_12 : vector<16xi1>, vector<16xi32>
        %broadcast_in_dim3A_1079 = vector.shape_cast %select_n3A_1078 : vector<16xi32> to vector<16x1xi32>
        %gather3A_1080 = vector.shape_cast %broadcast_in_dim3A_1079 : vector<16x1xi32> to vector<16xi32>
        %gather3A_1081 = tpu.dynamic_gather %add3A_1071[%gather3A_1080] in [0] : vector<16xf32>, vector<16xi32> -> vector<16xf32>
        %add3A_1082 = arith.addf %add3A_1071, %gather3A_1081 : vector<16xf32>
        %lt3A_1083 = arith.constant 0 : i32
        %lt3A_1084 = vector.broadcast %lt3A_1083 : i32 to vector<16xi32>
        %lt3A_1085 = arith.cmpi slt, %xor3A_15, %lt3A_1084 : vector<16xi32>
        %add3A_1086 = arith.constant 16 : i32
        %add3A_1087 = vector.broadcast %add3A_1086 : i32 to vector<16xi32>
        %add3A_1088 = arith.addi %xor3A_15, %add3A_1087 : vector<16xi32>
        %select_n3A_1089 = arith.select %lt3A_1085, %add3A_1088, %xor3A_15 : vector<16xi1>, vector<16xi32>
        %broadcast_in_dim3A_1090 = vector.shape_cast %select_n3A_1089 : vector<16xi32> to vector<16x1xi32>
        %gather3A_1091 = vector.shape_cast %broadcast_in_dim3A_1090 : vector<16x1xi32> to vector<16xi32>
        %gather3A_1092 = tpu.dynamic_gather %add3A_1082[%gather3A_1091] in [0] : vector<16xf32>, vector<16xi32> -> vector<16xf32>
        %add3A_1093 = arith.addf %add3A_1082, %gather3A_1092 : vector<16xf32>
        %min3A_1094 = arith.constant 6.000000e+01 : f32
        %min3A_1095 = vector.broadcast %min3A_1094 : f32 to vector<16xf32>
        %min3A_1096 = arith.minimumf %add3A_1093, %min3A_1095 : vector<16xf32>
        %exp3A_1097 = math.exp %min3A_1096 : vector<16xf32>
        %eq3A_1098 = arith.constant 9 : i32
        %eq3A_1099 = vector.broadcast %eq3A_1098 : i32 to vector<16xi32>
        %eq3A_1100 = arith.cmpi eq, %iota3A, %eq3A_1099 : vector<16xi32>
        %jit3A_1101 = arith.constant 0.000000e+00 : f32
        %broadcast_in_dim3A_1102 = vector.broadcast %jit3A_1101 : f32 to vector<16xf32>
        %select_n3A_1103 = arith.select %eq3A_1100, %exp3A_1097, %broadcast_in_dim3A_1102 : vector<16xi1>, vector<16xf32>
        %add3A_1104 = arith.addf %add3A_1022, %select_n3A_1103 : vector<16xf32>
        %get3A_1105 = arith.index_cast %add3A_940 : i32 to index
        %get3A_1106 = arith.constant 32 : index
        %get3A_1107 = tpu.vector_load %arg18[%get3A_1105, %get3A_1106] {strides = array<i32>} : memref<32x128xf32, #tpu.memory_space<vmem>>, vector<1x16xf32>,
        %get3A_1108 = vector.shape_cast %get3A_1107 : vector<1x16xf32> to vector<16xf32>
        %get3A_1109 = arith.index_cast %add3A_940 : i32 to index
        %get3A_1110 = arith.constant 32 : index
        %get3A_1111 = tpu.vector_load %arg20[%get3A_1109, %get3A_1110] {strides = array<i32>} : memref<32x256xf32, #tpu.memory_space<vmem>>, vector<1x16xf32>,
        %get3A_1112 = vector.shape_cast %get3A_1111 : vector<1x16xf32> to vector<16xf32>
        %add3A_1113 = arith.addf %get3A_1108, %get3A_1112 : vector<16xf32>
        %get3A_1114 = arith.index_cast %add3A_940 : i32 to index
        %get3A_1115 = arith.constant 32 : index
        %get3A_1116 = tpu.vector_load %arg22[%get3A_1114, %get3A_1115] {strides = array<i32>} : memref<32x128xf32, #tpu.memory_space<vmem>>, vector<1x16xf32>,
        %get3A_1117 = vector.shape_cast %get3A_1116 : vector<1x16xf32> to vector<16xf32>
        %add3A_1118 = arith.addf %add3A_1113, %get3A_1117 : vector<16xf32>
        %ge3A_1119 = arith.constant 0.000000e+00 : f32
        %ge3A_1120 = vector.broadcast %ge3A_1119 : f32 to vector<16xf32>
        %ge3A_1121 = arith.cmpf oge, %add3A_1118, %ge3A_1120 : vector<16xf32>
        %mul3A_1122 = arith.constant 0.00999999977 : f32
        %mul3A_1123 = vector.broadcast %mul3A_1122 : f32 to vector<16xf32>
        %mul3A_1124 = arith.mulf %mul3A_1123, %add3A_1118 : vector<16xf32>
        %select_n3A_1125 = arith.select %ge3A_1121, %add3A_1118, %mul3A_1124 : vector<16xi1>, vector<16xf32>
        %get3A_1126 = arith.constant 2 : i32
        %get3A_1127 = arith.index_cast %get3A_1126 : i32 to index
        %get3A_1128 = arith.constant 0 : index
        %get3A_1129 = tpu.vector_load %arg26[%get3A_1127, %get3A_1128] {strides = array<i32>} : memref<8x16xf32, #tpu.memory_space<vmem>>, vector<1x16xf32>,
        %get3A_1130 = vector.shape_cast %get3A_1129 : vector<1x16xf32> to vector<16xf32>
        %mul3A_1131 = arith.mulf %get3A_1130, %select_n3A_1125 : vector<16xf32>
        %lt3A_1132 = arith.constant 0 : i32
        %lt3A_1133 = vector.broadcast %lt3A_1132 : i32 to vector<16xi32>
        %lt3A_1134 = arith.cmpi slt, %xor3A_6, %lt3A_1133 : vector<16xi32>
        %add3A_1135 = arith.constant 16 : i32
        %add3A_1136 = vector.broadcast %add3A_1135 : i32 to vector<16xi32>
        %add3A_1137 = arith.addi %xor3A_6, %add3A_1136 : vector<16xi32>
        %select_n3A_1138 = arith.select %lt3A_1134, %add3A_1137, %xor3A_6 : vector<16xi1>, vector<16xi32>
        %broadcast_in_dim3A_1139 = vector.shape_cast %select_n3A_1138 : vector<16xi32> to vector<16x1xi32>
        %gather3A_1140 = vector.shape_cast %broadcast_in_dim3A_1139 : vector<16x1xi32> to vector<16xi32>
        %gather3A_1141 = tpu.dynamic_gather %mul3A_1131[%gather3A_1140] in [0] : vector<16xf32>, vector<16xi32> -> vector<16xf32>
        %add3A_1142 = arith.addf %mul3A_1131, %gather3A_1141 : vector<16xf32>
        %lt3A_1143 = arith.constant 0 : i32
        %lt3A_1144 = vector.broadcast %lt3A_1143 : i32 to vector<16xi32>
        %lt3A_1145 = arith.cmpi slt, %xor3A_9, %lt3A_1144 : vector<16xi32>
        %add3A_1146 = arith.constant 16 : i32
        %add3A_1147 = vector.broadcast %add3A_1146 : i32 to vector<16xi32>
        %add3A_1148 = arith.addi %xor3A_9, %add3A_1147 : vector<16xi32>
        %select_n3A_1149 = arith.select %lt3A_1145, %add3A_1148, %xor3A_9 : vector<16xi1>, vector<16xi32>
        %broadcast_in_dim3A_1150 = vector.shape_cast %select_n3A_1149 : vector<16xi32> to vector<16x1xi32>
        %gather3A_1151 = vector.shape_cast %broadcast_in_dim3A_1150 : vector<16x1xi32> to vector<16xi32>
        %gather3A_1152 = tpu.dynamic_gather %add3A_1142[%gather3A_1151] in [0] : vector<16xf32>, vector<16xi32> -> vector<16xf32>
        %add3A_1153 = arith.addf %add3A_1142, %gather3A_1152 : vector<16xf32>
        %lt3A_1154 = arith.constant 0 : i32
        %lt3A_1155 = vector.broadcast %lt3A_1154 : i32 to vector<16xi32>
        %lt3A_1156 = arith.cmpi slt, %xor3A_12, %lt3A_1155 : vector<16xi32>
        %add3A_1157 = arith.constant 16 : i32
        %add3A_1158 = vector.broadcast %add3A_1157 : i32 to vector<16xi32>
        %add3A_1159 = arith.addi %xor3A_12, %add3A_1158 : vector<16xi32>
        %select_n3A_1160 = arith.select %lt3A_1156, %add3A_1159, %xor3A_12 : vector<16xi1>, vector<16xi32>
        %broadcast_in_dim3A_1161 = vector.shape_cast %select_n3A_1160 : vector<16xi32> to vector<16x1xi32>
        %gather3A_1162 = vector.shape_cast %broadcast_in_dim3A_1161 : vector<16x1xi32> to vector<16xi32>
        %gather3A_1163 = tpu.dynamic_gather %add3A_1153[%gather3A_1162] in [0] : vector<16xf32>, vector<16xi32> -> vector<16xf32>
        %add3A_1164 = arith.addf %add3A_1153, %gather3A_1163 : vector<16xf32>
        %lt3A_1165 = arith.constant 0 : i32
        %lt3A_1166 = vector.broadcast %lt3A_1165 : i32 to vector<16xi32>
        %lt3A_1167 = arith.cmpi slt, %xor3A_15, %lt3A_1166 : vector<16xi32>
        %add3A_1168 = arith.constant 16 : i32
        %add3A_1169 = vector.broadcast %add3A_1168 : i32 to vector<16xi32>
        %add3A_1170 = arith.addi %xor3A_15, %add3A_1169 : vector<16xi32>
        %select_n3A_1171 = arith.select %lt3A_1167, %add3A_1170, %xor3A_15 : vector<16xi1>, vector<16xi32>
        %broadcast_in_dim3A_1172 = vector.shape_cast %select_n3A_1171 : vector<16xi32> to vector<16x1xi32>
        %gather3A_1173 = vector.shape_cast %broadcast_in_dim3A_1172 : vector<16x1xi32> to vector<16xi32>
        %gather3A_1174 = tpu.dynamic_gather %add3A_1164[%gather3A_1173] in [0] : vector<16xf32>, vector<16xi32> -> vector<16xf32>
        %add3A_1175 = arith.addf %add3A_1164, %gather3A_1174 : vector<16xf32>
        %min3A_1176 = arith.constant 6.000000e+01 : f32
        %min3A_1177 = vector.broadcast %min3A_1176 : f32 to vector<16xf32>
        %min3A_1178 = arith.minimumf %add3A_1175, %min3A_1177 : vector<16xf32>
        %exp3A_1179 = math.exp %min3A_1178 : vector<16xf32>
        %eq3A_1180 = arith.constant 10 : i32
        %eq3A_1181 = vector.broadcast %eq3A_1180 : i32 to vector<16xi32>
        %eq3A_1182 = arith.cmpi eq, %iota3A, %eq3A_1181 : vector<16xi32>
        %jit3A_1183 = arith.constant 0.000000e+00 : f32
        %broadcast_in_dim3A_1184 = vector.broadcast %jit3A_1183 : f32 to vector<16xf32>
        %select_n3A_1185 = arith.select %eq3A_1182, %exp3A_1179, %broadcast_in_dim3A_1184 : vector<16xi1>, vector<16xf32>
        %add3A_1186 = arith.addf %add3A_1104, %select_n3A_1185 : vector<16xf32>
        %get3A_1187 = arith.index_cast %add3A_940 : i32 to index
        %get3A_1188 = arith.constant 48 : index
        %get3A_1189 = tpu.vector_load %arg18[%get3A_1187, %get3A_1188] {strides = array<i32>} : memref<32x128xf32, #tpu.memory_space<vmem>>, vector<1x16xf32>,
        %get3A_1190 = vector.shape_cast %get3A_1189 : vector<1x16xf32> to vector<16xf32>
        %get3A_1191 = arith.index_cast %add3A_940 : i32 to index
        %get3A_1192 = arith.constant 48 : index
        %get3A_1193 = tpu.vector_load %arg20[%get3A_1191, %get3A_1192] {strides = array<i32>} : memref<32x256xf32, #tpu.memory_space<vmem>>, vector<1x16xf32>,
        %get3A_1194 = vector.shape_cast %get3A_1193 : vector<1x16xf32> to vector<16xf32>
        %add3A_1195 = arith.addf %get3A_1190, %get3A_1194 : vector<16xf32>
        %get3A_1196 = arith.index_cast %add3A_940 : i32 to index
        %get3A_1197 = arith.constant 48 : index
        %get3A_1198 = tpu.vector_load %arg22[%get3A_1196, %get3A_1197] {strides = array<i32>} : memref<32x128xf32, #tpu.memory_space<vmem>>, vector<1x16xf32>,
        %get3A_1199 = vector.shape_cast %get3A_1198 : vector<1x16xf32> to vector<16xf32>
        %add3A_1200 = arith.addf %add3A_1195, %get3A_1199 : vector<16xf32>
        %ge3A_1201 = arith.constant 0.000000e+00 : f32
        %ge3A_1202 = vector.broadcast %ge3A_1201 : f32 to vector<16xf32>
        %ge3A_1203 = arith.cmpf oge, %add3A_1200, %ge3A_1202 : vector<16xf32>
        %mul3A_1204 = arith.constant 0.00999999977 : f32
        %mul3A_1205 = vector.broadcast %mul3A_1204 : f32 to vector<16xf32>
        %mul3A_1206 = arith.mulf %mul3A_1205, %add3A_1200 : vector<16xf32>
        %select_n3A_1207 = arith.select %ge3A_1203, %add3A_1200, %mul3A_1206 : vector<16xi1>, vector<16xf32>
        %get3A_1208 = arith.constant 3 : i32
        %get3A_1209 = arith.index_cast %get3A_1208 : i32 to index
        %get3A_1210 = arith.constant 0 : index
        %get3A_1211 = tpu.vector_load %arg26[%get3A_1209, %get3A_1210] {strides = array<i32>} : memref<8x16xf32, #tpu.memory_space<vmem>>, vector<1x16xf32>,
        %get3A_1212 = vector.shape_cast %get3A_1211 : vector<1x16xf32> to vector<16xf32>
        %mul3A_1213 = arith.mulf %get3A_1212, %select_n3A_1207 : vector<16xf32>
        %lt3A_1214 = arith.constant 0 : i32
        %lt3A_1215 = vector.broadcast %lt3A_1214 : i32 to vector<16xi32>
        %lt3A_1216 = arith.cmpi slt, %xor3A_6, %lt3A_1215 : vector<16xi32>
        %add3A_1217 = arith.constant 16 : i32
        %add3A_1218 = vector.broadcast %add3A_1217 : i32 to vector<16xi32>
        %add3A_1219 = arith.addi %xor3A_6, %add3A_1218 : vector<16xi32>
        %select_n3A_1220 = arith.select %lt3A_1216, %add3A_1219, %xor3A_6 : vector<16xi1>, vector<16xi32>
        %broadcast_in_dim3A_1221 = vector.shape_cast %select_n3A_1220 : vector<16xi32> to vector<16x1xi32>
        %gather3A_1222 = vector.shape_cast %broadcast_in_dim3A_1221 : vector<16x1xi32> to vector<16xi32>
        %gather3A_1223 = tpu.dynamic_gather %mul3A_1213[%gather3A_1222] in [0] : vector<16xf32>, vector<16xi32> -> vector<16xf32>
        %add3A_1224 = arith.addf %mul3A_1213, %gather3A_1223 : vector<16xf32>
        %lt3A_1225 = arith.constant 0 : i32
        %lt3A_1226 = vector.broadcast %lt3A_1225 : i32 to vector<16xi32>
        %lt3A_1227 = arith.cmpi slt, %xor3A_9, %lt3A_1226 : vector<16xi32>
        %add3A_1228 = arith.constant 16 : i32
        %add3A_1229 = vector.broadcast %add3A_1228 : i32 to vector<16xi32>
        %add3A_1230 = arith.addi %xor3A_9, %add3A_1229 : vector<16xi32>
        %select_n3A_1231 = arith.select %lt3A_1227, %add3A_1230, %xor3A_9 : vector<16xi1>, vector<16xi32>
        %broadcast_in_dim3A_1232 = vector.shape_cast %select_n3A_1231 : vector<16xi32> to vector<16x1xi32>
        %gather3A_1233 = vector.shape_cast %broadcast_in_dim3A_1232 : vector<16x1xi32> to vector<16xi32>
        %gather3A_1234 = tpu.dynamic_gather %add3A_1224[%gather3A_1233] in [0] : vector<16xf32>, vector<16xi32> -> vector<16xf32>
        %add3A_1235 = arith.addf %add3A_1224, %gather3A_1234 : vector<16xf32>
        %lt3A_1236 = arith.constant 0 : i32
        %lt3A_1237 = vector.broadcast %lt3A_1236 : i32 to vector<16xi32>
        %lt3A_1238 = arith.cmpi slt, %xor3A_12, %lt3A_1237 : vector<16xi32>
        %add3A_1239 = arith.constant 16 : i32
        %add3A_1240 = vector.broadcast %add3A_1239 : i32 to vector<16xi32>
        %add3A_1241 = arith.addi %xor3A_12, %add3A_1240 : vector<16xi32>
        %select_n3A_1242 = arith.select %lt3A_1238, %add3A_1241, %xor3A_12 : vector<16xi1>, vector<16xi32>
        %broadcast_in_dim3A_1243 = vector.shape_cast %select_n3A_1242 : vector<16xi32> to vector<16x1xi32>
        %gather3A_1244 = vector.shape_cast %broadcast_in_dim3A_1243 : vector<16x1xi32> to vector<16xi32>
        %gather3A_1245 = tpu.dynamic_gather %add3A_1235[%gather3A_1244] in [0] : vector<16xf32>, vector<16xi32> -> vector<16xf32>
        %add3A_1246 = arith.addf %add3A_1235, %gather3A_1245 : vector<16xf32>
        %lt3A_1247 = arith.constant 0 : i32
        %lt3A_1248 = vector.broadcast %lt3A_1247 : i32 to vector<16xi32>
        %lt3A_1249 = arith.cmpi slt, %xor3A_15, %lt3A_1248 : vector<16xi32>
        %add3A_1250 = arith.constant 16 : i32
        %add3A_1251 = vector.broadcast %add3A_1250 : i32 to vector<16xi32>
        %add3A_1252 = arith.addi %xor3A_15, %add3A_1251 : vector<16xi32>
        %select_n3A_1253 = arith.select %lt3A_1249, %add3A_1252, %xor3A_15 : vector<16xi1>, vector<16xi32>
        %broadcast_in_dim3A_1254 = vector.shape_cast %select_n3A_1253 : vector<16xi32> to vector<16x1xi32>
        %gather3A_1255 = vector.shape_cast %broadcast_in_dim3A_1254 : vector<16x1xi32> to vector<16xi32>
        %gather3A_1256 = tpu.dynamic_gather %add3A_1246[%gather3A_1255] in [0] : vector<16xf32>, vector<16xi32> -> vector<16xf32>
        %add3A_1257 = arith.addf %add3A_1246, %gather3A_1256 : vector<16xf32>
        %min3A_1258 = arith.constant 6.000000e+01 : f32
        %min3A_1259 = vector.broadcast %min3A_1258 : f32 to vector<16xf32>
        %min3A_1260 = arith.minimumf %add3A_1257, %min3A_1259 : vector<16xf32>
        %exp3A_1261 = math.exp %min3A_1260 : vector<16xf32>
        %eq3A_1262 = arith.constant 11 : i32
        %eq3A_1263 = vector.broadcast %eq3A_1262 : i32 to vector<16xi32>
        %eq3A_1264 = arith.cmpi eq, %iota3A, %eq3A_1263 : vector<16xi32>
        %jit3A_1265 = arith.constant 0.000000e+00 : f32
        %broadcast_in_dim3A_1266 = vector.broadcast %jit3A_1265 : f32 to vector<16xf32>
        %select_n3A_1267 = arith.select %eq3A_1264, %exp3A_1261, %broadcast_in_dim3A_1266 : vector<16xi1>, vector<16xf32>
        %add3A_1268 = arith.addf %add3A_1186, %select_n3A_1267 : vector<16xf32>
        %get3A_1269 = arith.index_cast %add3A_940 : i32 to index
        %get3A_1270 = arith.constant 64 : index
        %get3A_1271 = tpu.vector_load %arg18[%get3A_1269, %get3A_1270] {strides = array<i32>} : memref<32x128xf32, #tpu.memory_space<vmem>>, vector<1x16xf32>,
        %get3A_1272 = vector.shape_cast %get3A_1271 : vector<1x16xf32> to vector<16xf32>
        %get3A_1273 = arith.index_cast %add3A_940 : i32 to index
        %get3A_1274 = arith.constant 64 : index
        %get3A_1275 = tpu.vector_load %arg20[%get3A_1273, %get3A_1274] {strides = array<i32>} : memref<32x256xf32, #tpu.memory_space<vmem>>, vector<1x16xf32>,
        %get3A_1276 = vector.shape_cast %get3A_1275 : vector<1x16xf32> to vector<16xf32>
        %add3A_1277 = arith.addf %get3A_1272, %get3A_1276 : vector<16xf32>
        %get3A_1278 = arith.index_cast %add3A_940 : i32 to index
        %get3A_1279 = arith.constant 64 : index
        %get3A_1280 = tpu.vector_load %arg22[%get3A_1278, %get3A_1279] {strides = array<i32>} : memref<32x128xf32, #tpu.memory_space<vmem>>, vector<1x16xf32>,
        %get3A_1281 = vector.shape_cast %get3A_1280 : vector<1x16xf32> to vector<16xf32>
        %add3A_1282 = arith.addf %add3A_1277, %get3A_1281 : vector<16xf32>
        %ge3A_1283 = arith.constant 0.000000e+00 : f32
        %ge3A_1284 = vector.broadcast %ge3A_1283 : f32 to vector<16xf32>
        %ge3A_1285 = arith.cmpf oge, %add3A_1282, %ge3A_1284 : vector<16xf32>
        %mul3A_1286 = arith.constant 0.00999999977 : f32
        %mul3A_1287 = vector.broadcast %mul3A_1286 : f32 to vector<16xf32>
        %mul3A_1288 = arith.mulf %mul3A_1287, %add3A_1282 : vector<16xf32>
        %select_n3A_1289 = arith.select %ge3A_1285, %add3A_1282, %mul3A_1288 : vector<16xi1>, vector<16xf32>
        %get3A_1290 = arith.constant 4 : i32
        %get3A_1291 = arith.index_cast %get3A_1290 : i32 to index
        %get3A_1292 = arith.constant 0 : index
        %get3A_1293 = tpu.vector_load %arg26[%get3A_1291, %get3A_1292] {strides = array<i32>} : memref<8x16xf32, #tpu.memory_space<vmem>>, vector<1x16xf32>,
        %get3A_1294 = vector.shape_cast %get3A_1293 : vector<1x16xf32> to vector<16xf32>
        %mul3A_1295 = arith.mulf %get3A_1294, %select_n3A_1289 : vector<16xf32>
        %lt3A_1296 = arith.constant 0 : i32
        %lt3A_1297 = vector.broadcast %lt3A_1296 : i32 to vector<16xi32>
        %lt3A_1298 = arith.cmpi slt, %xor3A_6, %lt3A_1297 : vector<16xi32>
        %add3A_1299 = arith.constant 16 : i32
        %add3A_1300 = vector.broadcast %add3A_1299 : i32 to vector<16xi32>
        %add3A_1301 = arith.addi %xor3A_6, %add3A_1300 : vector<16xi32>
        %select_n3A_1302 = arith.select %lt3A_1298, %add3A_1301, %xor3A_6 : vector<16xi1>, vector<16xi32>
        %broadcast_in_dim3A_1303 = vector.shape_cast %select_n3A_1302 : vector<16xi32> to vector<16x1xi32>
        %gather3A_1304 = vector.shape_cast %broadcast_in_dim3A_1303 : vector<16x1xi32> to vector<16xi32>
        %gather3A_1305 = tpu.dynamic_gather %mul3A_1295[%gather3A_1304] in [0] : vector<16xf32>, vector<16xi32> -> vector<16xf32>
        %add3A_1306 = arith.addf %mul3A_1295, %gather3A_1305 : vector<16xf32>
        %lt3A_1307 = arith.constant 0 : i32
        %lt3A_1308 = vector.broadcast %lt3A_1307 : i32 to vector<16xi32>
        %lt3A_1309 = arith.cmpi slt, %xor3A_9, %lt3A_1308 : vector<16xi32>
        %add3A_1310 = arith.constant 16 : i32
        %add3A_1311 = vector.broadcast %add3A_1310 : i32 to vector<16xi32>
        %add3A_1312 = arith.addi %xor3A_9, %add3A_1311 : vector<16xi32>
        %select_n3A_1313 = arith.select %lt3A_1309, %add3A_1312, %xor3A_9 : vector<16xi1>, vector<16xi32>
        %broadcast_in_dim3A_1314 = vector.shape_cast %select_n3A_1313 : vector<16xi32> to vector<16x1xi32>
        %gather3A_1315 = vector.shape_cast %broadcast_in_dim3A_1314 : vector<16x1xi32> to vector<16xi32>
        %gather3A_1316 = tpu.dynamic_gather %add3A_1306[%gather3A_1315] in [0] : vector<16xf32>, vector<16xi32> -> vector<16xf32>
        %add3A_1317 = arith.addf %add3A_1306, %gather3A_1316 : vector<16xf32>
        %lt3A_1318 = arith.constant 0 : i32
        %lt3A_1319 = vector.broadcast %lt3A_1318 : i32 to vector<16xi32>
        %lt3A_1320 = arith.cmpi slt, %xor3A_12, %lt3A_1319 : vector<16xi32>
        %add3A_1321 = arith.constant 16 : i32
        %add3A_1322 = vector.broadcast %add3A_1321 : i32 to vector<16xi32>
        %add3A_1323 = arith.addi %xor3A_12, %add3A_1322 : vector<16xi32>
        %select_n3A_1324 = arith.select %lt3A_1320, %add3A_1323, %xor3A_12 : vector<16xi1>, vector<16xi32>
        %broadcast_in_dim3A_1325 = vector.shape_cast %select_n3A_1324 : vector<16xi32> to vector<16x1xi32>
        %gather3A_1326 = vector.shape_cast %broadcast_in_dim3A_1325 : vector<16x1xi32> to vector<16xi32>
        %gather3A_1327 = tpu.dynamic_gather %add3A_1317[%gather3A_1326] in [0] : vector<16xf32>, vector<16xi32> -> vector<16xf32>
        %add3A_1328 = arith.addf %add3A_1317, %gather3A_1327 : vector<16xf32>
        %lt3A_1329 = arith.constant 0 : i32
        %lt3A_1330 = vector.broadcast %lt3A_1329 : i32 to vector<16xi32>
        %lt3A_1331 = arith.cmpi slt, %xor3A_15, %lt3A_1330 : vector<16xi32>
        %add3A_1332 = arith.constant 16 : i32
        %add3A_1333 = vector.broadcast %add3A_1332 : i32 to vector<16xi32>
        %add3A_1334 = arith.addi %xor3A_15, %add3A_1333 : vector<16xi32>
        %select_n3A_1335 = arith.select %lt3A_1331, %add3A_1334, %xor3A_15 : vector<16xi1>, vector<16xi32>
        %broadcast_in_dim3A_1336 = vector.shape_cast %select_n3A_1335 : vector<16xi32> to vector<16x1xi32>
        %gather3A_1337 = vector.shape_cast %broadcast_in_dim3A_1336 : vector<16x1xi32> to vector<16xi32>
        %gather3A_1338 = tpu.dynamic_gather %add3A_1328[%gather3A_1337] in [0] : vector<16xf32>, vector<16xi32> -> vector<16xf32>
        %add3A_1339 = arith.addf %add3A_1328, %gather3A_1338 : vector<16xf32>
        %min3A_1340 = arith.constant 6.000000e+01 : f32
        %min3A_1341 = vector.broadcast %min3A_1340 : f32 to vector<16xf32>
        %min3A_1342 = arith.minimumf %add3A_1339, %min3A_1341 : vector<16xf32>
        %exp3A_1343 = math.exp %min3A_1342 : vector<16xf32>
        %eq3A_1344 = arith.constant 12 : i32
        %eq3A_1345 = vector.broadcast %eq3A_1344 : i32 to vector<16xi32>
        %eq3A_1346 = arith.cmpi eq, %iota3A, %eq3A_1345 : vector<16xi32>
        %jit3A_1347 = arith.constant 0.000000e+00 : f32
        %broadcast_in_dim3A_1348 = vector.broadcast %jit3A_1347 : f32 to vector<16xf32>
        %select_n3A_1349 = arith.select %eq3A_1346, %exp3A_1343, %broadcast_in_dim3A_1348 : vector<16xi1>, vector<16xf32>
        %add3A_1350 = arith.addf %add3A_1268, %select_n3A_1349 : vector<16xf32>
        %get3A_1351 = arith.index_cast %add3A_940 : i32 to index
        %get3A_1352 = arith.constant 80 : index
        %get3A_1353 = tpu.vector_load %arg18[%get3A_1351, %get3A_1352] {strides = array<i32>} : memref<32x128xf32, #tpu.memory_space<vmem>>, vector<1x16xf32>,
        %get3A_1354 = vector.shape_cast %get3A_1353 : vector<1x16xf32> to vector<16xf32>
        %get3A_1355 = arith.index_cast %add3A_940 : i32 to index
        %get3A_1356 = arith.constant 80 : index
        %get3A_1357 = tpu.vector_load %arg20[%get3A_1355, %get3A_1356] {strides = array<i32>} : memref<32x256xf32, #tpu.memory_space<vmem>>, vector<1x16xf32>,
        %get3A_1358 = vector.shape_cast %get3A_1357 : vector<1x16xf32> to vector<16xf32>
        %add3A_1359 = arith.addf %get3A_1354, %get3A_1358 : vector<16xf32>
        %get3A_1360 = arith.index_cast %add3A_940 : i32 to index
        %get3A_1361 = arith.constant 80 : index
        %get3A_1362 = tpu.vector_load %arg22[%get3A_1360, %get3A_1361] {strides = array<i32>} : memref<32x128xf32, #tpu.memory_space<vmem>>, vector<1x16xf32>,
        %get3A_1363 = vector.shape_cast %get3A_1362 : vector<1x16xf32> to vector<16xf32>
        %add3A_1364 = arith.addf %add3A_1359, %get3A_1363 : vector<16xf32>
        %ge3A_1365 = arith.constant 0.000000e+00 : f32
        %ge3A_1366 = vector.broadcast %ge3A_1365 : f32 to vector<16xf32>
        %ge3A_1367 = arith.cmpf oge, %add3A_1364, %ge3A_1366 : vector<16xf32>
        %mul3A_1368 = arith.constant 0.00999999977 : f32
        %mul3A_1369 = vector.broadcast %mul3A_1368 : f32 to vector<16xf32>
        %mul3A_1370 = arith.mulf %mul3A_1369, %add3A_1364 : vector<16xf32>
        %select_n3A_1371 = arith.select %ge3A_1367, %add3A_1364, %mul3A_1370 : vector<16xi1>, vector<16xf32>
        %get3A_1372 = arith.constant 5 : i32
        %get3A_1373 = arith.index_cast %get3A_1372 : i32 to index
        %get3A_1374 = arith.constant 0 : index
        %get3A_1375 = tpu.vector_load %arg26[%get3A_1373, %get3A_1374] {strides = array<i32>} : memref<8x16xf32, #tpu.memory_space<vmem>>, vector<1x16xf32>,
        %get3A_1376 = vector.shape_cast %get3A_1375 : vector<1x16xf32> to vector<16xf32>
        %mul3A_1377 = arith.mulf %get3A_1376, %select_n3A_1371 : vector<16xf32>
        %lt3A_1378 = arith.constant 0 : i32
        %lt3A_1379 = vector.broadcast %lt3A_1378 : i32 to vector<16xi32>
        %lt3A_1380 = arith.cmpi slt, %xor3A_6, %lt3A_1379 : vector<16xi32>
        %add3A_1381 = arith.constant 16 : i32
        %add3A_1382 = vector.broadcast %add3A_1381 : i32 to vector<16xi32>
        %add3A_1383 = arith.addi %xor3A_6, %add3A_1382 : vector<16xi32>
        %select_n3A_1384 = arith.select %lt3A_1380, %add3A_1383, %xor3A_6 : vector<16xi1>, vector<16xi32>
        %broadcast_in_dim3A_1385 = vector.shape_cast %select_n3A_1384 : vector<16xi32> to vector<16x1xi32>
        %gather3A_1386 = vector.shape_cast %broadcast_in_dim3A_1385 : vector<16x1xi32> to vector<16xi32>
        %gather3A_1387 = tpu.dynamic_gather %mul3A_1377[%gather3A_1386] in [0] : vector<16xf32>, vector<16xi32> -> vector<16xf32>
        %add3A_1388 = arith.addf %mul3A_1377, %gather3A_1387 : vector<16xf32>
        %lt3A_1389 = arith.constant 0 : i32
        %lt3A_1390 = vector.broadcast %lt3A_1389 : i32 to vector<16xi32>
        %lt3A_1391 = arith.cmpi slt, %xor3A_9, %lt3A_1390 : vector<16xi32>
        %add3A_1392 = arith.constant 16 : i32
        %add3A_1393 = vector.broadcast %add3A_1392 : i32 to vector<16xi32>
        %add3A_1394 = arith.addi %xor3A_9, %add3A_1393 : vector<16xi32>
        %select_n3A_1395 = arith.select %lt3A_1391, %add3A_1394, %xor3A_9 : vector<16xi1>, vector<16xi32>
        %broadcast_in_dim3A_1396 = vector.shape_cast %select_n3A_1395 : vector<16xi32> to vector<16x1xi32>
        %gather3A_1397 = vector.shape_cast %broadcast_in_dim3A_1396 : vector<16x1xi32> to vector<16xi32>
        %gather3A_1398 = tpu.dynamic_gather %add3A_1388[%gather3A_1397] in [0] : vector<16xf32>, vector<16xi32> -> vector<16xf32>
        %add3A_1399 = arith.addf %add3A_1388, %gather3A_1398 : vector<16xf32>
        %lt3A_1400 = arith.constant 0 : i32
        %lt3A_1401 = vector.broadcast %lt3A_1400 : i32 to vector<16xi32>
        %lt3A_1402 = arith.cmpi slt, %xor3A_12, %lt3A_1401 : vector<16xi32>
        %add3A_1403 = arith.constant 16 : i32
        %add3A_1404 = vector.broadcast %add3A_1403 : i32 to vector<16xi32>
        %add3A_1405 = arith.addi %xor3A_12, %add3A_1404 : vector<16xi32>
        %select_n3A_1406 = arith.select %lt3A_1402, %add3A_1405, %xor3A_12 : vector<16xi1>, vector<16xi32>
        %broadcast_in_dim3A_1407 = vector.shape_cast %select_n3A_1406 : vector<16xi32> to vector<16x1xi32>
        %gather3A_1408 = vector.shape_cast %broadcast_in_dim3A_1407 : vector<16x1xi32> to vector<16xi32>
        %gather3A_1409 = tpu.dynamic_gather %add3A_1399[%gather3A_1408] in [0] : vector<16xf32>, vector<16xi32> -> vector<16xf32>
        %add3A_1410 = arith.addf %add3A_1399, %gather3A_1409 : vector<16xf32>
        %lt3A_1411 = arith.constant 0 : i32
        %lt3A_1412 = vector.broadcast %lt3A_1411 : i32 to vector<16xi32>
        %lt3A_1413 = arith.cmpi slt, %xor3A_15, %lt3A_1412 : vector<16xi32>
        %add3A_1414 = arith.constant 16 : i32
        %add3A_1415 = vector.broadcast %add3A_1414 : i32 to vector<16xi32>
        %add3A_1416 = arith.addi %xor3A_15, %add3A_1415 : vector<16xi32>
        %select_n3A_1417 = arith.select %lt3A_1413, %add3A_1416, %xor3A_15 : vector<16xi1>, vector<16xi32>
        %broadcast_in_dim3A_1418 = vector.shape_cast %select_n3A_1417 : vector<16xi32> to vector<16x1xi32>
        %gather3A_1419 = vector.shape_cast %broadcast_in_dim3A_1418 : vector<16x1xi32> to vector<16xi32>
        %gather3A_1420 = tpu.dynamic_gather %add3A_1410[%gather3A_1419] in [0] : vector<16xf32>, vector<16xi32> -> vector<16xf32>
        %add3A_1421 = arith.addf %add3A_1410, %gather3A_1420 : vector<16xf32>
        %min3A_1422 = arith.constant 6.000000e+01 : f32
        %min3A_1423 = vector.broadcast %min3A_1422 : f32 to vector<16xf32>
        %min3A_1424 = arith.minimumf %add3A_1421, %min3A_1423 : vector<16xf32>
        %exp3A_1425 = math.exp %min3A_1424 : vector<16xf32>
        %eq3A_1426 = arith.constant 13 : i32
        %eq3A_1427 = vector.broadcast %eq3A_1426 : i32 to vector<16xi32>
        %eq3A_1428 = arith.cmpi eq, %iota3A, %eq3A_1427 : vector<16xi32>
        %jit3A_1429 = arith.constant 0.000000e+00 : f32
        %broadcast_in_dim3A_1430 = vector.broadcast %jit3A_1429 : f32 to vector<16xf32>
        %select_n3A_1431 = arith.select %eq3A_1428, %exp3A_1425, %broadcast_in_dim3A_1430 : vector<16xi1>, vector<16xf32>
        %add3A_1432 = arith.addf %add3A_1350, %select_n3A_1431 : vector<16xf32>
        %get3A_1433 = arith.index_cast %add3A_940 : i32 to index
        %get3A_1434 = arith.constant 96 : index
        %get3A_1435 = tpu.vector_load %arg18[%get3A_1433, %get3A_1434] {strides = array<i32>} : memref<32x128xf32, #tpu.memory_space<vmem>>, vector<1x16xf32>,
        %get3A_1436 = vector.shape_cast %get3A_1435 : vector<1x16xf32> to vector<16xf32>
        %get3A_1437 = arith.index_cast %add3A_940 : i32 to index
        %get3A_1438 = arith.constant 96 : index
        %get3A_1439 = tpu.vector_load %arg20[%get3A_1437, %get3A_1438] {strides = array<i32>} : memref<32x256xf32, #tpu.memory_space<vmem>>, vector<1x16xf32>,
        %get3A_1440 = vector.shape_cast %get3A_1439 : vector<1x16xf32> to vector<16xf32>
        %add3A_1441 = arith.addf %get3A_1436, %get3A_1440 : vector<16xf32>
        %get3A_1442 = arith.index_cast %add3A_940 : i32 to index
        %get3A_1443 = arith.constant 96 : index
        %get3A_1444 = tpu.vector_load %arg22[%get3A_1442, %get3A_1443] {strides = array<i32>} : memref<32x128xf32, #tpu.memory_space<vmem>>, vector<1x16xf32>,
        %get3A_1445 = vector.shape_cast %get3A_1444 : vector<1x16xf32> to vector<16xf32>
        %add3A_1446 = arith.addf %add3A_1441, %get3A_1445 : vector<16xf32>
        %ge3A_1447 = arith.constant 0.000000e+00 : f32
        %ge3A_1448 = vector.broadcast %ge3A_1447 : f32 to vector<16xf32>
        %ge3A_1449 = arith.cmpf oge, %add3A_1446, %ge3A_1448 : vector<16xf32>
        %mul3A_1450 = arith.constant 0.00999999977 : f32
        %mul3A_1451 = vector.broadcast %mul3A_1450 : f32 to vector<16xf32>
        %mul3A_1452 = arith.mulf %mul3A_1451, %add3A_1446 : vector<16xf32>
        %select_n3A_1453 = arith.select %ge3A_1449, %add3A_1446, %mul3A_1452 : vector<16xi1>, vector<16xf32>
        %get3A_1454 = arith.constant 6 : i32
        %get3A_1455 = arith.index_cast %get3A_1454 : i32 to index
        %get3A_1456 = arith.constant 0 : index
        %get3A_1457 = tpu.vector_load %arg26[%get3A_1455, %get3A_1456] {strides = array<i32>} : memref<8x16xf32, #tpu.memory_space<vmem>>, vector<1x16xf32>,
        %get3A_1458 = vector.shape_cast %get3A_1457 : vector<1x16xf32> to vector<16xf32>
        %mul3A_1459 = arith.mulf %get3A_1458, %select_n3A_1453 : vector<16xf32>
        %lt3A_1460 = arith.constant 0 : i32
        %lt3A_1461 = vector.broadcast %lt3A_1460 : i32 to vector<16xi32>
        %lt3A_1462 = arith.cmpi slt, %xor3A_6, %lt3A_1461 : vector<16xi32>
        %add3A_1463 = arith.constant 16 : i32
        %add3A_1464 = vector.broadcast %add3A_1463 : i32 to vector<16xi32>
        %add3A_1465 = arith.addi %xor3A_6, %add3A_1464 : vector<16xi32>
        %select_n3A_1466 = arith.select %lt3A_1462, %add3A_1465, %xor3A_6 : vector<16xi1>, vector<16xi32>
        %broadcast_in_dim3A_1467 = vector.shape_cast %select_n3A_1466 : vector<16xi32> to vector<16x1xi32>
        %gather3A_1468 = vector.shape_cast %broadcast_in_dim3A_1467 : vector<16x1xi32> to vector<16xi32>
        %gather3A_1469 = tpu.dynamic_gather %mul3A_1459[%gather3A_1468] in [0] : vector<16xf32>, vector<16xi32> -> vector<16xf32>
        %add3A_1470 = arith.addf %mul3A_1459, %gather3A_1469 : vector<16xf32>
        %lt3A_1471 = arith.constant 0 : i32
        %lt3A_1472 = vector.broadcast %lt3A_1471 : i32 to vector<16xi32>
        %lt3A_1473 = arith.cmpi slt, %xor3A_9, %lt3A_1472 : vector<16xi32>
        %add3A_1474 = arith.constant 16 : i32
        %add3A_1475 = vector.broadcast %add3A_1474 : i32 to vector<16xi32>
        %add3A_1476 = arith.addi %xor3A_9, %add3A_1475 : vector<16xi32>
        %select_n3A_1477 = arith.select %lt3A_1473, %add3A_1476, %xor3A_9 : vector<16xi1>, vector<16xi32>
        %broadcast_in_dim3A_1478 = vector.shape_cast %select_n3A_1477 : vector<16xi32> to vector<16x1xi32>
        %gather3A_1479 = vector.shape_cast %broadcast_in_dim3A_1478 : vector<16x1xi32> to vector<16xi32>
        %gather3A_1480 = tpu.dynamic_gather %add3A_1470[%gather3A_1479] in [0] : vector<16xf32>, vector<16xi32> -> vector<16xf32>
        %add3A_1481 = arith.addf %add3A_1470, %gather3A_1480 : vector<16xf32>
        %lt3A_1482 = arith.constant 0 : i32
        %lt3A_1483 = vector.broadcast %lt3A_1482 : i32 to vector<16xi32>
        %lt3A_1484 = arith.cmpi slt, %xor3A_12, %lt3A_1483 : vector<16xi32>
        %add3A_1485 = arith.constant 16 : i32
        %add3A_1486 = vector.broadcast %add3A_1485 : i32 to vector<16xi32>
        %add3A_1487 = arith.addi %xor3A_12, %add3A_1486 : vector<16xi32>
        %select_n3A_1488 = arith.select %lt3A_1484, %add3A_1487, %xor3A_12 : vector<16xi1>, vector<16xi32>
        %broadcast_in_dim3A_1489 = vector.shape_cast %select_n3A_1488 : vector<16xi32> to vector<16x1xi32>
        %gather3A_1490 = vector.shape_cast %broadcast_in_dim3A_1489 : vector<16x1xi32> to vector<16xi32>
        %gather3A_1491 = tpu.dynamic_gather %add3A_1481[%gather3A_1490] in [0] : vector<16xf32>, vector<16xi32> -> vector<16xf32>
        %add3A_1492 = arith.addf %add3A_1481, %gather3A_1491 : vector<16xf32>
        %lt3A_1493 = arith.constant 0 : i32
        %lt3A_1494 = vector.broadcast %lt3A_1493 : i32 to vector<16xi32>
        %lt3A_1495 = arith.cmpi slt, %xor3A_15, %lt3A_1494 : vector<16xi32>
        %add3A_1496 = arith.constant 16 : i32
        %add3A_1497 = vector.broadcast %add3A_1496 : i32 to vector<16xi32>
        %add3A_1498 = arith.addi %xor3A_15, %add3A_1497 : vector<16xi32>
        %select_n3A_1499 = arith.select %lt3A_1495, %add3A_1498, %xor3A_15 : vector<16xi1>, vector<16xi32>
        %broadcast_in_dim3A_1500 = vector.shape_cast %select_n3A_1499 : vector<16xi32> to vector<16x1xi32>
        %gather3A_1501 = vector.shape_cast %broadcast_in_dim3A_1500 : vector<16x1xi32> to vector<16xi32>
        %gather3A_1502 = tpu.dynamic_gather %add3A_1492[%gather3A_1501] in [0] : vector<16xf32>, vector<16xi32> -> vector<16xf32>
        %add3A_1503 = arith.addf %add3A_1492, %gather3A_1502 : vector<16xf32>
        %min3A_1504 = arith.constant 6.000000e+01 : f32
        %min3A_1505 = vector.broadcast %min3A_1504 : f32 to vector<16xf32>
        %min3A_1506 = arith.minimumf %add3A_1503, %min3A_1505 : vector<16xf32>
        %exp3A_1507 = math.exp %min3A_1506 : vector<16xf32>
        %eq3A_1508 = arith.constant 14 : i32
        %eq3A_1509 = vector.broadcast %eq3A_1508 : i32 to vector<16xi32>
        %eq3A_1510 = arith.cmpi eq, %iota3A, %eq3A_1509 : vector<16xi32>
        %jit3A_1511 = arith.constant 0.000000e+00 : f32
        %broadcast_in_dim3A_1512 = vector.broadcast %jit3A_1511 : f32 to vector<16xf32>
        %select_n3A_1513 = arith.select %eq3A_1510, %exp3A_1507, %broadcast_in_dim3A_1512 : vector<16xi1>, vector<16xf32>
        %add3A_1514 = arith.addf %add3A_1432, %select_n3A_1513 : vector<16xf32>
        %get3A_1515 = arith.index_cast %add3A_940 : i32 to index
        %get3A_1516 = arith.constant 112 : index
        %get3A_1517 = tpu.vector_load %arg18[%get3A_1515, %get3A_1516] {strides = array<i32>} : memref<32x128xf32, #tpu.memory_space<vmem>>, vector<1x16xf32>,
        %get3A_1518 = vector.shape_cast %get3A_1517 : vector<1x16xf32> to vector<16xf32>
        %get3A_1519 = arith.index_cast %add3A_940 : i32 to index
        %get3A_1520 = arith.constant 112 : index
        %get3A_1521 = tpu.vector_load %arg20[%get3A_1519, %get3A_1520] {strides = array<i32>} : memref<32x256xf32, #tpu.memory_space<vmem>>, vector<1x16xf32>,
        %get3A_1522 = vector.shape_cast %get3A_1521 : vector<1x16xf32> to vector<16xf32>
        %add3A_1523 = arith.addf %get3A_1518, %get3A_1522 : vector<16xf32>
        %get3A_1524 = arith.index_cast %add3A_940 : i32 to index
        %get3A_1525 = arith.constant 112 : index
        %get3A_1526 = tpu.vector_load %arg22[%get3A_1524, %get3A_1525] {strides = array<i32>} : memref<32x128xf32, #tpu.memory_space<vmem>>, vector<1x16xf32>,
        %get3A_1527 = vector.shape_cast %get3A_1526 : vector<1x16xf32> to vector<16xf32>
        %add3A_1528 = arith.addf %add3A_1523, %get3A_1527 : vector<16xf32>
        %ge3A_1529 = arith.constant 0.000000e+00 : f32
        %ge3A_1530 = vector.broadcast %ge3A_1529 : f32 to vector<16xf32>
        %ge3A_1531 = arith.cmpf oge, %add3A_1528, %ge3A_1530 : vector<16xf32>
        %mul3A_1532 = arith.constant 0.00999999977 : f32
        %mul3A_1533 = vector.broadcast %mul3A_1532 : f32 to vector<16xf32>
        %mul3A_1534 = arith.mulf %mul3A_1533, %add3A_1528 : vector<16xf32>
        %select_n3A_1535 = arith.select %ge3A_1531, %add3A_1528, %mul3A_1534 : vector<16xi1>, vector<16xf32>
        %get3A_1536 = arith.constant 7 : i32
        %get3A_1537 = arith.index_cast %get3A_1536 : i32 to index
        %get3A_1538 = arith.constant 0 : index
        %get3A_1539 = tpu.vector_load %arg26[%get3A_1537, %get3A_1538] {strides = array<i32>} : memref<8x16xf32, #tpu.memory_space<vmem>>, vector<1x16xf32>,
        %get3A_1540 = vector.shape_cast %get3A_1539 : vector<1x16xf32> to vector<16xf32>
        %mul3A_1541 = arith.mulf %get3A_1540, %select_n3A_1535 : vector<16xf32>
        %lt3A_1542 = arith.constant 0 : i32
        %lt3A_1543 = vector.broadcast %lt3A_1542 : i32 to vector<16xi32>
        %lt3A_1544 = arith.cmpi slt, %xor3A_6, %lt3A_1543 : vector<16xi32>
        %add3A_1545 = arith.constant 16 : i32
        %add3A_1546 = vector.broadcast %add3A_1545 : i32 to vector<16xi32>
        %add3A_1547 = arith.addi %xor3A_6, %add3A_1546 : vector<16xi32>
        %select_n3A_1548 = arith.select %lt3A_1544, %add3A_1547, %xor3A_6 : vector<16xi1>, vector<16xi32>
        %broadcast_in_dim3A_1549 = vector.shape_cast %select_n3A_1548 : vector<16xi32> to vector<16x1xi32>
        %gather3A_1550 = vector.shape_cast %broadcast_in_dim3A_1549 : vector<16x1xi32> to vector<16xi32>
        %gather3A_1551 = tpu.dynamic_gather %mul3A_1541[%gather3A_1550] in [0] : vector<16xf32>, vector<16xi32> -> vector<16xf32>
        %add3A_1552 = arith.addf %mul3A_1541, %gather3A_1551 : vector<16xf32>
        %lt3A_1553 = arith.constant 0 : i32
        %lt3A_1554 = vector.broadcast %lt3A_1553 : i32 to vector<16xi32>
        %lt3A_1555 = arith.cmpi slt, %xor3A_9, %lt3A_1554 : vector<16xi32>
        %add3A_1556 = arith.constant 16 : i32
        %add3A_1557 = vector.broadcast %add3A_1556 : i32 to vector<16xi32>
        %add3A_1558 = arith.addi %xor3A_9, %add3A_1557 : vector<16xi32>
        %select_n3A_1559 = arith.select %lt3A_1555, %add3A_1558, %xor3A_9 : vector<16xi1>, vector<16xi32>
        %broadcast_in_dim3A_1560 = vector.shape_cast %select_n3A_1559 : vector<16xi32> to vector<16x1xi32>
        %gather3A_1561 = vector.shape_cast %broadcast_in_dim3A_1560 : vector<16x1xi32> to vector<16xi32>
        %gather3A_1562 = tpu.dynamic_gather %add3A_1552[%gather3A_1561] in [0] : vector<16xf32>, vector<16xi32> -> vector<16xf32>
        %add3A_1563 = arith.addf %add3A_1552, %gather3A_1562 : vector<16xf32>
        %lt3A_1564 = arith.constant 0 : i32
        %lt3A_1565 = vector.broadcast %lt3A_1564 : i32 to vector<16xi32>
        %lt3A_1566 = arith.cmpi slt, %xor3A_12, %lt3A_1565 : vector<16xi32>
        %add3A_1567 = arith.constant 16 : i32
        %add3A_1568 = vector.broadcast %add3A_1567 : i32 to vector<16xi32>
        %add3A_1569 = arith.addi %xor3A_12, %add3A_1568 : vector<16xi32>
        %select_n3A_1570 = arith.select %lt3A_1566, %add3A_1569, %xor3A_12 : vector<16xi1>, vector<16xi32>
        %broadcast_in_dim3A_1571 = vector.shape_cast %select_n3A_1570 : vector<16xi32> to vector<16x1xi32>
        %gather3A_1572 = vector.shape_cast %broadcast_in_dim3A_1571 : vector<16x1xi32> to vector<16xi32>
        %gather3A_1573 = tpu.dynamic_gather %add3A_1563[%gather3A_1572] in [0] : vector<16xf32>, vector<16xi32> -> vector<16xf32>
        %add3A_1574 = arith.addf %add3A_1563, %gather3A_1573 : vector<16xf32>
        %lt3A_1575 = arith.constant 0 : i32
        %lt3A_1576 = vector.broadcast %lt3A_1575 : i32 to vector<16xi32>
        %lt3A_1577 = arith.cmpi slt, %xor3A_15, %lt3A_1576 : vector<16xi32>
        %add3A_1578 = arith.constant 16 : i32
        %add3A_1579 = vector.broadcast %add3A_1578 : i32 to vector<16xi32>
        %add3A_1580 = arith.addi %xor3A_15, %add3A_1579 : vector<16xi32>
        %select_n3A_1581 = arith.select %lt3A_1577, %add3A_1580, %xor3A_15 : vector<16xi1>, vector<16xi32>
        %broadcast_in_dim3A_1582 = vector.shape_cast %select_n3A_1581 : vector<16xi32> to vector<16x1xi32>
        %gather3A_1583 = vector.shape_cast %broadcast_in_dim3A_1582 : vector<16x1xi32> to vector<16xi32>
        %gather3A_1584 = tpu.dynamic_gather %add3A_1574[%gather3A_1583] in [0] : vector<16xf32>, vector<16xi32> -> vector<16xf32>
        %add3A_1585 = arith.addf %add3A_1574, %gather3A_1584 : vector<16xf32>
        %min3A_1586 = arith.constant 6.000000e+01 : f32
        %min3A_1587 = vector.broadcast %min3A_1586 : f32 to vector<16xf32>
        %min3A_1588 = arith.minimumf %add3A_1585, %min3A_1587 : vector<16xf32>
        %exp3A_1589 = math.exp %min3A_1588 : vector<16xf32>
        %eq3A_1590 = arith.constant 15 : i32
        %eq3A_1591 = vector.broadcast %eq3A_1590 : i32 to vector<16xi32>
        %eq3A_1592 = arith.cmpi eq, %iota3A, %eq3A_1591 : vector<16xi32>
        %jit3A_1593 = arith.constant 0.000000e+00 : f32
        %broadcast_in_dim3A_1594 = vector.broadcast %jit3A_1593 : f32 to vector<16xf32>
        %select_n3A_1595 = arith.select %eq3A_1592, %exp3A_1589, %broadcast_in_dim3A_1594 : vector<16xi1>, vector<16xf32>
        %add3A_1596 = arith.addf %add3A_1514, %select_n3A_1595 : vector<16xf32>
        %mul3A_1597 = arith.constant 16 : i32
        %mul3A_1598 = arith.muli %scan3A_277, %mul3A_1597 : i32
        %swap3A_1599 = arith.index_cast %mul3A_1598 : i32 to index
        %swap3A_1600 = tpu.vector_load %arg27[%swap3A_1599] {strides = array<i32>} : memref<256xf32, #tpu.memory_space<vmem>>, vector<16xf32>,
        %swap3A_1601 = vector.shape_cast %swap3A_1600 : vector<16xf32> to vector<16xf32>
        %swap3A_1602 = vector.shape_cast %add3A_1596 : vector<16xf32> to vector<16xf32>
        tpu.vector_store %arg27[%swap3A_1599], %swap3A_1602 {strides = array<i32>} : memref<256xf32, #tpu.memory_space<vmem>>, vector<16xf32>,
        %scan3A_1603 = arith.constant 0 : i32
        scf.yield %scan3A_1603 : i32
      }
      %scan3A_161 = arith.constant 16 : i32
      %scan3A_162 = arith.constant 0 : i32
      %scan3A_163 = arith.constant 0 : i32
      %scan3A_164 = arith.constant 16 : i32
      %scan3A_165 = arith.addi %scan3A_163, %scan3A_164 : i32
      %scan3A_166 = arith.constant 1 : i32
      %scan3A_167 = scf.for %scan3A_277 = %scan3A_163 to %scan3A_165 step %scan3A_166 iter_args(%scan3A_278 = %scan3A_162) -> (i32)  : i32 {
        %mul3A_279 = arith.constant 16 : i32
        %mul3A_280 = arith.muli %scan3A_277, %mul3A_279 : i32
        %get3A_281 = arith.index_cast %mul3A_280 : i32 to index
        %get3A_282 = tpu.vector_load %arg27[%get3A_281] {strides = array<i32>} : memref<256xf32, #tpu.memory_space<vmem>>, vector<16xf32>,
        %get3A_283 = vector.shape_cast %get3A_282 : vector<16xf32> to vector<16xf32>
        %mul3A_284 = arith.constant 2 : i32
        %mul3A_285 = arith.muli %scan3A_277, %mul3A_284 : i32
        %add3A_286 = arith.constant 0 : i32
        %add3A_287 = arith.addi %mul3A_285, %add3A_286 : i32
        %lt3A_288 = arith.constant 0 : i32
        %lt3A_289 = vector.broadcast %lt3A_288 : i32 to vector<16xi32>
        %lt3A_290 = arith.cmpi slt, %broadcast_in_dim3A_23, %lt3A_289 : vector<16xi32>
        %add3A_291 = arith.constant 16 : i32
        %add3A_292 = vector.broadcast %add3A_291 : i32 to vector<16xi32>
        %add3A_293 = arith.addi %broadcast_in_dim3A_23, %add3A_292 : vector<16xi32>
        %select_n3A_294 = arith.select %lt3A_290, %add3A_293, %broadcast_in_dim3A_23 : vector<16xi1>, vector<16xi32>
        %broadcast_in_dim3A_295 = vector.shape_cast %select_n3A_294 : vector<16xi32> to vector<16x1xi32>
        %gather3A = vector.shape_cast %broadcast_in_dim3A_295 : vector<16x1xi32> to vector<16xi32>
        %gather3A_296 = tpu.dynamic_gather %get3A_283[%gather3A] in [0] : vector<16xf32>, vector<16xi32> -> vector<16xf32>
        %get3A_297 = arith.index_cast %add3A_287 : i32 to index
        %get3A_298 = arith.constant 128 : index
        %get3A_299 = tpu.vector_load %arg20[%get3A_297, %get3A_298] {strides = array<i32>} : memref<32x256xf32, #tpu.memory_space<vmem>>, vector<1x16xf32>,
        %get3A_300 = vector.shape_cast %get3A_299 : vector<1x16xf32> to vector<16xf32>
        %mul3A_301 = arith.mulf %gather3A_296, %get3A_300 : vector<16xf32>
        %swap3A_302 = arith.index_cast %add3A_287 : i32 to index
        %swap3A_303 = arith.constant 0 : index
        %swap3A_304 = tpu.vector_load %arg24[%swap3A_302, %swap3A_303] {strides = array<i32>} : memref<32x128xf32, #tpu.memory_space<vmem>>, vector<1x16xf32>,
        %swap3A_305 = vector.shape_cast %swap3A_304 : vector<1x16xf32> to vector<16xf32>
        %swap3A_306 = vector.shape_cast %mul3A_301 : vector<16xf32> to vector<1x16xf32>
        tpu.vector_store %arg24[%swap3A_302, %swap3A_303], %swap3A_306 {strides = array<i32>} : memref<32x128xf32, #tpu.memory_space<vmem>>, vector<1x16xf32>,
        %lt3A_307 = arith.constant 0 : i32
        %lt3A_308 = vector.broadcast %lt3A_307 : i32 to vector<16xi32>
        %lt3A_309 = arith.cmpi slt, %broadcast_in_dim3A_25, %lt3A_308 : vector<16xi32>
        %add3A_310 = arith.constant 16 : i32
        %add3A_311 = vector.broadcast %add3A_310 : i32 to vector<16xi32>
        %add3A_312 = arith.addi %broadcast_in_dim3A_25, %add3A_311 : vector<16xi32>
        %select_n3A_313 = arith.select %lt3A_309, %add3A_312, %broadcast_in_dim3A_25 : vector<16xi1>, vector<16xi32>
        %broadcast_in_dim3A_314 = vector.shape_cast %select_n3A_313 : vector<16xi32> to vector<16x1xi32>
        %gather3A_315 = vector.shape_cast %broadcast_in_dim3A_314 : vector<16x1xi32> to vector<16xi32>
        %gather3A_316 = tpu.dynamic_gather %get3A_283[%gather3A_315] in [0] : vector<16xf32>, vector<16xi32> -> vector<16xf32>
        %get3A_317 = arith.index_cast %add3A_287 : i32 to index
        %get3A_318 = arith.constant 144 : index
        %get3A_319 = tpu.vector_load %arg20[%get3A_317, %get3A_318] {strides = array<i32>} : memref<32x256xf32, #tpu.memory_space<vmem>>, vector<1x16xf32>,
        %get3A_320 = vector.shape_cast %get3A_319 : vector<1x16xf32> to vector<16xf32>
        %mul3A_321 = arith.mulf %gather3A_316, %get3A_320 : vector<16xf32>
        %swap3A_322 = arith.index_cast %add3A_287 : i32 to index
        %swap3A_323 = arith.constant 16 : index
        %swap3A_324 = tpu.vector_load %arg24[%swap3A_322, %swap3A_323] {strides = array<i32>} : memref<32x128xf32, #tpu.memory_space<vmem>>, vector<1x16xf32>,
        %swap3A_325 = vector.shape_cast %swap3A_324 : vector<1x16xf32> to vector<16xf32>
        %swap3A_326 = vector.shape_cast %mul3A_321 : vector<16xf32> to vector<1x16xf32>
        tpu.vector_store %arg24[%swap3A_322, %swap3A_323], %swap3A_326 {strides = array<i32>} : memref<32x128xf32, #tpu.memory_space<vmem>>, vector<1x16xf32>,
        %lt3A_327 = arith.constant 0 : i32
        %lt3A_328 = vector.broadcast %lt3A_327 : i32 to vector<16xi32>
        %lt3A_329 = arith.cmpi slt, %broadcast_in_dim3A_27, %lt3A_328 : vector<16xi32>
        %add3A_330 = arith.constant 16 : i32
        %add3A_331 = vector.broadcast %add3A_330 : i32 to vector<16xi32>
        %add3A_332 = arith.addi %broadcast_in_dim3A_27, %add3A_331 : vector<16xi32>
        %select_n3A_333 = arith.select %lt3A_329, %add3A_332, %broadcast_in_dim3A_27 : vector<16xi1>, vector<16xi32>
        %broadcast_in_dim3A_334 = vector.shape_cast %select_n3A_333 : vector<16xi32> to vector<16x1xi32>
        %gather3A_335 = vector.shape_cast %broadcast_in_dim3A_334 : vector<16x1xi32> to vector<16xi32>
        %gather3A_336 = tpu.dynamic_gather %get3A_283[%gather3A_335] in [0] : vector<16xf32>, vector<16xi32> -> vector<16xf32>
        %get3A_337 = arith.index_cast %add3A_287 : i32 to index
        %get3A_338 = arith.constant 160 : index
        %get3A_339 = tpu.vector_load %arg20[%get3A_337, %get3A_338] {strides = array<i32>} : memref<32x256xf32, #tpu.memory_space<vmem>>, vector<1x16xf32>,
        %get3A_340 = vector.shape_cast %get3A_339 : vector<1x16xf32> to vector<16xf32>
        %mul3A_341 = arith.mulf %gather3A_336, %get3A_340 : vector<16xf32>
        %swap3A_342 = arith.index_cast %add3A_287 : i32 to index
        %swap3A_343 = arith.constant 32 : index
        %swap3A_344 = tpu.vector_load %arg24[%swap3A_342, %swap3A_343] {strides = array<i32>} : memref<32x128xf32, #tpu.memory_space<vmem>>, vector<1x16xf32>,
        %swap3A_345 = vector.shape_cast %swap3A_344 : vector<1x16xf32> to vector<16xf32>
        %swap3A_346 = vector.shape_cast %mul3A_341 : vector<16xf32> to vector<1x16xf32>
        tpu.vector_store %arg24[%swap3A_342, %swap3A_343], %swap3A_346 {strides = array<i32>} : memref<32x128xf32, #tpu.memory_space<vmem>>, vector<1x16xf32>,
        %lt3A_347 = arith.constant 0 : i32
        %lt3A_348 = vector.broadcast %lt3A_347 : i32 to vector<16xi32>
        %lt3A_349 = arith.cmpi slt, %broadcast_in_dim3A_29, %lt3A_348 : vector<16xi32>
        %add3A_350 = arith.constant 16 : i32
        %add3A_351 = vector.broadcast %add3A_350 : i32 to vector<16xi32>
        %add3A_352 = arith.addi %broadcast_in_dim3A_29, %add3A_351 : vector<16xi32>
        %select_n3A_353 = arith.select %lt3A_349, %add3A_352, %broadcast_in_dim3A_29 : vector<16xi1>, vector<16xi32>
        %broadcast_in_dim3A_354 = vector.shape_cast %select_n3A_353 : vector<16xi32> to vector<16x1xi32>
        %gather3A_355 = vector.shape_cast %broadcast_in_dim3A_354 : vector<16x1xi32> to vector<16xi32>
        %gather3A_356 = tpu.dynamic_gather %get3A_283[%gather3A_355] in [0] : vector<16xf32>, vector<16xi32> -> vector<16xf32>
        %get3A_357 = arith.index_cast %add3A_287 : i32 to index
        %get3A_358 = arith.constant 176 : index
        %get3A_359 = tpu.vector_load %arg20[%get3A_357, %get3A_358] {strides = array<i32>} : memref<32x256xf32, #tpu.memory_space<vmem>>, vector<1x16xf32>,
        %get3A_360 = vector.shape_cast %get3A_359 : vector<1x16xf32> to vector<16xf32>
        %mul3A_361 = arith.mulf %gather3A_356, %get3A_360 : vector<16xf32>
        %swap3A_362 = arith.index_cast %add3A_287 : i32 to index
        %swap3A_363 = arith.constant 48 : index
        %swap3A_364 = tpu.vector_load %arg24[%swap3A_362, %swap3A_363] {strides = array<i32>} : memref<32x128xf32, #tpu.memory_space<vmem>>, vector<1x16xf32>,
        %swap3A_365 = vector.shape_cast %swap3A_364 : vector<1x16xf32> to vector<16xf32>
        %swap3A_366 = vector.shape_cast %mul3A_361 : vector<16xf32> to vector<1x16xf32>
        tpu.vector_store %arg24[%swap3A_362, %swap3A_363], %swap3A_366 {strides = array<i32>} : memref<32x128xf32, #tpu.memory_space<vmem>>, vector<1x16xf32>,
        %lt3A_367 = arith.constant 0 : i32
        %lt3A_368 = vector.broadcast %lt3A_367 : i32 to vector<16xi32>
        %lt3A_369 = arith.cmpi slt, %broadcast_in_dim3A_31, %lt3A_368 : vector<16xi32>
        %add3A_370 = arith.constant 16 : i32
        %add3A_371 = vector.broadcast %add3A_370 : i32 to vector<16xi32>
        %add3A_372 = arith.addi %broadcast_in_dim3A_31, %add3A_371 : vector<16xi32>
        %select_n3A_373 = arith.select %lt3A_369, %add3A_372, %broadcast_in_dim3A_31 : vector<16xi1>, vector<16xi32>
        %broadcast_in_dim3A_374 = vector.shape_cast %select_n3A_373 : vector<16xi32> to vector<16x1xi32>
        %gather3A_375 = vector.shape_cast %broadcast_in_dim3A_374 : vector<16x1xi32> to vector<16xi32>
        %gather3A_376 = tpu.dynamic_gather %get3A_283[%gather3A_375] in [0] : vector<16xf32>, vector<16xi32> -> vector<16xf32>
        %get3A_377 = arith.index_cast %add3A_287 : i32 to index
        %get3A_378 = arith.constant 192 : index
        %get3A_379 = tpu.vector_load %arg20[%get3A_377, %get3A_378] {strides = array<i32>} : memref<32x256xf32, #tpu.memory_space<vmem>>, vector<1x16xf32>,
        %get3A_380 = vector.shape_cast %get3A_379 : vector<1x16xf32> to vector<16xf32>
        %mul3A_381 = arith.mulf %gather3A_376, %get3A_380 : vector<16xf32>
        %swap3A_382 = arith.index_cast %add3A_287 : i32 to index
        %swap3A_383 = arith.constant 64 : index
        %swap3A_384 = tpu.vector_load %arg24[%swap3A_382, %swap3A_383] {strides = array<i32>} : memref<32x128xf32, #tpu.memory_space<vmem>>, vector<1x16xf32>,
        %swap3A_385 = vector.shape_cast %swap3A_384 : vector<1x16xf32> to vector<16xf32>
        %swap3A_386 = vector.shape_cast %mul3A_381 : vector<16xf32> to vector<1x16xf32>
        tpu.vector_store %arg24[%swap3A_382, %swap3A_383], %swap3A_386 {strides = array<i32>} : memref<32x128xf32, #tpu.memory_space<vmem>>, vector<1x16xf32>,
        %lt3A_387 = arith.constant 0 : i32
        %lt3A_388 = vector.broadcast %lt3A_387 : i32 to vector<16xi32>
        %lt3A_389 = arith.cmpi slt, %broadcast_in_dim3A_33, %lt3A_388 : vector<16xi32>
        %add3A_390 = arith.constant 16 : i32
        %add3A_391 = vector.broadcast %add3A_390 : i32 to vector<16xi32>
        %add3A_392 = arith.addi %broadcast_in_dim3A_33, %add3A_391 : vector<16xi32>
        %select_n3A_393 = arith.select %lt3A_389, %add3A_392, %broadcast_in_dim3A_33 : vector<16xi1>, vector<16xi32>
        %broadcast_in_dim3A_394 = vector.shape_cast %select_n3A_393 : vector<16xi32> to vector<16x1xi32>
        %gather3A_395 = vector.shape_cast %broadcast_in_dim3A_394 : vector<16x1xi32> to vector<16xi32>
        %gather3A_396 = tpu.dynamic_gather %get3A_283[%gather3A_395] in [0] : vector<16xf32>, vector<16xi32> -> vector<16xf32>
        %get3A_397 = arith.index_cast %add3A_287 : i32 to index
        %get3A_398 = arith.constant 208 : index
        %get3A_399 = tpu.vector_load %arg20[%get3A_397, %get3A_398] {strides = array<i32>} : memref<32x256xf32, #tpu.memory_space<vmem>>, vector<1x16xf32>,
        %get3A_400 = vector.shape_cast %get3A_399 : vector<1x16xf32> to vector<16xf32>
        %mul3A_401 = arith.mulf %gather3A_396, %get3A_400 : vector<16xf32>
        %swap3A_402 = arith.index_cast %add3A_287 : i32 to index
        %swap3A_403 = arith.constant 80 : index
        %swap3A_404 = tpu.vector_load %arg24[%swap3A_402, %swap3A_403] {strides = array<i32>} : memref<32x128xf32, #tpu.memory_space<vmem>>, vector<1x16xf32>,
        %swap3A_405 = vector.shape_cast %swap3A_404 : vector<1x16xf32> to vector<16xf32>
        %swap3A_406 = vector.shape_cast %mul3A_401 : vector<16xf32> to vector<1x16xf32>
        tpu.vector_store %arg24[%swap3A_402, %swap3A_403], %swap3A_406 {strides = array<i32>} : memref<32x128xf32, #tpu.memory_space<vmem>>, vector<1x16xf32>,
        %lt3A_407 = arith.constant 0 : i32
        %lt3A_408 = vector.broadcast %lt3A_407 : i32 to vector<16xi32>
        %lt3A_409 = arith.cmpi slt, %broadcast_in_dim3A_35, %lt3A_408 : vector<16xi32>
        %add3A_410 = arith.constant 16 : i32
        %add3A_411 = vector.broadcast %add3A_410 : i32 to vector<16xi32>
        %add3A_412 = arith.addi %broadcast_in_dim3A_35, %add3A_411 : vector<16xi32>
        %select_n3A_413 = arith.select %lt3A_409, %add3A_412, %broadcast_in_dim3A_35 : vector<16xi1>, vector<16xi32>
        %broadcast_in_dim3A_414 = vector.shape_cast %select_n3A_413 : vector<16xi32> to vector<16x1xi32>
        %gather3A_415 = vector.shape_cast %broadcast_in_dim3A_414 : vector<16x1xi32> to vector<16xi32>
        %gather3A_416 = tpu.dynamic_gather %get3A_283[%gather3A_415] in [0] : vector<16xf32>, vector<16xi32> -> vector<16xf32>
        %get3A_417 = arith.index_cast %add3A_287 : i32 to index
        %get3A_418 = arith.constant 224 : index
        %get3A_419 = tpu.vector_load %arg20[%get3A_417, %get3A_418] {strides = array<i32>} : memref<32x256xf32, #tpu.memory_space<vmem>>, vector<1x16xf32>,
        %get3A_420 = vector.shape_cast %get3A_419 : vector<1x16xf32> to vector<16xf32>
        %mul3A_421 = arith.mulf %gather3A_416, %get3A_420 : vector<16xf32>
        %swap3A_422 = arith.index_cast %add3A_287 : i32 to index
        %swap3A_423 = arith.constant 96 : index
        %swap3A_424 = tpu.vector_load %arg24[%swap3A_422, %swap3A_423] {strides = array<i32>} : memref<32x128xf32, #tpu.memory_space<vmem>>, vector<1x16xf32>,
        %swap3A_425 = vector.shape_cast %swap3A_424 : vector<1x16xf32> to vector<16xf32>
        %swap3A_426 = vector.shape_cast %mul3A_421 : vector<16xf32> to vector<1x16xf32>
        tpu.vector_store %arg24[%swap3A_422, %swap3A_423], %swap3A_426 {strides = array<i32>} : memref<32x128xf32, #tpu.memory_space<vmem>>, vector<1x16xf32>,
        %lt3A_427 = arith.constant 0 : i32
        %lt3A_428 = vector.broadcast %lt3A_427 : i32 to vector<16xi32>
        %lt3A_429 = arith.cmpi slt, %broadcast_in_dim3A_37, %lt3A_428 : vector<16xi32>
        %add3A_430 = arith.constant 16 : i32
        %add3A_431 = vector.broadcast %add3A_430 : i32 to vector<16xi32>
        %add3A_432 = arith.addi %broadcast_in_dim3A_37, %add3A_431 : vector<16xi32>
        %select_n3A_433 = arith.select %lt3A_429, %add3A_432, %broadcast_in_dim3A_37 : vector<16xi1>, vector<16xi32>
        %broadcast_in_dim3A_434 = vector.shape_cast %select_n3A_433 : vector<16xi32> to vector<16x1xi32>
        %gather3A_435 = vector.shape_cast %broadcast_in_dim3A_434 : vector<16x1xi32> to vector<16xi32>
        %gather3A_436 = tpu.dynamic_gather %get3A_283[%gather3A_435] in [0] : vector<16xf32>, vector<16xi32> -> vector<16xf32>
        %get3A_437 = arith.index_cast %add3A_287 : i32 to index
        %get3A_438 = arith.constant 240 : index
        %get3A_439 = tpu.vector_load %arg20[%get3A_437, %get3A_438] {strides = array<i32>} : memref<32x256xf32, #tpu.memory_space<vmem>>, vector<1x16xf32>,
        %get3A_440 = vector.shape_cast %get3A_439 : vector<1x16xf32> to vector<16xf32>
        %mul3A_441 = arith.mulf %gather3A_436, %get3A_440 : vector<16xf32>
        %swap3A_442 = arith.index_cast %add3A_287 : i32 to index
        %swap3A_443 = arith.constant 112 : index
        %swap3A_444 = tpu.vector_load %arg24[%swap3A_442, %swap3A_443] {strides = array<i32>} : memref<32x128xf32, #tpu.memory_space<vmem>>, vector<1x16xf32>,
        %swap3A_445 = vector.shape_cast %swap3A_444 : vector<1x16xf32> to vector<16xf32>
        %swap3A_446 = vector.shape_cast %mul3A_441 : vector<16xf32> to vector<1x16xf32>
        tpu.vector_store %arg24[%swap3A_442, %swap3A_443], %swap3A_446 {strides = array<i32>} : memref<32x128xf32, #tpu.memory_space<vmem>>, vector<1x16xf32>,
        %mul3A_447 = arith.constant 2 : i32
        %mul3A_448 = arith.muli %scan3A_277, %mul3A_447 : i32
        %add3A_449 = arith.constant 1 : i32
        %add3A_450 = arith.addi %mul3A_448, %add3A_449 : i32
        %lt3A_451 = arith.constant 0 : i32
        %lt3A_452 = vector.broadcast %lt3A_451 : i32 to vector<16xi32>
        %lt3A_453 = arith.cmpi slt, %broadcast_in_dim3A_39, %lt3A_452 : vector<16xi32>
        %add3A_454 = arith.constant 16 : i32
        %add3A_455 = vector.broadcast %add3A_454 : i32 to vector<16xi32>
        %add3A_456 = arith.addi %broadcast_in_dim3A_39, %add3A_455 : vector<16xi32>
        %select_n3A_457 = arith.select %lt3A_453, %add3A_456, %broadcast_in_dim3A_39 : vector<16xi1>, vector<16xi32>
        %broadcast_in_dim3A_458 = vector.shape_cast %select_n3A_457 : vector<16xi32> to vector<16x1xi32>
        %gather3A_459 = vector.shape_cast %broadcast_in_dim3A_458 : vector<16x1xi32> to vector<16xi32>
        %gather3A_460 = tpu.dynamic_gather %get3A_283[%gather3A_459] in [0] : vector<16xf32>, vector<16xi32> -> vector<16xf32>
        %get3A_461 = arith.index_cast %add3A_450 : i32 to index
        %get3A_462 = arith.constant 128 : index
        %get3A_463 = tpu.vector_load %arg20[%get3A_461, %get3A_462] {strides = array<i32>} : memref<32x256xf32, #tpu.memory_space<vmem>>, vector<1x16xf32>,
        %get3A_464 = vector.shape_cast %get3A_463 : vector<1x16xf32> to vector<16xf32>
        %mul3A_465 = arith.mulf %gather3A_460, %get3A_464 : vector<16xf32>
        %swap3A_466 = arith.index_cast %add3A_450 : i32 to index
        %swap3A_467 = arith.constant 0 : index
        %swap3A_468 = tpu.vector_load %arg24[%swap3A_466, %swap3A_467] {strides = array<i32>} : memref<32x128xf32, #tpu.memory_space<vmem>>, vector<1x16xf32>,
        %swap3A_469 = vector.shape_cast %swap3A_468 : vector<1x16xf32> to vector<16xf32>
        %swap3A_470 = vector.shape_cast %mul3A_465 : vector<16xf32> to vector<1x16xf32>
        tpu.vector_store %arg24[%swap3A_466, %swap3A_467], %swap3A_470 {strides = array<i32>} : memref<32x128xf32, #tpu.memory_space<vmem>>, vector<1x16xf32>,
        %lt3A_471 = arith.constant 0 : i32
        %lt3A_472 = vector.broadcast %lt3A_471 : i32 to vector<16xi32>
        %lt3A_473 = arith.cmpi slt, %broadcast_in_dim3A_41, %lt3A_472 : vector<16xi32>
        %add3A_474 = arith.constant 16 : i32
        %add3A_475 = vector.broadcast %add3A_474 : i32 to vector<16xi32>
        %add3A_476 = arith.addi %broadcast_in_dim3A_41, %add3A_475 : vector<16xi32>
        %select_n3A_477 = arith.select %lt3A_473, %add3A_476, %broadcast_in_dim3A_41 : vector<16xi1>, vector<16xi32>
        %broadcast_in_dim3A_478 = vector.shape_cast %select_n3A_477 : vector<16xi32> to vector<16x1xi32>
        %gather3A_479 = vector.shape_cast %broadcast_in_dim3A_478 : vector<16x1xi32> to vector<16xi32>
        %gather3A_480 = tpu.dynamic_gather %get3A_283[%gather3A_479] in [0] : vector<16xf32>, vector<16xi32> -> vector<16xf32>
        %get3A_481 = arith.index_cast %add3A_450 : i32 to index
        %get3A_482 = arith.constant 144 : index
        %get3A_483 = tpu.vector_load %arg20[%get3A_481, %get3A_482] {strides = array<i32>} : memref<32x256xf32, #tpu.memory_space<vmem>>, vector<1x16xf32>,
        %get3A_484 = vector.shape_cast %get3A_483 : vector<1x16xf32> to vector<16xf32>
        %mul3A_485 = arith.mulf %gather3A_480, %get3A_484 : vector<16xf32>
        %swap3A_486 = arith.index_cast %add3A_450 : i32 to index
        %swap3A_487 = arith.constant 16 : index
        %swap3A_488 = tpu.vector_load %arg24[%swap3A_486, %swap3A_487] {strides = array<i32>} : memref<32x128xf32, #tpu.memory_space<vmem>>, vector<1x16xf32>,
        %swap3A_489 = vector.shape_cast %swap3A_488 : vector<1x16xf32> to vector<16xf32>
        %swap3A_490 = vector.shape_cast %mul3A_485 : vector<16xf32> to vector<1x16xf32>
        tpu.vector_store %arg24[%swap3A_486, %swap3A_487], %swap3A_490 {strides = array<i32>} : memref<32x128xf32, #tpu.memory_space<vmem>>, vector<1x16xf32>,
        %lt3A_491 = arith.constant 0 : i32
        %lt3A_492 = vector.broadcast %lt3A_491 : i32 to vector<16xi32>
        %lt3A_493 = arith.cmpi slt, %broadcast_in_dim3A_43, %lt3A_492 : vector<16xi32>
        %add3A_494 = arith.constant 16 : i32
        %add3A_495 = vector.broadcast %add3A_494 : i32 to vector<16xi32>
        %add3A_496 = arith.addi %broadcast_in_dim3A_43, %add3A_495 : vector<16xi32>
        %select_n3A_497 = arith.select %lt3A_493, %add3A_496, %broadcast_in_dim3A_43 : vector<16xi1>, vector<16xi32>
        %broadcast_in_dim3A_498 = vector.shape_cast %select_n3A_497 : vector<16xi32> to vector<16x1xi32>
        %gather3A_499 = vector.shape_cast %broadcast_in_dim3A_498 : vector<16x1xi32> to vector<16xi32>
        %gather3A_500 = tpu.dynamic_gather %get3A_283[%gather3A_499] in [0] : vector<16xf32>, vector<16xi32> -> vector<16xf32>
        %get3A_501 = arith.index_cast %add3A_450 : i32 to index
        %get3A_502 = arith.constant 160 : index
        %get3A_503 = tpu.vector_load %arg20[%get3A_501, %get3A_502] {strides = array<i32>} : memref<32x256xf32, #tpu.memory_space<vmem>>, vector<1x16xf32>,
        %get3A_504 = vector.shape_cast %get3A_503 : vector<1x16xf32> to vector<16xf32>
        %mul3A_505 = arith.mulf %gather3A_500, %get3A_504 : vector<16xf32>
        %swap3A_506 = arith.index_cast %add3A_450 : i32 to index
        %swap3A_507 = arith.constant 32 : index
        %swap3A_508 = tpu.vector_load %arg24[%swap3A_506, %swap3A_507] {strides = array<i32>} : memref<32x128xf32, #tpu.memory_space<vmem>>, vector<1x16xf32>,
        %swap3A_509 = vector.shape_cast %swap3A_508 : vector<1x16xf32> to vector<16xf32>
        %swap3A_510 = vector.shape_cast %mul3A_505 : vector<16xf32> to vector<1x16xf32>
        tpu.vector_store %arg24[%swap3A_506, %swap3A_507], %swap3A_510 {strides = array<i32>} : memref<32x128xf32, #tpu.memory_space<vmem>>, vector<1x16xf32>,
        %lt3A_511 = arith.constant 0 : i32
        %lt3A_512 = vector.broadcast %lt3A_511 : i32 to vector<16xi32>
        %lt3A_513 = arith.cmpi slt, %broadcast_in_dim3A_45, %lt3A_512 : vector<16xi32>
        %add3A_514 = arith.constant 16 : i32
        %add3A_515 = vector.broadcast %add3A_514 : i32 to vector<16xi32>
        %add3A_516 = arith.addi %broadcast_in_dim3A_45, %add3A_515 : vector<16xi32>
        %select_n3A_517 = arith.select %lt3A_513, %add3A_516, %broadcast_in_dim3A_45 : vector<16xi1>, vector<16xi32>
        %broadcast_in_dim3A_518 = vector.shape_cast %select_n3A_517 : vector<16xi32> to vector<16x1xi32>
        %gather3A_519 = vector.shape_cast %broadcast_in_dim3A_518 : vector<16x1xi32> to vector<16xi32>
        %gather3A_520 = tpu.dynamic_gather %get3A_283[%gather3A_519] in [0] : vector<16xf32>, vector<16xi32> -> vector<16xf32>
        %get3A_521 = arith.index_cast %add3A_450 : i32 to index
        %get3A_522 = arith.constant 176 : index
        %get3A_523 = tpu.vector_load %arg20[%get3A_521, %get3A_522] {strides = array<i32>} : memref<32x256xf32, #tpu.memory_space<vmem>>, vector<1x16xf32>,
        %get3A_524 = vector.shape_cast %get3A_523 : vector<1x16xf32> to vector<16xf32>
        %mul3A_525 = arith.mulf %gather3A_520, %get3A_524 : vector<16xf32>
        %swap3A_526 = arith.index_cast %add3A_450 : i32 to index
        %swap3A_527 = arith.constant 48 : index
        %swap3A_528 = tpu.vector_load %arg24[%swap3A_526, %swap3A_527] {strides = array<i32>} : memref<32x128xf32, #tpu.memory_space<vmem>>, vector<1x16xf32>,
        %swap3A_529 = vector.shape_cast %swap3A_528 : vector<1x16xf32> to vector<16xf32>
        %swap3A_530 = vector.shape_cast %mul3A_525 : vector<16xf32> to vector<1x16xf32>
        tpu.vector_store %arg24[%swap3A_526, %swap3A_527], %swap3A_530 {strides = array<i32>} : memref<32x128xf32, #tpu.memory_space<vmem>>, vector<1x16xf32>,
        %lt3A_531 = arith.constant 0 : i32
        %lt3A_532 = vector.broadcast %lt3A_531 : i32 to vector<16xi32>
        %lt3A_533 = arith.cmpi slt, %broadcast_in_dim3A_47, %lt3A_532 : vector<16xi32>
        %add3A_534 = arith.constant 16 : i32
        %add3A_535 = vector.broadcast %add3A_534 : i32 to vector<16xi32>
        %add3A_536 = arith.addi %broadcast_in_dim3A_47, %add3A_535 : vector<16xi32>
        %select_n3A_537 = arith.select %lt3A_533, %add3A_536, %broadcast_in_dim3A_47 : vector<16xi1>, vector<16xi32>
        %broadcast_in_dim3A_538 = vector.shape_cast %select_n3A_537 : vector<16xi32> to vector<16x1xi32>
        %gather3A_539 = vector.shape_cast %broadcast_in_dim3A_538 : vector<16x1xi32> to vector<16xi32>
        %gather3A_540 = tpu.dynamic_gather %get3A_283[%gather3A_539] in [0] : vector<16xf32>, vector<16xi32> -> vector<16xf32>
        %get3A_541 = arith.index_cast %add3A_450 : i32 to index
        %get3A_542 = arith.constant 192 : index
        %get3A_543 = tpu.vector_load %arg20[%get3A_541, %get3A_542] {strides = array<i32>} : memref<32x256xf32, #tpu.memory_space<vmem>>, vector<1x16xf32>,
        %get3A_544 = vector.shape_cast %get3A_543 : vector<1x16xf32> to vector<16xf32>
        %mul3A_545 = arith.mulf %gather3A_540, %get3A_544 : vector<16xf32>
        %swap3A_546 = arith.index_cast %add3A_450 : i32 to index
        %swap3A_547 = arith.constant 64 : index
        %swap3A_548 = tpu.vector_load %arg24[%swap3A_546, %swap3A_547] {strides = array<i32>} : memref<32x128xf32, #tpu.memory_space<vmem>>, vector<1x16xf32>,
        %swap3A_549 = vector.shape_cast %swap3A_548 : vector<1x16xf32> to vector<16xf32>
        %swap3A_550 = vector.shape_cast %mul3A_545 : vector<16xf32> to vector<1x16xf32>
        tpu.vector_store %arg24[%swap3A_546, %swap3A_547], %swap3A_550 {strides = array<i32>} : memref<32x128xf32, #tpu.memory_space<vmem>>, vector<1x16xf32>,
        %lt3A_551 = arith.constant 0 : i32
        %lt3A_552 = vector.broadcast %lt3A_551 : i32 to vector<16xi32>
        %lt3A_553 = arith.cmpi slt, %broadcast_in_dim3A_49, %lt3A_552 : vector<16xi32>
        %add3A_554 = arith.constant 16 : i32
        %add3A_555 = vector.broadcast %add3A_554 : i32 to vector<16xi32>
        %add3A_556 = arith.addi %broadcast_in_dim3A_49, %add3A_555 : vector<16xi32>
        %select_n3A_557 = arith.select %lt3A_553, %add3A_556, %broadcast_in_dim3A_49 : vector<16xi1>, vector<16xi32>
        %broadcast_in_dim3A_558 = vector.shape_cast %select_n3A_557 : vector<16xi32> to vector<16x1xi32>
        %gather3A_559 = vector.shape_cast %broadcast_in_dim3A_558 : vector<16x1xi32> to vector<16xi32>
        %gather3A_560 = tpu.dynamic_gather %get3A_283[%gather3A_559] in [0] : vector<16xf32>, vector<16xi32> -> vector<16xf32>
        %get3A_561 = arith.index_cast %add3A_450 : i32 to index
        %get3A_562 = arith.constant 208 : index
        %get3A_563 = tpu.vector_load %arg20[%get3A_561, %get3A_562] {strides = array<i32>} : memref<32x256xf32, #tpu.memory_space<vmem>>, vector<1x16xf32>,
        %get3A_564 = vector.shape_cast %get3A_563 : vector<1x16xf32> to vector<16xf32>
        %mul3A_565 = arith.mulf %gather3A_560, %get3A_564 : vector<16xf32>
        %swap3A_566 = arith.index_cast %add3A_450 : i32 to index
        %swap3A_567 = arith.constant 80 : index
        %swap3A_568 = tpu.vector_load %arg24[%swap3A_566, %swap3A_567] {strides = array<i32>} : memref<32x128xf32, #tpu.memory_space<vmem>>, vector<1x16xf32>,
        %swap3A_569 = vector.shape_cast %swap3A_568 : vector<1x16xf32> to vector<16xf32>
        %swap3A_570 = vector.shape_cast %mul3A_565 : vector<16xf32> to vector<1x16xf32>
        tpu.vector_store %arg24[%swap3A_566, %swap3A_567], %swap3A_570 {strides = array<i32>} : memref<32x128xf32, #tpu.memory_space<vmem>>, vector<1x16xf32>,
        %lt3A_571 = arith.constant 0 : i32
        %lt3A_572 = vector.broadcast %lt3A_571 : i32 to vector<16xi32>
        %lt3A_573 = arith.cmpi slt, %broadcast_in_dim3A_51, %lt3A_572 : vector<16xi32>
        %add3A_574 = arith.constant 16 : i32
        %add3A_575 = vector.broadcast %add3A_574 : i32 to vector<16xi32>
        %add3A_576 = arith.addi %broadcast_in_dim3A_51, %add3A_575 : vector<16xi32>
        %select_n3A_577 = arith.select %lt3A_573, %add3A_576, %broadcast_in_dim3A_51 : vector<16xi1>, vector<16xi32>
        %broadcast_in_dim3A_578 = vector.shape_cast %select_n3A_577 : vector<16xi32> to vector<16x1xi32>
        %gather3A_579 = vector.shape_cast %broadcast_in_dim3A_578 : vector<16x1xi32> to vector<16xi32>
        %gather3A_580 = tpu.dynamic_gather %get3A_283[%gather3A_579] in [0] : vector<16xf32>, vector<16xi32> -> vector<16xf32>
        %get3A_581 = arith.index_cast %add3A_450 : i32 to index
        %get3A_582 = arith.constant 224 : index
        %get3A_583 = tpu.vector_load %arg20[%get3A_581, %get3A_582] {strides = array<i32>} : memref<32x256xf32, #tpu.memory_space<vmem>>, vector<1x16xf32>,
        %get3A_584 = vector.shape_cast %get3A_583 : vector<1x16xf32> to vector<16xf32>
        %mul3A_585 = arith.mulf %gather3A_580, %get3A_584 : vector<16xf32>
        %swap3A_586 = arith.index_cast %add3A_450 : i32 to index
        %swap3A_587 = arith.constant 96 : index
        %swap3A_588 = tpu.vector_load %arg24[%swap3A_586, %swap3A_587] {strides = array<i32>} : memref<32x128xf32, #tpu.memory_space<vmem>>, vector<1x16xf32>,
        %swap3A_589 = vector.shape_cast %swap3A_588 : vector<1x16xf32> to vector<16xf32>
        %swap3A_590 = vector.shape_cast %mul3A_585 : vector<16xf32> to vector<1x16xf32>
        tpu.vector_store %arg24[%swap3A_586, %swap3A_587], %swap3A_590 {strides = array<i32>} : memref<32x128xf32, #tpu.memory_space<vmem>>, vector<1x16xf32>,
        %lt3A_591 = arith.constant 0 : i32
        %lt3A_592 = vector.broadcast %lt3A_591 : i32 to vector<16xi32>
        %lt3A_593 = arith.cmpi slt, %broadcast_in_dim3A_53, %lt3A_592 : vector<16xi32>
        %add3A_594 = arith.constant 16 : i32
        %add3A_595 = vector.broadcast %add3A_594 : i32 to vector<16xi32>
        %add3A_596 = arith.addi %broadcast_in_dim3A_53, %add3A_595 : vector<16xi32>
        %select_n3A_597 = arith.select %lt3A_593, %add3A_596, %broadcast_in_dim3A_53 : vector<16xi1>, vector<16xi32>
        %broadcast_in_dim3A_598 = vector.shape_cast %select_n3A_597 : vector<16xi32> to vector<16x1xi32>
        %gather3A_599 = vector.shape_cast %broadcast_in_dim3A_598 : vector<16x1xi32> to vector<16xi32>
        %gather3A_600 = tpu.dynamic_gather %get3A_283[%gather3A_599] in [0] : vector<16xf32>, vector<16xi32> -> vector<16xf32>
        %get3A_601 = arith.index_cast %add3A_450 : i32 to index
        %get3A_602 = arith.constant 240 : index
        %get3A_603 = tpu.vector_load %arg20[%get3A_601, %get3A_602] {strides = array<i32>} : memref<32x256xf32, #tpu.memory_space<vmem>>, vector<1x16xf32>,
        %get3A_604 = vector.shape_cast %get3A_603 : vector<1x16xf32> to vector<16xf32>
        %mul3A_605 = arith.mulf %gather3A_600, %get3A_604 : vector<16xf32>
        %swap3A_606 = arith.index_cast %add3A_450 : i32 to index
        %swap3A_607 = arith.constant 112 : index
        %swap3A_608 = tpu.vector_load %arg24[%swap3A_606, %swap3A_607] {strides = array<i32>} : memref<32x128xf32, #tpu.memory_space<vmem>>, vector<1x16xf32>,
        %swap3A_609 = vector.shape_cast %swap3A_608 : vector<1x16xf32> to vector<16xf32>
        %swap3A_610 = vector.shape_cast %mul3A_605 : vector<16xf32> to vector<1x16xf32>
        tpu.vector_store %arg24[%swap3A_606, %swap3A_607], %swap3A_610 {strides = array<i32>} : memref<32x128xf32, #tpu.memory_space<vmem>>, vector<1x16xf32>,
        %scan3A_611 = arith.constant 0 : i32
        scf.yield %scan3A_611 : i32
      }
      %scan3A_168 = arith.constant 16 : i32
      %dma_start3A_169 = arith.constant 0 : i32
      %dma_start3A_170 = arith.constant 0 : i32
      %dma_start3A_171 = tpu.memref_slice %arg33[%dma_start3A_169, %dma_start3A_170] : memref<10112x128xf32, #tpu.memory_space<vmem_shared>> -> memref<10112x128xf32, #tpu.memory_space<vmem_shared>>
      tpu.enqueue_indirect_dma source(%arg24 : memref<32x128xf32, #tpu.memory_space<vmem>>) target(%dma_start3A_171 : memref<10112x128xf32, #tpu.memory_space<vmem_shared>>) offsets(%arg16 : memref<32xi32, #tpu.memory_space<vmem>>) semaphore(%arg39 : memref<!tpu.dma_semaphore, #tpu.memory_space<semaphore_mem>>) {add = true}
      %dma_start3A_172 = arith.constant 0 : i32
      %dma_start3A_173 = tpu.memref_slice %arg27[%dma_start3A_172] : memref<256xf32, #tpu.memory_space<vmem>> -> memref<128xf32, #tpu.memory_space<vmem>>
      %dma_start3A_174 = arith.constant 0 : i32
      %dma_start3A_175 = tpu.memref_slice %arg34[%dma_start3A_174] : memref<81920xf32, #tpu.memory_space<vmem_shared>> -> memref<81920xf32, #tpu.memory_space<vmem_shared>>
      tpu.enqueue_indirect_dma source(%dma_start3A_173 : memref<128xf32, #tpu.memory_space<vmem>>) target(%dma_start3A_175 : memref<81920xf32, #tpu.memory_space<vmem_shared>>) offsets(%arg29 : memref<128xi32, #tpu.memory_space<vmem>>) semaphore(%arg39 : memref<!tpu.dma_semaphore, #tpu.memory_space<semaphore_mem>>) {add = true}
      %dma_start3A_176 = arith.constant 128 : i32
      %dma_start3A_177 = tpu.memref_slice %arg27[%dma_start3A_176] : memref<256xf32, #tpu.memory_space<vmem>> -> memref<128xf32, #tpu.memory_space<vmem>>
      %dma_start3A_178 = arith.constant 0 : i32
      %dma_start3A_179 = tpu.memref_slice %arg34[%dma_start3A_178] : memref<81920xf32, #tpu.memory_space<vmem_shared>> -> memref<81920xf32, #tpu.memory_space<vmem_shared>>
      tpu.enqueue_indirect_dma source(%dma_start3A_177 : memref<128xf32, #tpu.memory_space<vmem>>) target(%dma_start3A_179 : memref<81920xf32, #tpu.memory_space<vmem_shared>>) offsets(%arg30 : memref<128xi32, #tpu.memory_space<vmem>>) semaphore(%arg39 : memref<!tpu.dma_semaphore, #tpu.memory_space<semaphore_mem>>) {add = true}
      %ge3A_180 = arith.constant 1 : i32
      %ge3A_181 = arith.cmpi sge, %add3A_116, %ge3A_180 : i32
      %convert_element_type3A = arith.extui %ge3A_181 : i1 to i32
      %cond3A = arith.constant 0 : i32
      %cond3A_182 = arith.cmpi ne, %convert_element_type3A, %cond3A : i32
      scf.if %cond3A_182 {
        %dma_wait3A_277 = arith.constant 0 : i32
        %dma_wait3A_278 = arith.constant 0 : i32
        %dma_wait3A_279 = tpu.memref_slice %arg33[%dma_wait3A_277, %dma_wait3A_278] : memref<10112x128xf32, #tpu.memory_space<vmem_shared>> -> memref<10112x128xf32, #tpu.memory_space<vmem_shared>>
        tpu.wait_indirect_dma semaphore(%arg40 : memref<!tpu.dma_semaphore, #tpu.memory_space<semaphore_mem>>) src(%arg25 : memref<32x128xf32, #tpu.memory_space<vmem>>) dst(%dma_wait3A_279 : memref<10112x128xf32, #tpu.memory_space<vmem_shared>>)
        %dma_wait3A_280 = arith.constant 0 : i32
        %dma_wait3A_281 = tpu.memref_slice %arg28[%dma_wait3A_280] : memref<256xf32, #tpu.memory_space<vmem>> -> memref<128xf32, #tpu.memory_space<vmem>>
        %dma_wait3A_282 = arith.constant 0 : i32
        %dma_wait3A_283 = tpu.memref_slice %arg34[%dma_wait3A_282] : memref<81920xf32, #tpu.memory_space<vmem_shared>> -> memref<81920xf32, #tpu.memory_space<vmem_shared>>
        tpu.wait_indirect_dma semaphore(%arg40 : memref<!tpu.dma_semaphore, #tpu.memory_space<semaphore_mem>>) src(%dma_wait3A_281 : memref<128xf32, #tpu.memory_space<vmem>>) dst(%dma_wait3A_283 : memref<81920xf32, #tpu.memory_space<vmem_shared>>)
        %dma_wait3A_284 = arith.constant 128 : i32
        %dma_wait3A_285 = tpu.memref_slice %arg28[%dma_wait3A_284] : memref<256xf32, #tpu.memory_space<vmem>> -> memref<128xf32, #tpu.memory_space<vmem>>
        %dma_wait3A_286 = arith.constant 0 : i32
        %dma_wait3A_287 = tpu.memref_slice %arg34[%dma_wait3A_286] : memref<81920xf32, #tpu.memory_space<vmem_shared>> -> memref<81920xf32, #tpu.memory_space<vmem_shared>>
        tpu.wait_indirect_dma semaphore(%arg40 : memref<!tpu.dma_semaphore, #tpu.memory_space<semaphore_mem>>) src(%dma_wait3A_285 : memref<128xf32, #tpu.memory_space<vmem>>) dst(%dma_wait3A_287 : memref<81920xf32, #tpu.memory_space<vmem_shared>>)
      } else {
      }
      %lt3A = arith.constant 313 : i32
      %lt3A_183 = arith.cmpi slt, %add3A_116, %lt3A : i32
      %convert_element_type3A_184 = arith.extui %lt3A_183 : i1 to i32
      %cond3A_185 = arith.constant 0 : i32
      %cond3A_186 = arith.cmpi ne, %convert_element_type3A_184, %cond3A_185 : i32
      scf.if %cond3A_186 {
        %dma_wait3A_277 = arith.constant 0 : i32
        %dma_wait3A_278 = tpu.memref_slice %arg5[%dma_wait3A_277] : memref<321536xi32, #tpu.memory_space<hbm>> -> memref<32xi32, #tpu.memory_space<hbm>>
        %dma_wait3A_279 = arith.constant 0 : i32
        %dma_wait3A_280 = tpu.memref_slice %arg5[%dma_wait3A_279] : memref<321536xi32, #tpu.memory_space<hbm>> -> memref<32xi32, #tpu.memory_space<hbm>>
        tpu.wait_dma2 semaphore(%arg36 : memref<!tpu.dma_semaphore, #tpu.memory_space<semaphore_mem>>) src(%dma_wait3A_280 : memref<32xi32, #tpu.memory_space<hbm>>) dst(%arg13 : memref<32xi32, #tpu.memory_space<vmem>>)
        %dma_wait3A_281 = arith.constant 0 : i32
        %dma_wait3A_282 = tpu.memref_slice %arg6[%dma_wait3A_281] : memref<321536xi32, #tpu.memory_space<hbm>> -> memref<32xi32, #tpu.memory_space<hbm>>
        %dma_wait3A_283 = arith.constant 0 : i32
        %dma_wait3A_284 = tpu.memref_slice %arg6[%dma_wait3A_283] : memref<321536xi32, #tpu.memory_space<hbm>> -> memref<32xi32, #tpu.memory_space<hbm>>
        tpu.wait_dma2 semaphore(%arg36 : memref<!tpu.dma_semaphore, #tpu.memory_space<semaphore_mem>>) src(%dma_wait3A_284 : memref<32xi32, #tpu.memory_space<hbm>>) dst(%arg15 : memref<32xi32, #tpu.memory_space<vmem>>)
        %add3A_285 = arith.constant 1 : i32
        %add3A_286 = arith.addi %add3A_116, %add3A_285 : i32
        %mul3A_287 = arith.constant 10048 : i32
        %mul3A_288 = arith.muli %add3A, %mul3A_287 : i32
        %mul3A_289 = arith.constant 32 : i32
        %mul3A_290 = arith.muli %add3A_286, %mul3A_289 : i32
        %add3A_291 = arith.addi %mul3A_288, %mul3A_290 : i32
        %dma_start3A_292 = arith.constant 0 : i32
        %dma_start3A_293 = arith.constant 0 : i32
        %dma_start3A_294 = tpu.memref_slice %arg2[%dma_start3A_292, %dma_start3A_293] : memref<10000x128xf32, #tpu.memory_space<hbm>> -> memref<10000x128xf32, #tpu.memory_space<hbm>>
        tpu.enqueue_indirect_dma source(%dma_start3A_294 : memref<10000x128xf32, #tpu.memory_space<hbm>>) target(%arg19 : memref<32x128xf32, #tpu.memory_space<vmem>>) offsets(%arg15 : memref<32xi32, #tpu.memory_space<vmem>>) semaphore(%arg38 : memref<!tpu.dma_semaphore, #tpu.memory_space<semaphore_mem>>)
        %dma_start3A_295 = arith.constant 0 : i32
        %dma_start3A_296 = arith.constant 0 : i32
        %dma_start3A_297 = tpu.memref_slice %arg3[%dma_start3A_295, %dma_start3A_296] : memref<10000x256xf32, #tpu.memory_space<hbm>> -> memref<10000x256xf32, #tpu.memory_space<hbm>>
        tpu.enqueue_indirect_dma source(%dma_start3A_297 : memref<10000x256xf32, #tpu.memory_space<hbm>>) target(%arg21 : memref<32x256xf32, #tpu.memory_space<vmem>>) offsets(%arg13 : memref<32xi32, #tpu.memory_space<vmem>>) semaphore(%arg38 : memref<!tpu.dma_semaphore, #tpu.memory_space<semaphore_mem>>)
        %dma_start3A_298 = arith.constant 0 : i32
        %dma_start3A_299 = tpu.memref_slice %arg4[%add3A_291, %dma_start3A_298] : memref<321536x128xf32, #tpu.memory_space<hbm>> -> memref<32x128xf32, #tpu.memory_space<hbm>>
        %dma_start3A_300 = arith.constant 0 : i32
        %dma_start3A_301 = tpu.memref_slice %arg4[%add3A_291, %dma_start3A_300] : memref<321536x128xf32, #tpu.memory_space<hbm>> -> memref<32x128xf32, #tpu.memory_space<hbm>>
        tpu.enqueue_dma source(%dma_start3A_301 : memref<32x128xf32, #tpu.memory_space<hbm>>) target(%arg23 : memref<32x128xf32, #tpu.memory_space<vmem>>) target_semaphore(%arg38 : memref<!tpu.dma_semaphore, #tpu.memory_space<semaphore_mem>>)
      } else {
      }
      %lt3A_187 = arith.constant 312 : i32
      %lt3A_188 = arith.cmpi slt, %add3A_116, %lt3A_187 : i32
      %convert_element_type3A_189 = arith.extui %lt3A_188 : i1 to i32
      %cond3A_190 = arith.constant 0 : i32
      %cond3A_191 = arith.cmpi ne, %convert_element_type3A_189, %cond3A_190 : i32
      scf.if %cond3A_191 {
        %add3A_277 = arith.constant 2 : i32
        %add3A_278 = arith.addi %add3A_116, %add3A_277 : i32
        %mul3A_279 = arith.constant 10048 : i32
        %mul3A_280 = arith.muli %add3A, %mul3A_279 : i32
        %mul3A_281 = arith.constant 32 : i32
        %mul3A_282 = arith.muli %add3A_278, %mul3A_281 : i32
        %add3A_283 = arith.addi %mul3A_280, %mul3A_282 : i32
        %dma_start3A_284 = tpu.memref_slice %arg5[%add3A_283] : memref<321536xi32, #tpu.memory_space<hbm>> -> memref<32xi32, #tpu.memory_space<hbm>>
        %dma_start3A_285 = tpu.memref_slice %arg5[%add3A_283] : memref<321536xi32, #tpu.memory_space<hbm>> -> memref<32xi32, #tpu.memory_space<hbm>>
        tpu.enqueue_dma source(%dma_start3A_285 : memref<32xi32, #tpu.memory_space<hbm>>) target(%arg12 : memref<32xi32, #tpu.memory_space<vmem>>) target_semaphore(%arg35 : memref<!tpu.dma_semaphore, #tpu.memory_space<semaphore_mem>>)
        %dma_start3A_286 = tpu.memref_slice %arg6[%add3A_283] : memref<321536xi32, #tpu.memory_space<hbm>> -> memref<32xi32, #tpu.memory_space<hbm>>
        %dma_start3A_287 = tpu.memref_slice %arg6[%add3A_283] : memref<321536xi32, #tpu.memory_space<hbm>> -> memref<32xi32, #tpu.memory_space<hbm>>
        tpu.enqueue_dma source(%dma_start3A_287 : memref<32xi32, #tpu.memory_space<hbm>>) target(%arg14 : memref<32xi32, #tpu.memory_space<vmem>>) target_semaphore(%arg35 : memref<!tpu.dma_semaphore, #tpu.memory_space<semaphore_mem>>)
      } else {
      }
      %mul3A_192 = arith.constant 2 : i32
      %mul3A_193 = arith.muli %mul3A_192, %scan3A_111 : i32
      %add3A_194 = arith.constant 1 : i32
      %add3A_195 = arith.addi %mul3A_193, %add3A_194 : i32
      %dma_wait3A_196 = arith.constant 0 : i32
      %dma_wait3A_197 = arith.constant 0 : i32
      %dma_wait3A_198 = tpu.memref_slice %arg2[%dma_wait3A_196, %dma_wait3A_197] : memref<10000x128xf32, #tpu.memory_space<hbm>> -> memref<10000x128xf32, #tpu.memory_space<hbm>>
      tpu.wait_indirect_dma semaphore(%arg38 : memref<!tpu.dma_semaphore, #tpu.memory_space<semaphore_mem>>) src(%dma_wait3A_198 : memref<10000x128xf32, #tpu.memory_space<hbm>>) dst(%arg19 : memref<32x128xf32, #tpu.memory_space<vmem>>)
      %dma_wait3A_199 = arith.constant 0 : i32
      %dma_wait3A_200 = arith.constant 0 : i32
      %dma_wait3A_201 = tpu.memref_slice %arg3[%dma_wait3A_199, %dma_wait3A_200] : memref<10000x256xf32, #tpu.memory_space<hbm>> -> memref<10000x256xf32, #tpu.memory_space<hbm>>
      tpu.wait_indirect_dma semaphore(%arg38 : memref<!tpu.dma_semaphore, #tpu.memory_space<semaphore_mem>>) src(%dma_wait3A_201 : memref<10000x256xf32, #tpu.memory_space<hbm>>) dst(%arg21 : memref<32x256xf32, #tpu.memory_space<vmem>>)
      %dma_wait3A_202 = arith.constant 0 : i32
      %dma_wait3A_203 = arith.constant 0 : i32
      %dma_wait3A_204 = tpu.memref_slice %arg4[%dma_wait3A_202, %dma_wait3A_203] : memref<321536x128xf32, #tpu.memory_space<hbm>> -> memref<32x128xf32, #tpu.memory_space<hbm>>
      %dma_wait3A_205 = arith.constant 0 : i32
      %dma_wait3A_206 = arith.constant 0 : i32
      %dma_wait3A_207 = tpu.memref_slice %arg4[%dma_wait3A_205, %dma_wait3A_206] : memref<321536x128xf32, #tpu.memory_space<hbm>> -> memref<32x128xf32, #tpu.memory_space<hbm>>
      tpu.wait_dma2 semaphore(%arg38 : memref<!tpu.dma_semaphore, #tpu.memory_space<semaphore_mem>>) src(%dma_wait3A_207 : memref<32x128xf32, #tpu.memory_space<hbm>>) dst(%arg23 : memref<32x128xf32, #tpu.memory_space<vmem>>)
      %get3A_208 = arith.constant 0 : index
      %get3A_209 = tpu.vector_load %arg15[%get3A_208] {strides = array<i32>} : memref<32xi32, #tpu.memory_space<vmem>>, vector<16xi32>,
      %get3A_210 = vector.shape_cast %get3A_209 : vector<16xi32> to vector<16xi32>
      %swap3A_211 = arith.constant 0 : index
      %swap3A_212 = tpu.vector_load %arg17[%swap3A_211] {strides = array<i32>} : memref<32xi32, #tpu.memory_space<vmem>>, vector<16xi32>,
      %swap3A_213 = vector.shape_cast %swap3A_212 : vector<16xi32> to vector<16xi32>
      %swap3A_214 = vector.shape_cast %get3A_210 : vector<16xi32> to vector<16xi32>
      tpu.vector_store %arg17[%swap3A_211], %swap3A_214 {strides = array<i32>} : memref<32xi32, #tpu.memory_space<vmem>>, vector<16xi32>,
      %get3A_215 = arith.constant 16 : index
      %get3A_216 = tpu.vector_load %arg15[%get3A_215] {strides = array<i32>} : memref<32xi32, #tpu.memory_space<vmem>>, vector<16xi32>,
      %get3A_217 = vector.shape_cast %get3A_216 : vector<16xi32> to vector<16xi32>
      %swap3A_218 = arith.constant 16 : index
      %swap3A_219 = tpu.vector_load %arg17[%swap3A_218] {strides = array<i32>} : memref<32xi32, #tpu.memory_space<vmem>>, vector<16xi32>,
      %swap3A_220 = vector.shape_cast %swap3A_219 : vector<16xi32> to vector<16xi32>
      %swap3A_221 = vector.shape_cast %get3A_217 : vector<16xi32> to vector<16xi32>
      tpu.vector_store %arg17[%swap3A_218], %swap3A_221 {strides = array<i32>} : memref<32xi32, #tpu.memory_space<vmem>>, vector<16xi32>,
      %scan3A_222 = arith.constant 0 : i32
      %scan3A_223 = arith.constant 0 : i32
      %scan3A_224 = arith.constant 8 : i32
      %scan3A_225 = arith.addi %scan3A_223, %scan3A_224 : i32
      %scan3A_226 = arith.constant 1 : i32
      %scan3A_227 = scf.for %scan3A_277 = %scan3A_223 to %scan3A_225 step %scan3A_226 iter_args(%scan3A_278 = %scan3A_222) -> (i32)  : i32 {
        %jit3A_279 = arith.constant 8 : i32
        %div3A = arith.divsi %scan3A_277, %jit3A_279 : i32
        %sign3A = arith.constant 0 : i32
        %sign3A_280 = arith.cmpi sgt, %scan3A_277, %sign3A : i32
        %sign3A_281 = arith.extui %sign3A_280 : i1 to i32
        %sign3A_282 = arith.constant 0 : i32
        %sign3A_283 = arith.cmpi slt, %scan3A_277, %sign3A_282 : i32
        %sign3A_284 = arith.extui %sign3A_283 : i1 to i32
        %sign3A_285 = arith.subi %sign3A_281, %sign3A_284 : i32
        %sign3A_286 = arith.constant 0 : i32
        %sign3A_287 = arith.cmpi sgt, %jit3A_279, %sign3A_286 : i32
        %sign3A_288 = arith.extui %sign3A_287 : i1 to i32
        %sign3A_289 = arith.constant 0 : i32
        %sign3A_290 = arith.cmpi slt, %jit3A_279, %sign3A_289 : i32
        %sign3A_291 = arith.extui %sign3A_290 : i1 to i32
        %sign3A_292 = arith.subi %sign3A_288, %sign3A_291 : i32
        %ne3A = arith.cmpi ne, %sign3A_285, %sign3A_292 : i32
        %rem3A = arith.remsi %scan3A_277, %jit3A_279 : i32
        %ne3A_293 = arith.constant 0 : i32
        %ne3A_294 = arith.cmpi ne, %rem3A, %ne3A_293 : i32
        %and3A_295 = arith.andi %ne3A, %ne3A_294 : i1
        %sub3A = arith.constant 1 : i32
        %sub3A_296 = arith.subi %div3A, %sub3A : i32
        %select_n3A_297 = arith.select %and3A_295, %sub3A_296, %div3A : i32
        %mul3A_298 = arith.constant 16 : i32
        %mul3A_299 = arith.muli %select_n3A_297, %mul3A_298 : i32
        %get3A_300 = arith.index_cast %mul3A_299 : i32 to index
        %get3A_301 = tpu.vector_load %arg15[%get3A_300] {strides = array<i32>} : memref<32xi32, #tpu.memory_space<vmem>>, vector<16xi32>,
        %get3A_302 = vector.shape_cast %get3A_301 : vector<16xi32> to vector<16xi32>
        %jit3A_303 = arith.constant 8 : i32
        %eq3A = arith.constant 0 : i32
        %eq3A_304 = arith.cmpi eq, %jit3A_303, %eq3A : i32
        %jit3A_305 = arith.constant 1 : i32
        %select_n3A_306 = arith.select %eq3A_304, %jit3A_305, %jit3A_303 : i32
        %rem3A_307 = arith.remsi %scan3A_277, %select_n3A_306 : i32
        %ne3A_308 = arith.constant 0 : i32
        %ne3A_309 = arith.cmpi ne, %rem3A_307, %ne3A_308 : i32
        %lt3A_310 = arith.constant 0 : i32
        %lt3A_311 = arith.cmpi slt, %rem3A_307, %lt3A_310 : i32
        %lt3A_312 = arith.constant 0 : i32
        %lt3A_313 = arith.cmpi slt, %select_n3A_306, %lt3A_312 : i32
        %ne3A_314 = arith.xori %lt3A_311, %lt3A_313 : i1
        %and3A_315 = arith.andi %ne3A_314, %ne3A_309 : i1
        %add3A_316 = arith.addi %rem3A_307, %select_n3A_306 : i32
        %select_n3A_317 = arith.select %and3A_315, %add3A_316, %rem3A_307 : i32
        %mul3A_318 = arith.constant 2 : i32
        %mul3A_319 = arith.muli %mul3A_318, %select_n3A_317 : i32
        %add3A_320 = vector.broadcast %mul3A_319 : i32 to vector<16xi32>
        %add3A_321 = arith.addi %add3A_320, %select_n3A : vector<16xi32>
        %lt3A_322 = arith.constant 0 : i32
        %lt3A_323 = vector.broadcast %lt3A_322 : i32 to vector<16xi32>
        %lt3A_324 = arith.cmpi slt, %add3A_321, %lt3A_323 : vector<16xi32>
        %add3A_325 = arith.constant 16 : i32
        %add3A_326 = vector.broadcast %add3A_325 : i32 to vector<16xi32>
        %add3A_327 = arith.addi %add3A_321, %add3A_326 : vector<16xi32>
        %select_n3A_328 = arith.select %lt3A_324, %add3A_327, %add3A_321 : vector<16xi1>, vector<16xi32>
        %broadcast_in_dim3A_329 = vector.shape_cast %select_n3A_328 : vector<16xi32> to vector<16x1xi32>
        %gather3A = vector.shape_cast %broadcast_in_dim3A_329 : vector<16x1xi32> to vector<16xi32>
        %gather3A_330 = tpu.dynamic_gather %get3A_302[%gather3A] in [0] : vector<16xi32>, vector<16xi32> -> vector<16xi32>
        %mul3A_331 = arith.constant 8 : i32
        %mul3A_332 = vector.broadcast %mul3A_331 : i32 to vector<16xi32>
        %mul3A_333 = arith.muli %gather3A_330, %mul3A_332 : vector<16xi32>
        %add3A_334 = arith.addi %mul3A_333, %and3A_21 : vector<16xi32>
        %jit3A_335 = arith.constant 8 : i32
        %eq3A_336 = arith.constant 0 : i32
        %eq3A_337 = arith.cmpi eq, %jit3A_335, %eq3A_336 : i32
        %jit3A_338 = arith.constant 1 : i32
        %select_n3A_339 = arith.select %eq3A_337, %jit3A_338, %jit3A_335 : i32
        %rem3A_340 = arith.remsi %scan3A_277, %select_n3A_339 : i32
        %ne3A_341 = arith.constant 0 : i32
        %ne3A_342 = arith.cmpi ne, %rem3A_340, %ne3A_341 : i32
        %lt3A_343 = arith.constant 0 : i32
        %lt3A_344 = arith.cmpi slt, %rem3A_340, %lt3A_343 : i32
        %lt3A_345 = arith.constant 0 : i32
        %lt3A_346 = arith.cmpi slt, %select_n3A_339, %lt3A_345 : i32
        %ne3A_347 = arith.xori %lt3A_344, %lt3A_346 : i1
        %and3A_348 = arith.andi %ne3A_347, %ne3A_342 : i1
        %add3A_349 = arith.addi %rem3A_340, %select_n3A_339 : i32
        %select_n3A_350 = arith.select %and3A_348, %add3A_349, %rem3A_340 : i32
        %mul3A_351 = arith.constant 16 : i32
        %mul3A_352 = arith.muli %select_n3A_350, %mul3A_351 : i32
        %swap3A_353 = arith.index_cast %mul3A_352 : i32 to index
        %swap3A_354 = tpu.vector_load %arg31[%swap3A_353] {strides = array<i32>} : memref<128xi32, #tpu.memory_space<vmem>>, vector<16xi32>,
        %swap3A_355 = vector.shape_cast %swap3A_354 : vector<16xi32> to vector<16xi32>
        %swap3A_356 = vector.shape_cast %add3A_334 : vector<16xi32> to vector<16xi32>
        tpu.vector_store %arg31[%swap3A_353], %swap3A_356 {strides = array<i32>} : memref<128xi32, #tpu.memory_space<vmem>>, vector<16xi32>,
        %scan3A_357 = arith.constant 0 : i32
        scf.yield %scan3A_357 : i32
      }
      %scan3A_228 = arith.constant 8 : i32
      %scan3A_229 = arith.constant 0 : i32
      %scan3A_230 = arith.constant 8 : i32
      %scan3A_231 = arith.constant 8 : i32
      %scan3A_232 = arith.addi %scan3A_230, %scan3A_231 : i32
      %scan3A_233 = arith.constant 1 : i32
      %scan3A_234 = scf.for %scan3A_277 = %scan3A_230 to %scan3A_232 step %scan3A_233 iter_args(%scan3A_278 = %scan3A_229) -> (i32)  : i32 {
        %jit3A_279 = arith.constant 8 : i32
        %div3A = arith.divsi %scan3A_277, %jit3A_279 : i32
        %sign3A = arith.constant 0 : i32
        %sign3A_280 = arith.cmpi sgt, %scan3A_277, %sign3A : i32
        %sign3A_281 = arith.extui %sign3A_280 : i1 to i32
        %sign3A_282 = arith.constant 0 : i32
        %sign3A_283 = arith.cmpi slt, %scan3A_277, %sign3A_282 : i32
        %sign3A_284 = arith.extui %sign3A_283 : i1 to i32
        %sign3A_285 = arith.subi %sign3A_281, %sign3A_284 : i32
        %sign3A_286 = arith.constant 0 : i32
        %sign3A_287 = arith.cmpi sgt, %jit3A_279, %sign3A_286 : i32
        %sign3A_288 = arith.extui %sign3A_287 : i1 to i32
        %sign3A_289 = arith.constant 0 : i32
        %sign3A_290 = arith.cmpi slt, %jit3A_279, %sign3A_289 : i32
        %sign3A_291 = arith.extui %sign3A_290 : i1 to i32
        %sign3A_292 = arith.subi %sign3A_288, %sign3A_291 : i32
        %ne3A = arith.cmpi ne, %sign3A_285, %sign3A_292 : i32
        %rem3A = arith.remsi %scan3A_277, %jit3A_279 : i32
        %ne3A_293 = arith.constant 0 : i32
        %ne3A_294 = arith.cmpi ne, %rem3A, %ne3A_293 : i32
        %and3A_295 = arith.andi %ne3A, %ne3A_294 : i1
        %sub3A = arith.constant 1 : i32
        %sub3A_296 = arith.subi %div3A, %sub3A : i32
        %select_n3A_297 = arith.select %and3A_295, %sub3A_296, %div3A : i32
        %mul3A_298 = arith.constant 16 : i32
        %mul3A_299 = arith.muli %select_n3A_297, %mul3A_298 : i32
        %get3A_300 = arith.index_cast %mul3A_299 : i32 to index
        %get3A_301 = tpu.vector_load %arg15[%get3A_300] {strides = array<i32>} : memref<32xi32, #tpu.memory_space<vmem>>, vector<16xi32>,
        %get3A_302 = vector.shape_cast %get3A_301 : vector<16xi32> to vector<16xi32>
        %jit3A_303 = arith.constant 8 : i32
        %eq3A = arith.constant 0 : i32
        %eq3A_304 = arith.cmpi eq, %jit3A_303, %eq3A : i32
        %jit3A_305 = arith.constant 1 : i32
        %select_n3A_306 = arith.select %eq3A_304, %jit3A_305, %jit3A_303 : i32
        %rem3A_307 = arith.remsi %scan3A_277, %select_n3A_306 : i32
        %ne3A_308 = arith.constant 0 : i32
        %ne3A_309 = arith.cmpi ne, %rem3A_307, %ne3A_308 : i32
        %lt3A_310 = arith.constant 0 : i32
        %lt3A_311 = arith.cmpi slt, %rem3A_307, %lt3A_310 : i32
        %lt3A_312 = arith.constant 0 : i32
        %lt3A_313 = arith.cmpi slt, %select_n3A_306, %lt3A_312 : i32
        %ne3A_314 = arith.xori %lt3A_311, %lt3A_313 : i1
        %and3A_315 = arith.andi %ne3A_314, %ne3A_309 : i1
        %add3A_316 = arith.addi %rem3A_307, %select_n3A_306 : i32
        %select_n3A_317 = arith.select %and3A_315, %add3A_316, %rem3A_307 : i32
        %mul3A_318 = arith.constant 2 : i32
        %mul3A_319 = arith.muli %mul3A_318, %select_n3A_317 : i32
        %add3A_320 = vector.broadcast %mul3A_319 : i32 to vector<16xi32>
        %add3A_321 = arith.addi %add3A_320, %select_n3A : vector<16xi32>
        %lt3A_322 = arith.constant 0 : i32
        %lt3A_323 = vector.broadcast %lt3A_322 : i32 to vector<16xi32>
        %lt3A_324 = arith.cmpi slt, %add3A_321, %lt3A_323 : vector<16xi32>
        %add3A_325 = arith.constant 16 : i32
        %add3A_326 = vector.broadcast %add3A_325 : i32 to vector<16xi32>
        %add3A_327 = arith.addi %add3A_321, %add3A_326 : vector<16xi32>
        %select_n3A_328 = arith.select %lt3A_324, %add3A_327, %add3A_321 : vector<16xi1>, vector<16xi32>
        %broadcast_in_dim3A_329 = vector.shape_cast %select_n3A_328 : vector<16xi32> to vector<16x1xi32>
        %gather3A = vector.shape_cast %broadcast_in_dim3A_329 : vector<16x1xi32> to vector<16xi32>
        %gather3A_330 = tpu.dynamic_gather %get3A_302[%gather3A] in [0] : vector<16xi32>, vector<16xi32> -> vector<16xi32>
        %mul3A_331 = arith.constant 8 : i32
        %mul3A_332 = vector.broadcast %mul3A_331 : i32 to vector<16xi32>
        %mul3A_333 = arith.muli %gather3A_330, %mul3A_332 : vector<16xi32>
        %add3A_334 = arith.addi %mul3A_333, %and3A_21 : vector<16xi32>
        %jit3A_335 = arith.constant 8 : i32
        %eq3A_336 = arith.constant 0 : i32
        %eq3A_337 = arith.cmpi eq, %jit3A_335, %eq3A_336 : i32
        %jit3A_338 = arith.constant 1 : i32
        %select_n3A_339 = arith.select %eq3A_337, %jit3A_338, %jit3A_335 : i32
        %rem3A_340 = arith.remsi %scan3A_277, %select_n3A_339 : i32
        %ne3A_341 = arith.constant 0 : i32
        %ne3A_342 = arith.cmpi ne, %rem3A_340, %ne3A_341 : i32
        %lt3A_343 = arith.constant 0 : i32
        %lt3A_344 = arith.cmpi slt, %rem3A_340, %lt3A_343 : i32
        %lt3A_345 = arith.constant 0 : i32
        %lt3A_346 = arith.cmpi slt, %select_n3A_339, %lt3A_345 : i32
        %ne3A_347 = arith.xori %lt3A_344, %lt3A_346 : i1
        %and3A_348 = arith.andi %ne3A_347, %ne3A_342 : i1
        %add3A_349 = arith.addi %rem3A_340, %select_n3A_339 : i32
        %select_n3A_350 = arith.select %and3A_348, %add3A_349, %rem3A_340 : i32
        %mul3A_351 = arith.constant 16 : i32
        %mul3A_352 = arith.muli %select_n3A_350, %mul3A_351 : i32
        %swap3A_353 = arith.index_cast %mul3A_352 : i32 to index
        %swap3A_354 = tpu.vector_load %arg32[%swap3A_353] {strides = array<i32>} : memref<128xi32, #tpu.memory_space<vmem>>, vector<16xi32>,
        %swap3A_355 = vector.shape_cast %swap3A_354 : vector<16xi32> to vector<16xi32>
        %swap3A_356 = vector.shape_cast %add3A_334 : vector<16xi32> to vector<16xi32>
        tpu.vector_store %arg32[%swap3A_353], %swap3A_356 {strides = array<i32>} : memref<128xi32, #tpu.memory_space<vmem>>, vector<16xi32>,
        %scan3A_357 = arith.constant 0 : i32
        scf.yield %scan3A_357 : i32
      }
      %scan3A_235 = arith.constant 8 : i32
      %scan3A_236 = arith.constant 0 : i32
      %scan3A_237 = arith.constant 0 : i32
      %scan3A_238 = arith.constant 16 : i32
      %scan3A_239 = arith.addi %scan3A_237, %scan3A_238 : i32
      %scan3A_240 = arith.constant 1 : i32
      %scan3A_241 = scf.for %scan3A_277 = %scan3A_237 to %scan3A_239 step %scan3A_240 iter_args(%scan3A_278 = %scan3A_236) -> (i32)  : i32 {
        %broadcast_in_dim3A_279 = arith.constant 0.000000e+00 : f32
        %broadcast_in_dim3A_280 = vector.broadcast %broadcast_in_dim3A_279 : f32 to vector<16xf32>
        %mul3A_281 = arith.constant 2 : i32
        %mul3A_282 = arith.muli %scan3A_277, %mul3A_281 : i32
        %add3A_283 = arith.constant 0 : i32
        %add3A_284 = arith.addi %mul3A_282, %add3A_283 : i32
        %get3A_285 = arith.index_cast %add3A_284 : i32 to index
        %get3A_286 = arith.constant 0 : index
        %get3A_287 = tpu.vector_load %arg19[%get3A_285, %get3A_286] {strides = array<i32>} : memref<32x128xf32, #tpu.memory_space<vmem>>, vector<1x16xf32>,
        %get3A_288 = vector.shape_cast %get3A_287 : vector<1x16xf32> to vector<16xf32>
        %get3A_289 = arith.index_cast %add3A_284 : i32 to index
        %get3A_290 = arith.constant 0 : index
        %get3A_291 = tpu.vector_load %arg21[%get3A_289, %get3A_290] {strides = array<i32>} : memref<32x256xf32, #tpu.memory_space<vmem>>, vector<1x16xf32>,
        %get3A_292 = vector.shape_cast %get3A_291 : vector<1x16xf32> to vector<16xf32>
        %add3A_293 = arith.addf %get3A_288, %get3A_292 : vector<16xf32>
        %get3A_294 = arith.index_cast %add3A_284 : i32 to index
        %get3A_295 = arith.constant 0 : index
        %get3A_296 = tpu.vector_load %arg23[%get3A_294, %get3A_295] {strides = array<i32>} : memref<32x128xf32, #tpu.memory_space<vmem>>, vector<1x16xf32>,
        %get3A_297 = vector.shape_cast %get3A_296 : vector<1x16xf32> to vector<16xf32>
        %add3A_298 = arith.addf %add3A_293, %get3A_297 : vector<16xf32>
        %ge3A_299 = arith.constant 0.000000e+00 : f32
        %ge3A_300 = vector.broadcast %ge3A_299 : f32 to vector<16xf32>
        %ge3A_301 = arith.cmpf oge, %add3A_298, %ge3A_300 : vector<16xf32>
        %mul3A_302 = arith.constant 0.00999999977 : f32
        %mul3A_303 = vector.broadcast %mul3A_302 : f32 to vector<16xf32>
        %mul3A_304 = arith.mulf %mul3A_303, %add3A_298 : vector<16xf32>
        %select_n3A_305 = arith.select %ge3A_301, %add3A_298, %mul3A_304 : vector<16xi1>, vector<16xf32>
        %get3A_306 = arith.constant 0 : i32
        %get3A_307 = arith.index_cast %get3A_306 : i32 to index
        %get3A_308 = arith.constant 0 : index
        %get3A_309 = tpu.vector_load %arg26[%get3A_307, %get3A_308] {strides = array<i32>} : memref<8x16xf32, #tpu.memory_space<vmem>>, vector<1x16xf32>,
        %get3A_310 = vector.shape_cast %get3A_309 : vector<1x16xf32> to vector<16xf32>
        %mul3A_311 = arith.mulf %get3A_310, %select_n3A_305 : vector<16xf32>
        %lt3A_312 = arith.constant 0 : i32
        %lt3A_313 = vector.broadcast %lt3A_312 : i32 to vector<16xi32>
        %lt3A_314 = arith.cmpi slt, %xor3A_6, %lt3A_313 : vector<16xi32>
        %add3A_315 = arith.constant 16 : i32
        %add3A_316 = vector.broadcast %add3A_315 : i32 to vector<16xi32>
        %add3A_317 = arith.addi %xor3A_6, %add3A_316 : vector<16xi32>
        %select_n3A_318 = arith.select %lt3A_314, %add3A_317, %xor3A_6 : vector<16xi1>, vector<16xi32>
        %broadcast_in_dim3A_319 = vector.shape_cast %select_n3A_318 : vector<16xi32> to vector<16x1xi32>
        %gather3A = vector.shape_cast %broadcast_in_dim3A_319 : vector<16x1xi32> to vector<16xi32>
        %gather3A_320 = tpu.dynamic_gather %mul3A_311[%gather3A] in [0] : vector<16xf32>, vector<16xi32> -> vector<16xf32>
        %add3A_321 = arith.addf %mul3A_311, %gather3A_320 : vector<16xf32>
        %lt3A_322 = arith.constant 0 : i32
        %lt3A_323 = vector.broadcast %lt3A_322 : i32 to vector<16xi32>
        %lt3A_324 = arith.cmpi slt, %xor3A_9, %lt3A_323 : vector<16xi32>
        %add3A_325 = arith.constant 16 : i32
        %add3A_326 = vector.broadcast %add3A_325 : i32 to vector<16xi32>
        %add3A_327 = arith.addi %xor3A_9, %add3A_326 : vector<16xi32>
        %select_n3A_328 = arith.select %lt3A_324, %add3A_327, %xor3A_9 : vector<16xi1>, vector<16xi32>
        %broadcast_in_dim3A_329 = vector.shape_cast %select_n3A_328 : vector<16xi32> to vector<16x1xi32>
        %gather3A_330 = vector.shape_cast %broadcast_in_dim3A_329 : vector<16x1xi32> to vector<16xi32>
        %gather3A_331 = tpu.dynamic_gather %add3A_321[%gather3A_330] in [0] : vector<16xf32>, vector<16xi32> -> vector<16xf32>
        %add3A_332 = arith.addf %add3A_321, %gather3A_331 : vector<16xf32>
        %lt3A_333 = arith.constant 0 : i32
        %lt3A_334 = vector.broadcast %lt3A_333 : i32 to vector<16xi32>
        %lt3A_335 = arith.cmpi slt, %xor3A_12, %lt3A_334 : vector<16xi32>
        %add3A_336 = arith.constant 16 : i32
        %add3A_337 = vector.broadcast %add3A_336 : i32 to vector<16xi32>
        %add3A_338 = arith.addi %xor3A_12, %add3A_337 : vector<16xi32>
        %select_n3A_339 = arith.select %lt3A_335, %add3A_338, %xor3A_12 : vector<16xi1>, vector<16xi32>
        %broadcast_in_dim3A_340 = vector.shape_cast %select_n3A_339 : vector<16xi32> to vector<16x1xi32>
        %gather3A_341 = vector.shape_cast %broadcast_in_dim3A_340 : vector<16x1xi32> to vector<16xi32>
        %gather3A_342 = tpu.dynamic_gather %add3A_332[%gather3A_341] in [0] : vector<16xf32>, vector<16xi32> -> vector<16xf32>
        %add3A_343 = arith.addf %add3A_332, %gather3A_342 : vector<16xf32>
        %lt3A_344 = arith.constant 0 : i32
        %lt3A_345 = vector.broadcast %lt3A_344 : i32 to vector<16xi32>
        %lt3A_346 = arith.cmpi slt, %xor3A_15, %lt3A_345 : vector<16xi32>
        %add3A_347 = arith.constant 16 : i32
        %add3A_348 = vector.broadcast %add3A_347 : i32 to vector<16xi32>
        %add3A_349 = arith.addi %xor3A_15, %add3A_348 : vector<16xi32>
        %select_n3A_350 = arith.select %lt3A_346, %add3A_349, %xor3A_15 : vector<16xi1>, vector<16xi32>
        %broadcast_in_dim3A_351 = vector.shape_cast %select_n3A_350 : vector<16xi32> to vector<16x1xi32>
        %gather3A_352 = vector.shape_cast %broadcast_in_dim3A_351 : vector<16x1xi32> to vector<16xi32>
        %gather3A_353 = tpu.dynamic_gather %add3A_343[%gather3A_352] in [0] : vector<16xf32>, vector<16xi32> -> vector<16xf32>
        %add3A_354 = arith.addf %add3A_343, %gather3A_353 : vector<16xf32>
        %min3A = arith.constant 6.000000e+01 : f32
        %min3A_355 = vector.broadcast %min3A : f32 to vector<16xf32>
        %min3A_356 = arith.minimumf %add3A_354, %min3A_355 : vector<16xf32>
        %exp3A = math.exp %min3A_356 : vector<16xf32>
        %eq3A = arith.constant 0 : i32
        %eq3A_357 = vector.broadcast %eq3A : i32 to vector<16xi32>
        %eq3A_358 = arith.cmpi eq, %iota3A, %eq3A_357 : vector<16xi32>
        %jit3A_359 = arith.constant 0.000000e+00 : f32
        %broadcast_in_dim3A_360 = vector.broadcast %jit3A_359 : f32 to vector<16xf32>
        %select_n3A_361 = arith.select %eq3A_358, %exp3A, %broadcast_in_dim3A_360 : vector<16xi1>, vector<16xf32>
        %add3A_362 = arith.addf %broadcast_in_dim3A_280, %select_n3A_361 : vector<16xf32>
        %get3A_363 = arith.index_cast %add3A_284 : i32 to index
        %get3A_364 = arith.constant 16 : index
        %get3A_365 = tpu.vector_load %arg19[%get3A_363, %get3A_364] {strides = array<i32>} : memref<32x128xf32, #tpu.memory_space<vmem>>, vector<1x16xf32>,
        %get3A_366 = vector.shape_cast %get3A_365 : vector<1x16xf32> to vector<16xf32>
        %get3A_367 = arith.index_cast %add3A_284 : i32 to index
        %get3A_368 = arith.constant 16 : index
        %get3A_369 = tpu.vector_load %arg21[%get3A_367, %get3A_368] {strides = array<i32>} : memref<32x256xf32, #tpu.memory_space<vmem>>, vector<1x16xf32>,
        %get3A_370 = vector.shape_cast %get3A_369 : vector<1x16xf32> to vector<16xf32>
        %add3A_371 = arith.addf %get3A_366, %get3A_370 : vector<16xf32>
        %get3A_372 = arith.index_cast %add3A_284 : i32 to index
        %get3A_373 = arith.constant 16 : index
        %get3A_374 = tpu.vector_load %arg23[%get3A_372, %get3A_373] {strides = array<i32>} : memref<32x128xf32, #tpu.memory_space<vmem>>, vector<1x16xf32>,
        %get3A_375 = vector.shape_cast %get3A_374 : vector<1x16xf32> to vector<16xf32>
        %add3A_376 = arith.addf %add3A_371, %get3A_375 : vector<16xf32>
        %ge3A_377 = arith.constant 0.000000e+00 : f32
        %ge3A_378 = vector.broadcast %ge3A_377 : f32 to vector<16xf32>
        %ge3A_379 = arith.cmpf oge, %add3A_376, %ge3A_378 : vector<16xf32>
        %mul3A_380 = arith.constant 0.00999999977 : f32
        %mul3A_381 = vector.broadcast %mul3A_380 : f32 to vector<16xf32>
        %mul3A_382 = arith.mulf %mul3A_381, %add3A_376 : vector<16xf32>
        %select_n3A_383 = arith.select %ge3A_379, %add3A_376, %mul3A_382 : vector<16xi1>, vector<16xf32>
        %get3A_384 = arith.constant 1 : i32
        %get3A_385 = arith.index_cast %get3A_384 : i32 to index
        %get3A_386 = arith.constant 0 : index
        %get3A_387 = tpu.vector_load %arg26[%get3A_385, %get3A_386] {strides = array<i32>} : memref<8x16xf32, #tpu.memory_space<vmem>>, vector<1x16xf32>,
        %get3A_388 = vector.shape_cast %get3A_387 : vector<1x16xf32> to vector<16xf32>
        %mul3A_389 = arith.mulf %get3A_388, %select_n3A_383 : vector<16xf32>
        %lt3A_390 = arith.constant 0 : i32
        %lt3A_391 = vector.broadcast %lt3A_390 : i32 to vector<16xi32>
        %lt3A_392 = arith.cmpi slt, %xor3A_6, %lt3A_391 : vector<16xi32>
        %add3A_393 = arith.constant 16 : i32
        %add3A_394 = vector.broadcast %add3A_393 : i32 to vector<16xi32>
        %add3A_395 = arith.addi %xor3A_6, %add3A_394 : vector<16xi32>
        %select_n3A_396 = arith.select %lt3A_392, %add3A_395, %xor3A_6 : vector<16xi1>, vector<16xi32>
        %broadcast_in_dim3A_397 = vector.shape_cast %select_n3A_396 : vector<16xi32> to vector<16x1xi32>
        %gather3A_398 = vector.shape_cast %broadcast_in_dim3A_397 : vector<16x1xi32> to vector<16xi32>
        %gather3A_399 = tpu.dynamic_gather %mul3A_389[%gather3A_398] in [0] : vector<16xf32>, vector<16xi32> -> vector<16xf32>
        %add3A_400 = arith.addf %mul3A_389, %gather3A_399 : vector<16xf32>
        %lt3A_401 = arith.constant 0 : i32
        %lt3A_402 = vector.broadcast %lt3A_401 : i32 to vector<16xi32>
        %lt3A_403 = arith.cmpi slt, %xor3A_9, %lt3A_402 : vector<16xi32>
        %add3A_404 = arith.constant 16 : i32
        %add3A_405 = vector.broadcast %add3A_404 : i32 to vector<16xi32>
        %add3A_406 = arith.addi %xor3A_9, %add3A_405 : vector<16xi32>
        %select_n3A_407 = arith.select %lt3A_403, %add3A_406, %xor3A_9 : vector<16xi1>, vector<16xi32>
        %broadcast_in_dim3A_408 = vector.shape_cast %select_n3A_407 : vector<16xi32> to vector<16x1xi32>
        %gather3A_409 = vector.shape_cast %broadcast_in_dim3A_408 : vector<16x1xi32> to vector<16xi32>
        %gather3A_410 = tpu.dynamic_gather %add3A_400[%gather3A_409] in [0] : vector<16xf32>, vector<16xi32> -> vector<16xf32>
        %add3A_411 = arith.addf %add3A_400, %gather3A_410 : vector<16xf32>
        %lt3A_412 = arith.constant 0 : i32
        %lt3A_413 = vector.broadcast %lt3A_412 : i32 to vector<16xi32>
        %lt3A_414 = arith.cmpi slt, %xor3A_12, %lt3A_413 : vector<16xi32>
        %add3A_415 = arith.constant 16 : i32
        %add3A_416 = vector.broadcast %add3A_415 : i32 to vector<16xi32>
        %add3A_417 = arith.addi %xor3A_12, %add3A_416 : vector<16xi32>
        %select_n3A_418 = arith.select %lt3A_414, %add3A_417, %xor3A_12 : vector<16xi1>, vector<16xi32>
        %broadcast_in_dim3A_419 = vector.shape_cast %select_n3A_418 : vector<16xi32> to vector<16x1xi32>
        %gather3A_420 = vector.shape_cast %broadcast_in_dim3A_419 : vector<16x1xi32> to vector<16xi32>
        %gather3A_421 = tpu.dynamic_gather %add3A_411[%gather3A_420] in [0] : vector<16xf32>, vector<16xi32> -> vector<16xf32>
        %add3A_422 = arith.addf %add3A_411, %gather3A_421 : vector<16xf32>
        %lt3A_423 = arith.constant 0 : i32
        %lt3A_424 = vector.broadcast %lt3A_423 : i32 to vector<16xi32>
        %lt3A_425 = arith.cmpi slt, %xor3A_15, %lt3A_424 : vector<16xi32>
        %add3A_426 = arith.constant 16 : i32
        %add3A_427 = vector.broadcast %add3A_426 : i32 to vector<16xi32>
        %add3A_428 = arith.addi %xor3A_15, %add3A_427 : vector<16xi32>
        %select_n3A_429 = arith.select %lt3A_425, %add3A_428, %xor3A_15 : vector<16xi1>, vector<16xi32>
        %broadcast_in_dim3A_430 = vector.shape_cast %select_n3A_429 : vector<16xi32> to vector<16x1xi32>
        %gather3A_431 = vector.shape_cast %broadcast_in_dim3A_430 : vector<16x1xi32> to vector<16xi32>
        %gather3A_432 = tpu.dynamic_gather %add3A_422[%gather3A_431] in [0] : vector<16xf32>, vector<16xi32> -> vector<16xf32>
        %add3A_433 = arith.addf %add3A_422, %gather3A_432 : vector<16xf32>
        %min3A_434 = arith.constant 6.000000e+01 : f32
        %min3A_435 = vector.broadcast %min3A_434 : f32 to vector<16xf32>
        %min3A_436 = arith.minimumf %add3A_433, %min3A_435 : vector<16xf32>
        %exp3A_437 = math.exp %min3A_436 : vector<16xf32>
        %eq3A_438 = arith.constant 1 : i32
        %eq3A_439 = vector.broadcast %eq3A_438 : i32 to vector<16xi32>
        %eq3A_440 = arith.cmpi eq, %iota3A, %eq3A_439 : vector<16xi32>
        %jit3A_441 = arith.constant 0.000000e+00 : f32
        %broadcast_in_dim3A_442 = vector.broadcast %jit3A_441 : f32 to vector<16xf32>
        %select_n3A_443 = arith.select %eq3A_440, %exp3A_437, %broadcast_in_dim3A_442 : vector<16xi1>, vector<16xf32>
        %add3A_444 = arith.addf %add3A_362, %select_n3A_443 : vector<16xf32>
        %get3A_445 = arith.index_cast %add3A_284 : i32 to index
        %get3A_446 = arith.constant 32 : index
        %get3A_447 = tpu.vector_load %arg19[%get3A_445, %get3A_446] {strides = array<i32>} : memref<32x128xf32, #tpu.memory_space<vmem>>, vector<1x16xf32>,
        %get3A_448 = vector.shape_cast %get3A_447 : vector<1x16xf32> to vector<16xf32>
        %get3A_449 = arith.index_cast %add3A_284 : i32 to index
        %get3A_450 = arith.constant 32 : index
        %get3A_451 = tpu.vector_load %arg21[%get3A_449, %get3A_450] {strides = array<i32>} : memref<32x256xf32, #tpu.memory_space<vmem>>, vector<1x16xf32>,
        %get3A_452 = vector.shape_cast %get3A_451 : vector<1x16xf32> to vector<16xf32>
        %add3A_453 = arith.addf %get3A_448, %get3A_452 : vector<16xf32>
        %get3A_454 = arith.index_cast %add3A_284 : i32 to index
        %get3A_455 = arith.constant 32 : index
        %get3A_456 = tpu.vector_load %arg23[%get3A_454, %get3A_455] {strides = array<i32>} : memref<32x128xf32, #tpu.memory_space<vmem>>, vector<1x16xf32>,
        %get3A_457 = vector.shape_cast %get3A_456 : vector<1x16xf32> to vector<16xf32>
        %add3A_458 = arith.addf %add3A_453, %get3A_457 : vector<16xf32>
        %ge3A_459 = arith.constant 0.000000e+00 : f32
        %ge3A_460 = vector.broadcast %ge3A_459 : f32 to vector<16xf32>
        %ge3A_461 = arith.cmpf oge, %add3A_458, %ge3A_460 : vector<16xf32>
        %mul3A_462 = arith.constant 0.00999999977 : f32
        %mul3A_463 = vector.broadcast %mul3A_462 : f32 to vector<16xf32>
        %mul3A_464 = arith.mulf %mul3A_463, %add3A_458 : vector<16xf32>
        %select_n3A_465 = arith.select %ge3A_461, %add3A_458, %mul3A_464 : vector<16xi1>, vector<16xf32>
        %get3A_466 = arith.constant 2 : i32
        %get3A_467 = arith.index_cast %get3A_466 : i32 to index
        %get3A_468 = arith.constant 0 : index
        %get3A_469 = tpu.vector_load %arg26[%get3A_467, %get3A_468] {strides = array<i32>} : memref<8x16xf32, #tpu.memory_space<vmem>>, vector<1x16xf32>,
        %get3A_470 = vector.shape_cast %get3A_469 : vector<1x16xf32> to vector<16xf32>
        %mul3A_471 = arith.mulf %get3A_470, %select_n3A_465 : vector<16xf32>
        %lt3A_472 = arith.constant 0 : i32
        %lt3A_473 = vector.broadcast %lt3A_472 : i32 to vector<16xi32>
        %lt3A_474 = arith.cmpi slt, %xor3A_6, %lt3A_473 : vector<16xi32>
        %add3A_475 = arith.constant 16 : i32
        %add3A_476 = vector.broadcast %add3A_475 : i32 to vector<16xi32>
        %add3A_477 = arith.addi %xor3A_6, %add3A_476 : vector<16xi32>
        %select_n3A_478 = arith.select %lt3A_474, %add3A_477, %xor3A_6 : vector<16xi1>, vector<16xi32>
        %broadcast_in_dim3A_479 = vector.shape_cast %select_n3A_478 : vector<16xi32> to vector<16x1xi32>
        %gather3A_480 = vector.shape_cast %broadcast_in_dim3A_479 : vector<16x1xi32> to vector<16xi32>
        %gather3A_481 = tpu.dynamic_gather %mul3A_471[%gather3A_480] in [0] : vector<16xf32>, vector<16xi32> -> vector<16xf32>
        %add3A_482 = arith.addf %mul3A_471, %gather3A_481 : vector<16xf32>
        %lt3A_483 = arith.constant 0 : i32
        %lt3A_484 = vector.broadcast %lt3A_483 : i32 to vector<16xi32>
        %lt3A_485 = arith.cmpi slt, %xor3A_9, %lt3A_484 : vector<16xi32>
        %add3A_486 = arith.constant 16 : i32
        %add3A_487 = vector.broadcast %add3A_486 : i32 to vector<16xi32>
        %add3A_488 = arith.addi %xor3A_9, %add3A_487 : vector<16xi32>
        %select_n3A_489 = arith.select %lt3A_485, %add3A_488, %xor3A_9 : vector<16xi1>, vector<16xi32>
        %broadcast_in_dim3A_490 = vector.shape_cast %select_n3A_489 : vector<16xi32> to vector<16x1xi32>
        %gather3A_491 = vector.shape_cast %broadcast_in_dim3A_490 : vector<16x1xi32> to vector<16xi32>
        %gather3A_492 = tpu.dynamic_gather %add3A_482[%gather3A_491] in [0] : vector<16xf32>, vector<16xi32> -> vector<16xf32>
        %add3A_493 = arith.addf %add3A_482, %gather3A_492 : vector<16xf32>
        %lt3A_494 = arith.constant 0 : i32
        %lt3A_495 = vector.broadcast %lt3A_494 : i32 to vector<16xi32>
        %lt3A_496 = arith.cmpi slt, %xor3A_12, %lt3A_495 : vector<16xi32>
        %add3A_497 = arith.constant 16 : i32
        %add3A_498 = vector.broadcast %add3A_497 : i32 to vector<16xi32>
        %add3A_499 = arith.addi %xor3A_12, %add3A_498 : vector<16xi32>
        %select_n3A_500 = arith.select %lt3A_496, %add3A_499, %xor3A_12 : vector<16xi1>, vector<16xi32>
        %broadcast_in_dim3A_501 = vector.shape_cast %select_n3A_500 : vector<16xi32> to vector<16x1xi32>
        %gather3A_502 = vector.shape_cast %broadcast_in_dim3A_501 : vector<16x1xi32> to vector<16xi32>
        %gather3A_503 = tpu.dynamic_gather %add3A_493[%gather3A_502] in [0] : vector<16xf32>, vector<16xi32> -> vector<16xf32>
        %add3A_504 = arith.addf %add3A_493, %gather3A_503 : vector<16xf32>
        %lt3A_505 = arith.constant 0 : i32
        %lt3A_506 = vector.broadcast %lt3A_505 : i32 to vector<16xi32>
        %lt3A_507 = arith.cmpi slt, %xor3A_15, %lt3A_506 : vector<16xi32>
        %add3A_508 = arith.constant 16 : i32
        %add3A_509 = vector.broadcast %add3A_508 : i32 to vector<16xi32>
        %add3A_510 = arith.addi %xor3A_15, %add3A_509 : vector<16xi32>
        %select_n3A_511 = arith.select %lt3A_507, %add3A_510, %xor3A_15 : vector<16xi1>, vector<16xi32>
        %broadcast_in_dim3A_512 = vector.shape_cast %select_n3A_511 : vector<16xi32> to vector<16x1xi32>
        %gather3A_513 = vector.shape_cast %broadcast_in_dim3A_512 : vector<16x1xi32> to vector<16xi32>
        %gather3A_514 = tpu.dynamic_gather %add3A_504[%gather3A_513] in [0] : vector<16xf32>, vector<16xi32> -> vector<16xf32>
        %add3A_515 = arith.addf %add3A_504, %gather3A_514 : vector<16xf32>
        %min3A_516 = arith.constant 6.000000e+01 : f32
        %min3A_517 = vector.broadcast %min3A_516 : f32 to vector<16xf32>
        %min3A_518 = arith.minimumf %add3A_515, %min3A_517 : vector<16xf32>
        %exp3A_519 = math.exp %min3A_518 : vector<16xf32>
        %eq3A_520 = arith.constant 2 : i32
        %eq3A_521 = vector.broadcast %eq3A_520 : i32 to vector<16xi32>
        %eq3A_522 = arith.cmpi eq, %iota3A, %eq3A_521 : vector<16xi32>
        %jit3A_523 = arith.constant 0.000000e+00 : f32
        %broadcast_in_dim3A_524 = vector.broadcast %jit3A_523 : f32 to vector<16xf32>
        %select_n3A_525 = arith.select %eq3A_522, %exp3A_519, %broadcast_in_dim3A_524 : vector<16xi1>, vector<16xf32>
        %add3A_526 = arith.addf %add3A_444, %select_n3A_525 : vector<16xf32>
        %get3A_527 = arith.index_cast %add3A_284 : i32 to index
        %get3A_528 = arith.constant 48 : index
        %get3A_529 = tpu.vector_load %arg19[%get3A_527, %get3A_528] {strides = array<i32>} : memref<32x128xf32, #tpu.memory_space<vmem>>, vector<1x16xf32>,
        %get3A_530 = vector.shape_cast %get3A_529 : vector<1x16xf32> to vector<16xf32>
        %get3A_531 = arith.index_cast %add3A_284 : i32 to index
        %get3A_532 = arith.constant 48 : index
        %get3A_533 = tpu.vector_load %arg21[%get3A_531, %get3A_532] {strides = array<i32>} : memref<32x256xf32, #tpu.memory_space<vmem>>, vector<1x16xf32>,
        %get3A_534 = vector.shape_cast %get3A_533 : vector<1x16xf32> to vector<16xf32>
        %add3A_535 = arith.addf %get3A_530, %get3A_534 : vector<16xf32>
        %get3A_536 = arith.index_cast %add3A_284 : i32 to index
        %get3A_537 = arith.constant 48 : index
        %get3A_538 = tpu.vector_load %arg23[%get3A_536, %get3A_537] {strides = array<i32>} : memref<32x128xf32, #tpu.memory_space<vmem>>, vector<1x16xf32>,
        %get3A_539 = vector.shape_cast %get3A_538 : vector<1x16xf32> to vector<16xf32>
        %add3A_540 = arith.addf %add3A_535, %get3A_539 : vector<16xf32>
        %ge3A_541 = arith.constant 0.000000e+00 : f32
        %ge3A_542 = vector.broadcast %ge3A_541 : f32 to vector<16xf32>
        %ge3A_543 = arith.cmpf oge, %add3A_540, %ge3A_542 : vector<16xf32>
        %mul3A_544 = arith.constant 0.00999999977 : f32
        %mul3A_545 = vector.broadcast %mul3A_544 : f32 to vector<16xf32>
        %mul3A_546 = arith.mulf %mul3A_545, %add3A_540 : vector<16xf32>
        %select_n3A_547 = arith.select %ge3A_543, %add3A_540, %mul3A_546 : vector<16xi1>, vector<16xf32>
        %get3A_548 = arith.constant 3 : i32
        %get3A_549 = arith.index_cast %get3A_548 : i32 to index
        %get3A_550 = arith.constant 0 : index
        %get3A_551 = tpu.vector_load %arg26[%get3A_549, %get3A_550] {strides = array<i32>} : memref<8x16xf32, #tpu.memory_space<vmem>>, vector<1x16xf32>,
        %get3A_552 = vector.shape_cast %get3A_551 : vector<1x16xf32> to vector<16xf32>
        %mul3A_553 = arith.mulf %get3A_552, %select_n3A_547 : vector<16xf32>
        %lt3A_554 = arith.constant 0 : i32
        %lt3A_555 = vector.broadcast %lt3A_554 : i32 to vector<16xi32>
        %lt3A_556 = arith.cmpi slt, %xor3A_6, %lt3A_555 : vector<16xi32>
        %add3A_557 = arith.constant 16 : i32
        %add3A_558 = vector.broadcast %add3A_557 : i32 to vector<16xi32>
        %add3A_559 = arith.addi %xor3A_6, %add3A_558 : vector<16xi32>
        %select_n3A_560 = arith.select %lt3A_556, %add3A_559, %xor3A_6 : vector<16xi1>, vector<16xi32>
        %broadcast_in_dim3A_561 = vector.shape_cast %select_n3A_560 : vector<16xi32> to vector<16x1xi32>
        %gather3A_562 = vector.shape_cast %broadcast_in_dim3A_561 : vector<16x1xi32> to vector<16xi32>
        %gather3A_563 = tpu.dynamic_gather %mul3A_553[%gather3A_562] in [0] : vector<16xf32>, vector<16xi32> -> vector<16xf32>
        %add3A_564 = arith.addf %mul3A_553, %gather3A_563 : vector<16xf32>
        %lt3A_565 = arith.constant 0 : i32
        %lt3A_566 = vector.broadcast %lt3A_565 : i32 to vector<16xi32>
        %lt3A_567 = arith.cmpi slt, %xor3A_9, %lt3A_566 : vector<16xi32>
        %add3A_568 = arith.constant 16 : i32
        %add3A_569 = vector.broadcast %add3A_568 : i32 to vector<16xi32>
        %add3A_570 = arith.addi %xor3A_9, %add3A_569 : vector<16xi32>
        %select_n3A_571 = arith.select %lt3A_567, %add3A_570, %xor3A_9 : vector<16xi1>, vector<16xi32>
        %broadcast_in_dim3A_572 = vector.shape_cast %select_n3A_571 : vector<16xi32> to vector<16x1xi32>
        %gather3A_573 = vector.shape_cast %broadcast_in_dim3A_572 : vector<16x1xi32> to vector<16xi32>
        %gather3A_574 = tpu.dynamic_gather %add3A_564[%gather3A_573] in [0] : vector<16xf32>, vector<16xi32> -> vector<16xf32>
        %add3A_575 = arith.addf %add3A_564, %gather3A_574 : vector<16xf32>
        %lt3A_576 = arith.constant 0 : i32
        %lt3A_577 = vector.broadcast %lt3A_576 : i32 to vector<16xi32>
        %lt3A_578 = arith.cmpi slt, %xor3A_12, %lt3A_577 : vector<16xi32>
        %add3A_579 = arith.constant 16 : i32
        %add3A_580 = vector.broadcast %add3A_579 : i32 to vector<16xi32>
        %add3A_581 = arith.addi %xor3A_12, %add3A_580 : vector<16xi32>
        %select_n3A_582 = arith.select %lt3A_578, %add3A_581, %xor3A_12 : vector<16xi1>, vector<16xi32>
        %broadcast_in_dim3A_583 = vector.shape_cast %select_n3A_582 : vector<16xi32> to vector<16x1xi32>
        %gather3A_584 = vector.shape_cast %broadcast_in_dim3A_583 : vector<16x1xi32> to vector<16xi32>
        %gather3A_585 = tpu.dynamic_gather %add3A_575[%gather3A_584] in [0] : vector<16xf32>, vector<16xi32> -> vector<16xf32>
        %add3A_586 = arith.addf %add3A_575, %gather3A_585 : vector<16xf32>
        %lt3A_587 = arith.constant 0 : i32
        %lt3A_588 = vector.broadcast %lt3A_587 : i32 to vector<16xi32>
        %lt3A_589 = arith.cmpi slt, %xor3A_15, %lt3A_588 : vector<16xi32>
        %add3A_590 = arith.constant 16 : i32
        %add3A_591 = vector.broadcast %add3A_590 : i32 to vector<16xi32>
        %add3A_592 = arith.addi %xor3A_15, %add3A_591 : vector<16xi32>
        %select_n3A_593 = arith.select %lt3A_589, %add3A_592, %xor3A_15 : vector<16xi1>, vector<16xi32>
        %broadcast_in_dim3A_594 = vector.shape_cast %select_n3A_593 : vector<16xi32> to vector<16x1xi32>
        %gather3A_595 = vector.shape_cast %broadcast_in_dim3A_594 : vector<16x1xi32> to vector<16xi32>
        %gather3A_596 = tpu.dynamic_gather %add3A_586[%gather3A_595] in [0] : vector<16xf32>, vector<16xi32> -> vector<16xf32>
        %add3A_597 = arith.addf %add3A_586, %gather3A_596 : vector<16xf32>
        %min3A_598 = arith.constant 6.000000e+01 : f32
        %min3A_599 = vector.broadcast %min3A_598 : f32 to vector<16xf32>
        %min3A_600 = arith.minimumf %add3A_597, %min3A_599 : vector<16xf32>
        %exp3A_601 = math.exp %min3A_600 : vector<16xf32>
        %eq3A_602 = arith.constant 3 : i32
        %eq3A_603 = vector.broadcast %eq3A_602 : i32 to vector<16xi32>
        %eq3A_604 = arith.cmpi eq, %iota3A, %eq3A_603 : vector<16xi32>
        %jit3A_605 = arith.constant 0.000000e+00 : f32
        %broadcast_in_dim3A_606 = vector.broadcast %jit3A_605 : f32 to vector<16xf32>
        %select_n3A_607 = arith.select %eq3A_604, %exp3A_601, %broadcast_in_dim3A_606 : vector<16xi1>, vector<16xf32>
        %add3A_608 = arith.addf %add3A_526, %select_n3A_607 : vector<16xf32>
        %get3A_609 = arith.index_cast %add3A_284 : i32 to index
        %get3A_610 = arith.constant 64 : index
        %get3A_611 = tpu.vector_load %arg19[%get3A_609, %get3A_610] {strides = array<i32>} : memref<32x128xf32, #tpu.memory_space<vmem>>, vector<1x16xf32>,
        %get3A_612 = vector.shape_cast %get3A_611 : vector<1x16xf32> to vector<16xf32>
        %get3A_613 = arith.index_cast %add3A_284 : i32 to index
        %get3A_614 = arith.constant 64 : index
        %get3A_615 = tpu.vector_load %arg21[%get3A_613, %get3A_614] {strides = array<i32>} : memref<32x256xf32, #tpu.memory_space<vmem>>, vector<1x16xf32>,
        %get3A_616 = vector.shape_cast %get3A_615 : vector<1x16xf32> to vector<16xf32>
        %add3A_617 = arith.addf %get3A_612, %get3A_616 : vector<16xf32>
        %get3A_618 = arith.index_cast %add3A_284 : i32 to index
        %get3A_619 = arith.constant 64 : index
        %get3A_620 = tpu.vector_load %arg23[%get3A_618, %get3A_619] {strides = array<i32>} : memref<32x128xf32, #tpu.memory_space<vmem>>, vector<1x16xf32>,
        %get3A_621 = vector.shape_cast %get3A_620 : vector<1x16xf32> to vector<16xf32>
        %add3A_622 = arith.addf %add3A_617, %get3A_621 : vector<16xf32>
        %ge3A_623 = arith.constant 0.000000e+00 : f32
        %ge3A_624 = vector.broadcast %ge3A_623 : f32 to vector<16xf32>
        %ge3A_625 = arith.cmpf oge, %add3A_622, %ge3A_624 : vector<16xf32>
        %mul3A_626 = arith.constant 0.00999999977 : f32
        %mul3A_627 = vector.broadcast %mul3A_626 : f32 to vector<16xf32>
        %mul3A_628 = arith.mulf %mul3A_627, %add3A_622 : vector<16xf32>
        %select_n3A_629 = arith.select %ge3A_625, %add3A_622, %mul3A_628 : vector<16xi1>, vector<16xf32>
        %get3A_630 = arith.constant 4 : i32
        %get3A_631 = arith.index_cast %get3A_630 : i32 to index
        %get3A_632 = arith.constant 0 : index
        %get3A_633 = tpu.vector_load %arg26[%get3A_631, %get3A_632] {strides = array<i32>} : memref<8x16xf32, #tpu.memory_space<vmem>>, vector<1x16xf32>,
        %get3A_634 = vector.shape_cast %get3A_633 : vector<1x16xf32> to vector<16xf32>
        %mul3A_635 = arith.mulf %get3A_634, %select_n3A_629 : vector<16xf32>
        %lt3A_636 = arith.constant 0 : i32
        %lt3A_637 = vector.broadcast %lt3A_636 : i32 to vector<16xi32>
        %lt3A_638 = arith.cmpi slt, %xor3A_6, %lt3A_637 : vector<16xi32>
        %add3A_639 = arith.constant 16 : i32
        %add3A_640 = vector.broadcast %add3A_639 : i32 to vector<16xi32>
        %add3A_641 = arith.addi %xor3A_6, %add3A_640 : vector<16xi32>
        %select_n3A_642 = arith.select %lt3A_638, %add3A_641, %xor3A_6 : vector<16xi1>, vector<16xi32>
        %broadcast_in_dim3A_643 = vector.shape_cast %select_n3A_642 : vector<16xi32> to vector<16x1xi32>
        %gather3A_644 = vector.shape_cast %broadcast_in_dim3A_643 : vector<16x1xi32> to vector<16xi32>
        %gather3A_645 = tpu.dynamic_gather %mul3A_635[%gather3A_644] in [0] : vector<16xf32>, vector<16xi32> -> vector<16xf32>
        %add3A_646 = arith.addf %mul3A_635, %gather3A_645 : vector<16xf32>
        %lt3A_647 = arith.constant 0 : i32
        %lt3A_648 = vector.broadcast %lt3A_647 : i32 to vector<16xi32>
        %lt3A_649 = arith.cmpi slt, %xor3A_9, %lt3A_648 : vector<16xi32>
        %add3A_650 = arith.constant 16 : i32
        %add3A_651 = vector.broadcast %add3A_650 : i32 to vector<16xi32>
        %add3A_652 = arith.addi %xor3A_9, %add3A_651 : vector<16xi32>
        %select_n3A_653 = arith.select %lt3A_649, %add3A_652, %xor3A_9 : vector<16xi1>, vector<16xi32>
        %broadcast_in_dim3A_654 = vector.shape_cast %select_n3A_653 : vector<16xi32> to vector<16x1xi32>
        %gather3A_655 = vector.shape_cast %broadcast_in_dim3A_654 : vector<16x1xi32> to vector<16xi32>
        %gather3A_656 = tpu.dynamic_gather %add3A_646[%gather3A_655] in [0] : vector<16xf32>, vector<16xi32> -> vector<16xf32>
        %add3A_657 = arith.addf %add3A_646, %gather3A_656 : vector<16xf32>
        %lt3A_658 = arith.constant 0 : i32
        %lt3A_659 = vector.broadcast %lt3A_658 : i32 to vector<16xi32>
        %lt3A_660 = arith.cmpi slt, %xor3A_12, %lt3A_659 : vector<16xi32>
        %add3A_661 = arith.constant 16 : i32
        %add3A_662 = vector.broadcast %add3A_661 : i32 to vector<16xi32>
        %add3A_663 = arith.addi %xor3A_12, %add3A_662 : vector<16xi32>
        %select_n3A_664 = arith.select %lt3A_660, %add3A_663, %xor3A_12 : vector<16xi1>, vector<16xi32>
        %broadcast_in_dim3A_665 = vector.shape_cast %select_n3A_664 : vector<16xi32> to vector<16x1xi32>
        %gather3A_666 = vector.shape_cast %broadcast_in_dim3A_665 : vector<16x1xi32> to vector<16xi32>
        %gather3A_667 = tpu.dynamic_gather %add3A_657[%gather3A_666] in [0] : vector<16xf32>, vector<16xi32> -> vector<16xf32>
        %add3A_668 = arith.addf %add3A_657, %gather3A_667 : vector<16xf32>
        %lt3A_669 = arith.constant 0 : i32
        %lt3A_670 = vector.broadcast %lt3A_669 : i32 to vector<16xi32>
        %lt3A_671 = arith.cmpi slt, %xor3A_15, %lt3A_670 : vector<16xi32>
        %add3A_672 = arith.constant 16 : i32
        %add3A_673 = vector.broadcast %add3A_672 : i32 to vector<16xi32>
        %add3A_674 = arith.addi %xor3A_15, %add3A_673 : vector<16xi32>
        %select_n3A_675 = arith.select %lt3A_671, %add3A_674, %xor3A_15 : vector<16xi1>, vector<16xi32>
        %broadcast_in_dim3A_676 = vector.shape_cast %select_n3A_675 : vector<16xi32> to vector<16x1xi32>
        %gather3A_677 = vector.shape_cast %broadcast_in_dim3A_676 : vector<16x1xi32> to vector<16xi32>
        %gather3A_678 = tpu.dynamic_gather %add3A_668[%gather3A_677] in [0] : vector<16xf32>, vector<16xi32> -> vector<16xf32>
        %add3A_679 = arith.addf %add3A_668, %gather3A_678 : vector<16xf32>
        %min3A_680 = arith.constant 6.000000e+01 : f32
        %min3A_681 = vector.broadcast %min3A_680 : f32 to vector<16xf32>
        %min3A_682 = arith.minimumf %add3A_679, %min3A_681 : vector<16xf32>
        %exp3A_683 = math.exp %min3A_682 : vector<16xf32>
        %eq3A_684 = arith.constant 4 : i32
        %eq3A_685 = vector.broadcast %eq3A_684 : i32 to vector<16xi32>
        %eq3A_686 = arith.cmpi eq, %iota3A, %eq3A_685 : vector<16xi32>
        %jit3A_687 = arith.constant 0.000000e+00 : f32
        %broadcast_in_dim3A_688 = vector.broadcast %jit3A_687 : f32 to vector<16xf32>
        %select_n3A_689 = arith.select %eq3A_686, %exp3A_683, %broadcast_in_dim3A_688 : vector<16xi1>, vector<16xf32>
        %add3A_690 = arith.addf %add3A_608, %select_n3A_689 : vector<16xf32>
        %get3A_691 = arith.index_cast %add3A_284 : i32 to index
        %get3A_692 = arith.constant 80 : index
        %get3A_693 = tpu.vector_load %arg19[%get3A_691, %get3A_692] {strides = array<i32>} : memref<32x128xf32, #tpu.memory_space<vmem>>, vector<1x16xf32>,
        %get3A_694 = vector.shape_cast %get3A_693 : vector<1x16xf32> to vector<16xf32>
        %get3A_695 = arith.index_cast %add3A_284 : i32 to index
        %get3A_696 = arith.constant 80 : index
        %get3A_697 = tpu.vector_load %arg21[%get3A_695, %get3A_696] {strides = array<i32>} : memref<32x256xf32, #tpu.memory_space<vmem>>, vector<1x16xf32>,
        %get3A_698 = vector.shape_cast %get3A_697 : vector<1x16xf32> to vector<16xf32>
        %add3A_699 = arith.addf %get3A_694, %get3A_698 : vector<16xf32>
        %get3A_700 = arith.index_cast %add3A_284 : i32 to index
        %get3A_701 = arith.constant 80 : index
        %get3A_702 = tpu.vector_load %arg23[%get3A_700, %get3A_701] {strides = array<i32>} : memref<32x128xf32, #tpu.memory_space<vmem>>, vector<1x16xf32>,
        %get3A_703 = vector.shape_cast %get3A_702 : vector<1x16xf32> to vector<16xf32>
        %add3A_704 = arith.addf %add3A_699, %get3A_703 : vector<16xf32>
        %ge3A_705 = arith.constant 0.000000e+00 : f32
        %ge3A_706 = vector.broadcast %ge3A_705 : f32 to vector<16xf32>
        %ge3A_707 = arith.cmpf oge, %add3A_704, %ge3A_706 : vector<16xf32>
        %mul3A_708 = arith.constant 0.00999999977 : f32
        %mul3A_709 = vector.broadcast %mul3A_708 : f32 to vector<16xf32>
        %mul3A_710 = arith.mulf %mul3A_709, %add3A_704 : vector<16xf32>
        %select_n3A_711 = arith.select %ge3A_707, %add3A_704, %mul3A_710 : vector<16xi1>, vector<16xf32>
        %get3A_712 = arith.constant 5 : i32
        %get3A_713 = arith.index_cast %get3A_712 : i32 to index
        %get3A_714 = arith.constant 0 : index
        %get3A_715 = tpu.vector_load %arg26[%get3A_713, %get3A_714] {strides = array<i32>} : memref<8x16xf32, #tpu.memory_space<vmem>>, vector<1x16xf32>,
        %get3A_716 = vector.shape_cast %get3A_715 : vector<1x16xf32> to vector<16xf32>
        %mul3A_717 = arith.mulf %get3A_716, %select_n3A_711 : vector<16xf32>
        %lt3A_718 = arith.constant 0 : i32
        %lt3A_719 = vector.broadcast %lt3A_718 : i32 to vector<16xi32>
        %lt3A_720 = arith.cmpi slt, %xor3A_6, %lt3A_719 : vector<16xi32>
        %add3A_721 = arith.constant 16 : i32
        %add3A_722 = vector.broadcast %add3A_721 : i32 to vector<16xi32>
        %add3A_723 = arith.addi %xor3A_6, %add3A_722 : vector<16xi32>
        %select_n3A_724 = arith.select %lt3A_720, %add3A_723, %xor3A_6 : vector<16xi1>, vector<16xi32>
        %broadcast_in_dim3A_725 = vector.shape_cast %select_n3A_724 : vector<16xi32> to vector<16x1xi32>
        %gather3A_726 = vector.shape_cast %broadcast_in_dim3A_725 : vector<16x1xi32> to vector<16xi32>
        %gather3A_727 = tpu.dynamic_gather %mul3A_717[%gather3A_726] in [0] : vector<16xf32>, vector<16xi32> -> vector<16xf32>
        %add3A_728 = arith.addf %mul3A_717, %gather3A_727 : vector<16xf32>
        %lt3A_729 = arith.constant 0 : i32
        %lt3A_730 = vector.broadcast %lt3A_729 : i32 to vector<16xi32>
        %lt3A_731 = arith.cmpi slt, %xor3A_9, %lt3A_730 : vector<16xi32>
        %add3A_732 = arith.constant 16 : i32
        %add3A_733 = vector.broadcast %add3A_732 : i32 to vector<16xi32>
        %add3A_734 = arith.addi %xor3A_9, %add3A_733 : vector<16xi32>
        %select_n3A_735 = arith.select %lt3A_731, %add3A_734, %xor3A_9 : vector<16xi1>, vector<16xi32>
        %broadcast_in_dim3A_736 = vector.shape_cast %select_n3A_735 : vector<16xi32> to vector<16x1xi32>
        %gather3A_737 = vector.shape_cast %broadcast_in_dim3A_736 : vector<16x1xi32> to vector<16xi32>
        %gather3A_738 = tpu.dynamic_gather %add3A_728[%gather3A_737] in [0] : vector<16xf32>, vector<16xi32> -> vector<16xf32>
        %add3A_739 = arith.addf %add3A_728, %gather3A_738 : vector<16xf32>
        %lt3A_740 = arith.constant 0 : i32
        %lt3A_741 = vector.broadcast %lt3A_740 : i32 to vector<16xi32>
        %lt3A_742 = arith.cmpi slt, %xor3A_12, %lt3A_741 : vector<16xi32>
        %add3A_743 = arith.constant 16 : i32
        %add3A_744 = vector.broadcast %add3A_743 : i32 to vector<16xi32>
        %add3A_745 = arith.addi %xor3A_12, %add3A_744 : vector<16xi32>
        %select_n3A_746 = arith.select %lt3A_742, %add3A_745, %xor3A_12 : vector<16xi1>, vector<16xi32>
        %broadcast_in_dim3A_747 = vector.shape_cast %select_n3A_746 : vector<16xi32> to vector<16x1xi32>
        %gather3A_748 = vector.shape_cast %broadcast_in_dim3A_747 : vector<16x1xi32> to vector<16xi32>
        %gather3A_749 = tpu.dynamic_gather %add3A_739[%gather3A_748] in [0] : vector<16xf32>, vector<16xi32> -> vector<16xf32>
        %add3A_750 = arith.addf %add3A_739, %gather3A_749 : vector<16xf32>
        %lt3A_751 = arith.constant 0 : i32
        %lt3A_752 = vector.broadcast %lt3A_751 : i32 to vector<16xi32>
        %lt3A_753 = arith.cmpi slt, %xor3A_15, %lt3A_752 : vector<16xi32>
        %add3A_754 = arith.constant 16 : i32
        %add3A_755 = vector.broadcast %add3A_754 : i32 to vector<16xi32>
        %add3A_756 = arith.addi %xor3A_15, %add3A_755 : vector<16xi32>
        %select_n3A_757 = arith.select %lt3A_753, %add3A_756, %xor3A_15 : vector<16xi1>, vector<16xi32>
        %broadcast_in_dim3A_758 = vector.shape_cast %select_n3A_757 : vector<16xi32> to vector<16x1xi32>
        %gather3A_759 = vector.shape_cast %broadcast_in_dim3A_758 : vector<16x1xi32> to vector<16xi32>
        %gather3A_760 = tpu.dynamic_gather %add3A_750[%gather3A_759] in [0] : vector<16xf32>, vector<16xi32> -> vector<16xf32>
        %add3A_761 = arith.addf %add3A_750, %gather3A_760 : vector<16xf32>
        %min3A_762 = arith.constant 6.000000e+01 : f32
        %min3A_763 = vector.broadcast %min3A_762 : f32 to vector<16xf32>
        %min3A_764 = arith.minimumf %add3A_761, %min3A_763 : vector<16xf32>
        %exp3A_765 = math.exp %min3A_764 : vector<16xf32>
        %eq3A_766 = arith.constant 5 : i32
        %eq3A_767 = vector.broadcast %eq3A_766 : i32 to vector<16xi32>
        %eq3A_768 = arith.cmpi eq, %iota3A, %eq3A_767 : vector<16xi32>
        %jit3A_769 = arith.constant 0.000000e+00 : f32
        %broadcast_in_dim3A_770 = vector.broadcast %jit3A_769 : f32 to vector<16xf32>
        %select_n3A_771 = arith.select %eq3A_768, %exp3A_765, %broadcast_in_dim3A_770 : vector<16xi1>, vector<16xf32>
        %add3A_772 = arith.addf %add3A_690, %select_n3A_771 : vector<16xf32>
        %get3A_773 = arith.index_cast %add3A_284 : i32 to index
        %get3A_774 = arith.constant 96 : index
        %get3A_775 = tpu.vector_load %arg19[%get3A_773, %get3A_774] {strides = array<i32>} : memref<32x128xf32, #tpu.memory_space<vmem>>, vector<1x16xf32>,
        %get3A_776 = vector.shape_cast %get3A_775 : vector<1x16xf32> to vector<16xf32>
        %get3A_777 = arith.index_cast %add3A_284 : i32 to index
        %get3A_778 = arith.constant 96 : index
        %get3A_779 = tpu.vector_load %arg21[%get3A_777, %get3A_778] {strides = array<i32>} : memref<32x256xf32, #tpu.memory_space<vmem>>, vector<1x16xf32>,
        %get3A_780 = vector.shape_cast %get3A_779 : vector<1x16xf32> to vector<16xf32>
        %add3A_781 = arith.addf %get3A_776, %get3A_780 : vector<16xf32>
        %get3A_782 = arith.index_cast %add3A_284 : i32 to index
        %get3A_783 = arith.constant 96 : index
        %get3A_784 = tpu.vector_load %arg23[%get3A_782, %get3A_783] {strides = array<i32>} : memref<32x128xf32, #tpu.memory_space<vmem>>, vector<1x16xf32>,
        %get3A_785 = vector.shape_cast %get3A_784 : vector<1x16xf32> to vector<16xf32>
        %add3A_786 = arith.addf %add3A_781, %get3A_785 : vector<16xf32>
        %ge3A_787 = arith.constant 0.000000e+00 : f32
        %ge3A_788 = vector.broadcast %ge3A_787 : f32 to vector<16xf32>
        %ge3A_789 = arith.cmpf oge, %add3A_786, %ge3A_788 : vector<16xf32>
        %mul3A_790 = arith.constant 0.00999999977 : f32
        %mul3A_791 = vector.broadcast %mul3A_790 : f32 to vector<16xf32>
        %mul3A_792 = arith.mulf %mul3A_791, %add3A_786 : vector<16xf32>
        %select_n3A_793 = arith.select %ge3A_789, %add3A_786, %mul3A_792 : vector<16xi1>, vector<16xf32>
        %get3A_794 = arith.constant 6 : i32
        %get3A_795 = arith.index_cast %get3A_794 : i32 to index
        %get3A_796 = arith.constant 0 : index
        %get3A_797 = tpu.vector_load %arg26[%get3A_795, %get3A_796] {strides = array<i32>} : memref<8x16xf32, #tpu.memory_space<vmem>>, vector<1x16xf32>,
        %get3A_798 = vector.shape_cast %get3A_797 : vector<1x16xf32> to vector<16xf32>
        %mul3A_799 = arith.mulf %get3A_798, %select_n3A_793 : vector<16xf32>
        %lt3A_800 = arith.constant 0 : i32
        %lt3A_801 = vector.broadcast %lt3A_800 : i32 to vector<16xi32>
        %lt3A_802 = arith.cmpi slt, %xor3A_6, %lt3A_801 : vector<16xi32>
        %add3A_803 = arith.constant 16 : i32
        %add3A_804 = vector.broadcast %add3A_803 : i32 to vector<16xi32>
        %add3A_805 = arith.addi %xor3A_6, %add3A_804 : vector<16xi32>
        %select_n3A_806 = arith.select %lt3A_802, %add3A_805, %xor3A_6 : vector<16xi1>, vector<16xi32>
        %broadcast_in_dim3A_807 = vector.shape_cast %select_n3A_806 : vector<16xi32> to vector<16x1xi32>
        %gather3A_808 = vector.shape_cast %broadcast_in_dim3A_807 : vector<16x1xi32> to vector<16xi32>
        %gather3A_809 = tpu.dynamic_gather %mul3A_799[%gather3A_808] in [0] : vector<16xf32>, vector<16xi32> -> vector<16xf32>
        %add3A_810 = arith.addf %mul3A_799, %gather3A_809 : vector<16xf32>
        %lt3A_811 = arith.constant 0 : i32
        %lt3A_812 = vector.broadcast %lt3A_811 : i32 to vector<16xi32>
        %lt3A_813 = arith.cmpi slt, %xor3A_9, %lt3A_812 : vector<16xi32>
        %add3A_814 = arith.constant 16 : i32
        %add3A_815 = vector.broadcast %add3A_814 : i32 to vector<16xi32>
        %add3A_816 = arith.addi %xor3A_9, %add3A_815 : vector<16xi32>
        %select_n3A_817 = arith.select %lt3A_813, %add3A_816, %xor3A_9 : vector<16xi1>, vector<16xi32>
        %broadcast_in_dim3A_818 = vector.shape_cast %select_n3A_817 : vector<16xi32> to vector<16x1xi32>
        %gather3A_819 = vector.shape_cast %broadcast_in_dim3A_818 : vector<16x1xi32> to vector<16xi32>
        %gather3A_820 = tpu.dynamic_gather %add3A_810[%gather3A_819] in [0] : vector<16xf32>, vector<16xi32> -> vector<16xf32>
        %add3A_821 = arith.addf %add3A_810, %gather3A_820 : vector<16xf32>
        %lt3A_822 = arith.constant 0 : i32
        %lt3A_823 = vector.broadcast %lt3A_822 : i32 to vector<16xi32>
        %lt3A_824 = arith.cmpi slt, %xor3A_12, %lt3A_823 : vector<16xi32>
        %add3A_825 = arith.constant 16 : i32
        %add3A_826 = vector.broadcast %add3A_825 : i32 to vector<16xi32>
        %add3A_827 = arith.addi %xor3A_12, %add3A_826 : vector<16xi32>
        %select_n3A_828 = arith.select %lt3A_824, %add3A_827, %xor3A_12 : vector<16xi1>, vector<16xi32>
        %broadcast_in_dim3A_829 = vector.shape_cast %select_n3A_828 : vector<16xi32> to vector<16x1xi32>
        %gather3A_830 = vector.shape_cast %broadcast_in_dim3A_829 : vector<16x1xi32> to vector<16xi32>
        %gather3A_831 = tpu.dynamic_gather %add3A_821[%gather3A_830] in [0] : vector<16xf32>, vector<16xi32> -> vector<16xf32>
        %add3A_832 = arith.addf %add3A_821, %gather3A_831 : vector<16xf32>
        %lt3A_833 = arith.constant 0 : i32
        %lt3A_834 = vector.broadcast %lt3A_833 : i32 to vector<16xi32>
        %lt3A_835 = arith.cmpi slt, %xor3A_15, %lt3A_834 : vector<16xi32>
        %add3A_836 = arith.constant 16 : i32
        %add3A_837 = vector.broadcast %add3A_836 : i32 to vector<16xi32>
        %add3A_838 = arith.addi %xor3A_15, %add3A_837 : vector<16xi32>
        %select_n3A_839 = arith.select %lt3A_835, %add3A_838, %xor3A_15 : vector<16xi1>, vector<16xi32>
        %broadcast_in_dim3A_840 = vector.shape_cast %select_n3A_839 : vector<16xi32> to vector<16x1xi32>
        %gather3A_841 = vector.shape_cast %broadcast_in_dim3A_840 : vector<16x1xi32> to vector<16xi32>
        %gather3A_842 = tpu.dynamic_gather %add3A_832[%gather3A_841] in [0] : vector<16xf32>, vector<16xi32> -> vector<16xf32>
        %add3A_843 = arith.addf %add3A_832, %gather3A_842 : vector<16xf32>
        %min3A_844 = arith.constant 6.000000e+01 : f32
        %min3A_845 = vector.broadcast %min3A_844 : f32 to vector<16xf32>
        %min3A_846 = arith.minimumf %add3A_843, %min3A_845 : vector<16xf32>
        %exp3A_847 = math.exp %min3A_846 : vector<16xf32>
        %eq3A_848 = arith.constant 6 : i32
        %eq3A_849 = vector.broadcast %eq3A_848 : i32 to vector<16xi32>
        %eq3A_850 = arith.cmpi eq, %iota3A, %eq3A_849 : vector<16xi32>
        %jit3A_851 = arith.constant 0.000000e+00 : f32
        %broadcast_in_dim3A_852 = vector.broadcast %jit3A_851 : f32 to vector<16xf32>
        %select_n3A_853 = arith.select %eq3A_850, %exp3A_847, %broadcast_in_dim3A_852 : vector<16xi1>, vector<16xf32>
        %add3A_854 = arith.addf %add3A_772, %select_n3A_853 : vector<16xf32>
        %get3A_855 = arith.index_cast %add3A_284 : i32 to index
        %get3A_856 = arith.constant 112 : index
        %get3A_857 = tpu.vector_load %arg19[%get3A_855, %get3A_856] {strides = array<i32>} : memref<32x128xf32, #tpu.memory_space<vmem>>, vector<1x16xf32>,
        %get3A_858 = vector.shape_cast %get3A_857 : vector<1x16xf32> to vector<16xf32>
        %get3A_859 = arith.index_cast %add3A_284 : i32 to index
        %get3A_860 = arith.constant 112 : index
        %get3A_861 = tpu.vector_load %arg21[%get3A_859, %get3A_860] {strides = array<i32>} : memref<32x256xf32, #tpu.memory_space<vmem>>, vector<1x16xf32>,
        %get3A_862 = vector.shape_cast %get3A_861 : vector<1x16xf32> to vector<16xf32>
        %add3A_863 = arith.addf %get3A_858, %get3A_862 : vector<16xf32>
        %get3A_864 = arith.index_cast %add3A_284 : i32 to index
        %get3A_865 = arith.constant 112 : index
        %get3A_866 = tpu.vector_load %arg23[%get3A_864, %get3A_865] {strides = array<i32>} : memref<32x128xf32, #tpu.memory_space<vmem>>, vector<1x16xf32>,
        %get3A_867 = vector.shape_cast %get3A_866 : vector<1x16xf32> to vector<16xf32>
        %add3A_868 = arith.addf %add3A_863, %get3A_867 : vector<16xf32>
        %ge3A_869 = arith.constant 0.000000e+00 : f32
        %ge3A_870 = vector.broadcast %ge3A_869 : f32 to vector<16xf32>
        %ge3A_871 = arith.cmpf oge, %add3A_868, %ge3A_870 : vector<16xf32>
        %mul3A_872 = arith.constant 0.00999999977 : f32
        %mul3A_873 = vector.broadcast %mul3A_872 : f32 to vector<16xf32>
        %mul3A_874 = arith.mulf %mul3A_873, %add3A_868 : vector<16xf32>
        %select_n3A_875 = arith.select %ge3A_871, %add3A_868, %mul3A_874 : vector<16xi1>, vector<16xf32>
        %get3A_876 = arith.constant 7 : i32
        %get3A_877 = arith.index_cast %get3A_876 : i32 to index
        %get3A_878 = arith.constant 0 : index
        %get3A_879 = tpu.vector_load %arg26[%get3A_877, %get3A_878] {strides = array<i32>} : memref<8x16xf32, #tpu.memory_space<vmem>>, vector<1x16xf32>,
        %get3A_880 = vector.shape_cast %get3A_879 : vector<1x16xf32> to vector<16xf32>
        %mul3A_881 = arith.mulf %get3A_880, %select_n3A_875 : vector<16xf32>
        %lt3A_882 = arith.constant 0 : i32
        %lt3A_883 = vector.broadcast %lt3A_882 : i32 to vector<16xi32>
        %lt3A_884 = arith.cmpi slt, %xor3A_6, %lt3A_883 : vector<16xi32>
        %add3A_885 = arith.constant 16 : i32
        %add3A_886 = vector.broadcast %add3A_885 : i32 to vector<16xi32>
        %add3A_887 = arith.addi %xor3A_6, %add3A_886 : vector<16xi32>
        %select_n3A_888 = arith.select %lt3A_884, %add3A_887, %xor3A_6 : vector<16xi1>, vector<16xi32>
        %broadcast_in_dim3A_889 = vector.shape_cast %select_n3A_888 : vector<16xi32> to vector<16x1xi32>
        %gather3A_890 = vector.shape_cast %broadcast_in_dim3A_889 : vector<16x1xi32> to vector<16xi32>
        %gather3A_891 = tpu.dynamic_gather %mul3A_881[%gather3A_890] in [0] : vector<16xf32>, vector<16xi32> -> vector<16xf32>
        %add3A_892 = arith.addf %mul3A_881, %gather3A_891 : vector<16xf32>
        %lt3A_893 = arith.constant 0 : i32
        %lt3A_894 = vector.broadcast %lt3A_893 : i32 to vector<16xi32>
        %lt3A_895 = arith.cmpi slt, %xor3A_9, %lt3A_894 : vector<16xi32>
        %add3A_896 = arith.constant 16 : i32
        %add3A_897 = vector.broadcast %add3A_896 : i32 to vector<16xi32>
        %add3A_898 = arith.addi %xor3A_9, %add3A_897 : vector<16xi32>
        %select_n3A_899 = arith.select %lt3A_895, %add3A_898, %xor3A_9 : vector<16xi1>, vector<16xi32>
        %broadcast_in_dim3A_900 = vector.shape_cast %select_n3A_899 : vector<16xi32> to vector<16x1xi32>
        %gather3A_901 = vector.shape_cast %broadcast_in_dim3A_900 : vector<16x1xi32> to vector<16xi32>
        %gather3A_902 = tpu.dynamic_gather %add3A_892[%gather3A_901] in [0] : vector<16xf32>, vector<16xi32> -> vector<16xf32>
        %add3A_903 = arith.addf %add3A_892, %gather3A_902 : vector<16xf32>
        %lt3A_904 = arith.constant 0 : i32
        %lt3A_905 = vector.broadcast %lt3A_904 : i32 to vector<16xi32>
        %lt3A_906 = arith.cmpi slt, %xor3A_12, %lt3A_905 : vector<16xi32>
        %add3A_907 = arith.constant 16 : i32
        %add3A_908 = vector.broadcast %add3A_907 : i32 to vector<16xi32>
        %add3A_909 = arith.addi %xor3A_12, %add3A_908 : vector<16xi32>
        %select_n3A_910 = arith.select %lt3A_906, %add3A_909, %xor3A_12 : vector<16xi1>, vector<16xi32>
        %broadcast_in_dim3A_911 = vector.shape_cast %select_n3A_910 : vector<16xi32> to vector<16x1xi32>
        %gather3A_912 = vector.shape_cast %broadcast_in_dim3A_911 : vector<16x1xi32> to vector<16xi32>
        %gather3A_913 = tpu.dynamic_gather %add3A_903[%gather3A_912] in [0] : vector<16xf32>, vector<16xi32> -> vector<16xf32>
        %add3A_914 = arith.addf %add3A_903, %gather3A_913 : vector<16xf32>
        %lt3A_915 = arith.constant 0 : i32
        %lt3A_916 = vector.broadcast %lt3A_915 : i32 to vector<16xi32>
        %lt3A_917 = arith.cmpi slt, %xor3A_15, %lt3A_916 : vector<16xi32>
        %add3A_918 = arith.constant 16 : i32
        %add3A_919 = vector.broadcast %add3A_918 : i32 to vector<16xi32>
        %add3A_920 = arith.addi %xor3A_15, %add3A_919 : vector<16xi32>
        %select_n3A_921 = arith.select %lt3A_917, %add3A_920, %xor3A_15 : vector<16xi1>, vector<16xi32>
        %broadcast_in_dim3A_922 = vector.shape_cast %select_n3A_921 : vector<16xi32> to vector<16x1xi32>
        %gather3A_923 = vector.shape_cast %broadcast_in_dim3A_922 : vector<16x1xi32> to vector<16xi32>
        %gather3A_924 = tpu.dynamic_gather %add3A_914[%gather3A_923] in [0] : vector<16xf32>, vector<16xi32> -> vector<16xf32>
        %add3A_925 = arith.addf %add3A_914, %gather3A_924 : vector<16xf32>
        %min3A_926 = arith.constant 6.000000e+01 : f32
        %min3A_927 = vector.broadcast %min3A_926 : f32 to vector<16xf32>
        %min3A_928 = arith.minimumf %add3A_925, %min3A_927 : vector<16xf32>
        %exp3A_929 = math.exp %min3A_928 : vector<16xf32>
        %eq3A_930 = arith.constant 7 : i32
        %eq3A_931 = vector.broadcast %eq3A_930 : i32 to vector<16xi32>
        %eq3A_932 = arith.cmpi eq, %iota3A, %eq3A_931 : vector<16xi32>
        %jit3A_933 = arith.constant 0.000000e+00 : f32
        %broadcast_in_dim3A_934 = vector.broadcast %jit3A_933 : f32 to vector<16xf32>
        %select_n3A_935 = arith.select %eq3A_932, %exp3A_929, %broadcast_in_dim3A_934 : vector<16xi1>, vector<16xf32>
        %add3A_936 = arith.addf %add3A_854, %select_n3A_935 : vector<16xf32>
        %mul3A_937 = arith.constant 2 : i32
        %mul3A_938 = arith.muli %scan3A_277, %mul3A_937 : i32
        %add3A_939 = arith.constant 1 : i32
        %add3A_940 = arith.addi %mul3A_938, %add3A_939 : i32
        %get3A_941 = arith.index_cast %add3A_940 : i32 to index
        %get3A_942 = arith.constant 0 : index
        %get3A_943 = tpu.vector_load %arg19[%get3A_941, %get3A_942] {strides = array<i32>} : memref<32x128xf32, #tpu.memory_space<vmem>>, vector<1x16xf32>,
        %get3A_944 = vector.shape_cast %get3A_943 : vector<1x16xf32> to vector<16xf32>
        %get3A_945 = arith.index_cast %add3A_940 : i32 to index
        %get3A_946 = arith.constant 0 : index
        %get3A_947 = tpu.vector_load %arg21[%get3A_945, %get3A_946] {strides = array<i32>} : memref<32x256xf32, #tpu.memory_space<vmem>>, vector<1x16xf32>,
        %get3A_948 = vector.shape_cast %get3A_947 : vector<1x16xf32> to vector<16xf32>
        %add3A_949 = arith.addf %get3A_944, %get3A_948 : vector<16xf32>
        %get3A_950 = arith.index_cast %add3A_940 : i32 to index
        %get3A_951 = arith.constant 0 : index
        %get3A_952 = tpu.vector_load %arg23[%get3A_950, %get3A_951] {strides = array<i32>} : memref<32x128xf32, #tpu.memory_space<vmem>>, vector<1x16xf32>,
        %get3A_953 = vector.shape_cast %get3A_952 : vector<1x16xf32> to vector<16xf32>
        %add3A_954 = arith.addf %add3A_949, %get3A_953 : vector<16xf32>
        %ge3A_955 = arith.constant 0.000000e+00 : f32
        %ge3A_956 = vector.broadcast %ge3A_955 : f32 to vector<16xf32>
        %ge3A_957 = arith.cmpf oge, %add3A_954, %ge3A_956 : vector<16xf32>
        %mul3A_958 = arith.constant 0.00999999977 : f32
        %mul3A_959 = vector.broadcast %mul3A_958 : f32 to vector<16xf32>
        %mul3A_960 = arith.mulf %mul3A_959, %add3A_954 : vector<16xf32>
        %select_n3A_961 = arith.select %ge3A_957, %add3A_954, %mul3A_960 : vector<16xi1>, vector<16xf32>
        %get3A_962 = arith.constant 0 : i32
        %get3A_963 = arith.index_cast %get3A_962 : i32 to index
        %get3A_964 = arith.constant 0 : index
        %get3A_965 = tpu.vector_load %arg26[%get3A_963, %get3A_964] {strides = array<i32>} : memref<8x16xf32, #tpu.memory_space<vmem>>, vector<1x16xf32>,
        %get3A_966 = vector.shape_cast %get3A_965 : vector<1x16xf32> to vector<16xf32>
        %mul3A_967 = arith.mulf %get3A_966, %select_n3A_961 : vector<16xf32>
        %lt3A_968 = arith.constant 0 : i32
        %lt3A_969 = vector.broadcast %lt3A_968 : i32 to vector<16xi32>
        %lt3A_970 = arith.cmpi slt, %xor3A_6, %lt3A_969 : vector<16xi32>
        %add3A_971 = arith.constant 16 : i32
        %add3A_972 = vector.broadcast %add3A_971 : i32 to vector<16xi32>
        %add3A_973 = arith.addi %xor3A_6, %add3A_972 : vector<16xi32>
        %select_n3A_974 = arith.select %lt3A_970, %add3A_973, %xor3A_6 : vector<16xi1>, vector<16xi32>
        %broadcast_in_dim3A_975 = vector.shape_cast %select_n3A_974 : vector<16xi32> to vector<16x1xi32>
        %gather3A_976 = vector.shape_cast %broadcast_in_dim3A_975 : vector<16x1xi32> to vector<16xi32>
        %gather3A_977 = tpu.dynamic_gather %mul3A_967[%gather3A_976] in [0] : vector<16xf32>, vector<16xi32> -> vector<16xf32>
        %add3A_978 = arith.addf %mul3A_967, %gather3A_977 : vector<16xf32>
        %lt3A_979 = arith.constant 0 : i32
        %lt3A_980 = vector.broadcast %lt3A_979 : i32 to vector<16xi32>
        %lt3A_981 = arith.cmpi slt, %xor3A_9, %lt3A_980 : vector<16xi32>
        %add3A_982 = arith.constant 16 : i32
        %add3A_983 = vector.broadcast %add3A_982 : i32 to vector<16xi32>
        %add3A_984 = arith.addi %xor3A_9, %add3A_983 : vector<16xi32>
        %select_n3A_985 = arith.select %lt3A_981, %add3A_984, %xor3A_9 : vector<16xi1>, vector<16xi32>
        %broadcast_in_dim3A_986 = vector.shape_cast %select_n3A_985 : vector<16xi32> to vector<16x1xi32>
        %gather3A_987 = vector.shape_cast %broadcast_in_dim3A_986 : vector<16x1xi32> to vector<16xi32>
        %gather3A_988 = tpu.dynamic_gather %add3A_978[%gather3A_987] in [0] : vector<16xf32>, vector<16xi32> -> vector<16xf32>
        %add3A_989 = arith.addf %add3A_978, %gather3A_988 : vector<16xf32>
        %lt3A_990 = arith.constant 0 : i32
        %lt3A_991 = vector.broadcast %lt3A_990 : i32 to vector<16xi32>
        %lt3A_992 = arith.cmpi slt, %xor3A_12, %lt3A_991 : vector<16xi32>
        %add3A_993 = arith.constant 16 : i32
        %add3A_994 = vector.broadcast %add3A_993 : i32 to vector<16xi32>
        %add3A_995 = arith.addi %xor3A_12, %add3A_994 : vector<16xi32>
        %select_n3A_996 = arith.select %lt3A_992, %add3A_995, %xor3A_12 : vector<16xi1>, vector<16xi32>
        %broadcast_in_dim3A_997 = vector.shape_cast %select_n3A_996 : vector<16xi32> to vector<16x1xi32>
        %gather3A_998 = vector.shape_cast %broadcast_in_dim3A_997 : vector<16x1xi32> to vector<16xi32>
        %gather3A_999 = tpu.dynamic_gather %add3A_989[%gather3A_998] in [0] : vector<16xf32>, vector<16xi32> -> vector<16xf32>
        %add3A_1000 = arith.addf %add3A_989, %gather3A_999 : vector<16xf32>
        %lt3A_1001 = arith.constant 0 : i32
        %lt3A_1002 = vector.broadcast %lt3A_1001 : i32 to vector<16xi32>
        %lt3A_1003 = arith.cmpi slt, %xor3A_15, %lt3A_1002 : vector<16xi32>
        %add3A_1004 = arith.constant 16 : i32
        %add3A_1005 = vector.broadcast %add3A_1004 : i32 to vector<16xi32>
        %add3A_1006 = arith.addi %xor3A_15, %add3A_1005 : vector<16xi32>
        %select_n3A_1007 = arith.select %lt3A_1003, %add3A_1006, %xor3A_15 : vector<16xi1>, vector<16xi32>
        %broadcast_in_dim3A_1008 = vector.shape_cast %select_n3A_1007 : vector<16xi32> to vector<16x1xi32>
        %gather3A_1009 = vector.shape_cast %broadcast_in_dim3A_1008 : vector<16x1xi32> to vector<16xi32>
        %gather3A_1010 = tpu.dynamic_gather %add3A_1000[%gather3A_1009] in [0] : vector<16xf32>, vector<16xi32> -> vector<16xf32>
        %add3A_1011 = arith.addf %add3A_1000, %gather3A_1010 : vector<16xf32>
        %min3A_1012 = arith.constant 6.000000e+01 : f32
        %min3A_1013 = vector.broadcast %min3A_1012 : f32 to vector<16xf32>
        %min3A_1014 = arith.minimumf %add3A_1011, %min3A_1013 : vector<16xf32>
        %exp3A_1015 = math.exp %min3A_1014 : vector<16xf32>
        %eq3A_1016 = arith.constant 8 : i32
        %eq3A_1017 = vector.broadcast %eq3A_1016 : i32 to vector<16xi32>
        %eq3A_1018 = arith.cmpi eq, %iota3A, %eq3A_1017 : vector<16xi32>
        %jit3A_1019 = arith.constant 0.000000e+00 : f32
        %broadcast_in_dim3A_1020 = vector.broadcast %jit3A_1019 : f32 to vector<16xf32>
        %select_n3A_1021 = arith.select %eq3A_1018, %exp3A_1015, %broadcast_in_dim3A_1020 : vector<16xi1>, vector<16xf32>
        %add3A_1022 = arith.addf %add3A_936, %select_n3A_1021 : vector<16xf32>
        %get3A_1023 = arith.index_cast %add3A_940 : i32 to index
        %get3A_1024 = arith.constant 16 : index
        %get3A_1025 = tpu.vector_load %arg19[%get3A_1023, %get3A_1024] {strides = array<i32>} : memref<32x128xf32, #tpu.memory_space<vmem>>, vector<1x16xf32>,
        %get3A_1026 = vector.shape_cast %get3A_1025 : vector<1x16xf32> to vector<16xf32>
        %get3A_1027 = arith.index_cast %add3A_940 : i32 to index
        %get3A_1028 = arith.constant 16 : index
        %get3A_1029 = tpu.vector_load %arg21[%get3A_1027, %get3A_1028] {strides = array<i32>} : memref<32x256xf32, #tpu.memory_space<vmem>>, vector<1x16xf32>,
        %get3A_1030 = vector.shape_cast %get3A_1029 : vector<1x16xf32> to vector<16xf32>
        %add3A_1031 = arith.addf %get3A_1026, %get3A_1030 : vector<16xf32>
        %get3A_1032 = arith.index_cast %add3A_940 : i32 to index
        %get3A_1033 = arith.constant 16 : index
        %get3A_1034 = tpu.vector_load %arg23[%get3A_1032, %get3A_1033] {strides = array<i32>} : memref<32x128xf32, #tpu.memory_space<vmem>>, vector<1x16xf32>,
        %get3A_1035 = vector.shape_cast %get3A_1034 : vector<1x16xf32> to vector<16xf32>
        %add3A_1036 = arith.addf %add3A_1031, %get3A_1035 : vector<16xf32>
        %ge3A_1037 = arith.constant 0.000000e+00 : f32
        %ge3A_1038 = vector.broadcast %ge3A_1037 : f32 to vector<16xf32>
        %ge3A_1039 = arith.cmpf oge, %add3A_1036, %ge3A_1038 : vector<16xf32>
        %mul3A_1040 = arith.constant 0.00999999977 : f32
        %mul3A_1041 = vector.broadcast %mul3A_1040 : f32 to vector<16xf32>
        %mul3A_1042 = arith.mulf %mul3A_1041, %add3A_1036 : vector<16xf32>
        %select_n3A_1043 = arith.select %ge3A_1039, %add3A_1036, %mul3A_1042 : vector<16xi1>, vector<16xf32>
        %get3A_1044 = arith.constant 1 : i32
        %get3A_1045 = arith.index_cast %get3A_1044 : i32 to index
        %get3A_1046 = arith.constant 0 : index
        %get3A_1047 = tpu.vector_load %arg26[%get3A_1045, %get3A_1046] {strides = array<i32>} : memref<8x16xf32, #tpu.memory_space<vmem>>, vector<1x16xf32>,
        %get3A_1048 = vector.shape_cast %get3A_1047 : vector<1x16xf32> to vector<16xf32>
        %mul3A_1049 = arith.mulf %get3A_1048, %select_n3A_1043 : vector<16xf32>
        %lt3A_1050 = arith.constant 0 : i32
        %lt3A_1051 = vector.broadcast %lt3A_1050 : i32 to vector<16xi32>
        %lt3A_1052 = arith.cmpi slt, %xor3A_6, %lt3A_1051 : vector<16xi32>
        %add3A_1053 = arith.constant 16 : i32
        %add3A_1054 = vector.broadcast %add3A_1053 : i32 to vector<16xi32>
        %add3A_1055 = arith.addi %xor3A_6, %add3A_1054 : vector<16xi32>
        %select_n3A_1056 = arith.select %lt3A_1052, %add3A_1055, %xor3A_6 : vector<16xi1>, vector<16xi32>
        %broadcast_in_dim3A_1057 = vector.shape_cast %select_n3A_1056 : vector<16xi32> to vector<16x1xi32>
        %gather3A_1058 = vector.shape_cast %broadcast_in_dim3A_1057 : vector<16x1xi32> to vector<16xi32>
        %gather3A_1059 = tpu.dynamic_gather %mul3A_1049[%gather3A_1058] in [0] : vector<16xf32>, vector<16xi32> -> vector<16xf32>
        %add3A_1060 = arith.addf %mul3A_1049, %gather3A_1059 : vector<16xf32>
        %lt3A_1061 = arith.constant 0 : i32
        %lt3A_1062 = vector.broadcast %lt3A_1061 : i32 to vector<16xi32>
        %lt3A_1063 = arith.cmpi slt, %xor3A_9, %lt3A_1062 : vector<16xi32>
        %add3A_1064 = arith.constant 16 : i32
        %add3A_1065 = vector.broadcast %add3A_1064 : i32 to vector<16xi32>
        %add3A_1066 = arith.addi %xor3A_9, %add3A_1065 : vector<16xi32>
        %select_n3A_1067 = arith.select %lt3A_1063, %add3A_1066, %xor3A_9 : vector<16xi1>, vector<16xi32>
        %broadcast_in_dim3A_1068 = vector.shape_cast %select_n3A_1067 : vector<16xi32> to vector<16x1xi32>
        %gather3A_1069 = vector.shape_cast %broadcast_in_dim3A_1068 : vector<16x1xi32> to vector<16xi32>
        %gather3A_1070 = tpu.dynamic_gather %add3A_1060[%gather3A_1069] in [0] : vector<16xf32>, vector<16xi32> -> vector<16xf32>
        %add3A_1071 = arith.addf %add3A_1060, %gather3A_1070 : vector<16xf32>
        %lt3A_1072 = arith.constant 0 : i32
        %lt3A_1073 = vector.broadcast %lt3A_1072 : i32 to vector<16xi32>
        %lt3A_1074 = arith.cmpi slt, %xor3A_12, %lt3A_1073 : vector<16xi32>
        %add3A_1075 = arith.constant 16 : i32
        %add3A_1076 = vector.broadcast %add3A_1075 : i32 to vector<16xi32>
        %add3A_1077 = arith.addi %xor3A_12, %add3A_1076 : vector<16xi32>
        %select_n3A_1078 = arith.select %lt3A_1074, %add3A_1077, %xor3A_12 : vector<16xi1>, vector<16xi32>
        %broadcast_in_dim3A_1079 = vector.shape_cast %select_n3A_1078 : vector<16xi32> to vector<16x1xi32>
        %gather3A_1080 = vector.shape_cast %broadcast_in_dim3A_1079 : vector<16x1xi32> to vector<16xi32>
        %gather3A_1081 = tpu.dynamic_gather %add3A_1071[%gather3A_1080] in [0] : vector<16xf32>, vector<16xi32> -> vector<16xf32>
        %add3A_1082 = arith.addf %add3A_1071, %gather3A_1081 : vector<16xf32>
        %lt3A_1083 = arith.constant 0 : i32
        %lt3A_1084 = vector.broadcast %lt3A_1083 : i32 to vector<16xi32>
        %lt3A_1085 = arith.cmpi slt, %xor3A_15, %lt3A_1084 : vector<16xi32>
        %add3A_1086 = arith.constant 16 : i32
        %add3A_1087 = vector.broadcast %add3A_1086 : i32 to vector<16xi32>
        %add3A_1088 = arith.addi %xor3A_15, %add3A_1087 : vector<16xi32>
        %select_n3A_1089 = arith.select %lt3A_1085, %add3A_1088, %xor3A_15 : vector<16xi1>, vector<16xi32>
        %broadcast_in_dim3A_1090 = vector.shape_cast %select_n3A_1089 : vector<16xi32> to vector<16x1xi32>
        %gather3A_1091 = vector.shape_cast %broadcast_in_dim3A_1090 : vector<16x1xi32> to vector<16xi32>
        %gather3A_1092 = tpu.dynamic_gather %add3A_1082[%gather3A_1091] in [0] : vector<16xf32>, vector<16xi32> -> vector<16xf32>
        %add3A_1093 = arith.addf %add3A_1082, %gather3A_1092 : vector<16xf32>
        %min3A_1094 = arith.constant 6.000000e+01 : f32
        %min3A_1095 = vector.broadcast %min3A_1094 : f32 to vector<16xf32>
        %min3A_1096 = arith.minimumf %add3A_1093, %min3A_1095 : vector<16xf32>
        %exp3A_1097 = math.exp %min3A_1096 : vector<16xf32>
        %eq3A_1098 = arith.constant 9 : i32
        %eq3A_1099 = vector.broadcast %eq3A_1098 : i32 to vector<16xi32>
        %eq3A_1100 = arith.cmpi eq, %iota3A, %eq3A_1099 : vector<16xi32>
        %jit3A_1101 = arith.constant 0.000000e+00 : f32
        %broadcast_in_dim3A_1102 = vector.broadcast %jit3A_1101 : f32 to vector<16xf32>
        %select_n3A_1103 = arith.select %eq3A_1100, %exp3A_1097, %broadcast_in_dim3A_1102 : vector<16xi1>, vector<16xf32>
        %add3A_1104 = arith.addf %add3A_1022, %select_n3A_1103 : vector<16xf32>
        %get3A_1105 = arith.index_cast %add3A_940 : i32 to index
        %get3A_1106 = arith.constant 32 : index
        %get3A_1107 = tpu.vector_load %arg19[%get3A_1105, %get3A_1106] {strides = array<i32>} : memref<32x128xf32, #tpu.memory_space<vmem>>, vector<1x16xf32>,
        %get3A_1108 = vector.shape_cast %get3A_1107 : vector<1x16xf32> to vector<16xf32>
        %get3A_1109 = arith.index_cast %add3A_940 : i32 to index
        %get3A_1110 = arith.constant 32 : index
        %get3A_1111 = tpu.vector_load %arg21[%get3A_1109, %get3A_1110] {strides = array<i32>} : memref<32x256xf32, #tpu.memory_space<vmem>>, vector<1x16xf32>,
        %get3A_1112 = vector.shape_cast %get3A_1111 : vector<1x16xf32> to vector<16xf32>
        %add3A_1113 = arith.addf %get3A_1108, %get3A_1112 : vector<16xf32>
        %get3A_1114 = arith.index_cast %add3A_940 : i32 to index
        %get3A_1115 = arith.constant 32 : index
        %get3A_1116 = tpu.vector_load %arg23[%get3A_1114, %get3A_1115] {strides = array<i32>} : memref<32x128xf32, #tpu.memory_space<vmem>>, vector<1x16xf32>,
        %get3A_1117 = vector.shape_cast %get3A_1116 : vector<1x16xf32> to vector<16xf32>
        %add3A_1118 = arith.addf %add3A_1113, %get3A_1117 : vector<16xf32>
        %ge3A_1119 = arith.constant 0.000000e+00 : f32
        %ge3A_1120 = vector.broadcast %ge3A_1119 : f32 to vector<16xf32>
        %ge3A_1121 = arith.cmpf oge, %add3A_1118, %ge3A_1120 : vector<16xf32>
        %mul3A_1122 = arith.constant 0.00999999977 : f32
        %mul3A_1123 = vector.broadcast %mul3A_1122 : f32 to vector<16xf32>
        %mul3A_1124 = arith.mulf %mul3A_1123, %add3A_1118 : vector<16xf32>
        %select_n3A_1125 = arith.select %ge3A_1121, %add3A_1118, %mul3A_1124 : vector<16xi1>, vector<16xf32>
        %get3A_1126 = arith.constant 2 : i32
        %get3A_1127 = arith.index_cast %get3A_1126 : i32 to index
        %get3A_1128 = arith.constant 0 : index
        %get3A_1129 = tpu.vector_load %arg26[%get3A_1127, %get3A_1128] {strides = array<i32>} : memref<8x16xf32, #tpu.memory_space<vmem>>, vector<1x16xf32>,
        %get3A_1130 = vector.shape_cast %get3A_1129 : vector<1x16xf32> to vector<16xf32>
        %mul3A_1131 = arith.mulf %get3A_1130, %select_n3A_1125 : vector<16xf32>
        %lt3A_1132 = arith.constant 0 : i32
        %lt3A_1133 = vector.broadcast %lt3A_1132 : i32 to vector<16xi32>
        %lt3A_1134 = arith.cmpi slt, %xor3A_6, %lt3A_1133 : vector<16xi32>
        %add3A_1135 = arith.constant 16 : i32
        %add3A_1136 = vector.broadcast %add3A_1135 : i32 to vector<16xi32>
        %add3A_1137 = arith.addi %xor3A_6, %add3A_1136 : vector<16xi32>
        %select_n3A_1138 = arith.select %lt3A_1134, %add3A_1137, %xor3A_6 : vector<16xi1>, vector<16xi32>
        %broadcast_in_dim3A_1139 = vector.shape_cast %select_n3A_1138 : vector<16xi32> to vector<16x1xi32>
        %gather3A_1140 = vector.shape_cast %broadcast_in_dim3A_1139 : vector<16x1xi32> to vector<16xi32>
        %gather3A_1141 = tpu.dynamic_gather %mul3A_1131[%gather3A_1140] in [0] : vector<16xf32>, vector<16xi32> -> vector<16xf32>
        %add3A_1142 = arith.addf %mul3A_1131, %gather3A_1141 : vector<16xf32>
        %lt3A_1143 = arith.constant 0 : i32
        %lt3A_1144 = vector.broadcast %lt3A_1143 : i32 to vector<16xi32>
        %lt3A_1145 = arith.cmpi slt, %xor3A_9, %lt3A_1144 : vector<16xi32>
        %add3A_1146 = arith.constant 16 : i32
        %add3A_1147 = vector.broadcast %add3A_1146 : i32 to vector<16xi32>
        %add3A_1148 = arith.addi %xor3A_9, %add3A_1147 : vector<16xi32>
        %select_n3A_1149 = arith.select %lt3A_1145, %add3A_1148, %xor3A_9 : vector<16xi1>, vector<16xi32>
        %broadcast_in_dim3A_1150 = vector.shape_cast %select_n3A_1149 : vector<16xi32> to vector<16x1xi32>
        %gather3A_1151 = vector.shape_cast %broadcast_in_dim3A_1150 : vector<16x1xi32> to vector<16xi32>
        %gather3A_1152 = tpu.dynamic_gather %add3A_1142[%gather3A_1151] in [0] : vector<16xf32>, vector<16xi32> -> vector<16xf32>
        %add3A_1153 = arith.addf %add3A_1142, %gather3A_1152 : vector<16xf32>
        %lt3A_1154 = arith.constant 0 : i32
        %lt3A_1155 = vector.broadcast %lt3A_1154 : i32 to vector<16xi32>
        %lt3A_1156 = arith.cmpi slt, %xor3A_12, %lt3A_1155 : vector<16xi32>
        %add3A_1157 = arith.constant 16 : i32
        %add3A_1158 = vector.broadcast %add3A_1157 : i32 to vector<16xi32>
        %add3A_1159 = arith.addi %xor3A_12, %add3A_1158 : vector<16xi32>
        %select_n3A_1160 = arith.select %lt3A_1156, %add3A_1159, %xor3A_12 : vector<16xi1>, vector<16xi32>
        %broadcast_in_dim3A_1161 = vector.shape_cast %select_n3A_1160 : vector<16xi32> to vector<16x1xi32>
        %gather3A_1162 = vector.shape_cast %broadcast_in_dim3A_1161 : vector<16x1xi32> to vector<16xi32>
        %gather3A_1163 = tpu.dynamic_gather %add3A_1153[%gather3A_1162] in [0] : vector<16xf32>, vector<16xi32> -> vector<16xf32>
        %add3A_1164 = arith.addf %add3A_1153, %gather3A_1163 : vector<16xf32>
        %lt3A_1165 = arith.constant 0 : i32
        %lt3A_1166 = vector.broadcast %lt3A_1165 : i32 to vector<16xi32>
        %lt3A_1167 = arith.cmpi slt, %xor3A_15, %lt3A_1166 : vector<16xi32>
        %add3A_1168 = arith.constant 16 : i32
        %add3A_1169 = vector.broadcast %add3A_1168 : i32 to vector<16xi32>
        %add3A_1170 = arith.addi %xor3A_15, %add3A_1169 : vector<16xi32>
        %select_n3A_1171 = arith.select %lt3A_1167, %add3A_1170, %xor3A_15 : vector<16xi1>, vector<16xi32>
        %broadcast_in_dim3A_1172 = vector.shape_cast %select_n3A_1171 : vector<16xi32> to vector<16x1xi32>
        %gather3A_1173 = vector.shape_cast %broadcast_in_dim3A_1172 : vector<16x1xi32> to vector<16xi32>
        %gather3A_1174 = tpu.dynamic_gather %add3A_1164[%gather3A_1173] in [0] : vector<16xf32>, vector<16xi32> -> vector<16xf32>
        %add3A_1175 = arith.addf %add3A_1164, %gather3A_1174 : vector<16xf32>
        %min3A_1176 = arith.constant 6.000000e+01 : f32
        %min3A_1177 = vector.broadcast %min3A_1176 : f32 to vector<16xf32>
        %min3A_1178 = arith.minimumf %add3A_1175, %min3A_1177 : vector<16xf32>
        %exp3A_1179 = math.exp %min3A_1178 : vector<16xf32>
        %eq3A_1180 = arith.constant 10 : i32
        %eq3A_1181 = vector.broadcast %eq3A_1180 : i32 to vector<16xi32>
        %eq3A_1182 = arith.cmpi eq, %iota3A, %eq3A_1181 : vector<16xi32>
        %jit3A_1183 = arith.constant 0.000000e+00 : f32
        %broadcast_in_dim3A_1184 = vector.broadcast %jit3A_1183 : f32 to vector<16xf32>
        %select_n3A_1185 = arith.select %eq3A_1182, %exp3A_1179, %broadcast_in_dim3A_1184 : vector<16xi1>, vector<16xf32>
        %add3A_1186 = arith.addf %add3A_1104, %select_n3A_1185 : vector<16xf32>
        %get3A_1187 = arith.index_cast %add3A_940 : i32 to index
        %get3A_1188 = arith.constant 48 : index
        %get3A_1189 = tpu.vector_load %arg19[%get3A_1187, %get3A_1188] {strides = array<i32>} : memref<32x128xf32, #tpu.memory_space<vmem>>, vector<1x16xf32>,
        %get3A_1190 = vector.shape_cast %get3A_1189 : vector<1x16xf32> to vector<16xf32>
        %get3A_1191 = arith.index_cast %add3A_940 : i32 to index
        %get3A_1192 = arith.constant 48 : index
        %get3A_1193 = tpu.vector_load %arg21[%get3A_1191, %get3A_1192] {strides = array<i32>} : memref<32x256xf32, #tpu.memory_space<vmem>>, vector<1x16xf32>,
        %get3A_1194 = vector.shape_cast %get3A_1193 : vector<1x16xf32> to vector<16xf32>
        %add3A_1195 = arith.addf %get3A_1190, %get3A_1194 : vector<16xf32>
        %get3A_1196 = arith.index_cast %add3A_940 : i32 to index
        %get3A_1197 = arith.constant 48 : index
        %get3A_1198 = tpu.vector_load %arg23[%get3A_1196, %get3A_1197] {strides = array<i32>} : memref<32x128xf32, #tpu.memory_space<vmem>>, vector<1x16xf32>,
        %get3A_1199 = vector.shape_cast %get3A_1198 : vector<1x16xf32> to vector<16xf32>
        %add3A_1200 = arith.addf %add3A_1195, %get3A_1199 : vector<16xf32>
        %ge3A_1201 = arith.constant 0.000000e+00 : f32
        %ge3A_1202 = vector.broadcast %ge3A_1201 : f32 to vector<16xf32>
        %ge3A_1203 = arith.cmpf oge, %add3A_1200, %ge3A_1202 : vector<16xf32>
        %mul3A_1204 = arith.constant 0.00999999977 : f32
        %mul3A_1205 = vector.broadcast %mul3A_1204 : f32 to vector<16xf32>
        %mul3A_1206 = arith.mulf %mul3A_1205, %add3A_1200 : vector<16xf32>
        %select_n3A_1207 = arith.select %ge3A_1203, %add3A_1200, %mul3A_1206 : vector<16xi1>, vector<16xf32>
        %get3A_1208 = arith.constant 3 : i32
        %get3A_1209 = arith.index_cast %get3A_1208 : i32 to index
        %get3A_1210 = arith.constant 0 : index
        %get3A_1211 = tpu.vector_load %arg26[%get3A_1209, %get3A_1210] {strides = array<i32>} : memref<8x16xf32, #tpu.memory_space<vmem>>, vector<1x16xf32>,
        %get3A_1212 = vector.shape_cast %get3A_1211 : vector<1x16xf32> to vector<16xf32>
        %mul3A_1213 = arith.mulf %get3A_1212, %select_n3A_1207 : vector<16xf32>
        %lt3A_1214 = arith.constant 0 : i32
        %lt3A_1215 = vector.broadcast %lt3A_1214 : i32 to vector<16xi32>
        %lt3A_1216 = arith.cmpi slt, %xor3A_6, %lt3A_1215 : vector<16xi32>
        %add3A_1217 = arith.constant 16 : i32
        %add3A_1218 = vector.broadcast %add3A_1217 : i32 to vector<16xi32>
        %add3A_1219 = arith.addi %xor3A_6, %add3A_1218 : vector<16xi32>
        %select_n3A_1220 = arith.select %lt3A_1216, %add3A_1219, %xor3A_6 : vector<16xi1>, vector<16xi32>
        %broadcast_in_dim3A_1221 = vector.shape_cast %select_n3A_1220 : vector<16xi32> to vector<16x1xi32>
        %gather3A_1222 = vector.shape_cast %broadcast_in_dim3A_1221 : vector<16x1xi32> to vector<16xi32>
        %gather3A_1223 = tpu.dynamic_gather %mul3A_1213[%gather3A_1222] in [0] : vector<16xf32>, vector<16xi32> -> vector<16xf32>
        %add3A_1224 = arith.addf %mul3A_1213, %gather3A_1223 : vector<16xf32>
        %lt3A_1225 = arith.constant 0 : i32
        %lt3A_1226 = vector.broadcast %lt3A_1225 : i32 to vector<16xi32>
        %lt3A_1227 = arith.cmpi slt, %xor3A_9, %lt3A_1226 : vector<16xi32>
        %add3A_1228 = arith.constant 16 : i32
        %add3A_1229 = vector.broadcast %add3A_1228 : i32 to vector<16xi32>
        %add3A_1230 = arith.addi %xor3A_9, %add3A_1229 : vector<16xi32>
        %select_n3A_1231 = arith.select %lt3A_1227, %add3A_1230, %xor3A_9 : vector<16xi1>, vector<16xi32>
        %broadcast_in_dim3A_1232 = vector.shape_cast %select_n3A_1231 : vector<16xi32> to vector<16x1xi32>
        %gather3A_1233 = vector.shape_cast %broadcast_in_dim3A_1232 : vector<16x1xi32> to vector<16xi32>
        %gather3A_1234 = tpu.dynamic_gather %add3A_1224[%gather3A_1233] in [0] : vector<16xf32>, vector<16xi32> -> vector<16xf32>
        %add3A_1235 = arith.addf %add3A_1224, %gather3A_1234 : vector<16xf32>
        %lt3A_1236 = arith.constant 0 : i32
        %lt3A_1237 = vector.broadcast %lt3A_1236 : i32 to vector<16xi32>
        %lt3A_1238 = arith.cmpi slt, %xor3A_12, %lt3A_1237 : vector<16xi32>
        %add3A_1239 = arith.constant 16 : i32
        %add3A_1240 = vector.broadcast %add3A_1239 : i32 to vector<16xi32>
        %add3A_1241 = arith.addi %xor3A_12, %add3A_1240 : vector<16xi32>
        %select_n3A_1242 = arith.select %lt3A_1238, %add3A_1241, %xor3A_12 : vector<16xi1>, vector<16xi32>
        %broadcast_in_dim3A_1243 = vector.shape_cast %select_n3A_1242 : vector<16xi32> to vector<16x1xi32>
        %gather3A_1244 = vector.shape_cast %broadcast_in_dim3A_1243 : vector<16x1xi32> to vector<16xi32>
        %gather3A_1245 = tpu.dynamic_gather %add3A_1235[%gather3A_1244] in [0] : vector<16xf32>, vector<16xi32> -> vector<16xf32>
        %add3A_1246 = arith.addf %add3A_1235, %gather3A_1245 : vector<16xf32>
        %lt3A_1247 = arith.constant 0 : i32
        %lt3A_1248 = vector.broadcast %lt3A_1247 : i32 to vector<16xi32>
        %lt3A_1249 = arith.cmpi slt, %xor3A_15, %lt3A_1248 : vector<16xi32>
        %add3A_1250 = arith.constant 16 : i32
        %add3A_1251 = vector.broadcast %add3A_1250 : i32 to vector<16xi32>
        %add3A_1252 = arith.addi %xor3A_15, %add3A_1251 : vector<16xi32>
        %select_n3A_1253 = arith.select %lt3A_1249, %add3A_1252, %xor3A_15 : vector<16xi1>, vector<16xi32>
        %broadcast_in_dim3A_1254 = vector.shape_cast %select_n3A_1253 : vector<16xi32> to vector<16x1xi32>
        %gather3A_1255 = vector.shape_cast %broadcast_in_dim3A_1254 : vector<16x1xi32> to vector<16xi32>
        %gather3A_1256 = tpu.dynamic_gather %add3A_1246[%gather3A_1255] in [0] : vector<16xf32>, vector<16xi32> -> vector<16xf32>
        %add3A_1257 = arith.addf %add3A_1246, %gather3A_1256 : vector<16xf32>
        %min3A_1258 = arith.constant 6.000000e+01 : f32
        %min3A_1259 = vector.broadcast %min3A_1258 : f32 to vector<16xf32>
        %min3A_1260 = arith.minimumf %add3A_1257, %min3A_1259 : vector<16xf32>
        %exp3A_1261 = math.exp %min3A_1260 : vector<16xf32>
        %eq3A_1262 = arith.constant 11 : i32
        %eq3A_1263 = vector.broadcast %eq3A_1262 : i32 to vector<16xi32>
        %eq3A_1264 = arith.cmpi eq, %iota3A, %eq3A_1263 : vector<16xi32>
        %jit3A_1265 = arith.constant 0.000000e+00 : f32
        %broadcast_in_dim3A_1266 = vector.broadcast %jit3A_1265 : f32 to vector<16xf32>
        %select_n3A_1267 = arith.select %eq3A_1264, %exp3A_1261, %broadcast_in_dim3A_1266 : vector<16xi1>, vector<16xf32>
        %add3A_1268 = arith.addf %add3A_1186, %select_n3A_1267 : vector<16xf32>
        %get3A_1269 = arith.index_cast %add3A_940 : i32 to index
        %get3A_1270 = arith.constant 64 : index
        %get3A_1271 = tpu.vector_load %arg19[%get3A_1269, %get3A_1270] {strides = array<i32>} : memref<32x128xf32, #tpu.memory_space<vmem>>, vector<1x16xf32>,
        %get3A_1272 = vector.shape_cast %get3A_1271 : vector<1x16xf32> to vector<16xf32>
        %get3A_1273 = arith.index_cast %add3A_940 : i32 to index
        %get3A_1274 = arith.constant 64 : index
        %get3A_1275 = tpu.vector_load %arg21[%get3A_1273, %get3A_1274] {strides = array<i32>} : memref<32x256xf32, #tpu.memory_space<vmem>>, vector<1x16xf32>,
        %get3A_1276 = vector.shape_cast %get3A_1275 : vector<1x16xf32> to vector<16xf32>
        %add3A_1277 = arith.addf %get3A_1272, %get3A_1276 : vector<16xf32>
        %get3A_1278 = arith.index_cast %add3A_940 : i32 to index
        %get3A_1279 = arith.constant 64 : index
        %get3A_1280 = tpu.vector_load %arg23[%get3A_1278, %get3A_1279] {strides = array<i32>} : memref<32x128xf32, #tpu.memory_space<vmem>>, vector<1x16xf32>,
        %get3A_1281 = vector.shape_cast %get3A_1280 : vector<1x16xf32> to vector<16xf32>
        %add3A_1282 = arith.addf %add3A_1277, %get3A_1281 : vector<16xf32>
        %ge3A_1283 = arith.constant 0.000000e+00 : f32
        %ge3A_1284 = vector.broadcast %ge3A_1283 : f32 to vector<16xf32>
        %ge3A_1285 = arith.cmpf oge, %add3A_1282, %ge3A_1284 : vector<16xf32>
        %mul3A_1286 = arith.constant 0.00999999977 : f32
        %mul3A_1287 = vector.broadcast %mul3A_1286 : f32 to vector<16xf32>
        %mul3A_1288 = arith.mulf %mul3A_1287, %add3A_1282 : vector<16xf32>
        %select_n3A_1289 = arith.select %ge3A_1285, %add3A_1282, %mul3A_1288 : vector<16xi1>, vector<16xf32>
        %get3A_1290 = arith.constant 4 : i32
        %get3A_1291 = arith.index_cast %get3A_1290 : i32 to index
        %get3A_1292 = arith.constant 0 : index
        %get3A_1293 = tpu.vector_load %arg26[%get3A_1291, %get3A_1292] {strides = array<i32>} : memref<8x16xf32, #tpu.memory_space<vmem>>, vector<1x16xf32>,
        %get3A_1294 = vector.shape_cast %get3A_1293 : vector<1x16xf32> to vector<16xf32>
        %mul3A_1295 = arith.mulf %get3A_1294, %select_n3A_1289 : vector<16xf32>
        %lt3A_1296 = arith.constant 0 : i32
        %lt3A_1297 = vector.broadcast %lt3A_1296 : i32 to vector<16xi32>
        %lt3A_1298 = arith.cmpi slt, %xor3A_6, %lt3A_1297 : vector<16xi32>
        %add3A_1299 = arith.constant 16 : i32
        %add3A_1300 = vector.broadcast %add3A_1299 : i32 to vector<16xi32>
        %add3A_1301 = arith.addi %xor3A_6, %add3A_1300 : vector<16xi32>
        %select_n3A_1302 = arith.select %lt3A_1298, %add3A_1301, %xor3A_6 : vector<16xi1>, vector<16xi32>
        %broadcast_in_dim3A_1303 = vector.shape_cast %select_n3A_1302 : vector<16xi32> to vector<16x1xi32>
        %gather3A_1304 = vector.shape_cast %broadcast_in_dim3A_1303 : vector<16x1xi32> to vector<16xi32>
        %gather3A_1305 = tpu.dynamic_gather %mul3A_1295[%gather3A_1304] in [0] : vector<16xf32>, vector<16xi32> -> vector<16xf32>
        %add3A_1306 = arith.addf %mul3A_1295, %gather3A_1305 : vector<16xf32>
        %lt3A_1307 = arith.constant 0 : i32
        %lt3A_1308 = vector.broadcast %lt3A_1307 : i32 to vector<16xi32>
        %lt3A_1309 = arith.cmpi slt, %xor3A_9, %lt3A_1308 : vector<16xi32>
        %add3A_1310 = arith.constant 16 : i32
        %add3A_1311 = vector.broadcast %add3A_1310 : i32 to vector<16xi32>
        %add3A_1312 = arith.addi %xor3A_9, %add3A_1311 : vector<16xi32>
        %select_n3A_1313 = arith.select %lt3A_1309, %add3A_1312, %xor3A_9 : vector<16xi1>, vector<16xi32>
        %broadcast_in_dim3A_1314 = vector.shape_cast %select_n3A_1313 : vector<16xi32> to vector<16x1xi32>
        %gather3A_1315 = vector.shape_cast %broadcast_in_dim3A_1314 : vector<16x1xi32> to vector<16xi32>
        %gather3A_1316 = tpu.dynamic_gather %add3A_1306[%gather3A_1315] in [0] : vector<16xf32>, vector<16xi32> -> vector<16xf32>
        %add3A_1317 = arith.addf %add3A_1306, %gather3A_1316 : vector<16xf32>
        %lt3A_1318 = arith.constant 0 : i32
        %lt3A_1319 = vector.broadcast %lt3A_1318 : i32 to vector<16xi32>
        %lt3A_1320 = arith.cmpi slt, %xor3A_12, %lt3A_1319 : vector<16xi32>
        %add3A_1321 = arith.constant 16 : i32
        %add3A_1322 = vector.broadcast %add3A_1321 : i32 to vector<16xi32>
        %add3A_1323 = arith.addi %xor3A_12, %add3A_1322 : vector<16xi32>
        %select_n3A_1324 = arith.select %lt3A_1320, %add3A_1323, %xor3A_12 : vector<16xi1>, vector<16xi32>
        %broadcast_in_dim3A_1325 = vector.shape_cast %select_n3A_1324 : vector<16xi32> to vector<16x1xi32>
        %gather3A_1326 = vector.shape_cast %broadcast_in_dim3A_1325 : vector<16x1xi32> to vector<16xi32>
        %gather3A_1327 = tpu.dynamic_gather %add3A_1317[%gather3A_1326] in [0] : vector<16xf32>, vector<16xi32> -> vector<16xf32>
        %add3A_1328 = arith.addf %add3A_1317, %gather3A_1327 : vector<16xf32>
        %lt3A_1329 = arith.constant 0 : i32
        %lt3A_1330 = vector.broadcast %lt3A_1329 : i32 to vector<16xi32>
        %lt3A_1331 = arith.cmpi slt, %xor3A_15, %lt3A_1330 : vector<16xi32>
        %add3A_1332 = arith.constant 16 : i32
        %add3A_1333 = vector.broadcast %add3A_1332 : i32 to vector<16xi32>
        %add3A_1334 = arith.addi %xor3A_15, %add3A_1333 : vector<16xi32>
        %select_n3A_1335 = arith.select %lt3A_1331, %add3A_1334, %xor3A_15 : vector<16xi1>, vector<16xi32>
        %broadcast_in_dim3A_1336 = vector.shape_cast %select_n3A_1335 : vector<16xi32> to vector<16x1xi32>
        %gather3A_1337 = vector.shape_cast %broadcast_in_dim3A_1336 : vector<16x1xi32> to vector<16xi32>
        %gather3A_1338 = tpu.dynamic_gather %add3A_1328[%gather3A_1337] in [0] : vector<16xf32>, vector<16xi32> -> vector<16xf32>
        %add3A_1339 = arith.addf %add3A_1328, %gather3A_1338 : vector<16xf32>
        %min3A_1340 = arith.constant 6.000000e+01 : f32
        %min3A_1341 = vector.broadcast %min3A_1340 : f32 to vector<16xf32>
        %min3A_1342 = arith.minimumf %add3A_1339, %min3A_1341 : vector<16xf32>
        %exp3A_1343 = math.exp %min3A_1342 : vector<16xf32>
        %eq3A_1344 = arith.constant 12 : i32
        %eq3A_1345 = vector.broadcast %eq3A_1344 : i32 to vector<16xi32>
        %eq3A_1346 = arith.cmpi eq, %iota3A, %eq3A_1345 : vector<16xi32>
        %jit3A_1347 = arith.constant 0.000000e+00 : f32
        %broadcast_in_dim3A_1348 = vector.broadcast %jit3A_1347 : f32 to vector<16xf32>
        %select_n3A_1349 = arith.select %eq3A_1346, %exp3A_1343, %broadcast_in_dim3A_1348 : vector<16xi1>, vector<16xf32>
        %add3A_1350 = arith.addf %add3A_1268, %select_n3A_1349 : vector<16xf32>
        %get3A_1351 = arith.index_cast %add3A_940 : i32 to index
        %get3A_1352 = arith.constant 80 : index
        %get3A_1353 = tpu.vector_load %arg19[%get3A_1351, %get3A_1352] {strides = array<i32>} : memref<32x128xf32, #tpu.memory_space<vmem>>, vector<1x16xf32>,
        %get3A_1354 = vector.shape_cast %get3A_1353 : vector<1x16xf32> to vector<16xf32>
        %get3A_1355 = arith.index_cast %add3A_940 : i32 to index
        %get3A_1356 = arith.constant 80 : index
        %get3A_1357 = tpu.vector_load %arg21[%get3A_1355, %get3A_1356] {strides = array<i32>} : memref<32x256xf32, #tpu.memory_space<vmem>>, vector<1x16xf32>,
        %get3A_1358 = vector.shape_cast %get3A_1357 : vector<1x16xf32> to vector<16xf32>
        %add3A_1359 = arith.addf %get3A_1354, %get3A_1358 : vector<16xf32>
        %get3A_1360 = arith.index_cast %add3A_940 : i32 to index
        %get3A_1361 = arith.constant 80 : index
        %get3A_1362 = tpu.vector_load %arg23[%get3A_1360, %get3A_1361] {strides = array<i32>} : memref<32x128xf32, #tpu.memory_space<vmem>>, vector<1x16xf32>,
        %get3A_1363 = vector.shape_cast %get3A_1362 : vector<1x16xf32> to vector<16xf32>
        %add3A_1364 = arith.addf %add3A_1359, %get3A_1363 : vector<16xf32>
        %ge3A_1365 = arith.constant 0.000000e+00 : f32
        %ge3A_1366 = vector.broadcast %ge3A_1365 : f32 to vector<16xf32>
        %ge3A_1367 = arith.cmpf oge, %add3A_1364, %ge3A_1366 : vector<16xf32>
        %mul3A_1368 = arith.constant 0.00999999977 : f32
        %mul3A_1369 = vector.broadcast %mul3A_1368 : f32 to vector<16xf32>
        %mul3A_1370 = arith.mulf %mul3A_1369, %add3A_1364 : vector<16xf32>
        %select_n3A_1371 = arith.select %ge3A_1367, %add3A_1364, %mul3A_1370 : vector<16xi1>, vector<16xf32>
        %get3A_1372 = arith.constant 5 : i32
        %get3A_1373 = arith.index_cast %get3A_1372 : i32 to index
        %get3A_1374 = arith.constant 0 : index
        %get3A_1375 = tpu.vector_load %arg26[%get3A_1373, %get3A_1374] {strides = array<i32>} : memref<8x16xf32, #tpu.memory_space<vmem>>, vector<1x16xf32>,
        %get3A_1376 = vector.shape_cast %get3A_1375 : vector<1x16xf32> to vector<16xf32>
        %mul3A_1377 = arith.mulf %get3A_1376, %select_n3A_1371 : vector<16xf32>
        %lt3A_1378 = arith.constant 0 : i32
        %lt3A_1379 = vector.broadcast %lt3A_1378 : i32 to vector<16xi32>
        %lt3A_1380 = arith.cmpi slt, %xor3A_6, %lt3A_1379 : vector<16xi32>
        %add3A_1381 = arith.constant 16 : i32
        %add3A_1382 = vector.broadcast %add3A_1381 : i32 to vector<16xi32>
        %add3A_1383 = arith.addi %xor3A_6, %add3A_1382 : vector<16xi32>
        %select_n3A_1384 = arith.select %lt3A_1380, %add3A_1383, %xor3A_6 : vector<16xi1>, vector<16xi32>
        %broadcast_in_dim3A_1385 = vector.shape_cast %select_n3A_1384 : vector<16xi32> to vector<16x1xi32>
        %gather3A_1386 = vector.shape_cast %broadcast_in_dim3A_1385 : vector<16x1xi32> to vector<16xi32>
        %gather3A_1387 = tpu.dynamic_gather %mul3A_1377[%gather3A_1386] in [0] : vector<16xf32>, vector<16xi32> -> vector<16xf32>
        %add3A_1388 = arith.addf %mul3A_1377, %gather3A_1387 : vector<16xf32>
        %lt3A_1389 = arith.constant 0 : i32
        %lt3A_1390 = vector.broadcast %lt3A_1389 : i32 to vector<16xi32>
        %lt3A_1391 = arith.cmpi slt, %xor3A_9, %lt3A_1390 : vector<16xi32>
        %add3A_1392 = arith.constant 16 : i32
        %add3A_1393 = vector.broadcast %add3A_1392 : i32 to vector<16xi32>
        %add3A_1394 = arith.addi %xor3A_9, %add3A_1393 : vector<16xi32>
        %select_n3A_1395 = arith.select %lt3A_1391, %add3A_1394, %xor3A_9 : vector<16xi1>, vector<16xi32>
        %broadcast_in_dim3A_1396 = vector.shape_cast %select_n3A_1395 : vector<16xi32> to vector<16x1xi32>
        %gather3A_1397 = vector.shape_cast %broadcast_in_dim3A_1396 : vector<16x1xi32> to vector<16xi32>
        %gather3A_1398 = tpu.dynamic_gather %add3A_1388[%gather3A_1397] in [0] : vector<16xf32>, vector<16xi32> -> vector<16xf32>
        %add3A_1399 = arith.addf %add3A_1388, %gather3A_1398 : vector<16xf32>
        %lt3A_1400 = arith.constant 0 : i32
        %lt3A_1401 = vector.broadcast %lt3A_1400 : i32 to vector<16xi32>
        %lt3A_1402 = arith.cmpi slt, %xor3A_12, %lt3A_1401 : vector<16xi32>
        %add3A_1403 = arith.constant 16 : i32
        %add3A_1404 = vector.broadcast %add3A_1403 : i32 to vector<16xi32>
        %add3A_1405 = arith.addi %xor3A_12, %add3A_1404 : vector<16xi32>
        %select_n3A_1406 = arith.select %lt3A_1402, %add3A_1405, %xor3A_12 : vector<16xi1>, vector<16xi32>
        %broadcast_in_dim3A_1407 = vector.shape_cast %select_n3A_1406 : vector<16xi32> to vector<16x1xi32>
        %gather3A_1408 = vector.shape_cast %broadcast_in_dim3A_1407 : vector<16x1xi32> to vector<16xi32>
        %gather3A_1409 = tpu.dynamic_gather %add3A_1399[%gather3A_1408] in [0] : vector<16xf32>, vector<16xi32> -> vector<16xf32>
        %add3A_1410 = arith.addf %add3A_1399, %gather3A_1409 : vector<16xf32>
        %lt3A_1411 = arith.constant 0 : i32
        %lt3A_1412 = vector.broadcast %lt3A_1411 : i32 to vector<16xi32>
        %lt3A_1413 = arith.cmpi slt, %xor3A_15, %lt3A_1412 : vector<16xi32>
        %add3A_1414 = arith.constant 16 : i32
        %add3A_1415 = vector.broadcast %add3A_1414 : i32 to vector<16xi32>
        %add3A_1416 = arith.addi %xor3A_15, %add3A_1415 : vector<16xi32>
        %select_n3A_1417 = arith.select %lt3A_1413, %add3A_1416, %xor3A_15 : vector<16xi1>, vector<16xi32>
        %broadcast_in_dim3A_1418 = vector.shape_cast %select_n3A_1417 : vector<16xi32> to vector<16x1xi32>
        %gather3A_1419 = vector.shape_cast %broadcast_in_dim3A_1418 : vector<16x1xi32> to vector<16xi32>
        %gather3A_1420 = tpu.dynamic_gather %add3A_1410[%gather3A_1419] in [0] : vector<16xf32>, vector<16xi32> -> vector<16xf32>
        %add3A_1421 = arith.addf %add3A_1410, %gather3A_1420 : vector<16xf32>
        %min3A_1422 = arith.constant 6.000000e+01 : f32
        %min3A_1423 = vector.broadcast %min3A_1422 : f32 to vector<16xf32>
        %min3A_1424 = arith.minimumf %add3A_1421, %min3A_1423 : vector<16xf32>
        %exp3A_1425 = math.exp %min3A_1424 : vector<16xf32>
        %eq3A_1426 = arith.constant 13 : i32
        %eq3A_1427 = vector.broadcast %eq3A_1426 : i32 to vector<16xi32>
        %eq3A_1428 = arith.cmpi eq, %iota3A, %eq3A_1427 : vector<16xi32>
        %jit3A_1429 = arith.constant 0.000000e+00 : f32
        %broadcast_in_dim3A_1430 = vector.broadcast %jit3A_1429 : f32 to vector<16xf32>
        %select_n3A_1431 = arith.select %eq3A_1428, %exp3A_1425, %broadcast_in_dim3A_1430 : vector<16xi1>, vector<16xf32>
        %add3A_1432 = arith.addf %add3A_1350, %select_n3A_1431 : vector<16xf32>
        %get3A_1433 = arith.index_cast %add3A_940 : i32 to index
        %get3A_1434 = arith.constant 96 : index
        %get3A_1435 = tpu.vector_load %arg19[%get3A_1433, %get3A_1434] {strides = array<i32>} : memref<32x128xf32, #tpu.memory_space<vmem>>, vector<1x16xf32>,
        %get3A_1436 = vector.shape_cast %get3A_1435 : vector<1x16xf32> to vector<16xf32>
        %get3A_1437 = arith.index_cast %add3A_940 : i32 to index
        %get3A_1438 = arith.constant 96 : index
        %get3A_1439 = tpu.vector_load %arg21[%get3A_1437, %get3A_1438] {strides = array<i32>} : memref<32x256xf32, #tpu.memory_space<vmem>>, vector<1x16xf32>,
        %get3A_1440 = vector.shape_cast %get3A_1439 : vector<1x16xf32> to vector<16xf32>
        %add3A_1441 = arith.addf %get3A_1436, %get3A_1440 : vector<16xf32>
        %get3A_1442 = arith.index_cast %add3A_940 : i32 to index
        %get3A_1443 = arith.constant 96 : index
        %get3A_1444 = tpu.vector_load %arg23[%get3A_1442, %get3A_1443] {strides = array<i32>} : memref<32x128xf32, #tpu.memory_space<vmem>>, vector<1x16xf32>,
        %get3A_1445 = vector.shape_cast %get3A_1444 : vector<1x16xf32> to vector<16xf32>
        %add3A_1446 = arith.addf %add3A_1441, %get3A_1445 : vector<16xf32>
        %ge3A_1447 = arith.constant 0.000000e+00 : f32
        %ge3A_1448 = vector.broadcast %ge3A_1447 : f32 to vector<16xf32>
        %ge3A_1449 = arith.cmpf oge, %add3A_1446, %ge3A_1448 : vector<16xf32>
        %mul3A_1450 = arith.constant 0.00999999977 : f32
        %mul3A_1451 = vector.broadcast %mul3A_1450 : f32 to vector<16xf32>
        %mul3A_1452 = arith.mulf %mul3A_1451, %add3A_1446 : vector<16xf32>
        %select_n3A_1453 = arith.select %ge3A_1449, %add3A_1446, %mul3A_1452 : vector<16xi1>, vector<16xf32>
        %get3A_1454 = arith.constant 6 : i32
        %get3A_1455 = arith.index_cast %get3A_1454 : i32 to index
        %get3A_1456 = arith.constant 0 : index
        %get3A_1457 = tpu.vector_load %arg26[%get3A_1455, %get3A_1456] {strides = array<i32>} : memref<8x16xf32, #tpu.memory_space<vmem>>, vector<1x16xf32>,
        %get3A_1458 = vector.shape_cast %get3A_1457 : vector<1x16xf32> to vector<16xf32>
        %mul3A_1459 = arith.mulf %get3A_1458, %select_n3A_1453 : vector<16xf32>
        %lt3A_1460 = arith.constant 0 : i32
        %lt3A_1461 = vector.broadcast %lt3A_1460 : i32 to vector<16xi32>
        %lt3A_1462 = arith.cmpi slt, %xor3A_6, %lt3A_1461 : vector<16xi32>
        %add3A_1463 = arith.constant 16 : i32
        %add3A_1464 = vector.broadcast %add3A_1463 : i32 to vector<16xi32>
        %add3A_1465 = arith.addi %xor3A_6, %add3A_1464 : vector<16xi32>
        %select_n3A_1466 = arith.select %lt3A_1462, %add3A_1465, %xor3A_6 : vector<16xi1>, vector<16xi32>
        %broadcast_in_dim3A_1467 = vector.shape_cast %select_n3A_1466 : vector<16xi32> to vector<16x1xi32>
        %gather3A_1468 = vector.shape_cast %broadcast_in_dim3A_1467 : vector<16x1xi32> to vector<16xi32>
        %gather3A_1469 = tpu.dynamic_gather %mul3A_1459[%gather3A_1468] in [0] : vector<16xf32>, vector<16xi32> -> vector<16xf32>
        %add3A_1470 = arith.addf %mul3A_1459, %gather3A_1469 : vector<16xf32>
        %lt3A_1471 = arith.constant 0 : i32
        %lt3A_1472 = vector.broadcast %lt3A_1471 : i32 to vector<16xi32>
        %lt3A_1473 = arith.cmpi slt, %xor3A_9, %lt3A_1472 : vector<16xi32>
        %add3A_1474 = arith.constant 16 : i32
        %add3A_1475 = vector.broadcast %add3A_1474 : i32 to vector<16xi32>
        %add3A_1476 = arith.addi %xor3A_9, %add3A_1475 : vector<16xi32>
        %select_n3A_1477 = arith.select %lt3A_1473, %add3A_1476, %xor3A_9 : vector<16xi1>, vector<16xi32>
        %broadcast_in_dim3A_1478 = vector.shape_cast %select_n3A_1477 : vector<16xi32> to vector<16x1xi32>
        %gather3A_1479 = vector.shape_cast %broadcast_in_dim3A_1478 : vector<16x1xi32> to vector<16xi32>
        %gather3A_1480 = tpu.dynamic_gather %add3A_1470[%gather3A_1479] in [0] : vector<16xf32>, vector<16xi32> -> vector<16xf32>
        %add3A_1481 = arith.addf %add3A_1470, %gather3A_1480 : vector<16xf32>
        %lt3A_1482 = arith.constant 0 : i32
        %lt3A_1483 = vector.broadcast %lt3A_1482 : i32 to vector<16xi32>
        %lt3A_1484 = arith.cmpi slt, %xor3A_12, %lt3A_1483 : vector<16xi32>
        %add3A_1485 = arith.constant 16 : i32
        %add3A_1486 = vector.broadcast %add3A_1485 : i32 to vector<16xi32>
        %add3A_1487 = arith.addi %xor3A_12, %add3A_1486 : vector<16xi32>
        %select_n3A_1488 = arith.select %lt3A_1484, %add3A_1487, %xor3A_12 : vector<16xi1>, vector<16xi32>
        %broadcast_in_dim3A_1489 = vector.shape_cast %select_n3A_1488 : vector<16xi32> to vector<16x1xi32>
        %gather3A_1490 = vector.shape_cast %broadcast_in_dim3A_1489 : vector<16x1xi32> to vector<16xi32>
        %gather3A_1491 = tpu.dynamic_gather %add3A_1481[%gather3A_1490] in [0] : vector<16xf32>, vector<16xi32> -> vector<16xf32>
        %add3A_1492 = arith.addf %add3A_1481, %gather3A_1491 : vector<16xf32>
        %lt3A_1493 = arith.constant 0 : i32
        %lt3A_1494 = vector.broadcast %lt3A_1493 : i32 to vector<16xi32>
        %lt3A_1495 = arith.cmpi slt, %xor3A_15, %lt3A_1494 : vector<16xi32>
        %add3A_1496 = arith.constant 16 : i32
        %add3A_1497 = vector.broadcast %add3A_1496 : i32 to vector<16xi32>
        %add3A_1498 = arith.addi %xor3A_15, %add3A_1497 : vector<16xi32>
        %select_n3A_1499 = arith.select %lt3A_1495, %add3A_1498, %xor3A_15 : vector<16xi1>, vector<16xi32>
        %broadcast_in_dim3A_1500 = vector.shape_cast %select_n3A_1499 : vector<16xi32> to vector<16x1xi32>
        %gather3A_1501 = vector.shape_cast %broadcast_in_dim3A_1500 : vector<16x1xi32> to vector<16xi32>
        %gather3A_1502 = tpu.dynamic_gather %add3A_1492[%gather3A_1501] in [0] : vector<16xf32>, vector<16xi32> -> vector<16xf32>
        %add3A_1503 = arith.addf %add3A_1492, %gather3A_1502 : vector<16xf32>
        %min3A_1504 = arith.constant 6.000000e+01 : f32
        %min3A_1505 = vector.broadcast %min3A_1504 : f32 to vector<16xf32>
        %min3A_1506 = arith.minimumf %add3A_1503, %min3A_1505 : vector<16xf32>
        %exp3A_1507 = math.exp %min3A_1506 : vector<16xf32>
        %eq3A_1508 = arith.constant 14 : i32
        %eq3A_1509 = vector.broadcast %eq3A_1508 : i32 to vector<16xi32>
        %eq3A_1510 = arith.cmpi eq, %iota3A, %eq3A_1509 : vector<16xi32>
        %jit3A_1511 = arith.constant 0.000000e+00 : f32
        %broadcast_in_dim3A_1512 = vector.broadcast %jit3A_1511 : f32 to vector<16xf32>
        %select_n3A_1513 = arith.select %eq3A_1510, %exp3A_1507, %broadcast_in_dim3A_1512 : vector<16xi1>, vector<16xf32>
        %add3A_1514 = arith.addf %add3A_1432, %select_n3A_1513 : vector<16xf32>
        %get3A_1515 = arith.index_cast %add3A_940 : i32 to index
        %get3A_1516 = arith.constant 112 : index
        %get3A_1517 = tpu.vector_load %arg19[%get3A_1515, %get3A_1516] {strides = array<i32>} : memref<32x128xf32, #tpu.memory_space<vmem>>, vector<1x16xf32>,
        %get3A_1518 = vector.shape_cast %get3A_1517 : vector<1x16xf32> to vector<16xf32>
        %get3A_1519 = arith.index_cast %add3A_940 : i32 to index
        %get3A_1520 = arith.constant 112 : index
        %get3A_1521 = tpu.vector_load %arg21[%get3A_1519, %get3A_1520] {strides = array<i32>} : memref<32x256xf32, #tpu.memory_space<vmem>>, vector<1x16xf32>,
        %get3A_1522 = vector.shape_cast %get3A_1521 : vector<1x16xf32> to vector<16xf32>
        %add3A_1523 = arith.addf %get3A_1518, %get3A_1522 : vector<16xf32>
        %get3A_1524 = arith.index_cast %add3A_940 : i32 to index
        %get3A_1525 = arith.constant 112 : index
        %get3A_1526 = tpu.vector_load %arg23[%get3A_1524, %get3A_1525] {strides = array<i32>} : memref<32x128xf32, #tpu.memory_space<vmem>>, vector<1x16xf32>,
        %get3A_1527 = vector.shape_cast %get3A_1526 : vector<1x16xf32> to vector<16xf32>
        %add3A_1528 = arith.addf %add3A_1523, %get3A_1527 : vector<16xf32>
        %ge3A_1529 = arith.constant 0.000000e+00 : f32
        %ge3A_1530 = vector.broadcast %ge3A_1529 : f32 to vector<16xf32>
        %ge3A_1531 = arith.cmpf oge, %add3A_1528, %ge3A_1530 : vector<16xf32>
        %mul3A_1532 = arith.constant 0.00999999977 : f32
        %mul3A_1533 = vector.broadcast %mul3A_1532 : f32 to vector<16xf32>
        %mul3A_1534 = arith.mulf %mul3A_1533, %add3A_1528 : vector<16xf32>
        %select_n3A_1535 = arith.select %ge3A_1531, %add3A_1528, %mul3A_1534 : vector<16xi1>, vector<16xf32>
        %get3A_1536 = arith.constant 7 : i32
        %get3A_1537 = arith.index_cast %get3A_1536 : i32 to index
        %get3A_1538 = arith.constant 0 : index
        %get3A_1539 = tpu.vector_load %arg26[%get3A_1537, %get3A_1538] {strides = array<i32>} : memref<8x16xf32, #tpu.memory_space<vmem>>, vector<1x16xf32>,
        %get3A_1540 = vector.shape_cast %get3A_1539 : vector<1x16xf32> to vector<16xf32>
        %mul3A_1541 = arith.mulf %get3A_1540, %select_n3A_1535 : vector<16xf32>
        %lt3A_1542 = arith.constant 0 : i32
        %lt3A_1543 = vector.broadcast %lt3A_1542 : i32 to vector<16xi32>
        %lt3A_1544 = arith.cmpi slt, %xor3A_6, %lt3A_1543 : vector<16xi32>
        %add3A_1545 = arith.constant 16 : i32
        %add3A_1546 = vector.broadcast %add3A_1545 : i32 to vector<16xi32>
        %add3A_1547 = arith.addi %xor3A_6, %add3A_1546 : vector<16xi32>
        %select_n3A_1548 = arith.select %lt3A_1544, %add3A_1547, %xor3A_6 : vector<16xi1>, vector<16xi32>
        %broadcast_in_dim3A_1549 = vector.shape_cast %select_n3A_1548 : vector<16xi32> to vector<16x1xi32>
        %gather3A_1550 = vector.shape_cast %broadcast_in_dim3A_1549 : vector<16x1xi32> to vector<16xi32>
        %gather3A_1551 = tpu.dynamic_gather %mul3A_1541[%gather3A_1550] in [0] : vector<16xf32>, vector<16xi32> -> vector<16xf32>
        %add3A_1552 = arith.addf %mul3A_1541, %gather3A_1551 : vector<16xf32>
        %lt3A_1553 = arith.constant 0 : i32
        %lt3A_1554 = vector.broadcast %lt3A_1553 : i32 to vector<16xi32>
        %lt3A_1555 = arith.cmpi slt, %xor3A_9, %lt3A_1554 : vector<16xi32>
        %add3A_1556 = arith.constant 16 : i32
        %add3A_1557 = vector.broadcast %add3A_1556 : i32 to vector<16xi32>
        %add3A_1558 = arith.addi %xor3A_9, %add3A_1557 : vector<16xi32>
        %select_n3A_1559 = arith.select %lt3A_1555, %add3A_1558, %xor3A_9 : vector<16xi1>, vector<16xi32>
        %broadcast_in_dim3A_1560 = vector.shape_cast %select_n3A_1559 : vector<16xi32> to vector<16x1xi32>
        %gather3A_1561 = vector.shape_cast %broadcast_in_dim3A_1560 : vector<16x1xi32> to vector<16xi32>
        %gather3A_1562 = tpu.dynamic_gather %add3A_1552[%gather3A_1561] in [0] : vector<16xf32>, vector<16xi32> -> vector<16xf32>
        %add3A_1563 = arith.addf %add3A_1552, %gather3A_1562 : vector<16xf32>
        %lt3A_1564 = arith.constant 0 : i32
        %lt3A_1565 = vector.broadcast %lt3A_1564 : i32 to vector<16xi32>
        %lt3A_1566 = arith.cmpi slt, %xor3A_12, %lt3A_1565 : vector<16xi32>
        %add3A_1567 = arith.constant 16 : i32
        %add3A_1568 = vector.broadcast %add3A_1567 : i32 to vector<16xi32>
        %add3A_1569 = arith.addi %xor3A_12, %add3A_1568 : vector<16xi32>
        %select_n3A_1570 = arith.select %lt3A_1566, %add3A_1569, %xor3A_12 : vector<16xi1>, vector<16xi32>
        %broadcast_in_dim3A_1571 = vector.shape_cast %select_n3A_1570 : vector<16xi32> to vector<16x1xi32>
        %gather3A_1572 = vector.shape_cast %broadcast_in_dim3A_1571 : vector<16x1xi32> to vector<16xi32>
        %gather3A_1573 = tpu.dynamic_gather %add3A_1563[%gather3A_1572] in [0] : vector<16xf32>, vector<16xi32> -> vector<16xf32>
        %add3A_1574 = arith.addf %add3A_1563, %gather3A_1573 : vector<16xf32>
        %lt3A_1575 = arith.constant 0 : i32
        %lt3A_1576 = vector.broadcast %lt3A_1575 : i32 to vector<16xi32>
        %lt3A_1577 = arith.cmpi slt, %xor3A_15, %lt3A_1576 : vector<16xi32>
        %add3A_1578 = arith.constant 16 : i32
        %add3A_1579 = vector.broadcast %add3A_1578 : i32 to vector<16xi32>
        %add3A_1580 = arith.addi %xor3A_15, %add3A_1579 : vector<16xi32>
        %select_n3A_1581 = arith.select %lt3A_1577, %add3A_1580, %xor3A_15 : vector<16xi1>, vector<16xi32>
        %broadcast_in_dim3A_1582 = vector.shape_cast %select_n3A_1581 : vector<16xi32> to vector<16x1xi32>
        %gather3A_1583 = vector.shape_cast %broadcast_in_dim3A_1582 : vector<16x1xi32> to vector<16xi32>
        %gather3A_1584 = tpu.dynamic_gather %add3A_1574[%gather3A_1583] in [0] : vector<16xf32>, vector<16xi32> -> vector<16xf32>
        %add3A_1585 = arith.addf %add3A_1574, %gather3A_1584 : vector<16xf32>
        %min3A_1586 = arith.constant 6.000000e+01 : f32
        %min3A_1587 = vector.broadcast %min3A_1586 : f32 to vector<16xf32>
        %min3A_1588 = arith.minimumf %add3A_1585, %min3A_1587 : vector<16xf32>
        %exp3A_1589 = math.exp %min3A_1588 : vector<16xf32>
        %eq3A_1590 = arith.constant 15 : i32
        %eq3A_1591 = vector.broadcast %eq3A_1590 : i32 to vector<16xi32>
        %eq3A_1592 = arith.cmpi eq, %iota3A, %eq3A_1591 : vector<16xi32>
        %jit3A_1593 = arith.constant 0.000000e+00 : f32
        %broadcast_in_dim3A_1594 = vector.broadcast %jit3A_1593 : f32 to vector<16xf32>
        %select_n3A_1595 = arith.select %eq3A_1592, %exp3A_1589, %broadcast_in_dim3A_1594 : vector<16xi1>, vector<16xf32>
        %add3A_1596 = arith.addf %add3A_1514, %select_n3A_1595 : vector<16xf32>
        %mul3A_1597 = arith.constant 16 : i32
        %mul3A_1598 = arith.muli %scan3A_277, %mul3A_1597 : i32
        %swap3A_1599 = arith.index_cast %mul3A_1598 : i32 to index
        %swap3A_1600 = tpu.vector_load %arg28[%swap3A_1599] {strides = array<i32>} : memref<256xf32, #tpu.memory_space<vmem>>, vector<16xf32>,
        %swap3A_1601 = vector.shape_cast %swap3A_1600 : vector<16xf32> to vector<16xf32>
        %swap3A_1602 = vector.shape_cast %add3A_1596 : vector<16xf32> to vector<16xf32>
        tpu.vector_store %arg28[%swap3A_1599], %swap3A_1602 {strides = array<i32>} : memref<256xf32, #tpu.memory_space<vmem>>, vector<16xf32>,
        %scan3A_1603 = arith.constant 0 : i32
        scf.yield %scan3A_1603 : i32
      }
      %scan3A_242 = arith.constant 16 : i32
      %scan3A_243 = arith.constant 0 : i32
      %scan3A_244 = arith.constant 0 : i32
      %scan3A_245 = arith.constant 16 : i32
      %scan3A_246 = arith.addi %scan3A_244, %scan3A_245 : i32
      %scan3A_247 = arith.constant 1 : i32
      %scan3A_248 = scf.for %scan3A_277 = %scan3A_244 to %scan3A_246 step %scan3A_247 iter_args(%scan3A_278 = %scan3A_243) -> (i32)  : i32 {
        %mul3A_279 = arith.constant 16 : i32
        %mul3A_280 = arith.muli %scan3A_277, %mul3A_279 : i32
        %get3A_281 = arith.index_cast %mul3A_280 : i32 to index
        %get3A_282 = tpu.vector_load %arg28[%get3A_281] {strides = array<i32>} : memref<256xf32, #tpu.memory_space<vmem>>, vector<16xf32>,
        %get3A_283 = vector.shape_cast %get3A_282 : vector<16xf32> to vector<16xf32>
        %mul3A_284 = arith.constant 2 : i32
        %mul3A_285 = arith.muli %scan3A_277, %mul3A_284 : i32
        %add3A_286 = arith.constant 0 : i32
        %add3A_287 = arith.addi %mul3A_285, %add3A_286 : i32
        %lt3A_288 = arith.constant 0 : i32
        %lt3A_289 = vector.broadcast %lt3A_288 : i32 to vector<16xi32>
        %lt3A_290 = arith.cmpi slt, %broadcast_in_dim3A_23, %lt3A_289 : vector<16xi32>
        %add3A_291 = arith.constant 16 : i32
        %add3A_292 = vector.broadcast %add3A_291 : i32 to vector<16xi32>
        %add3A_293 = arith.addi %broadcast_in_dim3A_23, %add3A_292 : vector<16xi32>
        %select_n3A_294 = arith.select %lt3A_290, %add3A_293, %broadcast_in_dim3A_23 : vector<16xi1>, vector<16xi32>
        %broadcast_in_dim3A_295 = vector.shape_cast %select_n3A_294 : vector<16xi32> to vector<16x1xi32>
        %gather3A = vector.shape_cast %broadcast_in_dim3A_295 : vector<16x1xi32> to vector<16xi32>
        %gather3A_296 = tpu.dynamic_gather %get3A_283[%gather3A] in [0] : vector<16xf32>, vector<16xi32> -> vector<16xf32>
        %get3A_297 = arith.index_cast %add3A_287 : i32 to index
        %get3A_298 = arith.constant 128 : index
        %get3A_299 = tpu.vector_load %arg21[%get3A_297, %get3A_298] {strides = array<i32>} : memref<32x256xf32, #tpu.memory_space<vmem>>, vector<1x16xf32>,
        %get3A_300 = vector.shape_cast %get3A_299 : vector<1x16xf32> to vector<16xf32>
        %mul3A_301 = arith.mulf %gather3A_296, %get3A_300 : vector<16xf32>
        %swap3A_302 = arith.index_cast %add3A_287 : i32 to index
        %swap3A_303 = arith.constant 0 : index
        %swap3A_304 = tpu.vector_load %arg25[%swap3A_302, %swap3A_303] {strides = array<i32>} : memref<32x128xf32, #tpu.memory_space<vmem>>, vector<1x16xf32>,
        %swap3A_305 = vector.shape_cast %swap3A_304 : vector<1x16xf32> to vector<16xf32>
        %swap3A_306 = vector.shape_cast %mul3A_301 : vector<16xf32> to vector<1x16xf32>
        tpu.vector_store %arg25[%swap3A_302, %swap3A_303], %swap3A_306 {strides = array<i32>} : memref<32x128xf32, #tpu.memory_space<vmem>>, vector<1x16xf32>,
        %lt3A_307 = arith.constant 0 : i32
        %lt3A_308 = vector.broadcast %lt3A_307 : i32 to vector<16xi32>
        %lt3A_309 = arith.cmpi slt, %broadcast_in_dim3A_25, %lt3A_308 : vector<16xi32>
        %add3A_310 = arith.constant 16 : i32
        %add3A_311 = vector.broadcast %add3A_310 : i32 to vector<16xi32>
        %add3A_312 = arith.addi %broadcast_in_dim3A_25, %add3A_311 : vector<16xi32>
        %select_n3A_313 = arith.select %lt3A_309, %add3A_312, %broadcast_in_dim3A_25 : vector<16xi1>, vector<16xi32>
        %broadcast_in_dim3A_314 = vector.shape_cast %select_n3A_313 : vector<16xi32> to vector<16x1xi32>
        %gather3A_315 = vector.shape_cast %broadcast_in_dim3A_314 : vector<16x1xi32> to vector<16xi32>
        %gather3A_316 = tpu.dynamic_gather %get3A_283[%gather3A_315] in [0] : vector<16xf32>, vector<16xi32> -> vector<16xf32>
        %get3A_317 = arith.index_cast %add3A_287 : i32 to index
        %get3A_318 = arith.constant 144 : index
        %get3A_319 = tpu.vector_load %arg21[%get3A_317, %get3A_318] {strides = array<i32>} : memref<32x256xf32, #tpu.memory_space<vmem>>, vector<1x16xf32>,
        %get3A_320 = vector.shape_cast %get3A_319 : vector<1x16xf32> to vector<16xf32>
        %mul3A_321 = arith.mulf %gather3A_316, %get3A_320 : vector<16xf32>
        %swap3A_322 = arith.index_cast %add3A_287 : i32 to index
        %swap3A_323 = arith.constant 16 : index
        %swap3A_324 = tpu.vector_load %arg25[%swap3A_322, %swap3A_323] {strides = array<i32>} : memref<32x128xf32, #tpu.memory_space<vmem>>, vector<1x16xf32>,
        %swap3A_325 = vector.shape_cast %swap3A_324 : vector<1x16xf32> to vector<16xf32>
        %swap3A_326 = vector.shape_cast %mul3A_321 : vector<16xf32> to vector<1x16xf32>
        tpu.vector_store %arg25[%swap3A_322, %swap3A_323], %swap3A_326 {strides = array<i32>} : memref<32x128xf32, #tpu.memory_space<vmem>>, vector<1x16xf32>,
        %lt3A_327 = arith.constant 0 : i32
        %lt3A_328 = vector.broadcast %lt3A_327 : i32 to vector<16xi32>
        %lt3A_329 = arith.cmpi slt, %broadcast_in_dim3A_27, %lt3A_328 : vector<16xi32>
        %add3A_330 = arith.constant 16 : i32
        %add3A_331 = vector.broadcast %add3A_330 : i32 to vector<16xi32>
        %add3A_332 = arith.addi %broadcast_in_dim3A_27, %add3A_331 : vector<16xi32>
        %select_n3A_333 = arith.select %lt3A_329, %add3A_332, %broadcast_in_dim3A_27 : vector<16xi1>, vector<16xi32>
        %broadcast_in_dim3A_334 = vector.shape_cast %select_n3A_333 : vector<16xi32> to vector<16x1xi32>
        %gather3A_335 = vector.shape_cast %broadcast_in_dim3A_334 : vector<16x1xi32> to vector<16xi32>
        %gather3A_336 = tpu.dynamic_gather %get3A_283[%gather3A_335] in [0] : vector<16xf32>, vector<16xi32> -> vector<16xf32>
        %get3A_337 = arith.index_cast %add3A_287 : i32 to index
        %get3A_338 = arith.constant 160 : index
        %get3A_339 = tpu.vector_load %arg21[%get3A_337, %get3A_338] {strides = array<i32>} : memref<32x256xf32, #tpu.memory_space<vmem>>, vector<1x16xf32>,
        %get3A_340 = vector.shape_cast %get3A_339 : vector<1x16xf32> to vector<16xf32>
        %mul3A_341 = arith.mulf %gather3A_336, %get3A_340 : vector<16xf32>
        %swap3A_342 = arith.index_cast %add3A_287 : i32 to index
        %swap3A_343 = arith.constant 32 : index
        %swap3A_344 = tpu.vector_load %arg25[%swap3A_342, %swap3A_343] {strides = array<i32>} : memref<32x128xf32, #tpu.memory_space<vmem>>, vector<1x16xf32>,
        %swap3A_345 = vector.shape_cast %swap3A_344 : vector<1x16xf32> to vector<16xf32>
        %swap3A_346 = vector.shape_cast %mul3A_341 : vector<16xf32> to vector<1x16xf32>
        tpu.vector_store %arg25[%swap3A_342, %swap3A_343], %swap3A_346 {strides = array<i32>} : memref<32x128xf32, #tpu.memory_space<vmem>>, vector<1x16xf32>,
        %lt3A_347 = arith.constant 0 : i32
        %lt3A_348 = vector.broadcast %lt3A_347 : i32 to vector<16xi32>
        %lt3A_349 = arith.cmpi slt, %broadcast_in_dim3A_29, %lt3A_348 : vector<16xi32>
        %add3A_350 = arith.constant 16 : i32
        %add3A_351 = vector.broadcast %add3A_350 : i32 to vector<16xi32>
        %add3A_352 = arith.addi %broadcast_in_dim3A_29, %add3A_351 : vector<16xi32>
        %select_n3A_353 = arith.select %lt3A_349, %add3A_352, %broadcast_in_dim3A_29 : vector<16xi1>, vector<16xi32>
        %broadcast_in_dim3A_354 = vector.shape_cast %select_n3A_353 : vector<16xi32> to vector<16x1xi32>
        %gather3A_355 = vector.shape_cast %broadcast_in_dim3A_354 : vector<16x1xi32> to vector<16xi32>
        %gather3A_356 = tpu.dynamic_gather %get3A_283[%gather3A_355] in [0] : vector<16xf32>, vector<16xi32> -> vector<16xf32>
        %get3A_357 = arith.index_cast %add3A_287 : i32 to index
        %get3A_358 = arith.constant 176 : index
        %get3A_359 = tpu.vector_load %arg21[%get3A_357, %get3A_358] {strides = array<i32>} : memref<32x256xf32, #tpu.memory_space<vmem>>, vector<1x16xf32>,
        %get3A_360 = vector.shape_cast %get3A_359 : vector<1x16xf32> to vector<16xf32>
        %mul3A_361 = arith.mulf %gather3A_356, %get3A_360 : vector<16xf32>
        %swap3A_362 = arith.index_cast %add3A_287 : i32 to index
        %swap3A_363 = arith.constant 48 : index
        %swap3A_364 = tpu.vector_load %arg25[%swap3A_362, %swap3A_363] {strides = array<i32>} : memref<32x128xf32, #tpu.memory_space<vmem>>, vector<1x16xf32>,
        %swap3A_365 = vector.shape_cast %swap3A_364 : vector<1x16xf32> to vector<16xf32>
        %swap3A_366 = vector.shape_cast %mul3A_361 : vector<16xf32> to vector<1x16xf32>
        tpu.vector_store %arg25[%swap3A_362, %swap3A_363], %swap3A_366 {strides = array<i32>} : memref<32x128xf32, #tpu.memory_space<vmem>>, vector<1x16xf32>,
        %lt3A_367 = arith.constant 0 : i32
        %lt3A_368 = vector.broadcast %lt3A_367 : i32 to vector<16xi32>
        %lt3A_369 = arith.cmpi slt, %broadcast_in_dim3A_31, %lt3A_368 : vector<16xi32>
        %add3A_370 = arith.constant 16 : i32
        %add3A_371 = vector.broadcast %add3A_370 : i32 to vector<16xi32>
        %add3A_372 = arith.addi %broadcast_in_dim3A_31, %add3A_371 : vector<16xi32>
        %select_n3A_373 = arith.select %lt3A_369, %add3A_372, %broadcast_in_dim3A_31 : vector<16xi1>, vector<16xi32>
        %broadcast_in_dim3A_374 = vector.shape_cast %select_n3A_373 : vector<16xi32> to vector<16x1xi32>
        %gather3A_375 = vector.shape_cast %broadcast_in_dim3A_374 : vector<16x1xi32> to vector<16xi32>
        %gather3A_376 = tpu.dynamic_gather %get3A_283[%gather3A_375] in [0] : vector<16xf32>, vector<16xi32> -> vector<16xf32>
        %get3A_377 = arith.index_cast %add3A_287 : i32 to index
        %get3A_378 = arith.constant 192 : index
        %get3A_379 = tpu.vector_load %arg21[%get3A_377, %get3A_378] {strides = array<i32>} : memref<32x256xf32, #tpu.memory_space<vmem>>, vector<1x16xf32>,
        %get3A_380 = vector.shape_cast %get3A_379 : vector<1x16xf32> to vector<16xf32>
        %mul3A_381 = arith.mulf %gather3A_376, %get3A_380 : vector<16xf32>
        %swap3A_382 = arith.index_cast %add3A_287 : i32 to index
        %swap3A_383 = arith.constant 64 : index
        %swap3A_384 = tpu.vector_load %arg25[%swap3A_382, %swap3A_383] {strides = array<i32>} : memref<32x128xf32, #tpu.memory_space<vmem>>, vector<1x16xf32>,
        %swap3A_385 = vector.shape_cast %swap3A_384 : vector<1x16xf32> to vector<16xf32>
        %swap3A_386 = vector.shape_cast %mul3A_381 : vector<16xf32> to vector<1x16xf32>
        tpu.vector_store %arg25[%swap3A_382, %swap3A_383], %swap3A_386 {strides = array<i32>} : memref<32x128xf32, #tpu.memory_space<vmem>>, vector<1x16xf32>,
        %lt3A_387 = arith.constant 0 : i32
        %lt3A_388 = vector.broadcast %lt3A_387 : i32 to vector<16xi32>
        %lt3A_389 = arith.cmpi slt, %broadcast_in_dim3A_33, %lt3A_388 : vector<16xi32>
        %add3A_390 = arith.constant 16 : i32
        %add3A_391 = vector.broadcast %add3A_390 : i32 to vector<16xi32>
        %add3A_392 = arith.addi %broadcast_in_dim3A_33, %add3A_391 : vector<16xi32>
        %select_n3A_393 = arith.select %lt3A_389, %add3A_392, %broadcast_in_dim3A_33 : vector<16xi1>, vector<16xi32>
        %broadcast_in_dim3A_394 = vector.shape_cast %select_n3A_393 : vector<16xi32> to vector<16x1xi32>
        %gather3A_395 = vector.shape_cast %broadcast_in_dim3A_394 : vector<16x1xi32> to vector<16xi32>
        %gather3A_396 = tpu.dynamic_gather %get3A_283[%gather3A_395] in [0] : vector<16xf32>, vector<16xi32> -> vector<16xf32>
        %get3A_397 = arith.index_cast %add3A_287 : i32 to index
        %get3A_398 = arith.constant 208 : index
        %get3A_399 = tpu.vector_load %arg21[%get3A_397, %get3A_398] {strides = array<i32>} : memref<32x256xf32, #tpu.memory_space<vmem>>, vector<1x16xf32>,
        %get3A_400 = vector.shape_cast %get3A_399 : vector<1x16xf32> to vector<16xf32>
        %mul3A_401 = arith.mulf %gather3A_396, %get3A_400 : vector<16xf32>
        %swap3A_402 = arith.index_cast %add3A_287 : i32 to index
        %swap3A_403 = arith.constant 80 : index
        %swap3A_404 = tpu.vector_load %arg25[%swap3A_402, %swap3A_403] {strides = array<i32>} : memref<32x128xf32, #tpu.memory_space<vmem>>, vector<1x16xf32>,
        %swap3A_405 = vector.shape_cast %swap3A_404 : vector<1x16xf32> to vector<16xf32>
        %swap3A_406 = vector.shape_cast %mul3A_401 : vector<16xf32> to vector<1x16xf32>
        tpu.vector_store %arg25[%swap3A_402, %swap3A_403], %swap3A_406 {strides = array<i32>} : memref<32x128xf32, #tpu.memory_space<vmem>>, vector<1x16xf32>,
        %lt3A_407 = arith.constant 0 : i32
        %lt3A_408 = vector.broadcast %lt3A_407 : i32 to vector<16xi32>
        %lt3A_409 = arith.cmpi slt, %broadcast_in_dim3A_35, %lt3A_408 : vector<16xi32>
        %add3A_410 = arith.constant 16 : i32
        %add3A_411 = vector.broadcast %add3A_410 : i32 to vector<16xi32>
        %add3A_412 = arith.addi %broadcast_in_dim3A_35, %add3A_411 : vector<16xi32>
        %select_n3A_413 = arith.select %lt3A_409, %add3A_412, %broadcast_in_dim3A_35 : vector<16xi1>, vector<16xi32>
        %broadcast_in_dim3A_414 = vector.shape_cast %select_n3A_413 : vector<16xi32> to vector<16x1xi32>
        %gather3A_415 = vector.shape_cast %broadcast_in_dim3A_414 : vector<16x1xi32> to vector<16xi32>
        %gather3A_416 = tpu.dynamic_gather %get3A_283[%gather3A_415] in [0] : vector<16xf32>, vector<16xi32> -> vector<16xf32>
        %get3A_417 = arith.index_cast %add3A_287 : i32 to index
        %get3A_418 = arith.constant 224 : index
        %get3A_419 = tpu.vector_load %arg21[%get3A_417, %get3A_418] {strides = array<i32>} : memref<32x256xf32, #tpu.memory_space<vmem>>, vector<1x16xf32>,
        %get3A_420 = vector.shape_cast %get3A_419 : vector<1x16xf32> to vector<16xf32>
        %mul3A_421 = arith.mulf %gather3A_416, %get3A_420 : vector<16xf32>
        %swap3A_422 = arith.index_cast %add3A_287 : i32 to index
        %swap3A_423 = arith.constant 96 : index
        %swap3A_424 = tpu.vector_load %arg25[%swap3A_422, %swap3A_423] {strides = array<i32>} : memref<32x128xf32, #tpu.memory_space<vmem>>, vector<1x16xf32>,
        %swap3A_425 = vector.shape_cast %swap3A_424 : vector<1x16xf32> to vector<16xf32>
        %swap3A_426 = vector.shape_cast %mul3A_421 : vector<16xf32> to vector<1x16xf32>
        tpu.vector_store %arg25[%swap3A_422, %swap3A_423], %swap3A_426 {strides = array<i32>} : memref<32x128xf32, #tpu.memory_space<vmem>>, vector<1x16xf32>,
        %lt3A_427 = arith.constant 0 : i32
        %lt3A_428 = vector.broadcast %lt3A_427 : i32 to vector<16xi32>
        %lt3A_429 = arith.cmpi slt, %broadcast_in_dim3A_37, %lt3A_428 : vector<16xi32>
        %add3A_430 = arith.constant 16 : i32
        %add3A_431 = vector.broadcast %add3A_430 : i32 to vector<16xi32>
        %add3A_432 = arith.addi %broadcast_in_dim3A_37, %add3A_431 : vector<16xi32>
        %select_n3A_433 = arith.select %lt3A_429, %add3A_432, %broadcast_in_dim3A_37 : vector<16xi1>, vector<16xi32>
        %broadcast_in_dim3A_434 = vector.shape_cast %select_n3A_433 : vector<16xi32> to vector<16x1xi32>
        %gather3A_435 = vector.shape_cast %broadcast_in_dim3A_434 : vector<16x1xi32> to vector<16xi32>
        %gather3A_436 = tpu.dynamic_gather %get3A_283[%gather3A_435] in [0] : vector<16xf32>, vector<16xi32> -> vector<16xf32>
        %get3A_437 = arith.index_cast %add3A_287 : i32 to index
        %get3A_438 = arith.constant 240 : index
        %get3A_439 = tpu.vector_load %arg21[%get3A_437, %get3A_438] {strides = array<i32>} : memref<32x256xf32, #tpu.memory_space<vmem>>, vector<1x16xf32>,
        %get3A_440 = vector.shape_cast %get3A_439 : vector<1x16xf32> to vector<16xf32>
        %mul3A_441 = arith.mulf %gather3A_436, %get3A_440 : vector<16xf32>
        %swap3A_442 = arith.index_cast %add3A_287 : i32 to index
        %swap3A_443 = arith.constant 112 : index
        %swap3A_444 = tpu.vector_load %arg25[%swap3A_442, %swap3A_443] {strides = array<i32>} : memref<32x128xf32, #tpu.memory_space<vmem>>, vector<1x16xf32>,
        %swap3A_445 = vector.shape_cast %swap3A_444 : vector<1x16xf32> to vector<16xf32>
        %swap3A_446 = vector.shape_cast %mul3A_441 : vector<16xf32> to vector<1x16xf32>
        tpu.vector_store %arg25[%swap3A_442, %swap3A_443], %swap3A_446 {strides = array<i32>} : memref<32x128xf32, #tpu.memory_space<vmem>>, vector<1x16xf32>,
        %mul3A_447 = arith.constant 2 : i32
        %mul3A_448 = arith.muli %scan3A_277, %mul3A_447 : i32
        %add3A_449 = arith.constant 1 : i32
        %add3A_450 = arith.addi %mul3A_448, %add3A_449 : i32
        %lt3A_451 = arith.constant 0 : i32
        %lt3A_452 = vector.broadcast %lt3A_451 : i32 to vector<16xi32>
        %lt3A_453 = arith.cmpi slt, %broadcast_in_dim3A_39, %lt3A_452 : vector<16xi32>
        %add3A_454 = arith.constant 16 : i32
        %add3A_455 = vector.broadcast %add3A_454 : i32 to vector<16xi32>
        %add3A_456 = arith.addi %broadcast_in_dim3A_39, %add3A_455 : vector<16xi32>
        %select_n3A_457 = arith.select %lt3A_453, %add3A_456, %broadcast_in_dim3A_39 : vector<16xi1>, vector<16xi32>
        %broadcast_in_dim3A_458 = vector.shape_cast %select_n3A_457 : vector<16xi32> to vector<16x1xi32>
        %gather3A_459 = vector.shape_cast %broadcast_in_dim3A_458 : vector<16x1xi32> to vector<16xi32>
        %gather3A_460 = tpu.dynamic_gather %get3A_283[%gather3A_459] in [0] : vector<16xf32>, vector<16xi32> -> vector<16xf32>
        %get3A_461 = arith.index_cast %add3A_450 : i32 to index
        %get3A_462 = arith.constant 128 : index
        %get3A_463 = tpu.vector_load %arg21[%get3A_461, %get3A_462] {strides = array<i32>} : memref<32x256xf32, #tpu.memory_space<vmem>>, vector<1x16xf32>,
        %get3A_464 = vector.shape_cast %get3A_463 : vector<1x16xf32> to vector<16xf32>
        %mul3A_465 = arith.mulf %gather3A_460, %get3A_464 : vector<16xf32>
        %swap3A_466 = arith.index_cast %add3A_450 : i32 to index
        %swap3A_467 = arith.constant 0 : index
        %swap3A_468 = tpu.vector_load %arg25[%swap3A_466, %swap3A_467] {strides = array<i32>} : memref<32x128xf32, #tpu.memory_space<vmem>>, vector<1x16xf32>,
        %swap3A_469 = vector.shape_cast %swap3A_468 : vector<1x16xf32> to vector<16xf32>
        %swap3A_470 = vector.shape_cast %mul3A_465 : vector<16xf32> to vector<1x16xf32>
        tpu.vector_store %arg25[%swap3A_466, %swap3A_467], %swap3A_470 {strides = array<i32>} : memref<32x128xf32, #tpu.memory_space<vmem>>, vector<1x16xf32>,
        %lt3A_471 = arith.constant 0 : i32
        %lt3A_472 = vector.broadcast %lt3A_471 : i32 to vector<16xi32>
        %lt3A_473 = arith.cmpi slt, %broadcast_in_dim3A_41, %lt3A_472 : vector<16xi32>
        %add3A_474 = arith.constant 16 : i32
        %add3A_475 = vector.broadcast %add3A_474 : i32 to vector<16xi32>
        %add3A_476 = arith.addi %broadcast_in_dim3A_41, %add3A_475 : vector<16xi32>
        %select_n3A_477 = arith.select %lt3A_473, %add3A_476, %broadcast_in_dim3A_41 : vector<16xi1>, vector<16xi32>
        %broadcast_in_dim3A_478 = vector.shape_cast %select_n3A_477 : vector<16xi32> to vector<16x1xi32>
        %gather3A_479 = vector.shape_cast %broadcast_in_dim3A_478 : vector<16x1xi32> to vector<16xi32>
        %gather3A_480 = tpu.dynamic_gather %get3A_283[%gather3A_479] in [0] : vector<16xf32>, vector<16xi32> -> vector<16xf32>
        %get3A_481 = arith.index_cast %add3A_450 : i32 to index
        %get3A_482 = arith.constant 144 : index
        %get3A_483 = tpu.vector_load %arg21[%get3A_481, %get3A_482] {strides = array<i32>} : memref<32x256xf32, #tpu.memory_space<vmem>>, vector<1x16xf32>,
        %get3A_484 = vector.shape_cast %get3A_483 : vector<1x16xf32> to vector<16xf32>
        %mul3A_485 = arith.mulf %gather3A_480, %get3A_484 : vector<16xf32>
        %swap3A_486 = arith.index_cast %add3A_450 : i32 to index
        %swap3A_487 = arith.constant 16 : index
        %swap3A_488 = tpu.vector_load %arg25[%swap3A_486, %swap3A_487] {strides = array<i32>} : memref<32x128xf32, #tpu.memory_space<vmem>>, vector<1x16xf32>,
        %swap3A_489 = vector.shape_cast %swap3A_488 : vector<1x16xf32> to vector<16xf32>
        %swap3A_490 = vector.shape_cast %mul3A_485 : vector<16xf32> to vector<1x16xf32>
        tpu.vector_store %arg25[%swap3A_486, %swap3A_487], %swap3A_490 {strides = array<i32>} : memref<32x128xf32, #tpu.memory_space<vmem>>, vector<1x16xf32>,
        %lt3A_491 = arith.constant 0 : i32
        %lt3A_492 = vector.broadcast %lt3A_491 : i32 to vector<16xi32>
        %lt3A_493 = arith.cmpi slt, %broadcast_in_dim3A_43, %lt3A_492 : vector<16xi32>
        %add3A_494 = arith.constant 16 : i32
        %add3A_495 = vector.broadcast %add3A_494 : i32 to vector<16xi32>
        %add3A_496 = arith.addi %broadcast_in_dim3A_43, %add3A_495 : vector<16xi32>
        %select_n3A_497 = arith.select %lt3A_493, %add3A_496, %broadcast_in_dim3A_43 : vector<16xi1>, vector<16xi32>
        %broadcast_in_dim3A_498 = vector.shape_cast %select_n3A_497 : vector<16xi32> to vector<16x1xi32>
        %gather3A_499 = vector.shape_cast %broadcast_in_dim3A_498 : vector<16x1xi32> to vector<16xi32>
        %gather3A_500 = tpu.dynamic_gather %get3A_283[%gather3A_499] in [0] : vector<16xf32>, vector<16xi32> -> vector<16xf32>
        %get3A_501 = arith.index_cast %add3A_450 : i32 to index
        %get3A_502 = arith.constant 160 : index
        %get3A_503 = tpu.vector_load %arg21[%get3A_501, %get3A_502] {strides = array<i32>} : memref<32x256xf32, #tpu.memory_space<vmem>>, vector<1x16xf32>,
        %get3A_504 = vector.shape_cast %get3A_503 : vector<1x16xf32> to vector<16xf32>
        %mul3A_505 = arith.mulf %gather3A_500, %get3A_504 : vector<16xf32>
        %swap3A_506 = arith.index_cast %add3A_450 : i32 to index
        %swap3A_507 = arith.constant 32 : index
        %swap3A_508 = tpu.vector_load %arg25[%swap3A_506, %swap3A_507] {strides = array<i32>} : memref<32x128xf32, #tpu.memory_space<vmem>>, vector<1x16xf32>,
        %swap3A_509 = vector.shape_cast %swap3A_508 : vector<1x16xf32> to vector<16xf32>
        %swap3A_510 = vector.shape_cast %mul3A_505 : vector<16xf32> to vector<1x16xf32>
        tpu.vector_store %arg25[%swap3A_506, %swap3A_507], %swap3A_510 {strides = array<i32>} : memref<32x128xf32, #tpu.memory_space<vmem>>, vector<1x16xf32>,
        %lt3A_511 = arith.constant 0 : i32
        %lt3A_512 = vector.broadcast %lt3A_511 : i32 to vector<16xi32>
        %lt3A_513 = arith.cmpi slt, %broadcast_in_dim3A_45, %lt3A_512 : vector<16xi32>
        %add3A_514 = arith.constant 16 : i32
        %add3A_515 = vector.broadcast %add3A_514 : i32 to vector<16xi32>
        %add3A_516 = arith.addi %broadcast_in_dim3A_45, %add3A_515 : vector<16xi32>
        %select_n3A_517 = arith.select %lt3A_513, %add3A_516, %broadcast_in_dim3A_45 : vector<16xi1>, vector<16xi32>
        %broadcast_in_dim3A_518 = vector.shape_cast %select_n3A_517 : vector<16xi32> to vector<16x1xi32>
        %gather3A_519 = vector.shape_cast %broadcast_in_dim3A_518 : vector<16x1xi32> to vector<16xi32>
        %gather3A_520 = tpu.dynamic_gather %get3A_283[%gather3A_519] in [0] : vector<16xf32>, vector<16xi32> -> vector<16xf32>
        %get3A_521 = arith.index_cast %add3A_450 : i32 to index
        %get3A_522 = arith.constant 176 : index
        %get3A_523 = tpu.vector_load %arg21[%get3A_521, %get3A_522] {strides = array<i32>} : memref<32x256xf32, #tpu.memory_space<vmem>>, vector<1x16xf32>,
        %get3A_524 = vector.shape_cast %get3A_523 : vector<1x16xf32> to vector<16xf32>
        %mul3A_525 = arith.mulf %gather3A_520, %get3A_524 : vector<16xf32>
        %swap3A_526 = arith.index_cast %add3A_450 : i32 to index
        %swap3A_527 = arith.constant 48 : index
        %swap3A_528 = tpu.vector_load %arg25[%swap3A_526, %swap3A_527] {strides = array<i32>} : memref<32x128xf32, #tpu.memory_space<vmem>>, vector<1x16xf32>,
        %swap3A_529 = vector.shape_cast %swap3A_528 : vector<1x16xf32> to vector<16xf32>
        %swap3A_530 = vector.shape_cast %mul3A_525 : vector<16xf32> to vector<1x16xf32>
        tpu.vector_store %arg25[%swap3A_526, %swap3A_527], %swap3A_530 {strides = array<i32>} : memref<32x128xf32, #tpu.memory_space<vmem>>, vector<1x16xf32>,
        %lt3A_531 = arith.constant 0 : i32
        %lt3A_532 = vector.broadcast %lt3A_531 : i32 to vector<16xi32>
        %lt3A_533 = arith.cmpi slt, %broadcast_in_dim3A_47, %lt3A_532 : vector<16xi32>
        %add3A_534 = arith.constant 16 : i32
        %add3A_535 = vector.broadcast %add3A_534 : i32 to vector<16xi32>
        %add3A_536 = arith.addi %broadcast_in_dim3A_47, %add3A_535 : vector<16xi32>
        %select_n3A_537 = arith.select %lt3A_533, %add3A_536, %broadcast_in_dim3A_47 : vector<16xi1>, vector<16xi32>
        %broadcast_in_dim3A_538 = vector.shape_cast %select_n3A_537 : vector<16xi32> to vector<16x1xi32>
        %gather3A_539 = vector.shape_cast %broadcast_in_dim3A_538 : vector<16x1xi32> to vector<16xi32>
        %gather3A_540 = tpu.dynamic_gather %get3A_283[%gather3A_539] in [0] : vector<16xf32>, vector<16xi32> -> vector<16xf32>
        %get3A_541 = arith.index_cast %add3A_450 : i32 to index
        %get3A_542 = arith.constant 192 : index
        %get3A_543 = tpu.vector_load %arg21[%get3A_541, %get3A_542] {strides = array<i32>} : memref<32x256xf32, #tpu.memory_space<vmem>>, vector<1x16xf32>,
        %get3A_544 = vector.shape_cast %get3A_543 : vector<1x16xf32> to vector<16xf32>
        %mul3A_545 = arith.mulf %gather3A_540, %get3A_544 : vector<16xf32>
        %swap3A_546 = arith.index_cast %add3A_450 : i32 to index
        %swap3A_547 = arith.constant 64 : index
        %swap3A_548 = tpu.vector_load %arg25[%swap3A_546, %swap3A_547] {strides = array<i32>} : memref<32x128xf32, #tpu.memory_space<vmem>>, vector<1x16xf32>,
        %swap3A_549 = vector.shape_cast %swap3A_548 : vector<1x16xf32> to vector<16xf32>
        %swap3A_550 = vector.shape_cast %mul3A_545 : vector<16xf32> to vector<1x16xf32>
        tpu.vector_store %arg25[%swap3A_546, %swap3A_547], %swap3A_550 {strides = array<i32>} : memref<32x128xf32, #tpu.memory_space<vmem>>, vector<1x16xf32>,
        %lt3A_551 = arith.constant 0 : i32
        %lt3A_552 = vector.broadcast %lt3A_551 : i32 to vector<16xi32>
        %lt3A_553 = arith.cmpi slt, %broadcast_in_dim3A_49, %lt3A_552 : vector<16xi32>
        %add3A_554 = arith.constant 16 : i32
        %add3A_555 = vector.broadcast %add3A_554 : i32 to vector<16xi32>
        %add3A_556 = arith.addi %broadcast_in_dim3A_49, %add3A_555 : vector<16xi32>
        %select_n3A_557 = arith.select %lt3A_553, %add3A_556, %broadcast_in_dim3A_49 : vector<16xi1>, vector<16xi32>
        %broadcast_in_dim3A_558 = vector.shape_cast %select_n3A_557 : vector<16xi32> to vector<16x1xi32>
        %gather3A_559 = vector.shape_cast %broadcast_in_dim3A_558 : vector<16x1xi32> to vector<16xi32>
        %gather3A_560 = tpu.dynamic_gather %get3A_283[%gather3A_559] in [0] : vector<16xf32>, vector<16xi32> -> vector<16xf32>
        %get3A_561 = arith.index_cast %add3A_450 : i32 to index
        %get3A_562 = arith.constant 208 : index
        %get3A_563 = tpu.vector_load %arg21[%get3A_561, %get3A_562] {strides = array<i32>} : memref<32x256xf32, #tpu.memory_space<vmem>>, vector<1x16xf32>,
        %get3A_564 = vector.shape_cast %get3A_563 : vector<1x16xf32> to vector<16xf32>
        %mul3A_565 = arith.mulf %gather3A_560, %get3A_564 : vector<16xf32>
        %swap3A_566 = arith.index_cast %add3A_450 : i32 to index
        %swap3A_567 = arith.constant 80 : index
        %swap3A_568 = tpu.vector_load %arg25[%swap3A_566, %swap3A_567] {strides = array<i32>} : memref<32x128xf32, #tpu.memory_space<vmem>>, vector<1x16xf32>,
        %swap3A_569 = vector.shape_cast %swap3A_568 : vector<1x16xf32> to vector<16xf32>
        %swap3A_570 = vector.shape_cast %mul3A_565 : vector<16xf32> to vector<1x16xf32>
        tpu.vector_store %arg25[%swap3A_566, %swap3A_567], %swap3A_570 {strides = array<i32>} : memref<32x128xf32, #tpu.memory_space<vmem>>, vector<1x16xf32>,
        %lt3A_571 = arith.constant 0 : i32
        %lt3A_572 = vector.broadcast %lt3A_571 : i32 to vector<16xi32>
        %lt3A_573 = arith.cmpi slt, %broadcast_in_dim3A_51, %lt3A_572 : vector<16xi32>
        %add3A_574 = arith.constant 16 : i32
        %add3A_575 = vector.broadcast %add3A_574 : i32 to vector<16xi32>
        %add3A_576 = arith.addi %broadcast_in_dim3A_51, %add3A_575 : vector<16xi32>
        %select_n3A_577 = arith.select %lt3A_573, %add3A_576, %broadcast_in_dim3A_51 : vector<16xi1>, vector<16xi32>
        %broadcast_in_dim3A_578 = vector.shape_cast %select_n3A_577 : vector<16xi32> to vector<16x1xi32>
        %gather3A_579 = vector.shape_cast %broadcast_in_dim3A_578 : vector<16x1xi32> to vector<16xi32>
        %gather3A_580 = tpu.dynamic_gather %get3A_283[%gather3A_579] in [0] : vector<16xf32>, vector<16xi32> -> vector<16xf32>
        %get3A_581 = arith.index_cast %add3A_450 : i32 to index
        %get3A_582 = arith.constant 224 : index
        %get3A_583 = tpu.vector_load %arg21[%get3A_581, %get3A_582] {strides = array<i32>} : memref<32x256xf32, #tpu.memory_space<vmem>>, vector<1x16xf32>,
        %get3A_584 = vector.shape_cast %get3A_583 : vector<1x16xf32> to vector<16xf32>
        %mul3A_585 = arith.mulf %gather3A_580, %get3A_584 : vector<16xf32>
        %swap3A_586 = arith.index_cast %add3A_450 : i32 to index
        %swap3A_587 = arith.constant 96 : index
        %swap3A_588 = tpu.vector_load %arg25[%swap3A_586, %swap3A_587] {strides = array<i32>} : memref<32x128xf32, #tpu.memory_space<vmem>>, vector<1x16xf32>,
        %swap3A_589 = vector.shape_cast %swap3A_588 : vector<1x16xf32> to vector<16xf32>
        %swap3A_590 = vector.shape_cast %mul3A_585 : vector<16xf32> to vector<1x16xf32>
        tpu.vector_store %arg25[%swap3A_586, %swap3A_587], %swap3A_590 {strides = array<i32>} : memref<32x128xf32, #tpu.memory_space<vmem>>, vector<1x16xf32>,
        %lt3A_591 = arith.constant 0 : i32
        %lt3A_592 = vector.broadcast %lt3A_591 : i32 to vector<16xi32>
        %lt3A_593 = arith.cmpi slt, %broadcast_in_dim3A_53, %lt3A_592 : vector<16xi32>
        %add3A_594 = arith.constant 16 : i32
        %add3A_595 = vector.broadcast %add3A_594 : i32 to vector<16xi32>
        %add3A_596 = arith.addi %broadcast_in_dim3A_53, %add3A_595 : vector<16xi32>
        %select_n3A_597 = arith.select %lt3A_593, %add3A_596, %broadcast_in_dim3A_53 : vector<16xi1>, vector<16xi32>
        %broadcast_in_dim3A_598 = vector.shape_cast %select_n3A_597 : vector<16xi32> to vector<16x1xi32>
        %gather3A_599 = vector.shape_cast %broadcast_in_dim3A_598 : vector<16x1xi32> to vector<16xi32>
        %gather3A_600 = tpu.dynamic_gather %get3A_283[%gather3A_599] in [0] : vector<16xf32>, vector<16xi32> -> vector<16xf32>
        %get3A_601 = arith.index_cast %add3A_450 : i32 to index
        %get3A_602 = arith.constant 240 : index
        %get3A_603 = tpu.vector_load %arg21[%get3A_601, %get3A_602] {strides = array<i32>} : memref<32x256xf32, #tpu.memory_space<vmem>>, vector<1x16xf32>,
        %get3A_604 = vector.shape_cast %get3A_603 : vector<1x16xf32> to vector<16xf32>
        %mul3A_605 = arith.mulf %gather3A_600, %get3A_604 : vector<16xf32>
        %swap3A_606 = arith.index_cast %add3A_450 : i32 to index
        %swap3A_607 = arith.constant 112 : index
        %swap3A_608 = tpu.vector_load %arg25[%swap3A_606, %swap3A_607] {strides = array<i32>} : memref<32x128xf32, #tpu.memory_space<vmem>>, vector<1x16xf32>,
        %swap3A_609 = vector.shape_cast %swap3A_608 : vector<1x16xf32> to vector<16xf32>
        %swap3A_610 = vector.shape_cast %mul3A_605 : vector<16xf32> to vector<1x16xf32>
        tpu.vector_store %arg25[%swap3A_606, %swap3A_607], %swap3A_610 {strides = array<i32>} : memref<32x128xf32, #tpu.memory_space<vmem>>, vector<1x16xf32>,
        %scan3A_611 = arith.constant 0 : i32
        scf.yield %scan3A_611 : i32
      }
      %scan3A_249 = arith.constant 16 : i32
      %dma_start3A_250 = arith.constant 0 : i32
      %dma_start3A_251 = arith.constant 0 : i32
      %dma_start3A_252 = tpu.memref_slice %arg33[%dma_start3A_250, %dma_start3A_251] : memref<10112x128xf32, #tpu.memory_space<vmem_shared>> -> memref<10112x128xf32, #tpu.memory_space<vmem_shared>>
      tpu.enqueue_indirect_dma source(%arg25 : memref<32x128xf32, #tpu.memory_space<vmem>>) target(%dma_start3A_252 : memref<10112x128xf32, #tpu.memory_space<vmem_shared>>) offsets(%arg17 : memref<32xi32, #tpu.memory_space<vmem>>) semaphore(%arg40 : memref<!tpu.dma_semaphore, #tpu.memory_space<semaphore_mem>>) {add = true}
      %dma_start3A_253 = arith.constant 0 : i32
      %dma_start3A_254 = tpu.memref_slice %arg28[%dma_start3A_253] : memref<256xf32, #tpu.memory_space<vmem>> -> memref<128xf32, #tpu.memory_space<vmem>>
      %dma_start3A_255 = arith.constant 0 : i32
      %dma_start3A_256 = tpu.memref_slice %arg34[%dma_start3A_255] : memref<81920xf32, #tpu.memory_space<vmem_shared>> -> memref<81920xf32, #tpu.memory_space<vmem_shared>>
      tpu.enqueue_indirect_dma source(%dma_start3A_254 : memref<128xf32, #tpu.memory_space<vmem>>) target(%dma_start3A_256 : memref<81920xf32, #tpu.memory_space<vmem_shared>>) offsets(%arg31 : memref<128xi32, #tpu.memory_space<vmem>>) semaphore(%arg40 : memref<!tpu.dma_semaphore, #tpu.memory_space<semaphore_mem>>) {add = true}
      %dma_start3A_257 = arith.constant 128 : i32
      %dma_start3A_258 = tpu.memref_slice %arg28[%dma_start3A_257] : memref<256xf32, #tpu.memory_space<vmem>> -> memref<128xf32, #tpu.memory_space<vmem>>
      %dma_start3A_259 = arith.constant 0 : i32
      %dma_start3A_260 = tpu.memref_slice %arg34[%dma_start3A_259] : memref<81920xf32, #tpu.memory_space<vmem_shared>> -> memref<81920xf32, #tpu.memory_space<vmem_shared>>
      tpu.enqueue_indirect_dma source(%dma_start3A_258 : memref<128xf32, #tpu.memory_space<vmem>>) target(%dma_start3A_260 : memref<81920xf32, #tpu.memory_space<vmem_shared>>) offsets(%arg32 : memref<128xi32, #tpu.memory_space<vmem>>) semaphore(%arg40 : memref<!tpu.dma_semaphore, #tpu.memory_space<semaphore_mem>>) {add = true}
      %ge3A_261 = arith.constant 1 : i32
      %ge3A_262 = arith.cmpi sge, %add3A_195, %ge3A_261 : i32
      %convert_element_type3A_263 = arith.extui %ge3A_262 : i1 to i32
      %cond3A_264 = arith.constant 0 : i32
      %cond3A_265 = arith.cmpi ne, %convert_element_type3A_263, %cond3A_264 : i32
      scf.if %cond3A_265 {
        %dma_wait3A_277 = arith.constant 0 : i32
        %dma_wait3A_278 = arith.constant 0 : i32
        %dma_wait3A_279 = tpu.memref_slice %arg33[%dma_wait3A_277, %dma_wait3A_278] : memref<10112x128xf32, #tpu.memory_space<vmem_shared>> -> memref<10112x128xf32, #tpu.memory_space<vmem_shared>>
        tpu.wait_indirect_dma semaphore(%arg39 : memref<!tpu.dma_semaphore, #tpu.memory_space<semaphore_mem>>) src(%arg24 : memref<32x128xf32, #tpu.memory_space<vmem>>) dst(%dma_wait3A_279 : memref<10112x128xf32, #tpu.memory_space<vmem_shared>>)
        %dma_wait3A_280 = arith.constant 0 : i32
        %dma_wait3A_281 = tpu.memref_slice %arg27[%dma_wait3A_280] : memref<256xf32, #tpu.memory_space<vmem>> -> memref<128xf32, #tpu.memory_space<vmem>>
        %dma_wait3A_282 = arith.constant 0 : i32
        %dma_wait3A_283 = tpu.memref_slice %arg34[%dma_wait3A_282] : memref<81920xf32, #tpu.memory_space<vmem_shared>> -> memref<81920xf32, #tpu.memory_space<vmem_shared>>
        tpu.wait_indirect_dma semaphore(%arg39 : memref<!tpu.dma_semaphore, #tpu.memory_space<semaphore_mem>>) src(%dma_wait3A_281 : memref<128xf32, #tpu.memory_space<vmem>>) dst(%dma_wait3A_283 : memref<81920xf32, #tpu.memory_space<vmem_shared>>)
        %dma_wait3A_284 = arith.constant 128 : i32
        %dma_wait3A_285 = tpu.memref_slice %arg27[%dma_wait3A_284] : memref<256xf32, #tpu.memory_space<vmem>> -> memref<128xf32, #tpu.memory_space<vmem>>
        %dma_wait3A_286 = arith.constant 0 : i32
        %dma_wait3A_287 = tpu.memref_slice %arg34[%dma_wait3A_286] : memref<81920xf32, #tpu.memory_space<vmem_shared>> -> memref<81920xf32, #tpu.memory_space<vmem_shared>>
        tpu.wait_indirect_dma semaphore(%arg39 : memref<!tpu.dma_semaphore, #tpu.memory_space<semaphore_mem>>) src(%dma_wait3A_285 : memref<128xf32, #tpu.memory_space<vmem>>) dst(%dma_wait3A_287 : memref<81920xf32, #tpu.memory_space<vmem_shared>>)
      } else {
      }
      %lt3A_266 = arith.constant 313 : i32
      %lt3A_267 = arith.cmpi slt, %add3A_195, %lt3A_266 : i32
      %convert_element_type3A_268 = arith.extui %lt3A_267 : i1 to i32
      %cond3A_269 = arith.constant 0 : i32
      %cond3A_270 = arith.cmpi ne, %convert_element_type3A_268, %cond3A_269 : i32
      scf.if %cond3A_270 {
        %dma_wait3A_277 = arith.constant 0 : i32
        %dma_wait3A_278 = tpu.memref_slice %arg5[%dma_wait3A_277] : memref<321536xi32, #tpu.memory_space<hbm>> -> memref<32xi32, #tpu.memory_space<hbm>>
        %dma_wait3A_279 = arith.constant 0 : i32
        %dma_wait3A_280 = tpu.memref_slice %arg5[%dma_wait3A_279] : memref<321536xi32, #tpu.memory_space<hbm>> -> memref<32xi32, #tpu.memory_space<hbm>>
        tpu.wait_dma2 semaphore(%arg35 : memref<!tpu.dma_semaphore, #tpu.memory_space<semaphore_mem>>) src(%dma_wait3A_280 : memref<32xi32, #tpu.memory_space<hbm>>) dst(%arg12 : memref<32xi32, #tpu.memory_space<vmem>>)
        %dma_wait3A_281 = arith.constant 0 : i32
        %dma_wait3A_282 = tpu.memref_slice %arg6[%dma_wait3A_281] : memref<321536xi32, #tpu.memory_space<hbm>> -> memref<32xi32, #tpu.memory_space<hbm>>
        %dma_wait3A_283 = arith.constant 0 : i32
        %dma_wait3A_284 = tpu.memref_slice %arg6[%dma_wait3A_283] : memref<321536xi32, #tpu.memory_space<hbm>> -> memref<32xi32, #tpu.memory_space<hbm>>
        tpu.wait_dma2 semaphore(%arg35 : memref<!tpu.dma_semaphore, #tpu.memory_space<semaphore_mem>>) src(%dma_wait3A_284 : memref<32xi32, #tpu.memory_space<hbm>>) dst(%arg14 : memref<32xi32, #tpu.memory_space<vmem>>)
        %add3A_285 = arith.constant 1 : i32
        %add3A_286 = arith.addi %add3A_195, %add3A_285 : i32
        %mul3A_287 = arith.constant 10048 : i32
        %mul3A_288 = arith.muli %add3A, %mul3A_287 : i32
        %mul3A_289 = arith.constant 32 : i32
        %mul3A_290 = arith.muli %add3A_286, %mul3A_289 : i32
        %add3A_291 = arith.addi %mul3A_288, %mul3A_290 : i32
        %dma_start3A_292 = arith.constant 0 : i32
        %dma_start3A_293 = arith.constant 0 : i32
        %dma_start3A_294 = tpu.memref_slice %arg2[%dma_start3A_292, %dma_start3A_293] : memref<10000x128xf32, #tpu.memory_space<hbm>> -> memref<10000x128xf32, #tpu.memory_space<hbm>>
        tpu.enqueue_indirect_dma source(%dma_start3A_294 : memref<10000x128xf32, #tpu.memory_space<hbm>>) target(%arg18 : memref<32x128xf32, #tpu.memory_space<vmem>>) offsets(%arg14 : memref<32xi32, #tpu.memory_space<vmem>>) semaphore(%arg37 : memref<!tpu.dma_semaphore, #tpu.memory_space<semaphore_mem>>)
        %dma_start3A_295 = arith.constant 0 : i32
        %dma_start3A_296 = arith.constant 0 : i32
        %dma_start3A_297 = tpu.memref_slice %arg3[%dma_start3A_295, %dma_start3A_296] : memref<10000x256xf32, #tpu.memory_space<hbm>> -> memref<10000x256xf32, #tpu.memory_space<hbm>>
        tpu.enqueue_indirect_dma source(%dma_start3A_297 : memref<10000x256xf32, #tpu.memory_space<hbm>>) target(%arg20 : memref<32x256xf32, #tpu.memory_space<vmem>>) offsets(%arg12 : memref<32xi32, #tpu.memory_space<vmem>>) semaphore(%arg37 : memref<!tpu.dma_semaphore, #tpu.memory_space<semaphore_mem>>)
        %dma_start3A_298 = arith.constant 0 : i32
        %dma_start3A_299 = tpu.memref_slice %arg4[%add3A_291, %dma_start3A_298] : memref<321536x128xf32, #tpu.memory_space<hbm>> -> memref<32x128xf32, #tpu.memory_space<hbm>>
        %dma_start3A_300 = arith.constant 0 : i32
        %dma_start3A_301 = tpu.memref_slice %arg4[%add3A_291, %dma_start3A_300] : memref<321536x128xf32, #tpu.memory_space<hbm>> -> memref<32x128xf32, #tpu.memory_space<hbm>>
        tpu.enqueue_dma source(%dma_start3A_301 : memref<32x128xf32, #tpu.memory_space<hbm>>) target(%arg22 : memref<32x128xf32, #tpu.memory_space<vmem>>) target_semaphore(%arg37 : memref<!tpu.dma_semaphore, #tpu.memory_space<semaphore_mem>>)
      } else {
      }
      %lt3A_271 = arith.constant 312 : i32
      %lt3A_272 = arith.cmpi slt, %add3A_195, %lt3A_271 : i32
      %convert_element_type3A_273 = arith.extui %lt3A_272 : i1 to i32
      %cond3A_274 = arith.constant 0 : i32
      %cond3A_275 = arith.cmpi ne, %convert_element_type3A_273, %cond3A_274 : i32
      scf.if %cond3A_275 {
        %add3A_277 = arith.constant 2 : i32
        %add3A_278 = arith.addi %add3A_195, %add3A_277 : i32
        %mul3A_279 = arith.constant 10048 : i32
        %mul3A_280 = arith.muli %add3A, %mul3A_279 : i32
        %mul3A_281 = arith.constant 32 : i32
        %mul3A_282 = arith.muli %add3A_278, %mul3A_281 : i32
        %add3A_283 = arith.addi %mul3A_280, %mul3A_282 : i32
        %dma_start3A_284 = tpu.memref_slice %arg5[%add3A_283] : memref<321536xi32, #tpu.memory_space<hbm>> -> memref<32xi32, #tpu.memory_space<hbm>>
        %dma_start3A_285 = tpu.memref_slice %arg5[%add3A_283] : memref<321536xi32, #tpu.memory_space<hbm>> -> memref<32xi32, #tpu.memory_space<hbm>>
        tpu.enqueue_dma source(%dma_start3A_285 : memref<32xi32, #tpu.memory_space<hbm>>) target(%arg13 : memref<32xi32, #tpu.memory_space<vmem>>) target_semaphore(%arg36 : memref<!tpu.dma_semaphore, #tpu.memory_space<semaphore_mem>>)
        %dma_start3A_286 = tpu.memref_slice %arg6[%add3A_283] : memref<321536xi32, #tpu.memory_space<hbm>> -> memref<32xi32, #tpu.memory_space<hbm>>
        %dma_start3A_287 = tpu.memref_slice %arg6[%add3A_283] : memref<321536xi32, #tpu.memory_space<hbm>> -> memref<32xi32, #tpu.memory_space<hbm>>
        tpu.enqueue_dma source(%dma_start3A_287 : memref<32xi32, #tpu.memory_space<hbm>>) target(%arg15 : memref<32xi32, #tpu.memory_space<vmem>>) target_semaphore(%arg36 : memref<!tpu.dma_semaphore, #tpu.memory_space<semaphore_mem>>)
      } else {
      }
      %scan3A_276 = arith.constant 0 : i32
      scf.yield %scan3A_276 : i32
    }
    %scan3A_95 = arith.constant 157 : i32
    %dma_wait3A_96 = arith.constant 0 : i32
    %dma_wait3A_97 = arith.constant 0 : i32
    %dma_wait3A_98 = tpu.memref_slice %arg33[%dma_wait3A_96, %dma_wait3A_97] : memref<10112x128xf32, #tpu.memory_space<vmem_shared>> -> memref<10112x128xf32, #tpu.memory_space<vmem_shared>>
    tpu.wait_indirect_dma semaphore(%arg40 : memref<!tpu.dma_semaphore, #tpu.memory_space<semaphore_mem>>) src(%arg25 : memref<32x128xf32, #tpu.memory_space<vmem>>) dst(%dma_wait3A_98 : memref<10112x128xf32, #tpu.memory_space<vmem_shared>>)
    %dma_wait3A_99 = arith.constant 0 : i32
    %dma_wait3A_100 = tpu.memref_slice %arg28[%dma_wait3A_99] : memref<256xf32, #tpu.memory_space<vmem>> -> memref<128xf32, #tpu.memory_space<vmem>>
    %dma_wait3A_101 = arith.constant 0 : i32
    %dma_wait3A_102 = tpu.memref_slice %arg34[%dma_wait3A_101] : memref<81920xf32, #tpu.memory_space<vmem_shared>> -> memref<81920xf32, #tpu.memory_space<vmem_shared>>
    tpu.wait_indirect_dma semaphore(%arg40 : memref<!tpu.dma_semaphore, #tpu.memory_space<semaphore_mem>>) src(%dma_wait3A_100 : memref<128xf32, #tpu.memory_space<vmem>>) dst(%dma_wait3A_102 : memref<81920xf32, #tpu.memory_space<vmem_shared>>)
    %dma_wait3A_103 = arith.constant 128 : i32
    %dma_wait3A_104 = tpu.memref_slice %arg28[%dma_wait3A_103] : memref<256xf32, #tpu.memory_space<vmem>> -> memref<128xf32, #tpu.memory_space<vmem>>
    %dma_wait3A_105 = arith.constant 0 : i32
    %dma_wait3A_106 = tpu.memref_slice %arg34[%dma_wait3A_105] : memref<81920xf32, #tpu.memory_space<vmem_shared>> -> memref<81920xf32, #tpu.memory_space<vmem_shared>>
    tpu.wait_indirect_dma semaphore(%arg40 : memref<!tpu.dma_semaphore, #tpu.memory_space<semaphore_mem>>) src(%dma_wait3A_104 : memref<128xf32, #tpu.memory_space<vmem>>) dst(%dma_wait3A_106 : memref<81920xf32, #tpu.memory_space<vmem_shared>>)
    %barrier3A_107 = arith.constant 0 : index
    tpu.barrier barrier_id(%barrier3A_107)
    "tpu.region"() ({
      %run_scoped3A = tpu.sem_alloc : memref<!tpu.dma_semaphore, #tpu.memory_space<semaphore_mem>>
      %dma_start3A_111 = arith.constant 0 : i32
      %dma_start3A_112 = tpu.memref_slice %arg10[%arg0, %mul3A_2, %dma_start3A_111] : memref<2x10112x128xf32, #tpu.memory_space<hbm>> -> memref<1x632x128xf32, #tpu.memory_space<hbm>>
      %dma_start3A_113 = tpu.memref_squeeze %dma_start3A_112 : memref<1x632x128xf32, #tpu.memory_space<hbm>> -> memref<632x128xf32, #tpu.memory_space<hbm>>
      %dma_start3A_114 = arith.constant 0 : i32
      %dma_start3A_115 = tpu.memref_slice %arg33[%mul3A_2, %dma_start3A_114] : memref<10112x128xf32, #tpu.memory_space<vmem_shared>> -> memref<632x128xf32, #tpu.memory_space<vmem_shared>>
      tpu.enqueue_dma source(%dma_start3A_115 : memref<632x128xf32, #tpu.memory_space<vmem_shared>>) target(%dma_start3A_113 : memref<632x128xf32, #tpu.memory_space<hbm>>) target_semaphore(%run_scoped3A : memref<!tpu.dma_semaphore, #tpu.memory_space<semaphore_mem>>)
      %dma_wait3A_116 = arith.constant 0 : i32
      %dma_wait3A_117 = tpu.memref_slice %arg10[%arg0, %mul3A_2, %dma_wait3A_116] : memref<2x10112x128xf32, #tpu.memory_space<hbm>> -> memref<1x632x128xf32, #tpu.memory_space<hbm>>
      %dma_wait3A_118 = tpu.memref_squeeze %dma_wait3A_117 : memref<1x632x128xf32, #tpu.memory_space<hbm>> -> memref<632x128xf32, #tpu.memory_space<hbm>>
      %dma_wait3A_119 = arith.constant 0 : i32
      %dma_wait3A_120 = tpu.memref_slice %arg33[%mul3A_2, %dma_wait3A_119] : memref<10112x128xf32, #tpu.memory_space<vmem_shared>> -> memref<632x128xf32, #tpu.memory_space<vmem_shared>>
      tpu.wait_dma2 semaphore(%run_scoped3A : memref<!tpu.dma_semaphore, #tpu.memory_space<semaphore_mem>>) src(%dma_wait3A_120 : memref<632x128xf32, #tpu.memory_space<vmem_shared>>) dst(%dma_wait3A_118 : memref<632x128xf32, #tpu.memory_space<hbm>>)
      tpu.yield
    }) : () -> ()
    %mul3A_108 = arith.constant 81920 : i32
    %mul3A_109 = arith.muli %arg0, %mul3A_108 : i32
    %add3A_110 = arith.addi %mul3A_109, %mul3A_4 : i32
    "tpu.region"() ({
      %run_scoped3A = tpu.sem_alloc : memref<!tpu.dma_semaphore, #tpu.memory_space<semaphore_mem>>
      %dma_start3A_111 = tpu.memref_slice %arg11[%add3A_110] : memref<163840xf32, #tpu.memory_space<hbm>> -> memref<5120xf32, #tpu.memory_space<hbm>>
      %dma_start3A_112 = tpu.memref_slice %arg34[%mul3A_4] : memref<81920xf32, #tpu.memory_space<vmem_shared>> -> memref<5120xf32, #tpu.memory_space<vmem_shared>>
      tpu.enqueue_dma source(%dma_start3A_112 : memref<5120xf32, #tpu.memory_space<vmem_shared>>) target(%dma_start3A_111 : memref<5120xf32, #tpu.memory_space<hbm>>) target_semaphore(%run_scoped3A : memref<!tpu.dma_semaphore, #tpu.memory_space<semaphore_mem>>)
      %dma_wait3A_113 = tpu.memref_slice %arg11[%add3A_110] : memref<163840xf32, #tpu.memory_space<hbm>> -> memref<5120xf32, #tpu.memory_space<hbm>>
      %dma_wait3A_114 = tpu.memref_slice %arg34[%mul3A_4] : memref<81920xf32, #tpu.memory_space<vmem_shared>> -> memref<5120xf32, #tpu.memory_space<vmem_shared>>
      tpu.wait_dma2 semaphore(%run_scoped3A : memref<!tpu.dma_semaphore, #tpu.memory_space<semaphore_mem>>) src(%dma_wait3A_114 : memref<5120xf32, #tpu.memory_space<vmem_shared>>) dst(%dma_wait3A_113 : memref<5120xf32, #tpu.memory_space<hbm>>)
      tpu.yield
    }) : () -> ()
    return
  }
}

module attributes {stable_mosaic.version = 14 : i64} {
  func.func @_eemb_body(%arg0: i32, %arg1: memref<10048x16xf32, #tpu.memory_space<vmem>>, %arg2: memref<16x128xf32, #tpu.memory_space<vmem>>, %arg3: memref<10048x128xf32, #tpu.memory_space<vmem>>) attributes {dimension_semantics = [#tpu.dimension_semantics<arbitrary>], iteration_bounds = array<i64: 32>, scalar_prefetch = 0 : i64, scratch_operands = 0 : i64, tpu.core_type = #tpu.core_type<tc>, window_params = [{transform_indices = @transform_0, window_bounds = array<i64: 10048, 16>}, {pipeline_mode = #tpu.pipeline_mode<synchronous>, transform_indices = @transform_1, window_bounds = array<i64: 16, 128>}, {transform_indices = @transform_2, window_bounds = array<i64: 10048, 128>}]} {
    %get3A = arith.constant 0 : index
    %get3A_0 = arith.constant 0 : index
    %get3A_1 = vector.load %arg1[%get3A, %get3A_0] : memref<10048x16xf32, #tpu.memory_space<vmem>>, vector<10048x16xf32>
    %get3A_2 = arith.constant 0 : index
    %get3A_3 = arith.constant 0 : index
    %get3A_4 = vector.load %arg2[%get3A_2, %get3A_3] : memref<16x128xf32, #tpu.memory_space<vmem>>, vector<16x128xf32>
    %dot_general3A = arith.constant dense<0.000000e+00> : vector<10048x128xf32>
    %dot_general3A_5 = tpu.matmul %get3A_1, %get3A_4, %dot_general3A {dimension_numbers = #tpu.dot_dimension_numbers<[1], [0], [0], [1], [0, 0, 1, 1], [], []>, transpose_lhs_hint = false} : vector<10048x16xf32>, vector<16x128xf32>, vector<10048x128xf32> -> vector<10048x128xf32>
    %swap3A = arith.constant 0 : index
    %swap3A_6 = arith.constant 0 : index
    %swap3A_7 = vector.load %arg3[%swap3A, %swap3A_6] : memref<10048x128xf32, #tpu.memory_space<vmem>>, vector<10048x128xf32>
    tpu.vector_store %arg3[%swap3A, %swap3A_6], %dot_general3A_5 {strides = array<i32>} : memref<10048x128xf32, #tpu.memory_space<vmem>>, vector<10048x128xf32>,
    return
  }
  func.func @transform_0(%arg0: i32) -> (i32, i32) {
    %c0_i32 = arith.constant 0 : i32
    %c0_i32_0 = arith.constant 0 : i32
    return %arg0, %c0_i32 : i32, i32
  }
  func.func @transform_1(%arg0: i32) -> (i32, i32) {
    %c0_i32 = arith.constant 0 : i32
    %c0_i32_0 = arith.constant 0 : i32
    %c0_i32_1 = arith.constant 0 : i32
    return %c0_i32, %c0_i32_0 : i32, i32
  }
  func.func @transform_2(%arg0: i32) -> (i32, i32) {
    %c0_i32 = arith.constant 0 : i32
    %c0_i32_0 = arith.constant 0 : i32
    return %arg0, %c0_i32 : i32, i32
  }
}

module attributes {stable_mosaic.version = 14 : i64} {
  func.func @_qkv_body(%arg0: memref<10000x128xf32, #tpu.memory_space<vmem>>, %arg1: memref<10000x128xf32, #tpu.memory_space<vmem>>, %arg2: memref<128x128xf32, #tpu.memory_space<vmem>>, %arg3: memref<128x128xf32, #tpu.memory_space<vmem>>, %arg4: memref<128x128xf32, #tpu.memory_space<vmem>>, %arg5: memref<10000x128xf32, #tpu.memory_space<vmem>>, %arg6: memref<10000x256xf32, #tpu.memory_space<vmem>>) attributes {dimension_semantics = [], scalar_prefetch = 0 : i64, scratch_operands = 0 : i64, tpu.core_type = #tpu.core_type<tc>} {
    %get3A = arith.constant 0 : index
    %get3A_0 = arith.constant 0 : index
    %get3A_1 = vector.load %arg1[%get3A, %get3A_0] : memref<10000x128xf32, #tpu.memory_space<vmem>>, vector<10000x128xf32>
    %get3A_2 = arith.constant 0 : index
    %get3A_3 = arith.constant 0 : index
    %get3A_4 = vector.load %arg0[%get3A_2, %get3A_3] : memref<10000x128xf32, #tpu.memory_space<vmem>>, vector<10000x128xf32>
    %get3A_5 = arith.constant 0 : index
    %get3A_6 = arith.constant 0 : index
    %get3A_7 = vector.load %arg2[%get3A_5, %get3A_6] : memref<128x128xf32, #tpu.memory_space<vmem>>, vector<128x128xf32>
    %dot_general3A = arith.constant dense<0.000000e+00> : vector<10000x128xf32>
    %dot_general3A_8 = tpu.matmul %get3A_4, %get3A_7, %dot_general3A {dimension_numbers = #tpu.dot_dimension_numbers<[1], [0], [0], [1], [0, 0, 1, 1], [], []>, transpose_lhs_hint = false} : vector<10000x128xf32>, vector<128x128xf32>, vector<10000x128xf32> -> vector<10000x128xf32>
    %swap3A = arith.constant 0 : index
    %swap3A_9 = arith.constant 0 : index
    %swap3A_10 = vector.load %arg5[%swap3A, %swap3A_9] : memref<10000x128xf32, #tpu.memory_space<vmem>>, vector<10000x128xf32>
    tpu.vector_store %arg5[%swap3A, %swap3A_9], %dot_general3A_8 {strides = array<i32>} : memref<10000x128xf32, #tpu.memory_space<vmem>>, vector<10000x128xf32>,
    %get3A_11 = arith.constant 0 : index
    %get3A_12 = arith.constant 0 : index
    %get3A_13 = vector.load %arg3[%get3A_11, %get3A_12] : memref<128x128xf32, #tpu.memory_space<vmem>>, vector<128x128xf32>
    %dot_general3A_14 = arith.constant dense<0.000000e+00> : vector<10000x128xf32>
    %dot_general3A_15 = tpu.matmul %get3A_1, %get3A_13, %dot_general3A_14 {dimension_numbers = #tpu.dot_dimension_numbers<[1], [0], [0], [1], [0, 0, 1, 1], [], []>, transpose_lhs_hint = false} : vector<10000x128xf32>, vector<128x128xf32>, vector<10000x128xf32> -> vector<10000x128xf32>
    %swap3A_16 = arith.constant 0 : index
    %swap3A_17 = arith.constant 0 : index
    %swap3A_18 = vector.load %arg6[%swap3A_16, %swap3A_17] : memref<10000x256xf32, #tpu.memory_space<vmem>>, vector<10000x128xf32>
    tpu.vector_store %arg6[%swap3A_16, %swap3A_17], %dot_general3A_15 {strides = array<i32>} : memref<10000x256xf32, #tpu.memory_space<vmem>>, vector<10000x128xf32>,
    %get3A_19 = arith.constant 0 : index
    %get3A_20 = arith.constant 0 : index
    %get3A_21 = vector.load %arg4[%get3A_19, %get3A_20] : memref<128x128xf32, #tpu.memory_space<vmem>>, vector<128x128xf32>
    %dot_general3A_22 = arith.constant dense<0.000000e+00> : vector<10000x128xf32>
    %dot_general3A_23 = tpu.matmul %get3A_1, %get3A_21, %dot_general3A_22 {dimension_numbers = #tpu.dot_dimension_numbers<[1], [0], [0], [1], [0, 0, 1, 1], [], []>, transpose_lhs_hint = false} : vector<10000x128xf32>, vector<128x128xf32>, vector<10000x128xf32> -> vector<10000x128xf32>
    %swap3A_24 = arith.constant 0 : index
    %swap3A_25 = arith.constant 128 : index
    %swap3A_26 = vector.load %arg6[%swap3A_24, %swap3A_25] : memref<10000x256xf32, #tpu.memory_space<vmem>>, vector<10000x128xf32>
    tpu.vector_store %arg6[%swap3A_24, %swap3A_25], %dot_general3A_23 {strides = array<i32>} : memref<10000x256xf32, #tpu.memory_space<vmem>>, vector<10000x128xf32>,
    return
  }
}

module attributes {stable_mosaic.version = 14 : i64} {
  func.func @_final_body(%arg0: i32, %arg1: memref<2x10112x128xf32, #tpu.memory_space<vmem>>, %arg2: memref<2x10112x128xf32, #tpu.memory_space<vmem>>, %arg3: memref<10112x128xf32, #tpu.memory_space<vmem>>) attributes {dimension_semantics = [#tpu.dimension_semantics<arbitrary>], iteration_bounds = array<i64: 1>, scalar_prefetch = 0 : i64, scratch_operands = 0 : i64, tpu.core_type = #tpu.core_type<tc>, window_params = [{transform_indices = @transform_0, window_bounds = array<i64: 2, 10112, 128>}, {transform_indices = @transform_1, window_bounds = array<i64: 2, 10112, 128>}, {transform_indices = @transform_2, window_bounds = array<i64: 10112, 128>}]} {
    %get3A = arith.constant 0 : index
    %get3A_0 = arith.constant 0 : index
    %get3A_1 = arith.constant 0 : index
    %get3A_2 = vector.load %arg1[%get3A, %get3A_0, %get3A_1] : memref<2x10112x128xf32, #tpu.memory_space<vmem>>, vector<1x10112x128xf32>
    %get3A_3 = vector.shape_cast %get3A_2 : vector<1x10112x128xf32> to vector<10112x128xf32>
    %get3A_4 = arith.constant 1 : index
    %get3A_5 = arith.constant 0 : index
    %get3A_6 = arith.constant 0 : index
    %get3A_7 = vector.load %arg1[%get3A_4, %get3A_5, %get3A_6] : memref<2x10112x128xf32, #tpu.memory_space<vmem>>, vector<1x10112x128xf32>
    %get3A_8 = vector.shape_cast %get3A_7 : vector<1x10112x128xf32> to vector<10112x128xf32>
    %add3A = arith.addf %get3A_3, %get3A_8 : vector<10112x128xf32>
    %get3A_9 = arith.constant 0 : index
    %get3A_10 = arith.constant 0 : index
    %get3A_11 = arith.constant 0 : index
    %get3A_12 = vector.load %arg2[%get3A_9, %get3A_10, %get3A_11] : memref<2x10112x128xf32, #tpu.memory_space<vmem>>, vector<1x10112x128xf32>
    %get3A_13 = vector.shape_cast %get3A_12 : vector<1x10112x128xf32> to vector<10112x128xf32>
    %get3A_14 = arith.constant 1 : index
    %get3A_15 = arith.constant 0 : index
    %get3A_16 = arith.constant 0 : index
    %get3A_17 = vector.load %arg2[%get3A_14, %get3A_15, %get3A_16] : memref<2x10112x128xf32, #tpu.memory_space<vmem>>, vector<1x10112x128xf32>
    %get3A_18 = vector.shape_cast %get3A_17 : vector<1x10112x128xf32> to vector<10112x128xf32>
    %add3A_19 = arith.addf %get3A_13, %get3A_18 : vector<10112x128xf32>
    %gt3A = arith.constant 0.000000e+00 : f32
    %gt3A_20 = vector.broadcast %gt3A : f32 to vector<10112x128xf32>
    %gt3A_21 = arith.cmpf ogt, %add3A_19, %gt3A_20 : vector<10112x128xf32>
    %div3A = arith.divf %add3A, %add3A_19 : vector<10112x128xf32>
    %jit3A = arith.constant 0.000000e+00 : f32
    %broadcast_in_dim3A = vector.broadcast %jit3A : f32 to vector<10112x128xf32>
    %select_n3A = arith.select %gt3A_21, %div3A, %broadcast_in_dim3A : vector<10112x128xi1>, vector<10112x128xf32>
    %swap3A = arith.constant 0 : index
    %swap3A_22 = arith.constant 0 : index
    %swap3A_23 = vector.load %arg3[%swap3A, %swap3A_22] : memref<10112x128xf32, #tpu.memory_space<vmem>>, vector<10112x128xf32>
    tpu.vector_store %arg3[%swap3A, %swap3A_22], %select_n3A {strides = array<i32>} : memref<10112x128xf32, #tpu.memory_space<vmem>>, vector<10112x128xf32>,
    return
  }
  func.func @transform_0(%arg0: i32) -> (i32, i32, i32) {
    %c0_i32 = arith.constant 0 : i32
    %c0_i32_0 = arith.constant 0 : i32
    %c0_i32_1 = arith.constant 0 : i32
    return %c0_i32, %arg0, %c0_i32_0 : i32, i32, i32
  }
  func.func @transform_1(%arg0: i32) -> (i32, i32, i32) {
    %c0_i32 = arith.constant 0 : i32
    %c0_i32_0 = arith.constant 0 : i32
    %c0_i32_1 = arith.constant 0 : i32
    return %c0_i32, %arg0, %c0_i32_0 : i32, i32, i32
  }
  func.func @transform_2(%arg0: i32) -> (i32, i32) {
    %c0_i32 = arith.constant 0 : i32
    %c0_i32_0 = arith.constant 0 : i32
    return %arg0, %c0_i32 : i32, i32
  }
}

</mosaic_0001>

<sc_bundles>
// kernel: kernel.6.cloned.1.call-start
scs
__scs_entry_jumppad:
0x0: {  	(pc) =	sbr.rel $0x88, $3  }
0x1: {  	(tag) =	ssettag $0x0;
	lr =	simm.s32 $0x1  }
0x2: {  	[smem:$0x3F98] =	sst lr;
	_ =	strace $0xD0000000  }
0x3: {  	_ = 	snop  }
0x4: {  	_ = 	snop  }
0x5: {  	_ = 	snop  }
0x6: {  	_ = 	snop  }
0x7: {  	_ = 	snop  }
__scs_overlays_trampoline_lowered:
0x8: {  	[smem:$0x3FA7] =	sst s0  }
0x9: {  	[smem:$0x3FA8] =	sst s1  }
0xa: {  	[smem:$0x3FA9] =	sst s2  }
0xb: {  	[smem:$0x3FAA] =	sst s3  }
0xc: {  	[smem:$0x3FAB] =	sst s4  }
0xd: {  	[smem:$0x3FAC] =	sst s5  }
0xe: {  	[smem:$0x3FAD] =	sst s6  }
0xf: {  	[smem:$0x3FAE] =	sst s7  }
0x10: {  	[smem:$0x3FAF] =	sst s8  }
0x11: {  	[smem:$0x3FB0] =	sst s9;
	s0 =	simm.s32 @!p0 $0x0  }
0x12: {  	s1 =	sld [smem:$0x3F96];
	s0 =	simm.s32 @p0 $0x1  }
0x13: {  	[smem:$0x3FB1] =	sst s0;
	s0 =	simm.s32 @!p1 $0x0  }
0x14: {  	s2 =	sld [smem:$0x3F95];
	s0 =	simm.s32 @p1 $0x1  }
0x15: {  	[smem:$0x3FB2] =	sst s0;
	s0 =	simm.s32 @!p2 $0x0  }
0x16: {  	s3 =	sld [smem:$0x3FDB];
	s0 =	simm.s32 @p2 $0x1  }
0x17: {  	s4 =	simm.s32 $0x1BF5;
	[smem:$0x3FB4] =	sst s0  }
0x18: {  	s0 =	sld [smem:$0x3F97];
	_ =	swait.ge [sflag:s4], $0x0  }
0x19: {  	s7 =	sld [smem:$0x3F98]  }
0x1a: {  	s8 =	sadd.s32 $0xFFFFE003, lr  }
0x1b: {  	s9 =	sadd.s32 $0xFFFFFEF7, lr;
	s5 =	simm.s32 $0xFFFFFFFF;
	p2 =	slt.u32 s8, $0xFFFFF086  }
0x1c: {  	p1 =	slt.u32 s9, $0xF7A;
	s5 =	simm.s32 @!p2 $0x0  }
0x1d: {  	s5 =	simm.s32 @p1 $0x1;
	p0 =	seq.s32 s7, s2  }
0x1e: {  	s7 =	smul.u32 @!p0 $0xF7A, s2;
	p2 =	seq.s32 @!p0 s5, $0x0  }
0x1f: {  	s9 =	smul.u32 $0xF7A, s1;
	s8 =	simm.s32 @!p0 $0x1BF5;
	p2 =	por !p2, p0  }
0x20: {  	[sflag:s8] =	ssyncset.s32 @!p0 $0xFFFFF086;
	s6 =	sadd.s32 @!p0 s3, s7;
	s7 =	simm.s32 @!p0 $0x108  }
0x21: {  	s3 =	sadd.s32 s3, s9;
	s6 =	sadd.s32 @!p0 $0x88, s6;
	s7 =	simm.s32 @p2 $0x1082  }
0x22: {  	[simem:s7], [sflag:s8] =	dma.local @!p0 [hbm:s6], $0xF7A  }
0x23: {  	s9 =	sor.u32 $0xD0000000, s2;
	s6 =	simm.s32 $0x108;
	_ =	swait.ge @!p0 [sflag:s8], $0x0  }
0x24: {  	s3 =	sadd.s32 $0x88, s3;
	s6 =	simm.s32 @!p1 $0x1082;
	[sflag:s4] =	ssyncset.s32 $0xFFFFF086  }
0x25: {  	[simem:s6], [sflag:s4] =	dma.local [hbm:s3], $0xF7A  }
0x26: {  	[smem:$0x3F98] =	sst s1;
	(tag) =	ssettag s2;
	_ =	strace s9  }
0x27: {  	s1 =	sld [smem:$0x3FA8]  }
0x28: {  	s2 =	sld [smem:$0x3FA9]  }
0x29: {  	s4 =	sld [smem:$0x3FAB]  }
0x2a: {  	p0 =	seq.s32 s5, $0x0;
	s5 =	sld [smem:$0x3FAC]  }
0x2b: {  	s6 =	sld [smem:$0x3FAD]  }
0x2c: {  	s7 =	sld [smem:$0x3FAE]  }
0x2d: {  	s3 =	simm.s32 $0x108;
	s8 =	sld [smem:$0x3FAF]  }
0x2e: {  	s3 =	simm.s32 @!p0 $0x1082;
	s9 =	sld [smem:$0x3FB0]  }
0x2f: {  	lr =	sadd.s32 s0, s3;
	s0 =	sld [smem:$0x3FA7]  }
0x30: {  	s3 =	sld [smem:$0x3FAA]  }
0x31: {  	[smem:$0x3FB3] =	sst s10  }
0x32: {  	s10 =	sld [smem:$0x3FB1];
	_ =	sdelay $0x3  }
0x33: {  	p0 =	seq.s32 s10, $0x1;
	s10 =	sld [smem:$0x3FB3];
	_ =	sdelay $0x3  }
0x34: {  	[smem:$0x3FB3] =	sst s10  }
0x35: {  	s10 =	sld [smem:$0x3FB2];
	_ =	sdelay $0x3  }
0x36: {  	p1 =	seq.s32 s10, $0x1;
	s10 =	sld [smem:$0x3FB3];
	_ =	sdelay $0x3  }
0x37: {  	[smem:$0x3FB3] =	sst s10  }
0x38: {  	s10 =	sld [smem:$0x3FB4]  }
0x39: {  	_ = 	snop;
	(pc) =	sbr.ind lr, $3  }
0x3a: {  	_ = 	snop  }
0x3b: {  	_ = 	snop  }
0x3c: {  	p2 =	seq.s32 s10, $0x1;
	s10 =	sld [smem:$0x3FB3]  }
0x3d: {  	_ =	shalt  }
0x3e: {  	_ =	shalt  }
0x3f: {  	_ =	shalt  }
0x40: {  	_ =	shalt  }
0x41: {  	_ =	shalt  }
0x42: {  	_ =	shalt  }
0x43: {  	_ =	shalt  }
0x44: {  	_ =	shalt  }
0x45: {  	_ =	shalt  }
0x46: {  	_ =	shalt  }
0x47: {  	_ =	shalt  }
0x48: {  	_ =	shalt  }
0x49: {  	_ =	shalt  }
0x4a: {  	_ =	shalt  }
0x4b: {  	_ =	shalt  }
0x4c: {  	_ =	shalt  }
0x4d: {  	_ =	shalt  }
0x4e: {  	_ =	shalt  }
0x4f: {  	_ =	shalt  }
0x50: {  	_ =	shalt  }
0x51: {  	_ =	shalt  }
0x52: {  	_ =	shalt  }
0x53: {  	_ =	shalt  }
0x54: {  	_ =	shalt  }
0x55: {  	_ =	shalt  }
0x56: {  	_ =	shalt  }
0x57: {  	_ =	shalt  }
0x58: {  	_ =	shalt  }
0x59: {  	_ =	shalt  }
0x5a: {  	_ =	shalt  }
0x5b: {  	_ =	shalt  }
0x5c: {  	_ =	shalt  }
0x5d: {  	_ =	shalt  }
0x5e: {  	_ =	shalt  }
0x5f: {  	_ =	shalt  }
0x60: {  	_ =	shalt  }
0x61: {  	_ =	shalt  }
0x62: {  	_ =	shalt  }
0x63: {  	_ =	shalt  }
0x64: {  	_ =	shalt  }
0x65: {  	_ =	shalt  }
0x66: {  	_ =	shalt  }
0x67: {  	_ =	shalt  }
0x68: {  	_ =	shalt  }
0x69: {  	_ =	shalt  }
0x6a: {  	_ =	shalt  }
0x6b: {  	_ =	shalt  }
0x6c: {  	_ =	shalt  }
0x6d: {  	_ =	shalt  }
0x6e: {  	_ =	shalt  }
0x6f: {  	_ =	shalt  }
0x70: {  	_ =	shalt  }
0x71: {  	_ =	shalt  }
0x72: {  	_ =	shalt  }
0x73: {  	_ =	shalt  }
0x74: {  	_ =	shalt  }
0x75: {  	_ =	shalt  }
0x76: {  	_ =	shalt  }
0x77: {  	_ =	shalt  }
0x78: {  	_ =	shalt  }
0x79: {  	_ =	shalt  }
0x7a: {  	_ =	shalt  }
0x7b: {  	_ =	shalt  }
0x7c: {  	_ =	shalt  }
0x7d: {  	_ =	shalt  }
0x7e: {  	_ =	shalt  }
0x7f: {  	_ =	shalt  }
0x80: {  	_ =	shalt  }
0x81: {  	_ =	shalt  }
0x82: {  	_ =	shalt  }
0x83: {  	_ =	shalt  }
0x84: {  	_ =	shalt  }
0x85: {  	_ =	shalt  }
0x86: {  	_ =	shalt  }
0x87: {  	_ =	shalt  }
.Lfunc_end0:
.L_simem_size_0:
called_computation_lowered:
.L_overlay_start_0:
0x88: {  	s2 =	sld [smem:$0x3FD9]  }
0x89: {  	s3 =	sld [smem:$0x3FFE];
	_ =	sdelay $0x1  }
0x8a: {  	s1 =	srdreg.scid  }
0x8b: {  	s0 =	sand.u32 $0x1, s1  }
0x8c: {  	s17 =	sshll.u32 s0, $0xA;
	s2 =	sadd.s32 s3, s2  }
0x8d: {  	s2 =	sadd.s32 s2, s17  }
0x8e: {  	[smem:$0x3FBF] =	sst s2  }
0x8f: {  	_ = 	snop  }
0x90: {  	s2 =	sld [smem:$0x3FC1]  }
0x91: {  	s18 =	sld [smem:$0x3FD0];
	(tm) =	ssettm $0x1  }
0x92: {  	s4 =	sld [smem:$0x3FFB];
	_ =	sdelay $0x3  }
0x93: {  	_ =	strace s4  }
0x94: {  	s4 =	sld [smem:$0x3FFC];
	_ =	sdelay $0x3  }
0x95: {  	_ =	strace s4  }
0x96: {  	s4 =	sld [smem:$0x3FFD];
	_ =	sdelay $0x3  }
0x97: {  	_ =	strace s4  }
0x98: {  	_ =	strace $0x8FFFFFFF  }
0x99: {  	s19 =	sld [smem:$0x3FDB];
	_ =	sdelay $0x1  }
0x9a: {  	s5 =	simm.s32 $_scs_section_size  }
0x9b: {  	s6 =	simm.s32 $_size__tile_overlayer_lowered;
	s7 =	simm.s32 $_tile_overlayer_lowered  }
0x9c: {  	s22 =	simm.s32 $0x1BFF;
	s21 =	sshll.u32 s7, $0x1;
	s4 =	sadd.s32 s5, s19  }
0x9d: {  	s8 =	simm.s32 $0x0;
	s20 =	sshll.u32 s6, $0x1;
	s6 =	sadd.s32 s21, s4  }
0x9e: {  	[timem:s8], [sflag:s22] =	dma.local [hbm:s6], s20  }
0x9f: {  	_ =	swait.ge [sflag:s22], s20  }
0xa0: {  	s5 =	ssub.s32 $0x0, s20;
	[sflag:s22] =	ssyncset.done $0x0  }
0xa1: {  	[sflag:s22] =	ssyncadd.s32 s5;
	_ =	sdelay $0x1  }
0xa2: {  	s23 =	simm.s32 $0x1B8B  }
0xa3: {  	_ =	swait.ge [sflag:s23], $0x1  }
0xa4: {  	[sflag:s23] =	ssyncset.done $0x0  }
0xa5: {  	s25 =	simm.s32 $0x1B8E;
	s24 =	sld [smem:$0x3FFE];
	[sflag:s23] =	ssyncadd.s32 $0xFFFFFFFF  }
0xa6: {  	s26 =	simm.s32 $execute0_lowered;
	[smem:$0x3FD2] =	sst s25  }
0xa7: {  	s6 =	sshll.u32 s26, $0x1;
	_ =	strace $0x80000046;
	[dreg:$0x1] =	wrdreg $0xFFFFFFFF  }
0xa8: {  	s28 =	simm.s32 $_size_execute0_lowered;
	s4 =	sadd.s32 s4, s6;
	[dreg:$0x0] =	wrdreg $0x0  }
0xa9: {  	s6 =	sshll.u32 s28, $0x1;
	[dreg:$0x2] =	wrdreg s4  }
0xaa: {  	[dreg:$0x3] =	wrdreg s6  }
0xab: {  	[dreg:$0x4] =	wrdreg $0xC0  }
0xac: {  	_ =	task [dreg:s8], $0x5FFFF  }
0xad: {  	[dreg:$0x1] =	wrdreg $0xFFFFFFFF  }
0xae: {  	[dreg:$0x0] =	wrdreg $0x60  }
0xaf: {  	[dreg:$0x2] =	wrdreg s18  }
0xb0: {  	[dreg:$0x3] =	wrdreg s24  }
0xb1: {  	[dreg:$0x4] =	wrdreg s2  }
0xb2: {  	[dreg:$0x5] =	wrdreg $0xAB000  }
0xb3: {  	[dreg:$0x6] =	wrdreg $0x1E7000  }
0xb4: {  	[dreg:$0x7] =	wrdreg $0x9  }
0xb5: {  	_ =	task.clear_ibuf [dreg:s8], $0x8FFFF;
	_ =	strace $0x90000046  }
0xb6: {  	s29 =	simm.s32 $0x9;
	_ =	strace $0x80000048  }
0xb7: {  	_ =	swait.ge [sflag:s29], $0x1  }
0xb8: {  	[sflag:s29] =	ssyncadd.s32 $0xFFFFFFFF  }
0xb9: {  	_ =	strace $0x90000048  }
0xba: {  	_ =	sfence  }
0xbb: {  	s30 =	sld [smem:$0x0];
	_ =	sdelay $0x2  }
0xbc: {  	s31 =	sshll.u32 s1, $0xD;
	s1 =	sshrl.u32 s1, $0x2  }
0xbd: {  	s3 =	sand.u32 $0x4000, s31;
	s1 =	sadd.s32 s1, s30  }
0xbe: {  	s0 =	sor.u32 s3, s0;
	s1 =	sshll.u32 s1, $0x11  }
0xbf: {  	s0 =	sor.u32 s1, s0  }
0xc0: {  	s0 =	sadd.s32 $0x8F2B, s0  }
0xc1: {  	[sflag:s0] =	ssyncadd.remote.s32 $0x1  }
0xc2: {  	_ =	sfence.sel $0xFFFF  }
0xc3: {  	[dreg:$0x0] =	wrdreg $0xFFFFFFFF;
	(pc) =	sbr.abs _section_cstart, $3  }
0xc4: {  	[dreg:$0x1] =	wrdreg $0xFFFFFFFF  }
0xc5: {  	_ =	task.clear_ibuf [dreg:s8], $0x2FFFF;
	_ =	strace $0x9FFFFFFF  }
0xc6: {  	(tm) =	ssettm $0x7FFFFFFF  }
0xc7: {  	_ =	shalt  }
tec
execute0_lowered:
.L_overlay_start_1:
0x0: {  	(tag) =	ssettag $0x1  }
0x1: {  	s0 =	rddreg [dreg:$0x1];
	v3 =	vlaneseq.u32  }
0x2: {  	s3 =	rddreg [dreg:$0x3];
	vm0 =	vmmov $0xffff;
	v10 =	vimm.s32 $0x76543210;
	v11 =	vimm.s32 $0xFEDCBA98  }
0x3: {  	s5 =	rddreg [dreg:$0x4];
	v12 =	vimm.s32 $0xBA98FEDC;
	v13 =	vimm.s32 $0x32107654;
	v14 =	vimm.s32 $0xDCFE98BA  }
0x4: {  	s6 =	simm.s32 $0x0;
	s1 =	stileid.u32;
	s4 =	srdreg.scid;
	v15 =	vimm.s32 $0x54761032;
	v16 =	vimm.s32 $0xEFCDAB89;
	v17 =	vimm.s32 $0x67452301  }
0x5: {  	s31 =	simm.s32 $0x1;
	vm4 =	vcmask $0x308;
	vm3 =	vcmask $0x70C;
	vm5 =	vcmask $0xB10;
	[smem:$0x7FF] =	sst s6;
	s2 =	smul.u32 $0x13C00, s1  }
0x6: {  	vm6 =	vcmask $0xF14;
	vm8 =	vcmask $0x1318;
	vm11 =	vcmask $0x1B20;
	s11 =	smul.u32 $0x1400, s1;
	s4 =	sand.u32 $0x1, s4;
	s8 =	sadd.s32 $0x9DFA00, s0  }
0x7: {  	v4 =	vimm.s32 $0x0;
	vm12 =	vcmask $0x1F24;
	vm13 =	vcmask $0x2328;
	s7 =	sadd.s32 $0x1E00, s0;
	s9 =	sadd.s32 $0x4E3E00, s0;
	s17 =	smul.u32 $0x4F000, s1  }
0x8: {  	vm14 =	vcmask $0x272C;
	vm15 =	vcmask $0x2B30;
	vm1 =	vcmask $0x2F34;
	s10 =	sadd.s32 $0x4EDC00, s0;
	s16 =	sshll.u32 s1, $0x1;
	s12 =	smul.u32 $0x13C000, s4  }
0x9: {  	vm9 =	vcmask $0x3338;
	vm10 =	vcmask $0x373C;
	v19 =	vimm.s32 $0x4;
	s18 =	sshll.u32 s1, $0x6;
	_ =	strace $0x80000047;
	s14 =	smul.u32 $0x14000, s4  }
0xa: {  	v20 =	vimm.s32 $0x5;
	v21 =	vimm.s32 $0x6;
	v22 =	vimm.s32 $0x7;
	s15 =	ssub.s32 $0x2, s4;
	s4 =	sor.u32 s4, s16;
	s18 =	sor.u32 $0x1C07, s18  }
0xb: {  	v23 =	vimm.s32 $0x8;
	v24 =	vimm.s32 $0x9;
	v25 =	vimm.s32 $0xA;
	s13 =	sshrl.u32 s2, $0x3;
	s29 =	sshrl.u32 s11, $0x3;
	s16 =	smul.u32 $0x2740, s4  }
0xc: {  	v26 =	vimm.s32 $0xB;
	v27 =	vimm.s32 $0xC;
	v28 =	vimm.s32 $0xD;
	s30 =	sshrl.u32 s15, $0x1;
	s17 =	sshrl.u32 s17, $0x2;
	s4 =	smul.u32 $0x27400, s4  }
0xd: {  	v29 =	vimm.s32 $0xE;
	v30 =	vimm.s32 $0xF;
	vm2 =	vmmov $0x7fff;
	s20 =	sadd.s32 s11, s5;
	[dreg:$0x8] =	wrdreg s18;
	s13 =	sadd.s32 s13, s0  }
0xe: {  	v31 =	vimm.s32 $0x0;
	v0 =	vshrl.u32 v3, $0x3;
	v1 =	vand.u32 $0x7, v3;
	s2 =	sadd.s32 s2, s12;
	s14 =	sadd.s32 s11, s14;
	s12 =	sadd.s32 s29, s0  }
0xf: {  	v4 =	vsel vm0, $0xFFFFFFFF, v4;
	v3 =	vor.u32 $0x8, v3;
	v10 =	vunpack.c.l.s4.s8 v10;
	[dreg:$0x9] =	wrdreg s20;
	s2 =	sshrl.u32 s2, $0x3;
	s14 =	sshrl.u32 s14, $0x3  }
0x10: {  	v11 =	vunpack.c.l.s4.s8 v11;
	v12 =	vunpack.c.l.s4.s8 v12;
	v13 =	vunpack.c.l.s4.s8 v13;
	s13 =	sadd.s32 $0x50000, s13;
	s19 =	sshrl.u32 s16, $0x3;
	s21 =	sadd.s32 $0x77800, s12  }
0x11: {  	v14 =	vunpack.c.l.s4.s8 v14;
	v15 =	vunpack.c.l.s4.s8 v15;
	v16 =	vunpack.c.l.s4.s8 v16;
	s24 =	sadd.s32 s8, s4;
	s4 =	simm.s32 $0x0;
	[dreg:$0x7] =	wrdreg s13  }
0x12: {  	v17 =	vunpack.c.l.s4.s8 v17;
	vm0 =	vmmov $0x1;
	v31 =	vsel vm2, $0xFFFFFFFF, v31;
	s2 =	sadd.s32 s2, s0;
	s0 =	sadd.s32 s14, s0;
	[dreg:$0xa] =	wrdreg s21  }
0x13: {  	v2 =	vmul.u32 $0x8, v0;
	[tilespmem:$0x1FFD0] =	vst v4;
	v4 =	vor.u32 $0x2, v0;
	v5 =	vor.u32 $0x4, v0;
	s14 =	ssub.s32 s15, s30;
	s15 =	sadd.s32 s17, s3;
	[dreg:$0xd] =	wrdreg s24  }
0x14: {  	v6 =	vor.u32 $0x6, v0;
	v7 =	vor.u32 $0x8, v0;
	v8 =	vor.u32 $0xA, v0;
	s22 =	sadd.s32 s9, s19;
	s23 =	sadd.s32 s10, s19;
	[dreg:$0x6] =	wrdreg s15  }
0x15: {  	v9 =	vor.u32 $0xC, v0;
	[tilespmem:$0x1FFE0] =	vst v31;
	v31 =	vimm.s32 $0x0;
	v12 =	vunpack.c.0.s8.s32 v12;
	s25 =	sor.u32 $0x4, s19;
	s21 =	sor.u32 $0x20, s16;
	[dreg:$0xb] =	wrdreg s22  }
0x16: {  	v13 =	vunpack.c.0.s8.s32 v13;
	v14 =	vunpack.c.0.s8.s32 v14;
	v15 =	vunpack.c.0.s8.s32 v15;
	s17 =	simm.s32 $0x3;
	s13 =	simm.s32 $0x2;
	[dreg:$0xc] =	wrdreg s23  }
0x17: {  	v11 =	vunpack.c.0.s8.s32 v11;
	v16 =	vunpack.c.0.s8.s32 v16;
	v17 =	vunpack.c.0.s8.s32 v17;
	s26 =	sadd.s32 s9, s25;
	s28 =	sadd.s32 s10, s25;
	s22 =	sadd.s32 $0x40, s16  }
0x18: {  	v18 =	vunpack.c.0.s8.s32 v10;
	v10 =	vor.u32 $0xE, v0;
	v31 =	vsel vm0, $0xFFFFFFFF, v31;
	s23 =	sadd.s32 $0x60, s16;
	s29 =	sadd.s32 $0x7F000, s2;
	[dreg:$0xe] =	wrdreg s26  }
0x19: {  	v12 =	vcombine.low v13, v12;
	v13 =	vcombine.low v15, v14;
	v11 =	vand.u32 $0xF, v11;
	s0 =	sadd.s32 $0x7A000, s0;
	s30 =	smax.u32 s14, $0x1;
	[dreg:$0xf] =	wrdreg s28  }
0x1a: {  	v14 =	vcombine.low v17, v16;
	v15 =	vimm.s32 $0x0;
	v16 =	vimm.s32 $0x1;
	s2 =	simm.s32 $0x7;
	s15 =	simm.s32 $0x80;
	[dreg:$0x10] =	wrdreg s29  }
0x1b: {  	v17 =	vimm.s32 $0x2;
	v11 =	vcombine.low v11, v18;
	v18 =	vimm.s32 $0x3;
	s16 =	simm.s32 $0x180;
	s14 =	simm.s32 $0x4;
	[dreg:$0x11] =	wrdreg s0  }
0x1c: {  	[tilespmem:$0x1FFF0] =	vst v31;
	v12 =	vand.u32 $0xF, v12;
	v13 =	vand.u32 $0xF, v13;
	v14 =	vand.u32 $0xF, v14;
	[dreg:$0x12] =	wrdreg s30;
	s0 =	simm.s32 $0x20;
	s26 =	simm.s32 $0x5  }
.LBB2_1:
0x1d: {  	[dreg:$0x13] =	wrdreg s4  }
0x1e: {  	s1 =	rddreg [dreg:$0x6]  }
0x1f: {  	s30 =	rddreg [dreg:$0x7];
	s29 =	sshrl.u32 s1, $0x3  }
0x20: {  	[dreg:$0x14] =	wrdreg s29  }
0x21: {  	[spmem:s29], [sflag:s18] =	dma.local [hbm:s30], $0x2780  }
0x22: {  	_ =	swait.ge [sflag:s2], $0x2780  }
0x23: {  	s11 =	rddreg [dreg:$0x9]  }
0x24: {  	[sflag:s2] =	ssyncset.done $0x0;
	s19 =	rddreg [dreg:$0xa];
	s12 =	sshrl.u32 s11, $0x3  }
0x25: {  	[sflag:s2] =	ssyncadd.s32 $0xFFFFD880;
	[dreg:$0x15] =	wrdreg s12  }
0x26: {  	[spmem:s12], [sflag:s18] =	dma.local [hbm:s19], $0x280  }
0x27: {  	_ =	swait.ge [sflag:s2], $0x280  }
0x28: {  	[sflag:s2] =	ssyncset.done $0x0  }
0x29: {  	[sflag:s2] =	ssyncadd.s32 $0xFFFFFD80  }
0x2a: {  	s24 =	simm.s32 $0xA300;
	s20 =	rddreg [dreg:$0x2]  }
0x2b: {  	[tilespmem:s24], [sflag:$0x7] =	stream.linear.gather [hbm4b:s20+s6], $0x400, $0x38;
	[tilespmem:$0x1FB00] =	vst v63  }
0x2c: {  	_ =	swait.ge [sflag:s2], $0x400  }
0x2d: {  	[sflag:s2] =	ssyncset.done $0x0  }
0x2e: {  	[sflag:s2] =	ssyncadd.s32 $0xFFFFFC00  }
0x2f: {  	[bflag:$0x0] =	sbarrier.arrive $0xFFFF  }
0x30: {  	s25 =	rddreg [dreg:$0xb]  }
0x31: {  	[tilespmem:s6], [sflag:$0x1] =	stream.linear.gather [hbm4b:s25+s6], $0x20, $0x38;
	[tilespmem:$0x1FB00] =	vst v63  }
0x32: {  	s30 =	simm.s32 $0x100;
	s29 =	rddreg [dreg:$0xc]  }
0x33: {  	[tilespmem:s30], [sflag:$0x1] =	stream.linear.gather [hbm4b:s29+s6], $0x20, $0x38;
	[tilespmem:$0x1FB00] =	vst v63  }
0x34: {  	_ =	swait.ge [sflag:s31], $0x20  }
0x35: {  	[sflag:s31] =	ssyncset.done $0x0  }
0x36: {  	[sflag:s31] =	ssyncadd.s32 $0xFFFFFFE0  }
0x37: {  	_ =	swait.ge [sflag:s31], $0x20  }
0x38: {  	[sflag:s31] =	ssyncset.done $0x0  }
0x39: {  	[sflag:s31] =	ssyncadd.s32 $0xFFFFFFE0  }
0x3a: {  	s11 =	simm.s32 $0x300;
	s4 =	rddreg [dreg:$0x0]  }
0x3b: {  	[tilespmem:s11], [sflag:$0x3] =	stream.indirect.gather [hbm4b:s4+s0], $0x80, s30, s0, $0xb8;
	[tilespmem:$0x1FB00] =	vst v63  }
0x3c: {  	v31 =	vld [tilespmem:$0x0];
	_ =	sdelay $0x4  }
0x3d: {  	v32 =	vshll.u32 v31, $0x1  }
0x3e: {  	v31 =	vand.u32 $0x7, v31;
	v32 =	vand.u32 $0xFFFFFFF0, v32  }
0x3f: {  	v31 =	vor.u32 v31, v32  }
0x40: {  	v32 =	vperm.xlane v31, v1  }
0x41: {  	v33 =	vld [tilespmem:$0x1FFD0]  }
0x42: {  	v31 =	vperm.xlane v31, v3;
	v32 =	vadd.s32 v2, v32;
	_ =	sdelay $0x1  }
0x43: {  	v31 =	vadd.s32 v2, v31;
	_ =	sdelay $0x1  }
0x44: {  	s12 =	simm.s32 $0x2300;
	vm2 =	vnez.u8 v33  }
0x45: {  	[tilespmem:s12], [sflag:$0x3] =	stream.indirect_vreg.gather [hbm4b:s7+s6], $0x80, v32, vm2, $0xb8;
	[tilespmem:$0x1FB00] =	vst v63  }
0x46: {  	s18 =	simm.s32 $0x2B00  }
0x47: {  	[tilespmem:s18], [sflag:$0x3] =	stream.indirect_vreg.gather [hbm4b:s7+s6], $0x80, v31, vm2, $0xb8;
	[tilespmem:$0x1FB00] =	vst v63  }
0x48: {  	v31 =	vld [tilespmem:$0x10];
	_ =	sdelay $0x4  }
0x49: {  	v63 =	vshll.u32 v31, $0x1  }
0x4a: {  	v31 =	vand.u32 $0x7, v31;
	v32 =	vand.u32 $0xFFFFFFF0, v63  }
0x4b: {  	v31 =	vor.u32 v31, v32  }
0x4c: {  	v32 =	vperm.xlane v31, v1;
	_ =	sdelay $0x1  }
0x4d: {  	v31 =	vperm.xlane v31, v3;
	v32 =	vadd.s32 v2, v32;
	_ =	sdelay $0x1  }
0x4e: {  	v31 =	vadd.s32 v2, v31;
	_ =	sdelay $0x1  }
0x4f: {  	s19 =	simm.s32 $0x3300  }
0x50: {  	[tilespmem:s19], [sflag:$0x3] =	stream.indirect_vreg.gather [hbm4b:s7+s6], $0x80, v32, vm2, $0xb8;
	[tilespmem:$0x1FB00] =	vst v63  }
0x51: {  	s20 =	simm.s32 $0x3B00  }
0x52: {  	[tilespmem:s20], [sflag:$0x3] =	stream.indirect_vreg.gather [hbm4b:s7+s6], $0x80, v31, vm2, $0xb8;
	[tilespmem:$0x1FB00] =	vst v63  }
0x53: {  	s25 =	simm.s32 $0x6300;
	s24 =	rddreg [dreg:$0xd]  }
0x54: {  	[tilespmem:s25], [sflag:$0x3] =	stream.linear.gather [hbm4b:s24+s6], $0x1000, $0x38;
	[tilespmem:$0x1FB00] =	vst v63  }
.Ltmp0:
0x55: {  	_ = 	snop;
	(pc) =	sbr.rel .LBB2_2-.Ltmp0, $4  }
0x56: {  	s29 =	rddreg [dreg:$0xe]  }
0x57: {  	[tilespmem:s15], [sflag:$0x2] =	stream.linear.gather [hbm4b:s29+s6], $0x20, $0x38;
	[tilespmem:$0x1FB00] =	vst v63  }
0x58: {  	s28 =	simm.s32 $0x0;
	s30 =	rddreg [dreg:$0xf]  }
0x59: {  	vm7 =	vmmov vm5;
	[tilespmem:s16], [sflag:$0x2] =	stream.linear.gather [hbm4b:s30+s6], $0x20, $0x38;
	[tilespmem:$0x1FB00] =	vst v63  }
.LBB2_15:
0x5a: {  	_ =	swait.ge [sflag:s31], $0x20  }
0x5b: {  	[sflag:s31] =	ssyncset.done $0x0  }
0x5c: {  	[sflag:s31] =	ssyncadd.s32 $0xFFFFFFE0  }
0x5d: {  	_ =	swait.ge [sflag:s31], $0x20  }
0x5e: {  	[sflag:s31] =	ssyncset.done $0x0  }
0x5f: {  	[sflag:s31] =	ssyncadd.s32 $0xFFFFFFE0  }
0x60: {  	s2 =	simm.s32 $0x100;
	s11 =	simm.s32 $0x300;
	s1 =	rddreg [dreg:$0x0]  }
0x61: {  	[tilespmem:s11], [sflag:$0x3] =	stream.indirect.gather [hbm4b:s1+s0], $0x80, s2, s0, $0xb8;
	[tilespmem:$0x1FB00] =	vst v63  }
0x62: {  	v31 =	vld [tilespmem:$0x0];
	_ =	sdelay $0x4  }
0x63: {  	v32 =	vshll.u32 v31, $0x1  }
0x64: {  	v31 =	vand.u32 $0x7, v31;
	v32 =	vand.u32 $0xFFFFFFF0, v32  }
0x65: {  	v31 =	vor.u32 v31, v32  }
0x66: {  	v32 =	vperm.xlane v31, v1  }
0x67: {  	v33 =	vld [tilespmem:$0x1FFD0]  }
0x68: {  	v31 =	vperm.xlane v31, v3;
	v32 =	vadd.s32 v2, v32;
	_ =	sdelay $0x1  }
0x69: {  	v31 =	vadd.s32 v2, v31;
	_ =	sdelay $0x1  }
0x6a: {  	s19 =	simm.s32 $0x2300;
	vm2 =	vnez.u8 v33  }
0x6b: {  	[tilespmem:s19], [sflag:$0x3] =	stream.indirect_vreg.gather [hbm4b:s7+s6], $0x80, v32, vm2, $0xb8;
	[tilespmem:$0x1FB00] =	vst v63  }
0x6c: {  	s20 =	simm.s32 $0x2B00  }
0x6d: {  	[tilespmem:s20], [sflag:$0x3] =	stream.indirect_vreg.gather [hbm4b:s7+s6], $0x80, v31, vm2, $0xb8;
	[tilespmem:$0x1FB00] =	vst v63  }
0x6e: {  	v31 =	vld [tilespmem:$0x10];
	_ =	sdelay $0x4  }
0x6f: {  	v63 =	vshll.u32 v31, $0x1  }
0x70: {  	v31 =	vand.u32 $0x7, v31;
	v32 =	vand.u32 $0xFFFFFFF0, v63  }
0x71: {  	v31 =	vor.u32 v31, v32  }
0x72: {  	v32 =	vperm.xlane v31, v1;
	_ =	sdelay $0x1  }
0x73: {  	v31 =	vperm.xlane v31, v3;
	v32 =	vadd.s32 v2, v32;
	_ =	sdelay $0x1  }
0x74: {  	v31 =	vadd.s32 v2, v31;
	_ =	sdelay $0x1  }
0x75: {  	s24 =	simm.s32 $0x3300  }
0x76: {  	[tilespmem:s24], [sflag:$0x3] =	stream.indirect_vreg.gather [hbm4b:s7+s6], $0x80, v32, vm2, $0xb8;
	[tilespmem:$0x1FB00] =	vst v63  }
0x77: {  	s25 =	simm.s32 $0x3B00  }
0x78: {  	[tilespmem:s25], [sflag:$0x3] =	stream.indirect_vreg.gather [hbm4b:s7+s6], $0x80, v31, vm2, $0xb8;
	v31 =	vld [tilespmem:$0x1FFF0]  }
0x79: {  	_ = 	snop  }
0x7a: {  	s29 =	sadd.s32 s4, s22;
	vm6 =	vcmask $0xF14  }
0x7b: {  	vm11 =	vcmask $0x1B20;
	vm12 =	vcmask $0x1F24;
	vm13 =	vcmask $0x2328;
	s1 =	sshll.u32 s29, $0x4  }
0x7c: {  	s30 =	simm.s32 $0x6300;
	vm14 =	vcmask $0x272C;
	vm15 =	vcmask $0x2B30;
	vm1 =	vcmask $0x2F34;
	s1 =	sadd.s32 s8, s1  }
0x7d: {  	vm9 =	vcmask $0x3338;
	vm10 =	vcmask $0x373C;
	[tilespmem:s30], [sflag:$0x3] =	stream.linear.gather [hbm4b:s1+s6], $0x1000, $0x38;
	vm0 =	vnez.u8 v31;
	[tilespmem:$0x1FB00] =	vst v63  }
.LBB2_17:
0x7e: {  	s1 =	sadd.s32 s4, s23  }
0x7f: {  	s1 =	sshrl.u32 s1, $0x3  }
0x80: {  	s2 =	sadd.s32 s9, s1  }
0x81: {  	[tilespmem:s15], [sflag:$0x2] =	stream.linear.gather [hbm4b:s2+s6], $0x20, $0x38;
	[tilespmem:$0x1FB00] =	vst v63  }
0x82: {  	s28 =	sadd.s32 $0x1, s28;
	s1 =	sadd.s32 s10, s1  }
0x83: {  	vm7 =	vmmov vm5;
	[tilespmem:s16], [sflag:$0x2] =	stream.linear.gather [hbm4b:s1+s6], $0x20, $0x38;
	[tilespmem:$0x1FB00] =	vst v63  }
.LBB2_2:
0x84: {  	_ =	swait.ge [sflag:s17], $0x1000  }
0x85: {  	[sflag:s17] =	ssyncset.done $0x0  }
0x86: {  	[sflag:s17] =	ssyncadd.s32 $0xFFFFF000  }
0x87: {  	_ =	swait.ge [sflag:s17], $0x2000  }
0x88: {  	[sflag:s17] =	ssyncset.done $0x0  }
0x89: {  	[sflag:s17] =	ssyncadd.s32 $0xFFFFE000  }
0x8a: {  	_ =	swait.ge [sflag:s17], $0x1000  }
0x8b: {  	[sflag:s17] =	ssyncset.done $0x0  }
0x8c: {  	[sflag:s17] =	ssyncadd.s32 $0xFFFFF000  }
0x8d: {  	v31 =	vld [tilespmem:$0x100];
	_ =	sdelay $0x1  }
0x8e: {  	v32 =	vld [tilespmem:$0x100]  }
0x8f: {  	s2 =	simm.s32 $0x0;
	v33 =	vld [tilespmem:$0x110]  }
0x90: {  	v34 =	vor.u32 s2, v0  }
0x91: {  	v31 =	vperm.xlane v31, v34;
	_ =	sdelay $0x1  }
0x92: {  	[tilespmem:$0x200] =	vst v32;
	v31 =	vshll.u32 v31, $0x3  }
0x93: {  	s2 =	simm.s32 $0xA900;
	[tilespmem:$0x210] =	vst v33;
	v31 =	vor.u32 v1, v31  }
0x94: {  	[tilespmem:s2+$0x0] =	vst v31  }
0x95: {  	vm5 =	vmmov vm3;
	s4 =	simm.s32 $0x2;
	s11 =	simm.s32 $0x4;
	v31 =	vld [tilespmem:$0x100]  }
.LBB2_3:
0x96: {  	p0 =	sne.s32 s11, $0xE;
	_ =	sdelay $0x2  }
0x97: {  	v32 =	vor.u32 s4, v0;
	s4 =	smov.u32 s11  }
0x98: {  	v31 =	vperm.xlane v31, v32  }
.Ltmp1:
0x99: {  	(pc) =	sbr.rel @p0 .LBB2_3-.Ltmp1, $4  }
0x9a: {  	v31 =	vshll.u32 v31, $0x3  }
0x9b: {  	s2 =	sadd.s32 $0x10, s2;
	v31 =	vor.u32 v1, v31  }
0x9c: {  	[tilespmem:s2+$0x0] =	vst v31  }
0x9d: {  	s11 =	sadd.s32 $0x2, s11;
	v31 =	vld [tilespmem:$0x100]  }
0x9e: {  	_ =	sdelay $0x2  }
0x9f: {  	v32 =	vor.u32 s4, v0  }
0xa0: {  	v31 =	vperm.xlane v31, v32;
	_ =	sdelay $0x1  }
0xa1: {  	v31 =	vshll.u32 v31, $0x3  }
0xa2: {  	s2 =	sadd.s32 $0x10, s2;
	v31 =	vor.u32 v1, v31  }
0xa3: {  	[tilespmem:s2+$0x0] =	vst v31  }
0xa4: {  	v31 =	vld [tilespmem:$0x110]  }
0xa5: {  	v51 =	vld [tilespmem:$0x110]  }
0xa6: {  	v33 =	vld [tilespmem:$0x110]  }
0xa7: {  	v34 =	vld [tilespmem:$0x110]  }
0xa8: {  	v35 =	vld [tilespmem:$0x110]  }
0xa9: {  	v36 =	vld [tilespmem:$0x110];
	v31 =	vperm.xlane v31, v0  }
0xaa: {  	v37 =	vld [tilespmem:$0x110];
	v32 =	vperm.xlane v51, v4  }
0xab: {  	v38 =	vld [tilespmem:$0x110];
	v33 =	vperm.xlane v33, v5;
	v31 =	vshll.u32 v31, $0x3  }
0xac: {  	v34 =	vperm.xlane v34, v6;
	v32 =	vshll.u32 v32, $0x3;
	v31 =	vor.u32 v1, v31  }
0xad: {  	v53 =	vperm.xlane v35, v7;
	v52 =	vshll.u32 v33, $0x3;
	[tilespmem:$0xA980] =	vst v31;
	v31 =	vor.u32 v1, v32  }
0xae: {  	v55 =	vperm.xlane v36, v8;
	v54 =	vshll.u32 v34, $0x3;
	[tilespmem:$0xA990] =	vst v31;
	v31 =	vor.u32 v1, v52  }
0xaf: {  	v57 =	vperm.xlane v37, v9;
	v56 =	vshll.u32 v53, $0x3;
	[tilespmem:$0xA9A0] =	vst v31;
	v31 =	vor.u32 v1, v54  }
0xb0: {  	v59 =	vperm.xlane v38, v10;
	v58 =	vshll.u32 v55, $0x3;
	[tilespmem:$0xA9B0] =	vst v31;
	v31 =	vor.u32 v1, v56  }
0xb1: {  	v60 =	vshll.u32 v57, $0x3;
	[tilespmem:$0xA9C0] =	vst v31;
	v31 =	vor.u32 v1, v58  }
0xb2: {  	v61 =	vshll.u32 v59, $0x3;
	[tilespmem:$0xA9D0] =	vst v31;
	v31 =	vor.u32 v1, v60  }
0xb3: {  	s2 =	simm.s32 $0x0;
	[tilespmem:$0xA9E0] =	vst v31;
	v31 =	vor.u32 v1, v61  }
0xb4: {  	s11 =	simm.s32 $0x6380;
	s12 =	simm.s32 $0x80;
	s18 =	sand.u32 $0x1800, s2;
	[tilespmem:$0xA9F0] =	vst v31  }
0xb5: {  	s12 =	sand.u32 $0x380, s12;
	s4 =	sor.u32 $0x2300, s18;
	v31 =	vld [tilespmem:s11+$0x70]  }
0xb6: {  	s18 =	sadd.s32 s12, s4;
	v32 =	vld [tilespmem:s11+$0x60]  }
0xb7: {  	s19 =	simm.s32 $0x380;
	v62 =	vld [tilespmem:s18+$0x70]  }
0xb8: {  	v63 =	vld [tilespmem:s19+$0x70]  }
0xb9: {  	v35 =	vld [tilespmem:s11+$0x50]  }
0xba: {  	v60 =	vld [tilespmem:s18+$0x60]  }
0xbb: {  	v61 =	vld [tilespmem:s19+$0x60]  }
0xbc: {  	v38 =	vld [tilespmem:s11+$0x40]  }
0xbd: {  	v39 =	vld [tilespmem:s18+$0x50]  }
0xbe: {  	v40 =	vld [tilespmem:s19+$0x50]  }
0xbf: {  	v41 =	vld [tilespmem:s11+$0x30]  }
0xc0: {  	v42 =	vld [tilespmem:s18+$0x40]  }
0xc1: {  	v43 =	vld [tilespmem:s19+$0x40]  }
0xc2: {  	v44 =	vld [tilespmem:s11+$0x20]  }
0xc3: {  	v45 =	vld [tilespmem:s18+$0x30]  }
0xc4: {  	v46 =	vld [tilespmem:s19+$0x30]  }
0xc5: {  	v47 =	vld [tilespmem:s11+$0x10]  }
0xc6: {  	v48 =	vld [tilespmem:s18+$0x20]  }
0xc7: {  	v49 =	vld [tilespmem:s19+$0x20]  }
0xc8: {  	v50 =	vld [tilespmem:s11+$0x0]  }
0xc9: {  	v51 =	vld [tilespmem:s18+$0x10]  }
0xca: {  	v52 =	vld [tilespmem:s19+$0x10]  }
0xcb: {  	v53 =	vld [tilespmem:s11+$0xFFFFFFF0]  }
0xcc: {  	v54 =	vld [tilespmem:s18+$0x0]  }
0xcd: {  	v55 =	vld [tilespmem:s19+$0x0]  }
0xce: {  	v56 =	vld [tilespmem:s11+$0xFFFFFFE0]  }
0xcf: {  	s20 =	sand.u32 $0x300, s2;
	v57 =	vld [tilespmem:s19+$0xFFFFFFF0]  }
0xd0: {  	s18 =	sadd.s32 s20, s4;
	v58 =	vld [tilespmem:s11+$0xFFFFFFD0]  }
0xd1: {  	v34 =	vld [tilespmem:s18+$0x70]  }
0xd2: {  	v37 =	vld [tilespmem:s18+$0x60];
	v36 =	vadd.f32 v60, v61  }
0xd3: {  	v33 =	vadd.f32 v62, v63;
	v62 =	vadd.f32 v39, v40;
	v39 =	vld [tilespmem:s19+$0xFFFFFFE0]  }
0xd4: {  	v59 =	vadd.f32 v42, v43;
	v42 =	vld [tilespmem:s11+$0xFFFFFFC0];
	v32 =	vadd.f32 v32, v36  }
0xd5: {  	v60 =	vadd.f32 v45, v46;
	v61 =	vimm.s32 $0x0;
	v45 =	vld [tilespmem:s19+$0xFFFFFFD0];
	v51 =	vadd.f32 v51, v52  }
0xd6: {  	v31 =	vadd.f32 v31, v33;
	v33 =	vadd.f32 v35, v62;
	v36 =	vld [tilespmem:s18+$0x50];
	vm3 =	vge.f32 v32, $0.0e+00  }
0xd7: {  	v38 =	vadd.f32 v38, v59;
	v59 =	vadd.f32 v48, v49;
	v48 =	vld [tilespmem:s19+$0xFFFFFFC0];
	v43 =	vsel vm3, $0xFFFFFFFF, v61  }
0xd8: {  	v35 =	vadd.f32 v41, v60;
	v47 =	vadd.f32 v47, v51;
	v63 =	vmul.f32 $9.999999770e-03, v31;
	[tilespmem:$0x1FFB0] =	vst v43;
	v43 =	vld [tilespmem:s18+$0x40]  }
0xd9: {  	vm2 =	vge.f32 v31, $0.0e+00;
	v62 =	vmul.f32 $9.999999770e-03, v33;
	v44 =	vadd.f32 v44, v59;
	v60 =	vld [tilespmem:$0x1FFB0]  }
0xda: {  	v52 =	vld [tilespmem:s11+$0xFFFFFFA0];
	v51 =	vmul.f32 $9.999999770e-03, v47;
	v31 =	vsel vm2, v31, v63;
	vm2 =	vge.f32 v33, $0.0e+00  }
0xdb: {  	v41 =	vld [tilespmem:s11+$0xFFFFFFB0];
	vm3 =	vge.f32 v38, $0.0e+00;
	v40 =	vsel vm2, v33, v62;
	v62 =	vmul.f32 $9.999999770e-03, v38  }
0xdc: {  	v49 =	vld [tilespmem:s19+$0xFFFFFFB0];
	v61 =	vmul.f32 $9.999999770e-03, v35;
	v37 =	vadd.f32 v37, v39;
	v63 =	vmul.f32 $9.999999770e-03, v32  }
0xdd: {  	v59 =	vmul.f32 $9.999999770e-03, v44;
	v36 =	vadd.f32 v36, v45;
	v46 =	vsel vm3, v38, v62;
	v38 =	vld [tilespmem:s18+$0x30]  }
0xde: {  	v62 =	vld [tilespmem:s18+$0x20];
	vm3 =	vge.f32 v47, $0.0e+00;
	v43 =	vadd.f32 v43, v48;
	vm2 =	vnez.u8 v60  }
0xdf: {  	v32 =	vsel vm2, v32, v63;
	v63 =	vadd.f32 v54, v55;
	vm2 =	vge.f32 v35, $0.0e+00;
	v54 =	vld [tilespmem:$0xA600]  }
0xe0: {  	v36 =	vadd.f32 v58, v36;
	v42 =	vadd.f32 v42, v43;
	v55 =	vld [tilespmem:$0xA380];
	v33 =	vsel vm2, v35, v61  }
0xe1: {  	vm2 =	vge.f32 v44, $0.0e+00;
	v61 =	vadd.f32 v34, v57;
	v57 =	vld [tilespmem:s19+$0xFFFFFFA0];
	v35 =	vsel vm3, v47, v51  }
0xe2: {  	v47 =	vld [tilespmem:s18+$0x0];
	v38 =	vadd.f32 v38, v49;
	v60 =	vadd.f32 v50, v63;
	v34 =	vsel vm2, v44, v59  }
0xe3: {  	v49 =	vld [tilespmem:$0xA500];
	v63 =	vadd.f32 v56, v37;
	v39 =	vadd.f32 v53, v61;
	v61 =	vmul.f32 $9.999999770e-03, v42  }
0xe4: {  	v56 =	vld [tilespmem:s19+$0xFFFFFF80];
	v38 =	vadd.f32 v41, v38;
	v50 =	vmul.f32 $9.999999770e-03, v60;
	vm2 =	vge.f32 v60, $0.0e+00  }
0xe5: {  	v53 =	vld [tilespmem:$0xA680];
	v59 =	vmul.f32 $9.999999770e-03, v63;
	vm3 =	vge.f32 v39, $0.0e+00;
	v32 =	vmul.f32 v32, v54  }
0xe6: {  	v35 =	vmul.f32 v35, v55;
	v37 =	vsel vm2, v60, v50;
	v60 =	vmul.f32 $9.999999770e-03, v39  }
0xe7: {  	v41 =	vld [tilespmem:$0xA580];
	vm2 =	vge.f32 v63, $0.0e+00;
	v44 =	vadd.f32 v62, v57;
	v62 =	vmul.f32 $9.999999770e-03, v36  }
0xe8: {  	v46 =	vmul.f32 v46, v49;
	v43 =	vsel vm2, v63, v59;
	vm2 =	vge.f32 v42, $0.0e+00  }
0xe9: {  	v51 =	vld [tilespmem:s19+$0xFFFFFF90];
	v59 =	vmul.f32 $9.999999770e-03, v38;
	v47 =	vadd.f32 v47, v56;
	v39 =	vsel vm3, v39, v60  }
0xea: {  	v50 =	vld [tilespmem:s18+$0x10];
	vm3 =	vge.f32 v36, $0.0e+00;
	v44 =	vadd.f32 v52, v44;
	v31 =	vmul.f32 v31, v53  }
0xeb: {  	v42 =	vsel vm2, v42, v61;
	v61 =	vmul.f32 v43, v54;
	v54 =	vperm.xlane v32, v11  }
0xec: {  	v45 =	vld [tilespmem:s11+$0xFFFFFF90];
	vm2 =	vge.f32 v38, $0.0e+00;
	v40 =	vmul.f32 v40, v41;
	v39 =	vmul.f32 v39, v53  }
0xed: {  	v60 =	vld [tilespmem:s11+$0xFFFFFF80];
	v36 =	vsel vm3, v36, v62;
	v48 =	vsel vm2, v38, v59;
	v42 =	vmul.f32 v42, v49  }
0xee: {  	v36 =	vmul.f32 v36, v41;
	v56 =	vperm.xlane v61, v11;
	v32 =	vadd.f32 v32, v54  }
0xef: {  	vm2 =	vge.f32 v44, $0.0e+00;
	v63 =	vperm.xlane v39, v11;
	v50 =	vadd.f32 v50, v51  }
0xf0: {  	v51 =	vmul.f32 $9.999999770e-03, v44;
	v57 =	vperm.xlane v36, v11;
	v38 =	vadd.f32 v61, v56  }
0xf1: {  	v54 =	vperm.xlane v32, v12;
	v39 =	vadd.f32 v39, v63;
	v45 =	vadd.f32 v45, v50  }
0xf2: {  	v63 =	vperm.xlane v31, v11;
	v47 =	vadd.f32 v60, v47;
	v36 =	vadd.f32 v36, v57  }
0xf3: {  	v59 =	vperm.xlane v38, v12;
	v57 =	vimm.s32 $0x0;
	v62 =	vperm.xlane v39, v12  }
0xf4: {  	v43 =	vmul.f32 $9.999999770e-03, v45;
	v31 =	vadd.f32 v31, v63;
	v52 =	vmul.f32 $9.999999770e-03, v47  }
0xf5: {  	v63 =	vperm.xlane v40, v11;
	v53 =	vsel vm2, $0xFFFFFFFF, v57;
	vm2 =	vge.f32 v47, $0.0e+00  }
0xf6: {  	v60 =	vperm.xlane v36, v12;
	v38 =	vadd.f32 v38, v59;
	v39 =	vadd.f32 v39, v62  }
0xf7: {  	[tilespmem:$0x1FFC0] =	vst v53;
	v59 =	vadd.f32 v32, v54;
	v53 =	vld [tilespmem:$0xA480];
	v50 =	vperm.xlane v31, v12;
	v47 =	vsel vm2, v47, v52  }
0xf8: {  	vm2 =	vge.f32 v45, $0.0e+00;
	v36 =	vadd.f32 v36, v60;
	v58 =	vperm.xlane v39, v13  }
0xf9: {  	v52 =	vld [tilespmem:$0xA400];
	v62 =	vperm.xlane v38, v13;
	v43 =	vsel vm2, v45, v43;
	v31 =	vadd.f32 v31, v50  }
0xfa: {  	v54 =	vperm.xlane v59, v13;
	v50 =	vld [tilespmem:$0xA300];
	v43 =	vmul.f32 v43, v55;
	v39 =	vadd.f32 v39, v58  }
0xfb: {  	v38 =	vadd.f32 v38, v62;
	v41 =	vperm.xlane v31, v13;
	v58 =	vperm.xlane v36, v13  }
0xfc: {  	v40 =	vadd.f32 v40, v63;
	v57 =	vmul.f32 v48, v53;
	v61 =	vperm.xlane v39, v14  }
0xfd: {  	v33 =	vmul.f32 v33, v53;
	v60 =	vperm.xlane v38, v14;
	v36 =	vadd.f32 v36, v58  }
0xfe: {  	v34 =	vmul.f32 v34, v52;
	v31 =	vadd.f32 v31, v41;
	v39 =	vadd.f32 v39, v61  }
0xff: {  	v38 =	vadd.f32 v38, v60;
	v37 =	vmul.f32 v37, v50;
	v61 =	vperm.xlane v40, v12  }
0x100: {  	v62 =	vperm.xlane v36, v14;
	v32 =	vperm.xlane v31, v14;
	v39 =	vmin.f32 v39, $6.000000000e+01  }
0x101: {  	v38 =	vmin.f32 v38, $6.000000000e+01;
	v40 =	vadd.f32 v40, v61;
	v39 =	vmul.f32 $1.442695020e+00, v39  }
0x102: {  	v41 =	vadd.f32 v36, v62;
	v60 =	vmul.f32 $1.442695020e+00, v38;
	v61 =	vperm.xlane v42, v11  }
0x103: {  	v36 =	vadd.f32 v59, v54;
	v62 =	vmul.f32 v47, v50;
	(erf) = vpow2.f32 v39  }
0x104: {  	v63 =	vperm.xlane v40, v13;
	v41 =	vmin.f32 v41, $6.000000000e+01;
	(erf) = vpow2.f32 v60;
	v60 =	vld [tilespmem:$0x1FFC0]  }
0x105: {  	v38 =	vperm.xlane v36, v14;
	v42 =	vadd.f32 v42, v61;
	v59 =	vperm.xlane v62, v11  }
0x106: {  	v61 =	vperm.xlane v57, v11;
	v41 =	vmul.f32 $1.442695020e+00, v41  }
0x107: {  	v39 =	vadd.f32 v40, v63;
	v63 =	vperm.xlane v46, v11;
	v58 =	vperm.xlane v42, v12  }
0x108: {  	v45 =	vadd.f32 v57, v61;
	(erf) = vpow2.f32 v41;
	v41 =	vadd.f32 v62, v59  }
0x109: {  	v62 =	vperm.xlane v43, v11;
	v42 =	vadd.f32 v42, v58;
	vm2 =	vnez.u8 v60  }
0x10a: {  	v46 =	vadd.f32 v46, v63;
	v58 =	vperm.xlane v45, v12;
	v44 =	vsel vm2, v44, v51  }
0x10b: {  	v56 =	vperm.xlane v41, v12;
	v44 =	vmul.f32 v44, v52  }
0x10c: {  	v43 =	vadd.f32 v43, v62;
	v54 =	vperm.xlane v42, v13;
	v57 =	vperm.xlane v46, v12  }
0x10d: {  	v45 =	vadd.f32 v45, v58;
	v41 =	vadd.f32 v41, v56;
	v63 =	vperm.xlane v44, v11  }
0x10e: {  	v59 =	vperm.xlane v43, v12;
	v42 =	vadd.f32 v42, v54;
	v46 =	vadd.f32 v46, v57  }
0x10f: {  	v62 =	vperm.xlane v45, v13;
	v57 =	vperm.xlane v33, v11;
	v44 =	vadd.f32 v44, v63  }
0x110: {  	v51 =	vperm.xlane v41, v13;
	v61 =	vperm.xlane v42, v14  }
0x111: {  	v43 =	vadd.f32 v43, v59;
	v49 =	vperm.xlane v46, v13;
	v60 =	vperm.xlane v44, v12  }
0x112: {  	v45 =	vadd.f32 v45, v62;
	v62 =	vperm.xlane v34, v11;
	v41 =	vadd.f32 v41, v51  }
0x113: {  	v33 =	vadd.f32 v33, v57;
	v63 =	vperm.xlane v43, v13;
	v44 =	vadd.f32 v44, v60  }
0x114: {  	v42 =	vadd.f32 v42, v61;
	v58 =	vperm.xlane v45, v14;
	v56 =	vperm.xlane v41, v14  }
0x115: {  	v61 =	vperm.xlane v37, v11;
	v43 =	vadd.f32 v43, v63;
	v54 =	vperm.xlane v44, v13  }
0x116: {  	v34 =	vadd.f32 v34, v62;
	v42 =	vmin.f32 v42, $6.000000000e+01;
	v41 =	vadd.f32 v41, v56  }
0x117: {  	v63 =	vperm.xlane v35, v11;
	v59 =	vperm.xlane v43, v14;
	v44 =	vadd.f32 v44, v54  }
0x118: {  	v37 =	vadd.f32 v37, v61;
	v56 =	vperm.xlane v34, v12;
	v57 =	vmul.f32 $1.442695020e+00, v42  }
0x119: {  	v41 =	vmin.f32 v41, $6.000000000e+01;
	v43 =	vadd.f32 v43, v59;
	v60 =	vperm.xlane v44, v14  }
0x11a: {  	v53 =	vperm.xlane v37, v12;
	v41 =	vmul.f32 $1.442695020e+00, v41  }
0x11b: {  	v35 =	vadd.f32 v35, v63;
	v43 =	vmin.f32 v43, $6.000000000e+01;
	v44 =	vadd.f32 v44, v60  }
0x11c: {  	v45 =	vadd.f32 v45, v58;
	(erf) = vpow2.f32 v41;
	v43 =	vmul.f32 $1.442695020e+00, v43  }
0x11d: {  	v37 =	vadd.f32 v37, v53;
	v55 =	vperm.xlane v35, v12;
	v52 =	vmin.f32 v44, $6.000000000e+01  }
0x11e: {  	v46 =	vadd.f32 v46, v49;
	(erf) = vpow2.f32 v43;
	v41 =	vmul.f32 $1.442695020e+00, v52  }
0x11f: {  	v45 =	vmin.f32 v45, $6.000000000e+01;
	v34 =	vadd.f32 v34, v56;
	v58 =	vperm.xlane v37, v13  }
0x120: {  	v54 =	vmul.f32 $1.442695020e+00, v45;
	v35 =	vadd.f32 v35, v55;
	(erf) = vpow2.f32 v41  }
0x121: {  	v59 =	vperm.xlane v33, v12;
	v61 =	vperm.xlane v34, v13;
	v37 =	vadd.f32 v37, v58  }
0x122: {  	vm3 =	vmmov vm5;
	v60 =	vperm.xlane v35, v13;
	v44 =	vpop (erf);
	(erf) = vpow2.f32 v54  }
0x123: {  	v63 =	vperm.xlane v46, v14;
	v33 =	vadd.f32 v33, v59;
	v62 =	vperm.xlane v37, v14;
	v43 =	vpop (erf)  }
0x124: {  	v34 =	vadd.f32 v34, v61;
	v35 =	vadd.f32 v35, v60;
	v47 =	vpop (erf);
	(erf) = vpow2.f32 v57  }
0x125: {  	v40 =	vperm.xlane v39, v14;
	v61 =	vadd.f32 v46, v63;
	v37 =	vadd.f32 v37, v62;
	v51 =	vpop (erf)  }
0x126: {  	v52 =	vperm.xlane v33, v13;
	v53 =	vperm.xlane v35, v14;
	v45 =	vnsel vm0, $0x0, v51  }
0x127: {  	v55 =	vperm.xlane v34, v14;
	v37 =	vmin.f32 v37, $6.000000000e+01;
	v54 =	vpop (erf);
	v45 =	vadd.f32 $0.0e+00, v45  }
0x128: {  	v33 =	vadd.f32 v33, v52;
	v35 =	vadd.f32 v35, v53;
	v49 =	vsel vm4, $0x0, v54  }
0x129: {  	v34 =	vadd.f32 v34, v55;
	v37 =	vmul.f32 $1.442695020e+00, v37;
	v45 =	vadd.f32 v49, v45;
	v56 =	vpop (erf)  }
0x12a: {  	v48 =	vperm.xlane v33, v14;
	v35 =	vmin.f32 v35, $6.000000000e+01;
	v41 =	vsel vm5, $0x0, v56  }
0x12b: {  	v34 =	vmin.f32 v34, $6.000000000e+01;
	v35 =	vmul.f32 $1.442695020e+00, v35;
	v57 =	vpop (erf);
	v41 =	vadd.f32 v41, v45  }
0x12c: {  	v33 =	vadd.f32 v33, v48;
	(erf) = vpow2.f32 v37;
	v45 =	vsel vm7, $0x0, v57  }
0x12d: {  	v42 =	vmin.f32 v61, $6.000000000e+01;
	v34 =	vmul.f32 $1.442695020e+00, v34;
	v59 =	vpop (erf);
	v58 =	vadd.f32 v45, v41  }
0x12e: {  	v33 =	vmin.f32 v33, $6.000000000e+01;
	(erf) = vpow2.f32 v35;
	v41 =	vsel vm6, $0x0, v59  }
0x12f: {  	v62 =	vsel vm8, $0x0, v47;
	v33 =	vmul.f32 $1.442695020e+00, v33;
	v60 =	vadd.f32 v41, v58  }
0x130: {  	vm5 =	vmmov vm7;
	vm7 =	vmmov vm8;
	(erf) = vpow2.f32 v34  }
0x131: {  	vm8 =	vcmask $0x171C;
	v45 =	vadd.f32 v39, v40;
	v63 =	vadd.f32 v62, v60  }
0x132: {  	v35 =	vmul.f32 $1.442695020e+00, v42;
	v46 =	vsel vm8, $0x0, v43;
	(erf) = vpow2.f32 v33  }
0x133: {  	v36 =	vadd.f32 v36, v38;
	v48 =	vmin.f32 v45, $6.000000000e+01;
	v47 =	vadd.f32 v46, v63  }
0x134: {  	v49 =	vsel vm11, $0x0, v44;
	(erf) = vpow2.f32 v35;
	v34 =	vmul.f32 $1.442695020e+00, v48  }
0x135: {  	v31 =	vadd.f32 v31, v32;
	v50 =	vmin.f32 v36, $6.000000000e+01;
	v51 =	vpop (erf);
	v33 =	vadd.f32 v49, v47  }
0x136: {  	v35 =	vmul.f32 $1.442695020e+00, v50;
	(erf) = vpow2.f32 v34;
	v32 =	vsel vm12, $0x0, v51  }
0x137: {  	v31 =	vmin.f32 v31, $6.000000000e+01;
	v52 =	vpop (erf);
	v32 =	vadd.f32 v32, v33  }
0x138: {  	v31 =	vmul.f32 $1.442695020e+00, v31;
	(erf) = vpow2.f32 v35;
	v33 =	vsel vm13, $0x0, v52  }
0x139: {  	v53 =	vpop (erf);
	v32 =	vadd.f32 v33, v32  }
0x13a: {  	(erf) = vpow2.f32 v31;
	v33 =	vsel vm14, $0x0, v53  }
0x13b: {  	v54 =	vpop (erf);
	v31 =	vadd.f32 v33, v32  }
0x13c: {  	v32 =	vsel vm15, $0x0, v54  }
0x13d: {  	v55 =	vpop (erf);
	v31 =	vadd.f32 v32, v31  }
0x13e: {  	v59 =	vld [tilespmem:$0x1FFE0];
	v32 =	vsel vm1, $0x0, v55  }
0x13f: {  	v56 =	vpop (erf);
	v31 =	vadd.f32 v32, v31  }
0x140: {  	v32 =	vsel vm9, $0x0, v56  }
0x141: {  	v57 =	vpop (erf);
	v31 =	vadd.f32 v32, v31  }
0x142: {  	v32 =	vsel vm10, $0x0, v57  }
0x143: {  	vm2 =	vnez.u8 v59;
	v58 =	vpop (erf);
	v31 =	vadd.f32 v32, v31  }
0x144: {  	v32 =	vsel vm2, $0x0, v58  }
0x145: {  	v31 =	vadd.f32 v32, v31  }
0x146: {  	s30 =	simm.s32 $0x200;
	s11 =	simm.s32 $0xA700  }
0x147: {  	s24 =	sand.u32 $0x1800, s30;
	s19 =	simm.s32 $0x180;
	s18 =	simm.s32 $0x6480;
	[tilespmem:s11+$0x0] =	vst v31  }
0x148: {  	s12 =	sor.u32 $0x2300, s24;
	s19 =	sand.u32 $0x380, s19;
	v31 =	vld [tilespmem:s18+$0x70]  }
0x149: {  	s20 =	sadd.s32 s19, s12;
	v32 =	vld [tilespmem:s18+$0x60]  }
0x14a: {  	s19 =	simm.s32 $0x480;
	v33 =	vld [tilespmem:s20+$0x70]  }
0x14b: {  	v34 =	vld [tilespmem:s19+$0x70]  }
0x14c: {  	v35 =	vld [tilespmem:s18+$0x50]  }
0x14d: {  	v36 =	vld [tilespmem:s20+$0x60]  }
0x14e: {  	v37 =	vld [tilespmem:s19+$0x60]  }
0x14f: {  	v38 =	vld [tilespmem:s18+$0x40]  }
0x150: {  	v39 =	vld [tilespmem:s20+$0x50]  }
0x151: {  	v40 =	vld [tilespmem:s19+$0x50]  }
0x152: {  	v41 =	vld [tilespmem:s18+$0x30]  }
0x153: {  	v42 =	vld [tilespmem:s20+$0x40]  }
0x154: {  	v60 =	vld [tilespmem:s19+$0x40]  }
0x155: {  	v44 =	vld [tilespmem:s18+$0x20]  }
0x156: {  	v61 =	vld [tilespmem:s20+$0x30]  }
0x157: {  	v62 =	vld [tilespmem:s19+$0x30]  }
0x158: {  	v47 =	vld [tilespmem:s18+$0x10]  }
0x159: {  	v48 =	vld [tilespmem:s20+$0x20]  }
0x15a: {  	v63 =	vld [tilespmem:s19+$0x20]  }
0x15b: {  	v51 =	vld [tilespmem:s20+$0x10]  }
0x15c: {  	s29 =	simm.s32 $0x100;
	v52 =	vld [tilespmem:s19+$0x10]  }
0x15d: {  	s25 =	sand.u32 $0x300, s29;
	v54 =	vld [tilespmem:s20+$0x0]  }
0x15e: {  	s12 =	sadd.s32 s25, s12;
	v55 =	vld [tilespmem:s19+$0x0]  }
0x15f: {  	v45 =	vld [tilespmem:s12+$0x50]  }
0x160: {  	v46 =	vld [tilespmem:s19+$0xFFFFFFD0]  }
0x161: {  	v50 =	vld [tilespmem:s18+$0x0];
	v33 =	vadd.f32 v33, v34  }
0x162: {  	v53 =	vld [tilespmem:s18+$0xFFFFFFF0];
	v36 =	vadd.f32 v36, v37;
	v58 =	vadd.f32 v39, v40  }
0x163: {  	v57 =	vld [tilespmem:s19+$0xFFFFFFF0];
	v42 =	vadd.f32 v42, v60;
	v60 =	vadd.f32 v61, v62  }
0x164: {  	v34 =	vld [tilespmem:s12+$0x70];
	v48 =	vadd.f32 v48, v63;
	v54 =	vadd.f32 v54, v55  }
0x165: {  	v39 =	vld [tilespmem:s12+$0x60];
	v51 =	vadd.f32 v51, v52;
	v45 =	vadd.f32 v45, v46  }
0x166: {  	v40 =	vld [tilespmem:s19+$0xFFFFFFE0];
	v31 =	vadd.f32 v31, v33;
	v32 =	vadd.f32 v32, v36  }
0x167: {  	v37 =	vld [tilespmem:s18+$0xFFFFFFD0];
	v33 =	vadd.f32 v35, v58;
	v35 =	vadd.f32 v41, v60  }
0x168: {  	v56 =	vld [tilespmem:s18+$0xFFFFFFE0];
	v63 =	vadd.f32 v44, v48;
	v50 =	vadd.f32 v50, v54  }
0x169: {  	v55 =	vld [tilespmem:$0xA680];
	v47 =	vadd.f32 v47, v51;
	v59 =	vmul.f32 $9.999999770e-03, v31;
	vm2 =	vge.f32 v31, $0.0e+00  }
0x16a: {  	v44 =	vld [tilespmem:s12+$0x30];
	vm1 =	vge.f32 v32, $0.0e+00;
	v61 =	vmul.f32 $9.999999770e-03, v33;
	v62 =	vmul.f32 $9.999999770e-03, v32  }
0x16b: {  	v51 =	vld [tilespmem:s19+$0xFFFFFFB0];
	v58 =	vmul.f32 $9.999999770e-03, v35;
	v60 =	vmul.f32 $9.999999770e-03, v63;
	v39 =	vadd.f32 v39, v40  }
0x16c: {  	v34 =	vadd.f32 v34, v57;
	v37 =	vadd.f32 v37, v45;
	v36 =	vsel vm2, v31, v59  }
0x16d: {  	v31 =	vadd.f32 v38, v42;
	vm2 =	vge.f32 v33, $0.0e+00;
	v42 =	vsel vm1, v32, v62  }
0x16e: {  	v54 =	vld [tilespmem:$0xA580];
	vm1 =	vge.f32 v47, $0.0e+00;
	v62 =	vmul.f32 $9.999999770e-03, v47;
	v49 =	vsel vm2, v33, v61  }
0x16f: {  	v41 =	vld [tilespmem:s18+$0xFFFFFFB0];
	vm2 =	vge.f32 v35, $0.0e+00;
	v61 =	vmul.f32 $9.999999770e-03, v50;
	v39 =	vadd.f32 v56, v39  }
0x170: {  	v48 =	vld [tilespmem:s19+$0xFFFFFFC0];
	v53 =	vadd.f32 v53, v34;
	v44 =	vadd.f32 v44, v51;
	v36 =	vmul.f32 v36, v55  }
0x171: {  	v38 =	vld [tilespmem:s12+$0x40];
	vm11 =	vge.f32 v31, $0.0e+00;
	v59 =	vmul.f32 $9.999999770e-03, v31;
	v32 =	vsel vm2, v35, v58  }
0x172: {  	vm2 =	vge.f32 v63, $0.0e+00;
	v33 =	vsel vm1, v47, v62;
	v62 =	vmul.f32 $9.999999770e-03, v37  }
0x173: {  	v43 =	vld [tilespmem:s18+$0xFFFFFFC0];
	v49 =	vmul.f32 v49, v54;
	v58 =	vmul.f32 $9.999999770e-03, v39;
	vm1 =	vge.f32 v53, $0.0e+00  }
0x174: {  	v40 =	vld [tilespmem:s12+$0x20];
	v44 =	vadd.f32 v41, v44;
	v57 =	vperm.xlane v36, v11;
	v35 =	vsel vm11, v31, v59  }
0x175: {  	v31 =	vsel vm2, v63, v60;
	vm2 =	vge.f32 v50, $0.0e+00;
	v63 =	vld [tilespmem:s19+$0xFFFFFFA0];
	v59 =	vmul.f32 $9.999999770e-03, v53  }
0x176: {  	vm11 =	vmmov vm9;
	vm9 =	vmmov vm7;
	v38 =	vadd.f32 v38, v48  }
0x177: {  	v45 =	vld [tilespmem:s19+$0xFFFFFF90];
	vm7 =	vmmov vm5;
	v34 =	vsel vm2, v50, v61;
	v60 =	vsel vm1, v53, v59  }
0x178: {  	v50 =	vld [tilespmem:s12+$0x10];
	vm2 =	vge.f32 v39, $0.0e+00;
	v38 =	vadd.f32 v43, v38;
	v43 =	vmul.f32 v60, v55  }
0x179: {  	v36 =	vadd.f32 v36, v57;
	v39 =	vsel vm2, v39, v58;
	vm1 =	vge.f32 v37, $0.0e+00;
	v53 =	vld [tilespmem:$0xA600]  }
0x17a: {  	v52 =	vld [tilespmem:s18+$0xFFFFFFA0];
	v37 =	vsel vm1, v37, v62;
	v48 =	vadd.f32 v40, v63;
	v63 =	vperm.xlane v43, v11  }
0x17b: {  	v47 =	vld [tilespmem:s12+$0x0];
	vm1 =	vmmov vm8;
	vm8 =	vmmov vm6;
	v37 =	vmul.f32 v37, v54  }
0x17c: {  	v60 =	vld [tilespmem:s19+$0xFFFFFF80];
	vm6 =	vmmov vm3;
	v61 =	vmul.f32 $9.999999770e-03, v38;
	v62 =	vadd.f32 v43, v63  }
0x17d: {  	vm2 =	vge.f32 v38, $0.0e+00;
	v45 =	vadd.f32 v50, v45;
	v59 =	vperm.xlane v37, v11  }
0x17e: {  	v46 =	vld [tilespmem:s18+$0xFFFFFF90];
	v40 =	vsel vm2, v38, v61;
	v39 =	vmul.f32 v39, v53;
	v55 =	vperm.xlane v62, v12  }
0x17f: {  	v38 =	vadd.f32 v52, v48;
	vm2 =	vge.f32 v44, $0.0e+00;
	v61 =	vmul.f32 $9.999999770e-03, v44;
	v63 =	vld [tilespmem:s18+$0xFFFFFF80]  }
0x180: {  	v37 =	vadd.f32 v37, v59;
	v58 =	vperm.xlane v39, v11;
	v48 =	vadd.f32 v62, v55  }
0x181: {  	v47 =	vadd.f32 v47, v60;
	v41 =	vmul.f32 $9.999999770e-03, v38;
	v43 =	vsel vm2, v44, v61  }
0x182: {  	v50 =	vperm.xlane v37, v12;
	v60 =	vadd.f32 v39, v58;
	v61 =	vperm.xlane v48, v13  }
0x183: {  	v44 =	vadd.f32 v46, v45;
	v39 =	vmul.f32 v42, v53;
	v62 =	vperm.xlane v36, v12  }
0x184: {  	v46 =	vadd.f32 v63, v47;
	v63 =	vperm.xlane v60, v12;
	v48 =	vadd.f32 v48, v61  }
0x185: {  	v45 =	vmul.f32 $9.999999770e-03, v44;
	v51 =	vperm.xlane v39, v11;
	v36 =	vadd.f32 v36, v62  }
0x186: {  	s20 =	simm.s32 $0x200;
	s12 =	simm.s32 $0xA700;
	v47 =	vmul.f32 $9.999999770e-03, v46;
	v42 =	vadd.f32 v60, v63;
	v52 =	vperm.xlane v48, v14  }
.LBB2_5:
0x187: {  	vm2 =	vge.f32 v38, $0.0e+00;
	vm3 =	vge.f32 v46, $0.0e+00  }
0x188: {  	v37 =	vadd.f32 v37, v50;
	v39 =	vadd.f32 v39, v51;
	v63 =	vperm.xlane v36, v13  }
0x189: {  	v55 =	vld [tilespmem:$0xA380];
	v57 =	vperm.xlane v42, v13;
	v48 =	vadd.f32 v48, v52;
	v58 =	vperm.xlane v49, v11  }
0x18a: {  	v46 =	vsel vm3, v46, v47;
	vm3 =	vge.f32 v44, $0.0e+00;
	v53 =	vperm.xlane v37, v13  }
0x18b: {  	v51 =	vld [tilespmem:$0xA500];
	v42 =	vadd.f32 v42, v57;
	v48 =	vmin.f32 v48, $6.000000000e+01;
	v49 =	vadd.f32 v49, v58  }
0x18c: {  	v47 =	vld [tilespmem:$0xA400];
	v54 =	vperm.xlane v39, v12;
	v36 =	vadd.f32 v36, v63;
	v48 =	vmul.f32 $1.442695020e+00, v48  }
0x18d: {  	v44 =	vsel vm3, v44, v45;
	v60 =	vperm.xlane v42, v14;
	v61 =	vperm.xlane v49, v12  }
0x18e: {  	v59 =	vadd.f32 v37, v53;
	v37 =	vperm.xlane v36, v14;
	v44 =	vmul.f32 v44, v55  }
0x18f: {  	v39 =	vadd.f32 v39, v54;
	v53 =	vld [tilespmem:$0xA480];
	v33 =	vmul.f32 v33, v55;
	(erf) = vpow2.f32 v48  }
0x190: {  	v63 =	vmul.f32 v40, v51;
	v62 =	vperm.xlane v59, v14;
	v42 =	vadd.f32 v42, v60  }
0x191: {  	v48 =	vld [tilespmem:$0xA300];
	v31 =	vmul.f32 v31, v47;
	v54 =	vperm.xlane v39, v13;
	v49 =	vadd.f32 v49, v61  }
0x192: {  	v56 =	vperm.xlane v63, v11;
	v50 =	vadd.f32 v59, v62;
	v60 =	vmin.f32 v42, $6.000000000e+01  }
0x193: {  	v39 =	vadd.f32 v39, v54;
	v61 =	vperm.xlane v49, v13;
	v62 =	vmul.f32 $1.442695020e+00, v60  }
0x194: {  	v43 =	vmul.f32 v43, v53;
	v32 =	vmul.f32 v32, v53;
	v50 =	vmin.f32 v50, $6.000000000e+01  }
0x195: {  	v40 =	vperm.xlane v39, v14;
	v42 =	vadd.f32 v49, v61;
	v49 =	vmul.f32 v35, v51  }
0x196: {  	v51 =	vadd.f32 v63, v56;
	v46 =	vmul.f32 v46, v48;
	v34 =	vmul.f32 v34, v48  }
0x197: {  	v61 =	vsel vm2, v38, v41;
	v50 =	vmul.f32 $1.442695020e+00, v50;
	(erf) = vpow2.f32 v62  }
0x198: {  	v41 =	vmul.f32 v61, v47;
	v62 =	vperm.xlane v43, v11  }
0x199: {  	v63 =	vperm.xlane v51, v12;
	v60 =	vperm.xlane v46, v11  }
0x19a: {  	v56 =	vperm.xlane v32, v11;
	(erf) = vpow2.f32 v50  }
0x19b: {  	v45 =	vadd.f32 v51, v63;
	v46 =	vadd.f32 v46, v60;
	v63 =	vperm.xlane v44, v11  }
0x19c: {  	v50 =	vperm.xlane v49, v11;
	v60 =	vperm.xlane v41, v11  }
0x19d: {  	v52 =	vadd.f32 v43, v62;
	v61 =	vperm.xlane v46, v12;
	v44 =	vadd.f32 v44, v63  }
0x19e: {  	v49 =	vadd.f32 v49, v50;
	v57 =	vperm.xlane v45, v13;
	v50 =	vadd.f32 v41, v60  }
0x19f: {  	v63 =	vperm.xlane v52, v12;
	v46 =	vadd.f32 v46, v61;
	v60 =	vperm.xlane v44, v12  }
0x1a0: {  	v62 =	vperm.xlane v49, v12;
	v45 =	vadd.f32 v45, v57;
	v61 =	vperm.xlane v50, v12  }
0x1a1: {  	v52 =	vadd.f32 v52, v63;
	v63 =	vperm.xlane v46, v13;
	v44 =	vadd.f32 v44, v60  }
0x1a2: {  	v49 =	vadd.f32 v49, v62;
	v62 =	vperm.xlane v45, v14;
	v50 =	vadd.f32 v50, v61  }
0x1a3: {  	v60 =	vperm.xlane v52, v13;
	v46 =	vadd.f32 v46, v63;
	v61 =	vperm.xlane v44, v13  }
0x1a4: {  	v35 =	vperm.xlane v42, v14;
	v45 =	vadd.f32 v45, v62;
	v62 =	vperm.xlane v50, v13  }
0x1a5: {  	v51 =	vadd.f32 v52, v60;
	v63 =	vperm.xlane v46, v14;
	v44 =	vadd.f32 v44, v61  }
0x1a6: {  	v54 =	vperm.xlane v49, v13;
	v60 =	vperm.xlane v34, v11;
	v50 =	vadd.f32 v50, v62  }
0x1a7: {  	v57 =	vperm.xlane v51, v14;
	v46 =	vadd.f32 v46, v63;
	v58 =	vperm.xlane v44, v14  }
0x1a8: {  	v61 =	vperm.xlane v31, v11;
	v34 =	vadd.f32 v34, v60;
	v62 =	vperm.xlane v33, v11  }
0x1a9: {  	v59 =	vperm.xlane v50, v14;
	v46 =	vmin.f32 v46, $6.000000000e+01;
	v44 =	vadd.f32 v44, v58  }
0x1aa: {  	v32 =	vadd.f32 v32, v56;
	v38 =	vpop (erf);
	v52 =	vperm.xlane v34, v12;
	v46 =	vmul.f32 $1.442695020e+00, v46  }
0x1ab: {  	v41 =	vpop (erf);
	v33 =	vadd.f32 v33, v62;
	v48 =	vadd.f32 v50, v59;
	v44 =	vmin.f32 v44, $6.000000000e+01  }
0x1ac: {  	v43 =	vpop (erf);
	v51 =	vadd.f32 v51, v57;
	v44 =	vmul.f32 $1.442695020e+00, v44;
	(erf) = vpow2.f32 v46  }
0x1ad: {  	v31 =	vadd.f32 v31, v61;
	v47 =	vperm.xlane v33, v12;
	v63 =	vmin.f32 v48, $6.000000000e+01  }
0x1ae: {  	v51 =	vmin.f32 v51, $6.000000000e+01;
	v46 =	vmul.f32 $1.442695020e+00, v63;
	(erf) = vpow2.f32 v44  }
0x1af: {  	v34 =	vadd.f32 v34, v52;
	v55 =	vperm.xlane v31, v12;
	v58 =	vperm.xlane v32, v12  }
0x1b0: {  	v45 =	vmin.f32 v45, $6.000000000e+01;
	v53 =	vmul.f32 $1.442695020e+00, v51;
	(erf) = vpow2.f32 v46  }
0x1b1: {  	v57 =	vperm.xlane v34, v13;
	v33 =	vadd.f32 v33, v47;
	v31 =	vadd.f32 v31, v55  }
0x1b2: {  	v45 =	vmul.f32 $1.442695020e+00, v45;
	v32 =	vadd.f32 v32, v58;
	(erf) = vpow2.f32 v53  }
0x1b3: {  	v34 =	vadd.f32 v34, v57;
	v59 =	vperm.xlane v33, v13;
	v48 =	vperm.xlane v31, v13  }
0x1b4: {  	vm2 =	vcmask $0x1B20;
	v63 =	vperm.xlane v32, v13;
	(erf) = vpow2.f32 v45  }
0x1b5: {  	v46 =	vadd.f32 v49, v54;
	v60 =	vperm.xlane v34, v14;
	v33 =	vadd.f32 v33, v59;
	v62 =	vpop (erf)  }
0x1b6: {  	v31 =	vadd.f32 v31, v48;
	v32 =	vadd.f32 v32, v63;
	v47 =	vnsel vm0, $0x0, v62  }
0x1b7: {  	v34 =	vadd.f32 v34, v60;
	v45 =	vperm.xlane v33, v14;
	v47 =	vadd.f32 $0.0e+00, v47;
	v53 =	vpop (erf)  }
0x1b8: {  	v61 =	vperm.xlane v46, v14;
	v54 =	vperm.xlane v31, v14;
	v49 =	vsel vm4, $0x0, v53  }
0x1b9: {  	v34 =	vmin.f32 v34, $6.000000000e+01;
	v33 =	vadd.f32 v33, v45;
	v55 =	vpop (erf);
	v49 =	vadd.f32 v49, v47  }
0x1ba: {  	v48 =	vperm.xlane v32, v14;
	v34 =	vmul.f32 $1.442695020e+00, v34;
	v45 =	vsel vm6, $0x0, v55  }
0x1bb: {  	v31 =	vadd.f32 v31, v54;
	v33 =	vmin.f32 v33, $6.000000000e+01;
	v56 =	vpop (erf);
	v49 =	vadd.f32 v45, v49  }
0x1bc: {  	v33 =	vmul.f32 $1.442695020e+00, v33;
	(erf) = vpow2.f32 v34;
	v47 =	vsel vm7, $0x0, v56  }
0x1bd: {  	v32 =	vadd.f32 v32, v48;
	v31 =	vmin.f32 v31, $6.000000000e+01;
	v58 =	vpop (erf);
	v57 =	vadd.f32 v47, v49  }
0x1be: {  	v31 =	vmul.f32 $1.442695020e+00, v31;
	(erf) = vpow2.f32 v33;
	v45 =	vsel vm8, $0x0, v58  }
0x1bf: {  	v60 =	vadd.f32 v46, v61;
	v32 =	vmin.f32 v32, $6.000000000e+01;
	v59 =	vadd.f32 v45, v57  }
0x1c0: {  	v43 =	vsel vm9, $0x0, v43;
	v32 =	vmul.f32 $1.442695020e+00, v32;
	(erf) = vpow2.f32 v31  }
0x1c1: {  	v61 =	vmin.f32 v60, $6.000000000e+01;
	v62 =	vadd.f32 v42, v35;
	v31 =	vadd.f32 v43, v59  }
0x1c2: {  	v63 =	vsel vm1, $0x0, v41;
	v33 =	vmul.f32 $1.442695020e+00, v61;
	(erf) = vpow2.f32 v32  }
0x1c3: {  	v42 =	vadd.f32 v39, v40;
	v41 =	vmin.f32 v62, $6.000000000e+01;
	v31 =	vadd.f32 v63, v31  }
0x1c4: {  	v38 =	vsel vm2, $0x0, v38;
	v32 =	vmul.f32 $1.442695020e+00, v41;
	(erf) = vpow2.f32 v33  }
0x1c5: {  	v36 =	vadd.f32 v36, v37;
	v43 =	vmin.f32 v42, $6.000000000e+01;
	v44 =	vpop (erf);
	v31 =	vadd.f32 v38, v31  }
0x1c6: {  	v45 =	vmul.f32 $1.442695020e+00, v43;
	(erf) = vpow2.f32 v32;
	v35 =	vsel vm12, $0x0, v44  }
0x1c7: {  	v46 =	vmin.f32 v36, $6.000000000e+01;
	v47 =	vpop (erf);
	v31 =	vadd.f32 v35, v31  }
0x1c8: {  	v48 =	vmul.f32 $1.442695020e+00, v46;
	v34 =	vsel vm13, $0x0, v47;
	(erf) = vpow2.f32 v45  }
0x1c9: {  	v49 =	vpop (erf);
	v31 =	vadd.f32 v34, v31  }
0x1ca: {  	v33 =	vsel vm14, $0x0, v49;
	(erf) = vpow2.f32 v48  }
0x1cb: {  	v50 =	vpop (erf);
	v31 =	vadd.f32 v33, v31  }
0x1cc: {  	v51 =	vsel vm15, $0x0, v50  }
0x1cd: {  	vm2 =	vcmask $0x2F34;
	v52 =	vpop (erf);
	v31 =	vadd.f32 v51, v31  }
0x1ce: {  	v59 =	vld [tilespmem:$0x1FFE0];
	v53 =	vsel vm2, $0x0, v52  }
0x1cf: {  	v54 =	vpop (erf);
	v31 =	vadd.f32 v53, v31  }
0x1d0: {  	v55 =	vsel vm11, $0x0, v54  }
0x1d1: {  	v56 =	vpop (erf);
	v31 =	vadd.f32 v55, v31  }
0x1d2: {  	v57 =	vsel vm10, $0x0, v56  }
0x1d3: {  	vm2 =	vnez.u8 v59;
	v58 =	vpop (erf);
	v31 =	vadd.f32 v57, v31  }
0x1d4: {  	v32 =	vsel vm2, $0x0, v58  }
0x1d5: {  	v31 =	vadd.f32 v32, v31  }
0x1d6: {  	s30 =	sadd.s32 $0x200, s30;
	s12 =	sadd.s32 $0x10, s12  }
0x1d7: {  	s25 =	sadd.s32 $0x80, s20;
	s18 =	sadd.s32 $0x100, s18;
	s24 =	sand.u32 $0x1800, s30;
	[tilespmem:s12+$0x0] =	vst v31  }
0x1d8: {  	s25 =	sand.u32 $0x380, s25;
	s24 =	sor.u32 $0x2300, s24;
	v31 =	vld [tilespmem:s18+$0x70]  }
0x1d9: {  	s25 =	sadd.s32 s25, s24;
	v32 =	vld [tilespmem:s18+$0x60]  }
0x1da: {  	s19 =	sadd.s32 $0x100, s19;
	v33 =	vld [tilespmem:s25+$0x70]  }
0x1db: {  	v34 =	vld [tilespmem:s19+$0x70]  }
0x1dc: {  	v35 =	vld [tilespmem:s18+$0x50]  }
0x1dd: {  	v36 =	vld [tilespmem:s25+$0x60]  }
0x1de: {  	v37 =	vld [tilespmem:s19+$0x60]  }
0x1df: {  	v38 =	vld [tilespmem:s18+$0x40]  }
0x1e0: {  	v39 =	vld [tilespmem:s25+$0x50]  }
0x1e1: {  	v40 =	vld [tilespmem:s19+$0x50]  }
0x1e2: {  	v41 =	vld [tilespmem:s18+$0x30]  }
0x1e3: {  	v42 =	vld [tilespmem:s25+$0x40]  }
0x1e4: {  	v60 =	vld [tilespmem:s19+$0x40]  }
0x1e5: {  	v44 =	vld [tilespmem:s18+$0x20]  }
0x1e6: {  	v61 =	vld [tilespmem:s25+$0x30]  }
0x1e7: {  	v62 =	vld [tilespmem:s19+$0x30]  }
0x1e8: {  	v47 =	vld [tilespmem:s18+$0x10]  }
0x1e9: {  	v48 =	vld [tilespmem:s25+$0x20]  }
0x1ea: {  	v63 =	vld [tilespmem:s19+$0x20]  }
0x1eb: {  	v51 =	vld [tilespmem:s25+$0x10]  }
0x1ec: {  	v52 =	vld [tilespmem:s19+$0x10]  }
0x1ed: {  	s1 =	sand.u32 $0x300, s20;
	v54 =	vld [tilespmem:s25+$0x0]  }
0x1ee: {  	s24 =	sadd.s32 s1, s24;
	v55 =	vld [tilespmem:s19+$0x0]  }
0x1ef: {  	v45 =	vld [tilespmem:s24+$0x50]  }
0x1f0: {  	v46 =	vld [tilespmem:s19+$0xFFFFFFD0]  }
0x1f1: {  	v50 =	vld [tilespmem:s18+$0x0];
	v33 =	vadd.f32 v33, v34;
	v36 =	vadd.f32 v36, v37  }
0x1f2: {  	v53 =	vld [tilespmem:s18+$0xFFFFFFF0];
	v58 =	vadd.f32 v39, v40;
	v42 =	vadd.f32 v42, v60  }
0x1f3: {  	v57 =	vld [tilespmem:s19+$0xFFFFFFF0];
	v60 =	vadd.f32 v61, v62;
	v48 =	vadd.f32 v48, v63  }
0x1f4: {  	v34 =	vld [tilespmem:s24+$0x70];
	v54 =	vadd.f32 v54, v55;
	v51 =	vadd.f32 v51, v52  }
0x1f5: {  	v39 =	vld [tilespmem:s24+$0x60];
	v45 =	vadd.f32 v45, v46;
	v31 =	vadd.f32 v31, v33  }
0x1f6: {  	v40 =	vld [tilespmem:s19+$0xFFFFFFE0];
	v32 =	vadd.f32 v32, v36;
	v33 =	vadd.f32 v35, v58  }
0x1f7: {  	v37 =	vld [tilespmem:s18+$0xFFFFFFD0];
	v35 =	vadd.f32 v41, v60;
	v63 =	vadd.f32 v44, v48  }
0x1f8: {  	vm5 =	vmmov vm4;
	v56 =	vld [tilespmem:s18+$0xFFFFFFE0];
	v50 =	vadd.f32 v50, v54;
	v47 =	vadd.f32 v47, v51  }
0x1f9: {  	v55 =	vld [tilespmem:$0xA680];
	v59 =	vmul.f32 $9.999999770e-03, v31;
	vm2 =	vge.f32 v31, $0.0e+00;
	v61 =	vmul.f32 $9.999999770e-03, v33  }
0x1fa: {  	v44 =	vld [tilespmem:s24+$0x30];
	vm3 =	vge.f32 v32, $0.0e+00;
	v62 =	vmul.f32 $9.999999770e-03, v32;
	v58 =	vmul.f32 $9.999999770e-03, v35  }
0x1fb: {  	v51 =	vld [tilespmem:s19+$0xFFFFFFB0];
	v60 =	vmul.f32 $9.999999770e-03, v63;
	v39 =	vadd.f32 v39, v40;
	v34 =	vadd.f32 v34, v57  }
0x1fc: {  	v43 =	vld [tilespmem:s18+$0xFFFFFFC0];
	v37 =	vadd.f32 v37, v45;
	v36 =	vsel vm2, v31, v59;
	v31 =	vadd.f32 v38, v42  }
0x1fd: {  	v54 =	vld [tilespmem:$0xA580];
	vm2 =	vge.f32 v33, $0.0e+00;
	v42 =	vsel vm3, v32, v62;
	v62 =	vmul.f32 $9.999999770e-03, v47  }
0x1fe: {  	v41 =	vld [tilespmem:s18+$0xFFFFFFB0];
	vm3 =	vge.f32 v50, $0.0e+00;
	v49 =	vsel vm2, v33, v61;
	vm2 =	vge.f32 v35, $0.0e+00  }
0x1ff: {  	v48 =	vld [tilespmem:s19+$0xFFFFFFC0];
	v61 =	vmul.f32 $9.999999770e-03, v50;
	v39 =	vadd.f32 v56, v39;
	v53 =	vadd.f32 v53, v34  }
0x200: {  	v38 =	vld [tilespmem:s24+$0x40];
	v44 =	vadd.f32 v44, v51;
	v36 =	vmul.f32 v36, v55;
	vm4 =	vge.f32 v31, $0.0e+00  }
0x201: {  	v52 =	vld [tilespmem:s18+$0xFFFFFFA0];
	v59 =	vmul.f32 $9.999999770e-03, v31;
	v32 =	vsel vm2, v35, v58;
	vm2 =	vge.f32 v63, $0.0e+00  }
0x202: {  	v40 =	vld [tilespmem:s24+$0x20];
	v49 =	vmul.f32 v49, v54;
	v34 =	vsel vm3, v50, v61;
	vm3 =	vge.f32 v53, $0.0e+00  }
0x203: {  	v45 =	vld [tilespmem:s19+$0xFFFFFF90];
	v35 =	vsel vm4, v31, v59;
	v31 =	vsel vm2, v63, v60;
	v60 =	vmul.f32 $9.999999770e-03, v53  }
0x204: {  	v44 =	vadd.f32 v41, v44;
	v58 =	vperm.xlane v36, v11;
	vm4 =	vmmov vm5;
	v63 =	vld [tilespmem:s19+$0xFFFFFFA0]  }
0x205: {  	v50 =	vld [tilespmem:s24+$0x10];
	vm2 =	vge.f32 v47, $0.0e+00;
	v38 =	vadd.f32 v38, v48;
	v61 =	vsel vm3, v53, v60  }
0x206: {  	v59 =	vmul.f32 $9.999999770e-03, v39;
	v33 =	vsel vm2, v47, v62;
	v47 =	vld [tilespmem:s24+$0x0];
	v48 =	vmul.f32 v61, v55  }
0x207: {  	vm2 =	vge.f32 v39, $0.0e+00;
	v36 =	vadd.f32 v36, v58;
	v53 =	vld [tilespmem:$0xA600];
	v43 =	vadd.f32 v43, v38  }
0x208: {  	v39 =	vsel vm2, v39, v59;
	vm2 =	vge.f32 v37, $0.0e+00;
	v61 =	vld [tilespmem:s19+$0xFFFFFF80];
	v60 =	vperm.xlane v48, v11  }
0x209: {  	v38 =	vadd.f32 v40, v63;
	v62 =	vmul.f32 $9.999999770e-03, v43;
	v63 =	vmul.f32 $9.999999770e-03, v37  }
0x20a: {  	v46 =	vld [tilespmem:s18+$0xFFFFFF90];
	v45 =	vadd.f32 v50, v45;
	vm3 =	vge.f32 v43, $0.0e+00;
	v48 =	vadd.f32 v48, v60  }
0x20b: {  	v38 =	vadd.f32 v52, v38;
	v40 =	vsel vm3, v43, v62;
	v37 =	vsel vm2, v37, v63  }
0x20c: {  	vm2 =	vge.f32 v44, $0.0e+00;
	v63 =	vld [tilespmem:s18+$0xFFFFFF80];
	v39 =	vmul.f32 v39, v53;
	v57 =	vperm.xlane v48, v12  }
0x20d: {  	v62 =	vmul.f32 $9.999999770e-03, v44;
	v37 =	vmul.f32 v37, v54;
	v47 =	vadd.f32 v47, v61  }
0x20e: {  	v41 =	vmul.f32 $9.999999770e-03, v38;
	v59 =	vperm.xlane v39, v11;
	v48 =	vadd.f32 v48, v57  }
0x20f: {  	p0 =	sne.s32 s20, $0xF00;
	v43 =	vsel vm2, v44, v62;
	v44 =	vadd.f32 v46, v45;
	v62 =	vperm.xlane v36, v12  }
.Ltmp2:
0x210: {  	v60 =	vperm.xlane v37, v11;
	v52 =	vadd.f32 v39, v59;
	v61 =	vperm.xlane v48, v13;
	(pc) =	sbr.rel @p0 .LBB2_5-.Ltmp2, $4  }
0x211: {  	v45 =	vmul.f32 $9.999999770e-03, v44;
	v39 =	vmul.f32 v42, v53;
	v46 =	vadd.f32 v63, v47  }
0x212: {  	v37 =	vadd.f32 v37, v60;
	v63 =	vperm.xlane v52, v12;
	v48 =	vadd.f32 v48, v61  }
0x213: {  	v36 =	vadd.f32 v36, v62;
	v51 =	vperm.xlane v39, v11;
	v47 =	vmul.f32 $9.999999770e-03, v46  }
0x214: {  	s20 =	sadd.s32 $0x100, s20;
	v50 =	vperm.xlane v37, v12;
	v42 =	vadd.f32 v52, v63;
	v52 =	vperm.xlane v48, v14  }
0x215: {  	v39 =	vadd.f32 v39, v51  }
0x216: {  	v56 =	vperm.xlane v49, v11;
	v58 =	vperm.xlane v36, v13;
	vm2 =	vge.f32 v46, $0.0e+00  }
0x217: {  	v37 =	vadd.f32 v37, v50;
	v63 =	vperm.xlane v42, v13;
	v48 =	vadd.f32 v48, v52  }
0x218: {  	v51 =	vld [tilespmem:$0xA500];
	v46 =	vsel vm2, v46, v47;
	vm2 =	vge.f32 v44, $0.0e+00;
	v53 =	vperm.xlane v39, v12  }
0x219: {  	v49 =	vadd.f32 v49, v56;
	v36 =	vadd.f32 v36, v58;
	v44 =	vsel vm2, v44, v45  }
0x21a: {  	v47 =	vld [tilespmem:$0xA400];
	v57 =	vperm.xlane v37, v13;
	v42 =	vadd.f32 v42, v63;
	v59 =	vmin.f32 v48, $6.000000000e+01  }
0x21b: {  	v56 =	vld [tilespmem:$0xA380];
	v39 =	vadd.f32 v39, v53;
	v61 =	vperm.xlane v49, v12;
	v55 =	vmul.f32 $1.442695020e+00, v59  }
0x21c: {  	v52 =	vadd.f32 v37, v57;
	v60 =	vperm.xlane v42, v14;
	v37 =	vperm.xlane v36, v14  }
0x21d: {  	vm2 =	vge.f32 v38, $0.0e+00;
	v50 =	vmul.f32 v40, v51;
	v54 =	vperm.xlane v39, v13  }
0x21e: {  	v38 =	vsel vm2, v38, v41;
	(erf) = vpow2.f32 v55;
	v62 =	vperm.xlane v52, v14  }
0x21f: {  	v63 =	vadd.f32 v49, v61;
	v38 =	vmul.f32 v38, v47;
	v31 =	vmul.f32 v31, v47  }
0x220: {  	v42 =	vadd.f32 v42, v60;
	v44 =	vmul.f32 v44, v56;
	v58 =	vadd.f32 v52, v62;
	v52 =	vld [tilespmem:$0xA300]  }
0x221: {  	v33 =	vmul.f32 v33, v56;
	v60 =	vperm.xlane v63, v13  }
0x222: {  	v39 =	vadd.f32 v39, v54;
	v59 =	vmin.f32 v42, $6.000000000e+01;
	v62 =	vperm.xlane v50, v11  }
0x223: {  	v54 =	vld [tilespmem:$0xA480];
	v61 =	vmul.f32 $1.442695020e+00, v59;
	v42 =	vadd.f32 v63, v60;
	v63 =	vmul.f32 v35, v51  }
0x224: {  	v49 =	vmin.f32 v58, $6.000000000e+01;
	v50 =	vadd.f32 v50, v62;
	v62 =	vperm.xlane v38, v11  }
0x225: {  	v49 =	vmul.f32 $1.442695020e+00, v49;
	v46 =	vmul.f32 v46, v52  }
0x226: {  	(erf) = vpow2.f32 v61;
	v57 =	vperm.xlane v63, v11  }
0x227: {  	v61 =	vperm.xlane v44, v11;
	v59 =	vperm.xlane v46, v11  }
0x228: {  	v43 =	vmul.f32 v43, v54;
	v58 =	vperm.xlane v50, v12;
	v38 =	vadd.f32 v38, v62  }
0x229: {  	v32 =	vmul.f32 v32, v54;
	v48 =	vadd.f32 v63, v57;
	v41 =	vadd.f32 v46, v59  }
0x22a: {  	(erf) = vpow2.f32 v49;
	v44 =	vadd.f32 v44, v61;
	v60 =	vperm.xlane v43, v11  }
0x22b: {  	v45 =	vadd.f32 v50, v58;
	v55 =	vperm.xlane v48, v12;
	v63 =	vperm.xlane v41, v12  }
0x22c: {  	v34 =	vmul.f32 v34, v52;
	v58 =	vperm.xlane v44, v12;
	v43 =	vadd.f32 v43, v60  }
0x22d: {  	v50 =	vperm.xlane v45, v13;
	v46 =	vadd.f32 v48, v55;
	v41 =	vadd.f32 v41, v63  }
0x22e: {  	v59 =	vperm.xlane v38, v12;
	v44 =	vadd.f32 v44, v58;
	v55 =	vperm.xlane v32, v11  }
0x22f: {  	v57 =	vperm.xlane v43, v12;
	v45 =	vadd.f32 v45, v50;
	v51 =	vperm.xlane v41, v13  }
0x230: {  	v50 =	vperm.xlane v46, v13;
	v38 =	vadd.f32 v38, v59;
	v62 =	vperm.xlane v44, v13  }
0x231: {  	v43 =	vadd.f32 v43, v57;
	v60 =	vperm.xlane v45, v14;
	v41 =	vadd.f32 v41, v51  }
0x232: {  	v63 =	vperm.xlane v38, v13;
	v44 =	vadd.f32 v44, v62;
	v62 =	vperm.xlane v33, v11  }
0x233: {  	v61 =	vperm.xlane v43, v13;
	v45 =	vadd.f32 v45, v60;
	v54 =	vperm.xlane v41, v14  }
0x234: {  	v38 =	vadd.f32 v38, v63;
	v58 =	vperm.xlane v44, v14;
	v33 =	vadd.f32 v33, v62  }
0x235: {  	v60 =	vperm.xlane v34, v11;
	v43 =	vadd.f32 v43, v61;
	v41 =	vadd.f32 v41, v54  }
0x236: {  	v45 =	vmin.f32 v45, $6.000000000e+01;
	v61 =	vperm.xlane v31, v11;
	v44 =	vadd.f32 v44, v58  }
0x237: {  	v59 =	vperm.xlane v38, v14;
	v48 =	vperm.xlane v33, v12;
	v41 =	vmin.f32 v41, $6.000000000e+01  }
0x238: {  	v57 =	vperm.xlane v43, v14;
	v44 =	vmin.f32 v44, $6.000000000e+01;
	v41 =	vmul.f32 $1.442695020e+00, v41  }
0x239: {  	v34 =	vadd.f32 v34, v60;
	v52 =	vmul.f32 $1.442695020e+00, v45;
	v44 =	vmul.f32 $1.442695020e+00, v44  }
0x23a: {  	v38 =	vadd.f32 v38, v59;
	v43 =	vadd.f32 v43, v57;
	(erf) = vpow2.f32 v41  }
0x23b: {  	v63 =	vperm.xlane v34, v12;
	(erf) = vpow2.f32 v44  }
0x23c: {  	v31 =	vadd.f32 v31, v61;
	v38 =	vmin.f32 v38, $6.000000000e+01;
	v43 =	vmin.f32 v43, $6.000000000e+01  }
0x23d: {  	v32 =	vadd.f32 v32, v55;
	v38 =	vmul.f32 $1.442695020e+00, v38;
	v43 =	vmul.f32 $1.442695020e+00, v43  }
0x23e: {  	v33 =	vadd.f32 v33, v48;
	v34 =	vadd.f32 v34, v63;
	v51 =	vperm.xlane v31, v12  }
0x23f: {  	v46 =	vadd.f32 v46, v50;
	v54 =	vperm.xlane v32, v12;
	(erf) = vpow2.f32 v38  }
0x240: {  	v55 =	vperm.xlane v33, v13;
	v53 =	vperm.xlane v34, v13;
	v31 =	vadd.f32 v31, v51;
	v41 =	vpop (erf)  }
0x241: {  	v58 =	vperm.xlane v46, v14;
	v32 =	vadd.f32 v32, v54;
	(erf) = vpow2.f32 v43;
	v43 =	vpop (erf)  }
0x242: {  	v33 =	vadd.f32 v33, v55;
	v34 =	vadd.f32 v34, v53;
	v56 =	vperm.xlane v31, v13;
	v47 =	vpop (erf)  }
0x243: {  	v60 =	vperm.xlane v32, v13;
	(erf) = vpow2.f32 v52;
	v59 =	vpop (erf)  }
0x244: {  	v55 =	vadd.f32 v46, v58;
	v61 =	vperm.xlane v33, v14;
	v57 =	vperm.xlane v34, v14;
	v62 =	vpop (erf)  }
0x245: {  	v31 =	vadd.f32 v31, v56;
	v45 =	vnsel vm0, $0x0, v59;
	v49 =	vsel vm4, $0x0, v62  }
0x246: {  	v40 =	vperm.xlane v39, v14;
	v34 =	vadd.f32 v34, v57;
	v45 =	vadd.f32 $0.0e+00, v45  }
0x247: {  	v35 =	vperm.xlane v42, v14;
	v32 =	vadd.f32 v32, v60;
	v33 =	vadd.f32 v33, v61  }
0x248: {  	v63 =	vperm.xlane v31, v14;
	v34 =	vmin.f32 v34, $6.000000000e+01;
	v45 =	vadd.f32 v49, v45;
	v49 =	vpop (erf)  }
0x249: {  	v48 =	vperm.xlane v32, v14;
	v34 =	vmul.f32 $1.442695020e+00, v34;
	v38 =	vsel vm6, $0x0, v49  }
0x24a: {  	v33 =	vmin.f32 v33, $6.000000000e+01;
	v31 =	vadd.f32 v31, v63;
	v51 =	vpop (erf);
	v38 =	vadd.f32 v38, v45  }
0x24b: {  	v33 =	vmul.f32 $1.442695020e+00, v33;
	(erf) = vpow2.f32 v34;
	v45 =	vsel vm7, $0x0, v51  }
0x24c: {  	v32 =	vadd.f32 v32, v48;
	v31 =	vmin.f32 v31, $6.000000000e+01;
	v53 =	vpop (erf);
	v52 =	vadd.f32 v45, v38  }
0x24d: {  	v31 =	vmul.f32 $1.442695020e+00, v31;
	(erf) = vpow2.f32 v33;
	v38 =	vsel vm8, $0x0, v53  }
0x24e: {  	v58 =	vadd.f32 v42, v35;
	v32 =	vmin.f32 v32, $6.000000000e+01;
	v54 =	vadd.f32 v38, v52  }
0x24f: {  	v56 =	vsel vm9, $0x0, v47;
	v32 =	vmul.f32 $1.442695020e+00, v32;
	(erf) = vpow2.f32 v31  }
0x250: {  	v60 =	vmin.f32 v58, $6.000000000e+01;
	v57 =	vmin.f32 v55, $6.000000000e+01;
	v31 =	vadd.f32 v56, v54  }
0x251: {  	v59 =	vsel vm1, $0x0, v43;
	v33 =	vmul.f32 $1.442695020e+00, v57;
	(erf) = vpow2.f32 v32  }
0x252: {  	v61 =	vadd.f32 v39, v40;
	vm0 =	vcmask $0x1B20;
	v31 =	vadd.f32 v59, v31  }
0x253: {  	v62 =	vsel vm0, $0x0, v41;
	v32 =	vmul.f32 $1.442695020e+00, v60;
	(erf) = vpow2.f32 v33  }
0x254: {  	v37 =	vadd.f32 v36, v37;
	v63 =	vmin.f32 v61, $6.000000000e+01;
	v38 =	vpop (erf);
	v31 =	vadd.f32 v62, v31  }
0x255: {  	v33 =	vmul.f32 $1.442695020e+00, v63;
	(erf) = vpow2.f32 v32;
	v35 =	vsel vm12, $0x0, v38  }
0x256: {  	v39 =	vmin.f32 v37, $6.000000000e+01;
	v40 =	vpop (erf);
	v31 =	vadd.f32 v35, v31  }
0x257: {  	v32 =	vmul.f32 $1.442695020e+00, v39;
	(erf) = vpow2.f32 v33;
	v34 =	vsel vm13, $0x0, v40  }
0x258: {  	v41 =	vpop (erf);
	v31 =	vadd.f32 v34, v31  }
0x259: {  	(erf) = vpow2.f32 v32;
	v33 =	vsel vm14, $0x0, v41  }
0x25a: {  	v42 =	vpop (erf);
	v31 =	vadd.f32 v33, v31  }
0x25b: {  	v32 =	vsel vm15, $0x0, v42  }
0x25c: {  	vm0 =	vcmask $0x2F34;
	v43 =	vpop (erf);
	v31 =	vadd.f32 v32, v31  }
0x25d: {  	v47 =	vld [tilespmem:$0x1FFE0];
	v32 =	vsel vm0, $0x0, v43  }
0x25e: {  	v44 =	vpop (erf);
	v31 =	vadd.f32 v32, v31  }
0x25f: {  	v32 =	vsel vm11, $0x0, v44  }
0x260: {  	v45 =	vpop (erf);
	v31 =	vadd.f32 v32, v31  }
0x261: {  	v32 =	vsel vm10, $0x0, v45  }
0x262: {  	vm0 =	vnez.u8 v47;
	v46 =	vpop (erf);
	v31 =	vadd.f32 v32, v31  }
0x263: {  	v32 =	vsel vm0, $0x0, v46  }
0x264: {  	v31 =	vadd.f32 v32, v31  }
0x265: {  	s12 =	sadd.s32 $0x10, s12  }
0x266: {  	[tilespmem:s12+$0x0] =	vst v31  }
0x267: {  	s2 =	sand.u32 $0x300, s2;
	v31 =	vld [tilespmem:s11+$0x0]  }
0x268: {  	s24 =	sadd.s32 s2, s4  }
0x269: {  	v48 =	vld [tilespmem:s24+$0x400];
	_ =	sdelay $0x2  }
0x26a: {  	v49 =	vperm.xlane v31, v15;
	_ =	sdelay $0x1  }
0x26b: {  	v32 =	vmul.f32 v48, v49  }
0x26c: {  	s2 =	simm.s32 $0x8380  }
0x26d: {  	[tilespmem:s2+$0xFFFFFF80] =	vst v32  }
0x26e: {  	v32 =	vld [tilespmem:s24+$0x410];
	_ =	sdelay $0x2  }
0x26f: {  	v50 =	vperm.xlane v31, v16;
	_ =	sdelay $0x1  }
0x270: {  	v32 =	vmul.f32 v32, v50;
	_ =	sdelay $0x1  }
0x271: {  	[tilespmem:s2+$0xFFFFFF90] =	vst v32  }
0x272: {  	v32 =	vld [tilespmem:s24+$0x420];
	_ =	sdelay $0x2  }
0x273: {  	v51 =	vperm.xlane v31, v17;
	_ =	sdelay $0x1  }
0x274: {  	v32 =	vmul.f32 v32, v51;
	_ =	sdelay $0x1  }
0x275: {  	[tilespmem:s2+$0xFFFFFFA0] =	vst v32  }
0x276: {  	v32 =	vld [tilespmem:s24+$0x430];
	_ =	sdelay $0x2  }
0x277: {  	v52 =	vperm.xlane v31, v18;
	_ =	sdelay $0x1  }
0x278: {  	v32 =	vmul.f32 v32, v52;
	_ =	sdelay $0x1  }
0x279: {  	[tilespmem:s2+$0xFFFFFFB0] =	vst v32  }
0x27a: {  	v32 =	vld [tilespmem:s24+$0x440];
	_ =	sdelay $0x2  }
0x27b: {  	v53 =	vperm.xlane v31, v19;
	_ =	sdelay $0x1  }
0x27c: {  	v32 =	vmul.f32 v32, v53;
	_ =	sdelay $0x1  }
0x27d: {  	[tilespmem:s2+$0xFFFFFFC0] =	vst v32  }
0x27e: {  	v32 =	vld [tilespmem:s24+$0x450];
	_ =	sdelay $0x2  }
0x27f: {  	v54 =	vperm.xlane v31, v20;
	_ =	sdelay $0x1  }
0x280: {  	v32 =	vmul.f32 v32, v54;
	_ =	sdelay $0x1  }
0x281: {  	[tilespmem:s2+$0xFFFFFFD0] =	vst v32  }
0x282: {  	v32 =	vld [tilespmem:s24+$0x460];
	_ =	sdelay $0x2  }
0x283: {  	v55 =	vperm.xlane v31, v21;
	_ =	sdelay $0x1  }
0x284: {  	v32 =	vmul.f32 v32, v55;
	_ =	sdelay $0x1  }
0x285: {  	[tilespmem:s2+$0xFFFFFFE0] =	vst v32  }
0x286: {  	v32 =	vld [tilespmem:s24+$0x470];
	_ =	sdelay $0x2  }
0x287: {  	v56 =	vperm.xlane v31, v22;
	_ =	sdelay $0x1  }
0x288: {  	s25 =	simm.s32 $0x80;
	v32 =	vmul.f32 v32, v56  }
0x289: {  	s12 =	sand.u32 $0x380, s25  }
0x28a: {  	s30 =	sadd.s32 s12, s4;
	[tilespmem:s2+$0xFFFFFFF0] =	vst v32  }
0x28b: {  	v32 =	vld [tilespmem:s30+$0x400];
	_ =	sdelay $0x2  }
0x28c: {  	v57 =	vperm.xlane v31, v23;
	_ =	sdelay $0x1  }
0x28d: {  	v32 =	vmul.f32 v32, v57;
	_ =	sdelay $0x1  }
0x28e: {  	[tilespmem:s2+$0x0] =	vst v32  }
0x28f: {  	v32 =	vld [tilespmem:s30+$0x410];
	_ =	sdelay $0x2  }
0x290: {  	v58 =	vperm.xlane v31, v24;
	_ =	sdelay $0x1  }
0x291: {  	v32 =	vmul.f32 v32, v58;
	_ =	sdelay $0x1  }
0x292: {  	[tilespmem:s2+$0x10] =	vst v32  }
0x293: {  	v32 =	vld [tilespmem:s30+$0x420];
	_ =	sdelay $0x2  }
0x294: {  	v59 =	vperm.xlane v31, v25;
	_ =	sdelay $0x1  }
0x295: {  	v32 =	vmul.f32 v32, v59;
	_ =	sdelay $0x1  }
0x296: {  	[tilespmem:s2+$0x20] =	vst v32  }
0x297: {  	v32 =	vld [tilespmem:s30+$0x430];
	_ =	sdelay $0x2  }
0x298: {  	v60 =	vperm.xlane v31, v26;
	_ =	sdelay $0x1  }
0x299: {  	v32 =	vmul.f32 v32, v60;
	_ =	sdelay $0x1  }
0x29a: {  	[tilespmem:s2+$0x30] =	vst v32  }
0x29b: {  	v32 =	vld [tilespmem:s30+$0x440];
	_ =	sdelay $0x2  }
0x29c: {  	v61 =	vperm.xlane v31, v27;
	_ =	sdelay $0x1  }
0x29d: {  	v32 =	vmul.f32 v32, v61;
	_ =	sdelay $0x1  }
0x29e: {  	[tilespmem:s2+$0x40] =	vst v32  }
0x29f: {  	v32 =	vld [tilespmem:s30+$0x450];
	_ =	sdelay $0x2  }
0x2a0: {  	v62 =	vperm.xlane v31, v28;
	_ =	sdelay $0x1  }
0x2a1: {  	v32 =	vmul.f32 v32, v62;
	_ =	sdelay $0x1  }
0x2a2: {  	[tilespmem:s2+$0x50] =	vst v32  }
0x2a3: {  	v32 =	vld [tilespmem:s30+$0x460];
	_ =	sdelay $0x2  }
0x2a4: {  	v63 =	vperm.xlane v31, v29;
	_ =	sdelay $0x1  }
0x2a5: {  	v32 =	vmul.f32 v32, v63;
	_ =	sdelay $0x1  }
0x2a6: {  	[tilespmem:s2+$0x60] =	vst v32  }
0x2a7: {  	v32 =	vld [tilespmem:s30+$0x470];
	_ =	sdelay $0x2  }
0x2a8: {  	v31 =	vperm.xlane v31, v30;
	_ =	sdelay $0x1  }
0x2a9: {  	v31 =	vmul.f32 v32, v31  }
0x2aa: {  	s4 =	simm.s32 $0x200;
	s12 =	simm.s32 $0x200  }
.LBB2_7:
0x2ab: {  	s18 =	sand.u32 $0x1800, s12;
	[tilespmem:s2+$0x70] =	vst v31;
	s11 =	sadd.s32 $0x10, s11;
	s2 =	sadd.s32 $0x100, s2  }
0x2ac: {  	p0 =	sne.s32 s4, $0xF00;
	s19 =	sand.u32 $0x300, s29;
	v31 =	vld [tilespmem:s11+$0x0];
	s18 =	sor.u32 $0x2300, s18  }
0x2ad: {  	s20 =	sadd.s32 s19, s18;
	s19 =	smov.u32 s4;
	s4 =	sadd.s32 $0x100, s4  }
0x2ae: {  	v32 =	vld [tilespmem:s20+$0x400];
	_ =	sdelay $0x2  }
0x2af: {  	v33 =	vperm.xlane v31, v15;
	_ =	sdelay $0x1  }
0x2b0: {  	v32 =	vmul.f32 v32, v33;
	_ =	sdelay $0x1  }
0x2b1: {  	[tilespmem:s2+$0xFFFFFF80] =	vst v32  }
0x2b2: {  	v32 =	vld [tilespmem:s20+$0x410];
	_ =	sdelay $0x2  }
0x2b3: {  	v33 =	vperm.xlane v31, v16;
	_ =	sdelay $0x1  }
0x2b4: {  	v32 =	vmul.f32 v32, v33;
	_ =	sdelay $0x1  }
0x2b5: {  	[tilespmem:s2+$0xFFFFFF90] =	vst v32  }
0x2b6: {  	v32 =	vld [tilespmem:s20+$0x420];
	_ =	sdelay $0x2  }
0x2b7: {  	v33 =	vperm.xlane v31, v17;
	_ =	sdelay $0x1  }
0x2b8: {  	v32 =	vmul.f32 v32, v33;
	_ =	sdelay $0x1  }
0x2b9: {  	[tilespmem:s2+$0xFFFFFFA0] =	vst v32  }
0x2ba: {  	v32 =	vld [tilespmem:s20+$0x430];
	_ =	sdelay $0x2  }
0x2bb: {  	v33 =	vperm.xlane v31, v18;
	_ =	sdelay $0x1  }
0x2bc: {  	v32 =	vmul.f32 v32, v33;
	_ =	sdelay $0x1  }
0x2bd: {  	[tilespmem:s2+$0xFFFFFFB0] =	vst v32  }
0x2be: {  	v32 =	vld [tilespmem:s20+$0x440];
	_ =	sdelay $0x2  }
0x2bf: {  	v33 =	vperm.xlane v31, v19;
	_ =	sdelay $0x1  }
0x2c0: {  	v32 =	vmul.f32 v32, v33;
	_ =	sdelay $0x1  }
0x2c1: {  	[tilespmem:s2+$0xFFFFFFC0] =	vst v32  }
0x2c2: {  	v32 =	vld [tilespmem:s20+$0x450];
	_ =	sdelay $0x2  }
0x2c3: {  	v33 =	vperm.xlane v31, v20;
	_ =	sdelay $0x1  }
0x2c4: {  	v32 =	vmul.f32 v32, v33;
	_ =	sdelay $0x1  }
0x2c5: {  	[tilespmem:s2+$0xFFFFFFD0] =	vst v32  }
0x2c6: {  	v32 =	vld [tilespmem:s20+$0x460];
	_ =	sdelay $0x2  }
0x2c7: {  	v33 =	vperm.xlane v31, v21;
	_ =	sdelay $0x1  }
0x2c8: {  	v32 =	vmul.f32 v32, v33;
	_ =	sdelay $0x1  }
0x2c9: {  	[tilespmem:s2+$0xFFFFFFE0] =	vst v32  }
0x2ca: {  	v32 =	vld [tilespmem:s20+$0x470];
	_ =	sdelay $0x2  }
0x2cb: {  	v33 =	vperm.xlane v31, v22;
	_ =	sdelay $0x1  }
0x2cc: {  	s20 =	sadd.s32 $0x80, s29;
	s29 =	smov.u32 s19;
	v32 =	vmul.f32 v32, v33  }
0x2cd: {  	s19 =	sand.u32 $0x380, s20  }
0x2ce: {  	s18 =	sadd.s32 s19, s18;
	[tilespmem:s2+$0xFFFFFFF0] =	vst v32  }
0x2cf: {  	v32 =	vld [tilespmem:s18+$0x400];
	_ =	sdelay $0x2  }
0x2d0: {  	v33 =	vperm.xlane v31, v23;
	_ =	sdelay $0x1  }
0x2d1: {  	v32 =	vmul.f32 v32, v33;
	_ =	sdelay $0x1  }
0x2d2: {  	[tilespmem:s2+$0x0] =	vst v32  }
0x2d3: {  	v32 =	vld [tilespmem:s18+$0x410];
	_ =	sdelay $0x2  }
0x2d4: {  	v33 =	vperm.xlane v31, v24;
	_ =	sdelay $0x1  }
0x2d5: {  	v32 =	vmul.f32 v32, v33;
	_ =	sdelay $0x1  }
0x2d6: {  	[tilespmem:s2+$0x10] =	vst v32  }
0x2d7: {  	v32 =	vld [tilespmem:s18+$0x420];
	_ =	sdelay $0x2  }
0x2d8: {  	v33 =	vperm.xlane v31, v25;
	_ =	sdelay $0x1  }
0x2d9: {  	v32 =	vmul.f32 v32, v33;
	_ =	sdelay $0x1  }
0x2da: {  	[tilespmem:s2+$0x20] =	vst v32  }
0x2db: {  	v32 =	vld [tilespmem:s18+$0x430];
	_ =	sdelay $0x2  }
0x2dc: {  	v33 =	vperm.xlane v31, v26;
	_ =	sdelay $0x1  }
0x2dd: {  	v32 =	vmul.f32 v32, v33;
	_ =	sdelay $0x1  }
0x2de: {  	[tilespmem:s2+$0x30] =	vst v32  }
0x2df: {  	v32 =	vld [tilespmem:s18+$0x440];
	_ =	sdelay $0x2  }
0x2e0: {  	v33 =	vperm.xlane v31, v27;
	_ =	sdelay $0x1  }
0x2e1: {  	v32 =	vmul.f32 v32, v33;
	_ =	sdelay $0x1  }
0x2e2: {  	[tilespmem:s2+$0x40] =	vst v32  }
0x2e3: {  	v32 =	vld [tilespmem:s18+$0x450];
	_ =	sdelay $0x2  }
0x2e4: {  	v33 =	vperm.xlane v31, v28;
	_ =	sdelay $0x1  }
0x2e5: {  	v32 =	vmul.f32 v32, v33;
	_ =	sdelay $0x1  }
0x2e6: {  	[tilespmem:s2+$0x50] =	vst v32  }
0x2e7: {  	v32 =	vld [tilespmem:s18+$0x460];
	_ =	sdelay $0x2  }
0x2e8: {  	v33 =	vperm.xlane v31, v29;
	_ =	sdelay $0x1  }
0x2e9: {  	v32 =	vmul.f32 v32, v33;
	_ =	sdelay $0x1  }
0x2ea: {  	[tilespmem:s2+$0x60] =	vst v32  }
0x2eb: {  	v32 =	vld [tilespmem:s18+$0x470];
	_ =	sdelay $0x1  }
.Ltmp3:
0x2ec: {  	(pc) =	sbr.rel @p0 .LBB2_7-.Ltmp3, $3  }
0x2ed: {  	v31 =	vperm.xlane v31, v30;
	_ =	sdelay $0x1  }
0x2ee: {  	v31 =	vmul.f32 v32, v31  }
0x2ef: {  	s12 =	sadd.s32 $0x200, s12  }
0x2f0: {  	s4 =	sand.u32 $0x1800, s12;
	[tilespmem:s2+$0x70] =	vst v31;
	s11 =	sadd.s32 $0x10, s11  }
0x2f1: {  	s19 =	sand.u32 $0x300, s29;
	v31 =	vld [tilespmem:s11+$0x0];
	s4 =	sor.u32 $0x2300, s4  }
0x2f2: {  	s11 =	sadd.s32 s19, s4  }
0x2f3: {  	v32 =	vld [tilespmem:s11+$0x400];
	_ =	sdelay $0x2  }
0x2f4: {  	v33 =	vperm.xlane v31, v15;
	_ =	sdelay $0x1  }
0x2f5: {  	v32 =	vmul.f32 v32, v33  }
0x2f6: {  	s20 =	sadd.s32 $0x100, s2  }
0x2f7: {  	[tilespmem:s20+$0xFFFFFF80] =	vst v32  }
0x2f8: {  	v32 =	vld [tilespmem:s11+$0x410];
	_ =	sdelay $0x2  }
0x2f9: {  	v45 =	vperm.xlane v31, v16;
	_ =	sdelay $0x1  }
0x2fa: {  	v32 =	vmul.f32 v32, v45;
	_ =	sdelay $0x1  }
0x2fb: {  	[tilespmem:s20+$0xFFFFFF90] =	vst v32  }
0x2fc: {  	v32 =	vld [tilespmem:s11+$0x420];
	_ =	sdelay $0x2  }
0x2fd: {  	v46 =	vperm.xlane v31, v17;
	_ =	sdelay $0x1  }
0x2fe: {  	v32 =	vmul.f32 v32, v46;
	_ =	sdelay $0x1  }
0x2ff: {  	[tilespmem:s20+$0xFFFFFFA0] =	vst v32  }
0x300: {  	v32 =	vld [tilespmem:s11+$0x430];
	_ =	sdelay $0x2  }
0x301: {  	v47 =	vperm.xlane v31, v18;
	_ =	sdelay $0x1  }
0x302: {  	v32 =	vmul.f32 v32, v47;
	_ =	sdelay $0x1  }
0x303: {  	[tilespmem:s20+$0xFFFFFFB0] =	vst v32  }
0x304: {  	v32 =	vld [tilespmem:s11+$0x440];
	_ =	sdelay $0x2  }
0x305: {  	v48 =	vperm.xlane v31, v19;
	_ =	sdelay $0x1  }
0x306: {  	v32 =	vmul.f32 v32, v48;
	_ =	sdelay $0x1  }
0x307: {  	[tilespmem:s20+$0xFFFFFFC0] =	vst v32  }
0x308: {  	v32 =	vld [tilespmem:s11+$0x450];
	_ =	sdelay $0x2  }
0x309: {  	v49 =	vperm.xlane v31, v20;
	_ =	sdelay $0x1  }
0x30a: {  	v32 =	vmul.f32 v32, v49;
	_ =	sdelay $0x1  }
0x30b: {  	[tilespmem:s20+$0xFFFFFFD0] =	vst v32  }
0x30c: {  	v32 =	vld [tilespmem:s11+$0x460];
	_ =	sdelay $0x2  }
0x30d: {  	v50 =	vperm.xlane v31, v21;
	_ =	sdelay $0x1  }
0x30e: {  	v32 =	vmul.f32 v32, v50;
	_ =	sdelay $0x1  }
0x30f: {  	[tilespmem:s20+$0xFFFFFFE0] =	vst v32  }
0x310: {  	v32 =	vld [tilespmem:s11+$0x470];
	_ =	sdelay $0x2  }
0x311: {  	v51 =	vperm.xlane v31, v22;
	_ =	sdelay $0x1  }
0x312: {  	s24 =	sadd.s32 $0x80, s29;
	v32 =	vmul.f32 v32, v51  }
0x313: {  	s11 =	sand.u32 $0x380, s24  }
0x314: {  	s4 =	sadd.s32 s11, s4;
	[tilespmem:s20+$0xFFFFFFF0] =	vst v32  }
0x315: {  	v32 =	vld [tilespmem:s4+$0x400];
	_ =	sdelay $0x2  }
0x316: {  	v52 =	vperm.xlane v31, v23;
	_ =	sdelay $0x1  }
0x317: {  	v32 =	vmul.f32 v32, v52;
	_ =	sdelay $0x1  }
0x318: {  	[tilespmem:s20+$0x0] =	vst v32  }
0x319: {  	v32 =	vld [tilespmem:s4+$0x410];
	_ =	sdelay $0x2  }
0x31a: {  	v53 =	vperm.xlane v31, v24;
	_ =	sdelay $0x1  }
0x31b: {  	v32 =	vmul.f32 v32, v53;
	_ =	sdelay $0x1  }
0x31c: {  	[tilespmem:s20+$0x10] =	vst v32  }
0x31d: {  	v32 =	vld [tilespmem:s4+$0x420];
	_ =	sdelay $0x2  }
0x31e: {  	v54 =	vperm.xlane v31, v25;
	_ =	sdelay $0x1  }
0x31f: {  	v32 =	vmul.f32 v32, v54;
	_ =	sdelay $0x1  }
0x320: {  	[tilespmem:s20+$0x20] =	vst v32  }
0x321: {  	v32 =	vld [tilespmem:s4+$0x430];
	_ =	sdelay $0x2  }
0x322: {  	v55 =	vperm.xlane v31, v26;
	_ =	sdelay $0x1  }
0x323: {  	v32 =	vmul.f32 v32, v55;
	_ =	sdelay $0x1  }
0x324: {  	[tilespmem:s20+$0x30] =	vst v32  }
0x325: {  	v32 =	vld [tilespmem:s4+$0x440];
	_ =	sdelay $0x2  }
0x326: {  	v56 =	vperm.xlane v31, v27;
	_ =	sdelay $0x1  }
0x327: {  	v32 =	vmul.f32 v32, v56;
	_ =	sdelay $0x1  }
0x328: {  	[tilespmem:s20+$0x40] =	vst v32  }
0x329: {  	v32 =	vld [tilespmem:s4+$0x450];
	_ =	sdelay $0x2  }
0x32a: {  	v57 =	vperm.xlane v31, v28;
	_ =	sdelay $0x1  }
0x32b: {  	v32 =	vmul.f32 v32, v57;
	_ =	sdelay $0x1  }
0x32c: {  	[tilespmem:s20+$0x50] =	vst v32  }
0x32d: {  	v32 =	vld [tilespmem:s4+$0x460];
	_ =	sdelay $0x2  }
0x32e: {  	v58 =	vperm.xlane v31, v29;
	_ =	sdelay $0x1  }
0x32f: {  	v32 =	vmul.f32 v32, v58;
	_ =	sdelay $0x1  }
0x330: {  	[tilespmem:s20+$0x60] =	vst v32  }
0x331: {  	v32 =	vld [tilespmem:s4+$0x470];
	_ =	sdelay $0x2  }
0x332: {  	v31 =	vperm.xlane v31, v30;
	_ =	sdelay $0x1  }
0x333: {  	v31 =	vmul.f32 v32, v31;
	_ =	sdelay $0x1  }
0x334: {  	s1 =	simm.s32 $0x200;
	s25 =	simm.s32 $0x8300;
	[tilespmem:s20+$0x70] =	vst v31  }
0x335: {  	[spmem:s3] =	stream.indirect.scatter.add.f32 [tilespmem:s25], [sflag:$0x5], $0x80, s1, s0, $0xb8;
	[tilespmem:$0x1FB00] =	vst v63  }
0x336: {  	s29 =	simm.s32 $0xA900;
	s30 =	simm.s32 $0xA700  }
0x337: {  	[spmem:s5] =	stream.indirect.scatter.add.f32 [tilespmem:s30], [sflag:$0x5], $0x1, s29, s15, $0xb8;
	[tilespmem:$0x1FB00] =	vst v63  }
0x338: {  	s2 =	simm.s32 $0xA980;
	p0 =	seq.s32 s28, $0x0;
	s4 =	simm.s32 $0xA780  }
0x339: {  	[spmem:s5] =	stream.indirect.scatter.add.f32 [tilespmem:s4], [sflag:$0x5], $0x1, s2, s15, $0xb8;
	[tilespmem:$0x1FB00] =	vst v63  }
0x33a: {  	s2 =	simm.s32 @!p0 $0x6  }
0x33b: {  	_ =	swait.ge @!p0 [sflag:s2], $0x1000  }
0x33c: {  	[sflag:s2] =	ssyncset.done @!p0 $0x0  }
0x33d: {  	[sflag:s2] =	ssyncadd.s32 @!p0 $0xFFFFF000  }
0x33e: {  	_ =	swait.ge @!p0 [sflag:s2], $0x80  }
0x33f: {  	[sflag:s2] =	ssyncset.done @!p0 $0x0  }
0x340: {  	[sflag:s2] =	ssyncadd.s32 @!p0 $0xFFFFFF80  }
0x341: {  	_ =	swait.ge @!p0 [sflag:s2], $0x80  }
0x342: {  	[sflag:s2] =	ssyncset.done @!p0 $0x0  }
0x343: {  	[sflag:s2] =	ssyncadd.s32 @!p0 $0xFFFFFF80  }
0x344: {  	_ =	swait.ge [sflag:s13], $0x20  }
0x345: {  	[sflag:s13] =	ssyncset.done $0x0  }
0x346: {  	[sflag:s13] =	ssyncadd.s32 $0xFFFFFFE0  }
0x347: {  	_ =	swait.ge [sflag:s13], $0x20  }
0x348: {  	[sflag:s13] =	ssyncset.done $0x0  }
0x349: {  	[sflag:s13] =	ssyncadd.s32 $0xFFFFFFE0  }
0x34a: {  	s12 =	simm.s32 $0x1300;
	s11 =	rddreg [dreg:$0x0]  }
0x34b: {  	[tilespmem:s12], [sflag:$0x4] =	stream.indirect.gather [hbm4b:s11+s0], $0x80, s16, s0, $0xb8;
	[tilespmem:$0x1FB00] =	vst v63  }
0x34c: {  	v31 =	vld [tilespmem:$0x80];
	_ =	sdelay $0x4  }
0x34d: {  	v59 =	vshll.u32 v31, $0x1  }
0x34e: {  	v31 =	vand.u32 $0x7, v31;
	v32 =	vand.u32 $0xFFFFFFF0, v59  }
0x34f: {  	v31 =	vor.u32 v31, v32  }
0x350: {  	v32 =	vperm.xlane v31, v1  }
0x351: {  	v60 =	vld [tilespmem:$0x1FFD0]  }
0x352: {  	v31 =	vperm.xlane v31, v3;
	v32 =	vadd.s32 v2, v32;
	_ =	sdelay $0x1  }
0x353: {  	v31 =	vadd.s32 v2, v31;
	_ =	sdelay $0x1  }
0x354: {  	s18 =	simm.s32 $0x4300;
	vm2 =	vnez.u8 v60  }
0x355: {  	[tilespmem:s18], [sflag:$0x4] =	stream.indirect_vreg.gather [hbm4b:s7+s6], $0x80, v32, vm2, $0xb8;
	[tilespmem:$0x1FB00] =	vst v63  }
0x356: {  	s19 =	simm.s32 $0x4B00  }
0x357: {  	[tilespmem:s19], [sflag:$0x4] =	stream.indirect_vreg.gather [hbm4b:s7+s6], $0x80, v31, vm2, $0xb8;
	[tilespmem:$0x1FB00] =	vst v63  }
0x358: {  	v31 =	vld [tilespmem:$0x90];
	_ =	sdelay $0x4  }
0x359: {  	v61 =	vshll.u32 v31, $0x1  }
0x35a: {  	v31 =	vand.u32 $0x7, v31;
	v32 =	vand.u32 $0xFFFFFFF0, v61  }
0x35b: {  	v31 =	vor.u32 v31, v32  }
0x35c: {  	v32 =	vperm.xlane v31, v1;
	_ =	sdelay $0x1  }
0x35d: {  	v31 =	vperm.xlane v31, v3;
	v32 =	vadd.s32 v2, v32;
	_ =	sdelay $0x1  }
0x35e: {  	v31 =	vadd.s32 v2, v31  }
0x35f: {  	s4 =	sshll.u32 s28, $0x6  }
0x360: {  	s20 =	simm.s32 $0x5300;
	s25 =	sadd.s32 s4, s21  }
0x361: {  	[tilespmem:s20], [sflag:$0x4] =	stream.indirect_vreg.gather [hbm4b:s7+s6], $0x80, v32, vm2, $0xb8;
	[tilespmem:$0x1FB00] =	vst v63  }
0x362: {  	s24 =	simm.s32 $0x5B00;
	s2 =	sshll.u32 s25, $0x4  }
0x363: {  	[tilespmem:s24], [sflag:$0x4] =	stream.indirect_vreg.gather [hbm4b:s7+s6], $0x80, v31, vm2, $0xb8;
	[tilespmem:$0x1FB00] =	vst v63  }
0x364: {  	s29 =	simm.s32 $0x7300;
	p0 =	seq.s32 s28, $0x9C;
	s2 =	sadd.s32 s8, s2  }
0x365: {  	[tilespmem:s29], [sflag:$0x4] =	stream.linear.gather [hbm4b:s2+s6], $0x1000, $0x38;
	[tilespmem:$0x1FB00] =	vst v63  }
0x366: {  	s2 =	sadd.s32 @!p0 s4, s22  }
0x367: {  	s2 =	sshrl.u32 @!p0 s2, $0x3  }
0x368: {  	s12 =	simm.s32 @!p0 $0x0;
	s11 =	sadd.s32 @!p0 s9, s2  }
0x369: {  	[tilespmem:s12], [sflag:$0x1] =	stream.linear.gather @!p0 [hbm4b:s11+s12], $0x20, $0x38;
	[tilespmem:$0x1FB00] =	vst v63  }
0x36a: {  	s2 =	sadd.s32 @!p0 s10, s2;
	s11 =	simm.s32 @!p0 $0x100  }
0x36b: {  	[tilespmem:s11], [sflag:$0x1] =	stream.linear.gather @!p0 [hbm4b:s2+s12], $0x20, $0x38;
	[tilespmem:$0x1FB00] =	vst v63  }
0x36c: {  	_ =	swait.ge [sflag:s14], $0x1000  }
0x36d: {  	[sflag:s14] =	ssyncset.done $0x0  }
0x36e: {  	[sflag:s14] =	ssyncadd.s32 $0xFFFFF000  }
0x36f: {  	_ =	swait.ge [sflag:s14], $0x2000  }
0x370: {  	[sflag:s14] =	ssyncset.done $0x0  }
0x371: {  	[sflag:s14] =	ssyncadd.s32 $0xFFFFE000  }
0x372: {  	_ =	swait.ge [sflag:s14], $0x1000  }
0x373: {  	[sflag:s14] =	ssyncset.done $0x0  }
0x374: {  	[sflag:s14] =	ssyncadd.s32 $0xFFFFF000  }
0x375: {  	v31 =	vld [tilespmem:$0x180];
	_ =	sdelay $0x1  }
0x376: {  	v62 =	vld [tilespmem:$0x180]  }
0x377: {  	s30 =	simm.s32 $0x0;
	v63 =	vld [tilespmem:$0x190]  }
0x378: {  	v34 =	vor.u32 s30, v0  }
0x379: {  	v31 =	vperm.xlane v31, v34;
	_ =	sdelay $0x1  }
0x37a: {  	[tilespmem:$0x280] =	vst v62;
	v31 =	vshll.u32 v31, $0x3  }
0x37b: {  	s2 =	simm.s32 $0xAA00;
	[tilespmem:$0x290] =	vst v63;
	v31 =	vor.u32 v1, v31  }
0x37c: {  	[tilespmem:s2+$0x0] =	vst v31  }
0x37d: {  	s11 =	simm.s32 $0x2;
	s12 =	simm.s32 $0x4;
	v31 =	vld [tilespmem:$0x180]  }
.LBB2_9:
0x37e: {  	p1 =	sne.s32 s12, $0xE;
	_ =	sdelay $0x2  }
0x37f: {  	v32 =	vor.u32 s11, v0;
	s11 =	smov.u32 s12  }
0x380: {  	v31 =	vperm.xlane v31, v32  }
.Ltmp4:
0x381: {  	(pc) =	sbr.rel @p1 .LBB2_9-.Ltmp4, $4  }
0x382: {  	v31 =	vshll.u32 v31, $0x3  }
0x383: {  	s2 =	sadd.s32 $0x10, s2;
	v31 =	vor.u32 v1, v31  }
0x384: {  	[tilespmem:s2+$0x0] =	vst v31  }
0x385: {  	s12 =	sadd.s32 $0x2, s12;
	v31 =	vld [tilespmem:$0x180]  }
0x386: {  	_ =	sdelay $0x2  }
0x387: {  	v32 =	vor.u32 s11, v0  }
0x388: {  	v31 =	vperm.xlane v31, v32;
	_ =	sdelay $0x1  }
0x389: {  	v31 =	vshll.u32 v31, $0x3  }
0x38a: {  	s2 =	sadd.s32 $0x10, s2;
	v31 =	vor.u32 v1, v31  }
0x38b: {  	[tilespmem:s2+$0x0] =	vst v31  }
0x38c: {  	v31 =	vld [tilespmem:$0x190]  }
0x38d: {  	v52 =	vld [tilespmem:$0x190]  }
0x38e: {  	v33 =	vld [tilespmem:$0x190]  }
0x38f: {  	v34 =	vld [tilespmem:$0x190]  }
0x390: {  	v35 =	vld [tilespmem:$0x190]  }
0x391: {  	v36 =	vld [tilespmem:$0x190];
	v31 =	vperm.xlane v31, v0  }
0x392: {  	v37 =	vld [tilespmem:$0x190];
	v32 =	vperm.xlane v52, v4  }
0x393: {  	v38 =	vld [tilespmem:$0x190];
	v33 =	vperm.xlane v33, v5;
	v31 =	vshll.u32 v31, $0x3  }
0x394: {  	v34 =	vperm.xlane v34, v6;
	v32 =	vshll.u32 v32, $0x3;
	v31 =	vor.u32 v1, v31  }
0x395: {  	v54 =	vperm.xlane v35, v7;
	v53 =	vshll.u32 v33, $0x3;
	[tilespmem:$0xAA80] =	vst v31;
	v31 =	vor.u32 v1, v32  }
0x396: {  	v56 =	vperm.xlane v36, v8;
	v55 =	vshll.u32 v34, $0x3;
	[tilespmem:$0xAA90] =	vst v31;
	v31 =	vor.u32 v1, v53  }
0x397: {  	v58 =	vperm.xlane v37, v9;
	v57 =	vshll.u32 v54, $0x3;
	[tilespmem:$0xAAA0] =	vst v31;
	v31 =	vor.u32 v1, v55  }
0x398: {  	v60 =	vperm.xlane v38, v10;
	v59 =	vshll.u32 v56, $0x3;
	[tilespmem:$0xAAB0] =	vst v31;
	v31 =	vor.u32 v1, v57  }
0x399: {  	v61 =	vshll.u32 v58, $0x3;
	[tilespmem:$0xAAC0] =	vst v31;
	v31 =	vor.u32 v1, v59  }
0x39a: {  	v62 =	vshll.u32 v60, $0x3;
	[tilespmem:$0xAAD0] =	vst v31;
	v31 =	vor.u32 v1, v61  }
0x39b: {  	s29 =	simm.s32 $0x0;
	[tilespmem:$0xAAE0] =	vst v31;
	v31 =	vor.u32 v1, v62  }
0x39c: {  	s1 =	simm.s32 $0x7380;
	s12 =	simm.s32 $0x80;
	s18 =	sand.u32 $0x1800, s29;
	[tilespmem:$0xAAF0] =	vst v31  }
0x39d: {  	s12 =	sand.u32 $0x380, s12;
	s2 =	sor.u32 $0x4300, s18;
	v31 =	vld [tilespmem:s1+$0x70]  }
0x39e: {  	s18 =	sadd.s32 s12, s2;
	v32 =	vld [tilespmem:s1+$0x60]  }
0x39f: {  	s19 =	simm.s32 $0x1380;
	v33 =	vld [tilespmem:s18+$0x70]  }
0x3a0: {  	v63 =	vld [tilespmem:s19+$0x70]  }
0x3a1: {  	v35 =	vld [tilespmem:s1+$0x50]  }
0x3a2: {  	v60 =	vld [tilespmem:s18+$0x60]  }
0x3a3: {  	v61 =	vld [tilespmem:s19+$0x60]  }
0x3a4: {  	v62 =	vld [tilespmem:s1+$0x40]  }
0x3a5: {  	v39 =	vld [tilespmem:s18+$0x50]  }
0x3a6: {  	v40 =	vld [tilespmem:s19+$0x50]  }
0x3a7: {  	v41 =	vld [tilespmem:s1+$0x30]  }
0x3a8: {  	v42 =	vld [tilespmem:s18+$0x40]  }
0x3a9: {  	v43 =	vld [tilespmem:s19+$0x40]  }
0x3aa: {  	v44 =	vld [tilespmem:s1+$0x20]  }
0x3ab: {  	v45 =	vld [tilespmem:s18+$0x30]  }
0x3ac: {  	v46 =	vld [tilespmem:s19+$0x30]  }
0x3ad: {  	v47 =	vld [tilespmem:s1+$0x10]  }
0x3ae: {  	v48 =	vld [tilespmem:s18+$0x20]  }
0x3af: {  	v49 =	vld [tilespmem:s19+$0x20]  }
0x3b0: {  	v50 =	vld [tilespmem:s1+$0x0]  }
0x3b1: {  	v51 =	vld [tilespmem:s18+$0x10]  }
0x3b2: {  	v52 =	vld [tilespmem:s19+$0x10]  }
0x3b3: {  	v53 =	vld [tilespmem:s1+$0xFFFFFFF0]  }
0x3b4: {  	v54 =	vld [tilespmem:s18+$0x0]  }
0x3b5: {  	v55 =	vld [tilespmem:s19+$0x0]  }
0x3b6: {  	s20 =	sand.u32 $0x300, s29;
	v56 =	vld [tilespmem:s1+$0xFFFFFFE0];
	v33 =	vadd.f32 v33, v63  }
0x3b7: {  	s18 =	sadd.s32 s20, s2;
	v57 =	vld [tilespmem:s19+$0xFFFFFFF0];
	v36 =	vadd.f32 v60, v61;
	v63 =	vadd.f32 v39, v40  }
0x3b8: {  	v37 =	vld [tilespmem:s18+$0x60];
	v60 =	vadd.f32 v42, v43;
	v61 =	vadd.f32 v45, v46  }
0x3b9: {  	v39 =	vld [tilespmem:s19+$0xFFFFFFE0];
	v51 =	vadd.f32 v51, v52;
	v31 =	vadd.f32 v31, v33  }
0x3ba: {  	v58 =	vld [tilespmem:s1+$0xFFFFFFD0];
	v32 =	vadd.f32 v32, v36;
	v33 =	vadd.f32 v35, v63  }
0x3bb: {  	vm7 =	vcmask $0xB10;
	v34 =	vld [tilespmem:s18+$0x70];
	v38 =	vadd.f32 v62, v60;
	v35 =	vadd.f32 v41, v61  }
0x3bc: {  	v45 =	vld [tilespmem:s19+$0xFFFFFFD0];
	v47 =	vadd.f32 v47, v51;
	v59 =	vmul.f32 $9.999999770e-03, v31;
	vm2 =	vge.f32 v31, $0.0e+00  }
0x3bd: {  	v36 =	vld [tilespmem:s18+$0x50];
	vm3 =	vge.f32 v32, $0.0e+00;
	v62 =	vmul.f32 $9.999999770e-03, v33;
	v63 =	vmul.f32 $9.999999770e-03, v32  }
0x3be: {  	v42 =	vld [tilespmem:s1+$0xFFFFFFC0];
	v60 =	vmul.f32 $9.999999770e-03, v35;
	v61 =	vmul.f32 $9.999999770e-03, v38;
	v37 =	vadd.f32 v37, v39  }
0x3bf: {  	v43 =	vld [tilespmem:s18+$0x40];
	v31 =	vsel vm2, v31, v59;
	v59 =	vadd.f32 v48, v49;
	vm2 =	vge.f32 v33, $0.0e+00  }
0x3c0: {  	v41 =	vld [tilespmem:s1+$0xFFFFFFB0];
	v32 =	vsel vm3, v32, v63;
	vm3 =	vge.f32 v35, $0.0e+00;
	v40 =	vsel vm2, v33, v62  }
0x3c1: {  	v48 =	vld [tilespmem:s19+$0xFFFFFFC0];
	v62 =	vadd.f32 v54, v55;
	v33 =	vsel vm3, v35, v60;
	v60 =	vadd.f32 v34, v57  }
0x3c2: {  	v51 =	vmul.f32 $9.999999770e-03, v47;
	v36 =	vadd.f32 v36, v45;
	v54 =	vld [tilespmem:$0xA600];
	v44 =	vadd.f32 v44, v59  }
0x3c3: {  	v49 =	vld [tilespmem:s19+$0xFFFFFFB0];
	vm2 =	vge.f32 v38, $0.0e+00;
	v59 =	vadd.f32 v50, v62;
	v62 =	vadd.f32 v56, v37  }
0x3c4: {  	v55 =	vld [tilespmem:$0xA380];
	v46 =	vsel vm2, v38, v61;
	v39 =	vadd.f32 v53, v60;
	v36 =	vadd.f32 v58, v36  }
0x3c5: {  	v38 =	vld [tilespmem:s18+$0x30];
	v63 =	vmul.f32 $9.999999770e-03, v44;
	vm2 =	vge.f32 v44, $0.0e+00;
	v50 =	vmul.f32 $9.999999770e-03, v59  }
0x3c6: {  	v53 =	vld [tilespmem:$0xA680];
	vm3 =	vge.f32 v59, $0.0e+00;
	v43 =	vadd.f32 v43, v48;
	v57 =	vmul.f32 $9.999999770e-03, v62  }
0x3c7: {  	v61 =	vld [tilespmem:s18+$0x20];
	v34 =	vsel vm2, v44, v63;
	vm2 =	vge.f32 v47, $0.0e+00;
	v32 =	vmul.f32 v32, v54  }
0x3c8: {  	v63 =	vld [tilespmem:s19+$0xFFFFFFA0];
	v37 =	vsel vm3, v59, v50;
	v35 =	vsel vm2, v47, v51;
	v59 =	vmul.f32 $9.999999770e-03, v39  }
0x3c9: {  	v50 =	vld [tilespmem:s18+$0x10];
	vm2 =	vge.f32 v62, $0.0e+00;
	vm3 =	vge.f32 v39, $0.0e+00;
	v42 =	vadd.f32 v42, v43  }
0x3ca: {  	v51 =	vld [tilespmem:s19+$0xFFFFFF90];
	v38 =	vadd.f32 v38, v49;
	v43 =	vsel vm2, v62, v57;
	vm2 =	vge.f32 v36, $0.0e+00  }
0x3cb: {  	v49 =	vld [tilespmem:$0xA500];
	v31 =	vmul.f32 v31, v53;
	v35 =	vmul.f32 v35, v55;
	v39 =	vsel vm3, v39, v59  }
0x3cc: {  	v52 =	vld [tilespmem:s1+$0xFFFFFFA0];
	v60 =	vmul.f32 $9.999999770e-03, v42;
	v38 =	vadd.f32 v41, v38;
	v59 =	vmul.f32 v43, v54  }
0x3cd: {  	v45 =	vld [tilespmem:s1+$0xFFFFFF90];
	vm3 =	vge.f32 v42, $0.0e+00;
	v54 =	vperm.xlane v32, v11;
	v39 =	vmul.f32 v39, v53  }
0x3ce: {  	v41 =	vld [tilespmem:$0xA580];
	v44 =	vadd.f32 v61, v63;
	v61 =	vmul.f32 $9.999999770e-03, v36;
	v42 =	vsel vm3, v42, v60  }
0x3cf: {  	v47 =	vld [tilespmem:s18+$0x0];
	v57 =	vmul.f32 $9.999999770e-03, v38;
	v32 =	vadd.f32 v32, v54;
	v62 =	vperm.xlane v39, v11  }
0x3d0: {  	v53 =	vld [tilespmem:$0xA480];
	v50 =	vadd.f32 v50, v51;
	v42 =	vmul.f32 v42, v49;
	v46 =	vmul.f32 v46, v49  }
0x3d1: {  	v63 =	vld [tilespmem:s19+$0xFFFFFF80];
	v44 =	vadd.f32 v52, v44;
	v36 =	vsel vm2, v36, v61;
	vm2 =	vge.f32 v38, $0.0e+00  }
0x3d2: {  	v61 =	vperm.xlane v31, v11;
	v54 =	vperm.xlane v32, v12;
	v39 =	vadd.f32 v39, v62  }
0x3d3: {  	v48 =	vsel vm2, v38, v57;
	v36 =	vmul.f32 v36, v41;
	v62 =	vperm.xlane v59, v11  }
0x3d4: {  	v58 =	vld [tilespmem:s1+$0xFFFFFF80];
	v45 =	vadd.f32 v45, v50;
	v40 =	vmul.f32 v40, v41;
	v51 =	vmul.f32 $9.999999770e-03, v44  }
0x3d5: {  	v31 =	vadd.f32 v31, v61;
	vm2 =	vge.f32 v44, $0.0e+00;
	v33 =	vmul.f32 v33, v53  }
0x3d6: {  	v60 =	vperm.xlane v39, v12;
	v47 =	vadd.f32 v47, v63;
	v43 =	vmul.f32 $9.999999770e-03, v45  }
0x3d7: {  	v63 =	vperm.xlane v36, v11;
	v38 =	vadd.f32 v59, v62;
	v62 =	vperm.xlane v40, v11  }
0x3d8: {  	v50 =	vperm.xlane v31, v12;
	v44 =	vsel vm2, v44, v51;
	v39 =	vadd.f32 v39, v60  }
0x3d9: {  	v47 =	vadd.f32 v58, v47;
	v36 =	vadd.f32 v36, v63;
	v57 =	vperm.xlane v38, v12  }
0x3da: {  	v40 =	vadd.f32 v40, v62;
	v31 =	vadd.f32 v31, v50;
	v56 =	vperm.xlane v39, v13  }
0x3db: {  	v52 =	vmul.f32 $9.999999770e-03, v47;
	v58 =	vperm.xlane v36, v12;
	v38 =	vadd.f32 v38, v57  }
0x3dc: {  	v50 =	vld [tilespmem:$0xA300];
	v57 =	vadd.f32 v32, v54;
	vm3 =	vge.f32 v47, $0.0e+00;
	v60 =	vperm.xlane v31, v13  }
0x3dd: {  	v39 =	vadd.f32 v39, v56;
	v36 =	vadd.f32 v36, v58;
	v61 =	vperm.xlane v38, v13  }
0x3de: {  	v54 =	vperm.xlane v57, v13;
	v47 =	vsel vm3, v47, v52;
	vm3 =	vge.f32 v45, $0.0e+00  }
0x3df: {  	v52 =	vld [tilespmem:$0xA400];
	v56 =	vperm.xlane v46, v11;
	v31 =	vadd.f32 v31, v60;
	v43 =	vsel vm3, v45, v43  }
0x3e0: {  	v59 =	vperm.xlane v39, v14;
	v63 =	vperm.xlane v36, v13;
	v38 =	vadd.f32 v38, v61  }
0x3e1: {  	v43 =	vmul.f32 v43, v55;
	v46 =	vadd.f32 v46, v56;
	v37 =	vmul.f32 v37, v50  }
0x3e2: {  	v32 =	vperm.xlane v31, v14;
	v39 =	vadd.f32 v39, v59;
	v58 =	vperm.xlane v38, v14  }
0x3e3: {  	v36 =	vadd.f32 v36, v63;
	v59 =	vperm.xlane v40, v12;
	v63 =	vperm.xlane v42, v11  }
0x3e4: {  	vm8 =	vcmask $0xF14;
	v56 =	vperm.xlane v46, v12;
	v44 =	vmul.f32 v44, v52  }
0x3e5: {  	vm11 =	vcmask $0x1B20;
	v34 =	vmul.f32 v34, v52;
	v60 =	vperm.xlane v36, v14  }
0x3e6: {  	v39 =	vmin.f32 v39, $6.000000000e+01;
	v38 =	vadd.f32 v38, v58;
	v40 =	vadd.f32 v40, v59  }
0x3e7: {  	v42 =	vadd.f32 v42, v63;
	v39 =	vmul.f32 $1.442695020e+00, v39;
	v41 =	vadd.f32 v36, v60  }
0x3e8: {  	v36 =	vadd.f32 v57, v54;
	v61 =	vperm.xlane v40, v13;
	v54 =	vmul.f32 v47, v50  }
0x3e9: {  	v38 =	vmin.f32 v38, $6.000000000e+01;
	v57 =	vmul.f32 v48, v53;
	v58 =	vperm.xlane v42, v12  }
0x3ea: {  	(erf) = vpow2.f32 v39;
	v62 =	vmul.f32 $1.442695020e+00, v38;
	v41 =	vmin.f32 v41, $6.000000000e+01  }
0x3eb: {  	v46 =	vadd.f32 v46, v56;
	v59 =	vperm.xlane v54, v11;
	v41 =	vmul.f32 $1.442695020e+00, v41  }
0x3ec: {  	v39 =	vadd.f32 v40, v61;
	v60 =	vperm.xlane v57, v11;
	(erf) = vpow2.f32 v62  }
0x3ed: {  	v61 =	vperm.xlane v43, v11;
	(erf) = vpow2.f32 v41;
	v41 =	vadd.f32 v54, v59  }
0x3ee: {  	v56 =	vperm.xlane v33, v11;
	v42 =	vadd.f32 v42, v58;
	v62 =	vperm.xlane v44, v11  }
0x3ef: {  	v45 =	vadd.f32 v57, v60;
	v43 =	vadd.f32 v43, v61;
	v54 =	vperm.xlane v41, v12  }
0x3f0: {  	v49 =	vperm.xlane v46, v13;
	v63 =	vperm.xlane v42, v13;
	v44 =	vadd.f32 v44, v62  }
0x3f1: {  	v57 =	vperm.xlane v45, v12;
	v58 =	vperm.xlane v43, v12;
	v41 =	vadd.f32 v41, v54  }
0x3f2: {  	v38 =	vperm.xlane v36, v14;
	v42 =	vadd.f32 v42, v63;
	v59 =	vperm.xlane v44, v12  }
0x3f3: {  	v45 =	vadd.f32 v45, v57;
	v43 =	vadd.f32 v43, v58;
	v51 =	vperm.xlane v41, v13  }
0x3f4: {  	v40 =	vperm.xlane v39, v14;
	v60 =	vperm.xlane v42, v14;
	v44 =	vadd.f32 v44, v59  }
0x3f5: {  	v61 =	vperm.xlane v45, v13;
	v62 =	vperm.xlane v43, v13;
	v41 =	vadd.f32 v41, v51  }
0x3f6: {  	v42 =	vadd.f32 v42, v60;
	v60 =	vperm.xlane v37, v11;
	v63 =	vperm.xlane v44, v13  }
0x3f7: {  	v45 =	vadd.f32 v45, v61;
	v43 =	vadd.f32 v43, v62;
	v54 =	vperm.xlane v41, v14  }
0x3f8: {  	v42 =	vmin.f32 v42, $6.000000000e+01;
	v61 =	vperm.xlane v34, v11;
	v62 =	vperm.xlane v35, v11  }
0x3f9: {  	v44 =	vadd.f32 v44, v63;
	v58 =	vperm.xlane v43, v14;
	v41 =	vadd.f32 v41, v54  }
0x3fa: {  	v37 =	vadd.f32 v37, v60;
	v55 =	vmul.f32 $1.442695020e+00, v42;
	v57 =	vperm.xlane v45, v14  }
0x3fb: {  	v59 =	vperm.xlane v44, v14;
	v43 =	vadd.f32 v43, v58;
	v41 =	vmin.f32 v41, $6.000000000e+01  }
0x3fc: {  	vm12 =	vcmask $0x1F24;
	v51 =	vperm.xlane v37, v12;
	v41 =	vmul.f32 $1.442695020e+00, v41  }
0x3fd: {  	v35 =	vadd.f32 v35, v62;
	v44 =	vadd.f32 v44, v59;
	v43 =	vmin.f32 v43, $6.000000000e+01  }
0x3fe: {  	v34 =	vadd.f32 v34, v61;
	v43 =	vmul.f32 $1.442695020e+00, v43;
	(erf) = vpow2.f32 v41  }
0x3ff: {  	v45 =	vadd.f32 v45, v57;
	v53 =	vperm.xlane v35, v12;
	v63 =	vmin.f32 v44, $6.000000000e+01  }
0x400: {  	v46 =	vadd.f32 v46, v49;
	v41 =	vmul.f32 $1.442695020e+00, v63;
	(erf) = vpow2.f32 v43  }
0x401: {  	v37 =	vadd.f32 v37, v51;
	v54 =	vperm.xlane v34, v12;
	v45 =	vmin.f32 v45, $6.000000000e+01  }
0x402: {  	v35 =	vadd.f32 v35, v53;
	v52 =	vmul.f32 $1.442695020e+00, v45;
	v63 =	vld [tilespmem:$0x1FFF0];
	(erf) = vpow2.f32 v41  }
0x403: {  	v33 =	vadd.f32 v33, v56;
	v61 =	vperm.xlane v46, v14;
	v56 =	vperm.xlane v37, v13  }
0x404: {  	v34 =	vadd.f32 v34, v54;
	v58 =	vperm.xlane v35, v13;
	v44 =	vpop (erf);
	(erf) = vpow2.f32 v52  }
0x405: {  	v57 =	vperm.xlane v33, v12;
	v61 =	vadd.f32 v46, v61;
	v37 =	vadd.f32 v37, v56;
	v43 =	vpop (erf)  }
0x406: {  	v59 =	vperm.xlane v34, v13;
	v35 =	vadd.f32 v35, v58;
	v47 =	vpop (erf);
	(erf) = vpow2.f32 v55  }
0x407: {  	v33 =	vadd.f32 v33, v57;
	v60 =	vperm.xlane v37, v14;
	vm0 =	vnez.u8 v63;
	v62 =	vpop (erf)  }
0x408: {  	v34 =	vadd.f32 v34, v59;
	v53 =	vperm.xlane v35, v14;
	v45 =	vnsel vm0, $0x0, v62  }
0x409: {  	v37 =	vadd.f32 v37, v60;
	v52 =	vperm.xlane v33, v13;
	v54 =	vpop (erf);
	v45 =	vadd.f32 $0.0e+00, v45  }
0x40a: {  	v55 =	vperm.xlane v34, v14;
	v35 =	vadd.f32 v35, v53;
	v49 =	vsel vm4, $0x0, v54  }
0x40b: {  	v37 =	vmin.f32 v37, $6.000000000e+01;
	v33 =	vadd.f32 v33, v52;
	v56 =	vpop (erf);
	v45 =	vadd.f32 v49, v45  }
0x40c: {  	v37 =	vmul.f32 $1.442695020e+00, v37;
	v35 =	vmin.f32 v35, $6.000000000e+01;
	v41 =	vsel vm6, $0x0, v56  }
0x40d: {  	v34 =	vadd.f32 v34, v55;
	v48 =	vperm.xlane v33, v14;
	v57 =	vpop (erf);
	v41 =	vadd.f32 v41, v45  }
0x40e: {  	v35 =	vmul.f32 $1.442695020e+00, v35;
	(erf) = vpow2.f32 v37;
	v45 =	vsel vm7, $0x0, v57  }
0x40f: {  	v34 =	vmin.f32 v34, $6.000000000e+01;
	v33 =	vadd.f32 v33, v48;
	v59 =	vpop (erf);
	v58 =	vadd.f32 v45, v41  }
0x410: {  	v34 =	vmul.f32 $1.442695020e+00, v34;
	(erf) = vpow2.f32 v35;
	v41 =	vsel vm8, $0x0, v59  }
0x411: {  	v33 =	vmin.f32 v33, $6.000000000e+01;
	vm7 =	vcmask $0x1318;
	v60 =	vadd.f32 v41, v58  }
0x412: {  	v33 =	vmul.f32 $1.442695020e+00, v33;
	(erf) = vpow2.f32 v34;
	v62 =	vsel vm7, $0x0, v47  }
0x413: {  	v42 =	vmin.f32 v61, $6.000000000e+01;
	v45 =	vadd.f32 v39, v40;
	v63 =	vadd.f32 v62, v60  }
0x414: {  	v46 =	vsel vm1, $0x0, v43;
	v35 =	vmul.f32 $1.442695020e+00, v42;
	(erf) = vpow2.f32 v33  }
0x415: {  	v36 =	vadd.f32 v36, v38;
	v48 =	vmin.f32 v45, $6.000000000e+01;
	v47 =	vadd.f32 v46, v63  }
0x416: {  	v49 =	vsel vm11, $0x0, v44;
	(erf) = vpow2.f32 v35;
	v34 =	vmul.f32 $1.442695020e+00, v48  }
0x417: {  	v31 =	vadd.f32 v31, v32;
	v50 =	vmin.f32 v36, $6.000000000e+01;
	v51 =	vpop (erf);
	v33 =	vadd.f32 v49, v47  }
0x418: {  	v35 =	vmul.f32 $1.442695020e+00, v50;
	v32 =	vsel vm12, $0x0, v51;
	(erf) = vpow2.f32 v34  }
0x419: {  	vm13 =	vcmask $0x2328;
	v31 =	vmin.f32 v31, $6.000000000e+01;
	v52 =	vpop (erf);
	v32 =	vadd.f32 v32, v33  }
0x41a: {  	v31 =	vmul.f32 $1.442695020e+00, v31;
	(erf) = vpow2.f32 v35;
	v33 =	vsel vm13, $0x0, v52  }
0x41b: {  	vm14 =	vcmask $0x272C;
	v53 =	vpop (erf);
	v32 =	vadd.f32 v33, v32  }
0x41c: {  	(erf) = vpow2.f32 v31;
	v33 =	vsel vm14, $0x0, v53  }
0x41d: {  	vm15 =	vcmask $0x2B30;
	v54 =	vpop (erf);
	v31 =	vadd.f32 v33, v32  }
0x41e: {  	v32 =	vsel vm15, $0x0, v54  }
0x41f: {  	vm1 =	vcmask $0x2F34;
	v55 =	vpop (erf);
	v31 =	vadd.f32 v32, v31  }
0x420: {  	v59 =	vld [tilespmem:$0x1FFE0];
	v32 =	vsel vm1, $0x0, v55  }
0x421: {  	vm9 =	vcmask $0x3338;
	v56 =	vpop (erf);
	v31 =	vadd.f32 v32, v31  }
0x422: {  	v32 =	vsel vm9, $0x0, v56  }
0x423: {  	vm10 =	vmmov vm6;
	vm6 =	vcmask $0x373C;
	v57 =	vpop (erf);
	v31 =	vadd.f32 v32, v31  }
0x424: {  	v32 =	vsel vm6, $0x0, v57  }
0x425: {  	vm7 =	vnez.u8 v59;
	v58 =	vpop (erf);
	v31 =	vadd.f32 v32, v31  }
0x426: {  	v32 =	vsel vm7, $0x0, v58  }
0x427: {  	v31 =	vadd.f32 v32, v31  }
0x428: {  	s12 =	simm.s32 $0xA800;
	s18 =	simm.s32 $0x200  }
0x429: {  	s20 =	simm.s32 $0x180;
	s24 =	sand.u32 $0x1800, s18;
	s19 =	simm.s32 $0x7480;
	[tilespmem:s12+$0x0] =	vst v31  }
0x42a: {  	s25 =	sand.u32 $0x380, s20;
	s24 =	sor.u32 $0x4300, s24;
	v31 =	vld [tilespmem:s19+$0x70]  }
0x42b: {  	s25 =	sadd.s32 s25, s24;
	v32 =	vld [tilespmem:s19+$0x60]  }
0x42c: {  	s20 =	simm.s32 $0x1480;
	v33 =	vld [tilespmem:s25+$0x70]  }
0x42d: {  	v34 =	vld [tilespmem:s20+$0x70]  }
0x42e: {  	v35 =	vld [tilespmem:s19+$0x50]  }
0x42f: {  	v36 =	vld [tilespmem:s25+$0x60]  }
0x430: {  	v37 =	vld [tilespmem:s20+$0x60]  }
0x431: {  	v38 =	vld [tilespmem:s19+$0x40]  }
0x432: {  	v39 =	vld [tilespmem:s25+$0x50]  }
0x433: {  	v40 =	vld [tilespmem:s20+$0x50]  }
0x434: {  	v41 =	vld [tilespmem:s19+$0x30]  }
0x435: {  	v42 =	vld [tilespmem:s25+$0x40]  }
0x436: {  	v60 =	vld [tilespmem:s20+$0x40]  }
0x437: {  	v44 =	vld [tilespmem:s19+$0x20]  }
0x438: {  	v61 =	vld [tilespmem:s25+$0x30]  }
0x439: {  	v62 =	vld [tilespmem:s20+$0x30]  }
0x43a: {  	v48 =	vld [tilespmem:s25+$0x20]  }
0x43b: {  	v63 =	vld [tilespmem:s20+$0x20]  }
0x43c: {  	v51 =	vld [tilespmem:s25+$0x10]  }
0x43d: {  	s11 =	simm.s32 $0x100;
	v52 =	vld [tilespmem:s20+$0x10]  }
0x43e: {  	s1 =	sand.u32 $0x300, s11;
	v54 =	vld [tilespmem:s25+$0x0]  }
0x43f: {  	s24 =	sadd.s32 s1, s24;
	v55 =	vld [tilespmem:s20+$0x0]  }
0x440: {  	v45 =	vld [tilespmem:s24+$0x50]  }
0x441: {  	v46 =	vld [tilespmem:s20+$0xFFFFFFD0]  }
0x442: {  	v47 =	vld [tilespmem:s19+$0x10];
	v33 =	vadd.f32 v33, v34  }
0x443: {  	v50 =	vld [tilespmem:s19+$0x0];
	v36 =	vadd.f32 v36, v37;
	v58 =	vadd.f32 v39, v40  }
0x444: {  	v57 =	vld [tilespmem:s20+$0xFFFFFFF0];
	v42 =	vadd.f32 v42, v60;
	v60 =	vadd.f32 v61, v62  }
0x445: {  	v34 =	vld [tilespmem:s24+$0x70];
	v48 =	vadd.f32 v48, v63;
	v54 =	vadd.f32 v54, v55  }
0x446: {  	v39 =	vld [tilespmem:s24+$0x60];
	v51 =	vadd.f32 v51, v52;
	v45 =	vadd.f32 v45, v46  }
0x447: {  	v40 =	vld [tilespmem:s20+$0xFFFFFFE0];
	v31 =	vadd.f32 v31, v33;
	v32 =	vadd.f32 v32, v36  }
0x448: {  	v37 =	vld [tilespmem:s19+$0xFFFFFFD0];
	v33 =	vadd.f32 v35, v58;
	v35 =	vadd.f32 v41, v60  }
0x449: {  	v53 =	vld [tilespmem:s19+$0xFFFFFFF0];
	v63 =	vadd.f32 v44, v48;
	v50 =	vadd.f32 v50, v54  }
0x44a: {  	v56 =	vld [tilespmem:s19+$0xFFFFFFE0];
	v47 =	vadd.f32 v47, v51;
	v59 =	vmul.f32 $9.999999770e-03, v31;
	vm2 =	vge.f32 v31, $0.0e+00  }
0x44b: {  	v55 =	vld [tilespmem:$0xA680];
	vm3 =	vge.f32 v32, $0.0e+00;
	v61 =	vmul.f32 $9.999999770e-03, v33;
	v62 =	vmul.f32 $9.999999770e-03, v32  }
0x44c: {  	v44 =	vld [tilespmem:s24+$0x30];
	v58 =	vmul.f32 $9.999999770e-03, v35;
	v60 =	vmul.f32 $9.999999770e-03, v63;
	v39 =	vadd.f32 v39, v40  }
0x44d: {  	v51 =	vld [tilespmem:s20+$0xFFFFFFB0];
	v34 =	vadd.f32 v34, v57;
	v37 =	vadd.f32 v37, v45;
	v36 =	vsel vm2, v31, v59  }
0x44e: {  	v54 =	vld [tilespmem:$0xA580];
	v31 =	vadd.f32 v38, v42;
	vm2 =	vge.f32 v33, $0.0e+00;
	v42 =	vsel vm3, v32, v62  }
0x44f: {  	v48 =	vld [tilespmem:s20+$0xFFFFFFC0];
	vm3 =	vge.f32 v35, $0.0e+00;
	v62 =	vmul.f32 $9.999999770e-03, v47;
	v49 =	vsel vm2, v33, v61  }
0x450: {  	v38 =	vld [tilespmem:s24+$0x40];
	v32 =	vsel vm3, v35, v58;
	v61 =	vmul.f32 $9.999999770e-03, v50;
	v39 =	vadd.f32 v56, v39  }
0x451: {  	v41 =	vld [tilespmem:s19+$0xFFFFFFB0];
	v53 =	vadd.f32 v53, v34;
	vm3 =	vge.f32 v50, $0.0e+00;
	v59 =	vmul.f32 $9.999999770e-03, v31  }
0x452: {  	v43 =	vld [tilespmem:s19+$0xFFFFFFC0];
	v44 =	vadd.f32 v44, v51;
	v36 =	vmul.f32 v36, v55;
	vm2 =	vge.f32 v31, $0.0e+00  }
0x453: {  	v40 =	vld [tilespmem:s24+$0x20];
	v49 =	vmul.f32 v49, v54;
	v35 =	vsel vm2, v31, v59;
	vm2 =	vge.f32 v63, $0.0e+00  }
0x454: {  	v34 =	vsel vm3, v50, v61;
	v59 =	vmul.f32 $9.999999770e-03, v53;
	v31 =	vsel vm2, v63, v60;
	v63 =	vld [tilespmem:s20+$0xFFFFFFA0]  }
0x455: {  	v52 =	vld [tilespmem:s19+$0xFFFFFFA0];
	v58 =	vmul.f32 $9.999999770e-03, v39;
	vm3 =	vge.f32 v53, $0.0e+00;
	v38 =	vadd.f32 v38, v48  }
0x456: {  	v45 =	vld [tilespmem:s20+$0xFFFFFF90];
	v44 =	vadd.f32 v41, v44;
	v57 =	vperm.xlane v36, v11;
	v60 =	vsel vm3, v53, v59  }
0x457: {  	v50 =	vld [tilespmem:s24+$0x10];
	vm2 =	vge.f32 v47, $0.0e+00;
	v38 =	vadd.f32 v43, v38;
	v43 =	vmul.f32 v60, v55  }
0x458: {  	v36 =	vadd.f32 v36, v57;
	v33 =	vsel vm2, v47, v62;
	vm2 =	vge.f32 v39, $0.0e+00;
	v53 =	vld [tilespmem:$0xA600]  }
0x459: {  	v46 =	vld [tilespmem:s19+$0xFFFFFF90];
	v62 =	vmul.f32 $9.999999770e-03, v37;
	v48 =	vadd.f32 v40, v63;
	v63 =	vperm.xlane v43, v11  }
0x45a: {  	v47 =	vld [tilespmem:s24+$0x0];
	v39 =	vsel vm2, v39, v58;
	vm2 =	vge.f32 v37, $0.0e+00;
	v61 =	vmul.f32 $9.999999770e-03, v38  }
0x45b: {  	v60 =	vld [tilespmem:s20+$0xFFFFFF80];
	v37 =	vsel vm2, v37, v62;
	vm3 =	vge.f32 v38, $0.0e+00;
	v62 =	vadd.f32 v43, v63  }
0x45c: {  	vm2 =	vge.f32 v44, $0.0e+00;
	v40 =	vsel vm3, v38, v61;
	v61 =	vmul.f32 $9.999999770e-03, v44  }
0x45d: {  	v45 =	vadd.f32 v50, v45;
	v39 =	vmul.f32 v39, v53;
	v55 =	vperm.xlane v62, v12  }
0x45e: {  	v37 =	vmul.f32 v37, v54;
	v38 =	vadd.f32 v52, v48;
	v63 =	vld [tilespmem:s19+$0xFFFFFF80];
	v43 =	vsel vm2, v44, v61  }
0x45f: {  	v44 =	vadd.f32 v46, v45;
	v58 =	vperm.xlane v39, v11;
	v48 =	vadd.f32 v62, v55  }
0x460: {  	v59 =	vperm.xlane v37, v11;
	v47 =	vadd.f32 v47, v60;
	v41 =	vmul.f32 $9.999999770e-03, v38  }
0x461: {  	v45 =	vmul.f32 $9.999999770e-03, v44;
	v60 =	vadd.f32 v39, v58;
	v61 =	vperm.xlane v48, v13  }
0x462: {  	v37 =	vadd.f32 v37, v59;
	v39 =	vmul.f32 v42, v53;
	v62 =	vperm.xlane v36, v12  }
0x463: {  	v46 =	vadd.f32 v63, v47;
	v63 =	vperm.xlane v60, v12;
	v48 =	vadd.f32 v48, v61  }
0x464: {  	v50 =	vperm.xlane v37, v12;
	v51 =	vperm.xlane v39, v11;
	v36 =	vadd.f32 v36, v62  }
0x465: {  	s30 =	simm.s32 $0xA800;
	s24 =	simm.s32 $0x200;
	v47 =	vmul.f32 $9.999999770e-03, v46;
	v42 =	vadd.f32 v60, v63;
	v52 =	vperm.xlane v48, v14  }
.LBB2_11:
0x466: {  	p1 =	sne.s32 s24, $0xF00;
	v37 =	vadd.f32 v37, v50;
	v39 =	vadd.f32 v39, v51;
	v50 =	vperm.xlane v36, v13  }
0x467: {  	v51 =	vperm.xlane v42, v13;
	v48 =	vadd.f32 v48, v52;
	v52 =	vperm.xlane v49, v11  }
0x468: {  	vm2 =	vge.f32 v38, $0.0e+00;
	v53 =	vperm.xlane v37, v13;
	v54 =	vperm.xlane v39, v12  }
0x469: {  	v42 =	vadd.f32 v42, v51;
	v48 =	vmin.f32 v48, $6.000000000e+01;
	v49 =	vadd.f32 v49, v52  }
0x46a: {  	v51 =	vld [tilespmem:$0xA500];
	v52 =	vadd.f32 v37, v53;
	v48 =	vmul.f32 $1.442695020e+00, v48;
	v39 =	vadd.f32 v39, v54  }
0x46b: {  	v36 =	vadd.f32 v36, v50;
	v37 =	vperm.xlane v42, v14;
	v53 =	vperm.xlane v49, v12  }
0x46c: {  	vm3 =	vge.f32 v46, $0.0e+00;
	v50 =	vperm.xlane v52, v14;
	v54 =	vperm.xlane v39, v13  }
0x46d: {  	v42 =	vadd.f32 v42, v37;
	v49 =	vadd.f32 v49, v53;
	v37 =	vperm.xlane v36, v14  }
0x46e: {  	v50 =	vadd.f32 v52, v50;
	v39 =	vadd.f32 v39, v54;
	(erf) = vpow2.f32 v48  }
0x46f: {  	v48 =	vld [tilespmem:$0xA300];
	v52 =	vmul.f32 v40, v51;
	v40 =	vmin.f32 v42, $6.000000000e+01;
	v42 =	vperm.xlane v49, v13  }
0x470: {  	v53 =	vld [tilespmem:$0xA480];
	v50 =	vmin.f32 v50, $6.000000000e+01;
	v54 =	vmul.f32 $1.442695020e+00, v40;
	v40 =	vperm.xlane v39, v14  }
0x471: {  	v55 =	vld [tilespmem:$0xA380];
	v56 =	vperm.xlane v52, v11;
	v50 =	vmul.f32 $1.442695020e+00, v50;
	v42 =	vadd.f32 v49, v42  }
0x472: {  	v46 =	vsel vm3, v46, v47;
	v49 =	vmul.f32 v35, v51;
	v47 =	vld [tilespmem:$0xA400];
	(erf) = vpow2.f32 v54  }
0x473: {  	v51 =	vadd.f32 v52, v56;
	v35 =	vperm.xlane v42, v14;
	(erf) = vpow2.f32 v50  }
0x474: {  	vm3 =	vge.f32 v44, $0.0e+00;
	v50 =	vperm.xlane v49, v11;
	v46 =	vmul.f32 v46, v48  }
0x475: {  	v44 =	vsel vm3, v44, v45;
	v43 =	vmul.f32 v43, v53;
	v45 =	vperm.xlane v51, v12  }
0x476: {  	v56 =	vsel vm2, v38, v41;
	v52 =	vperm.xlane v46, v11;
	v44 =	vmul.f32 v44, v55  }
0x477: {  	v41 =	vmul.f32 v56, v47;
	v54 =	vperm.xlane v43, v11;
	v45 =	vadd.f32 v51, v45;
	v38 =	vpop (erf)  }
0x478: {  	v49 =	vadd.f32 v49, v50;
	v46 =	vadd.f32 v46, v52;
	v51 =	vperm.xlane v44, v11  }
0x479: {  	v50 =	vperm.xlane v41, v11;
	v52 =	vadd.f32 v43, v54;
	v57 =	vperm.xlane v45, v13  }
0x47a: {  	v54 =	vperm.xlane v46, v12;
	v44 =	vadd.f32 v44, v51;
	v51 =	vperm.xlane v49, v12  }
0x47b: {  	v50 =	vadd.f32 v41, v50;
	v56 =	vperm.xlane v52, v12;
	v45 =	vadd.f32 v45, v57;
	v41 =	vpop (erf)  }
0x47c: {  	v46 =	vadd.f32 v46, v54;
	v54 =	vperm.xlane v44, v12;
	v49 =	vadd.f32 v49, v51;
	v43 =	vpop (erf)  }
0x47d: {  	v51 =	vperm.xlane v50, v12;
	v52 =	vadd.f32 v52, v56;
	v56 =	vperm.xlane v45, v14  }
0x47e: {  	v57 =	vperm.xlane v46, v13;
	v44 =	vadd.f32 v44, v54;
	v54 =	vperm.xlane v49, v13  }
0x47f: {  	v50 =	vadd.f32 v50, v51;
	v51 =	vperm.xlane v52, v13;
	v45 =	vadd.f32 v45, v56  }
0x480: {  	v32 =	vmul.f32 v32, v53;
	v46 =	vadd.f32 v46, v57;
	v56 =	vperm.xlane v44, v13  }
0x481: {  	v53 =	vperm.xlane v50, v13;
	v51 =	vadd.f32 v52, v51;
	v45 =	vmin.f32 v45, $6.000000000e+01  }
0x482: {  	v52 =	vperm.xlane v46, v14;
	v44 =	vadd.f32 v44, v56;
	v56 =	vperm.xlane v32, v11  }
0x483: {  	v31 =	vmul.f32 v31, v47;
	v50 =	vadd.f32 v50, v53;
	v53 =	vperm.xlane v51, v14  }
0x484: {  	v34 =	vmul.f32 v34, v48;
	v46 =	vadd.f32 v46, v52;
	v47 =	vperm.xlane v44, v14  }
0x485: {  	v33 =	vmul.f32 v33, v55;
	v48 =	vperm.xlane v50, v14;
	v51 =	vadd.f32 v51, v53  }
0x486: {  	v46 =	vmin.f32 v46, $6.000000000e+01;
	v44 =	vadd.f32 v44, v47;
	v47 =	vperm.xlane v34, v11  }
0x487: {  	v46 =	vmul.f32 $1.442695020e+00, v46;
	v48 =	vadd.f32 v50, v48;
	v50 =	vperm.xlane v31, v11  }
0x488: {  	v44 =	vmin.f32 v44, $6.000000000e+01;
	v34 =	vadd.f32 v34, v47;
	v47 =	vperm.xlane v33, v11  }
0x489: {  	v51 =	vmin.f32 v51, $6.000000000e+01;
	v44 =	vmul.f32 $1.442695020e+00, v44;
	(erf) = vpow2.f32 v46  }
0x48a: {  	v46 =	vmin.f32 v48, $6.000000000e+01;
	v48 =	vperm.xlane v34, v12;
	v33 =	vadd.f32 v33, v47  }
0x48b: {  	v31 =	vadd.f32 v31, v50;
	v46 =	vmul.f32 $1.442695020e+00, v46;
	(erf) = vpow2.f32 v44  }
0x48c: {  	v44 =	vmul.f32 $1.442695020e+00, v51;
	v34 =	vadd.f32 v34, v48;
	v47 =	vperm.xlane v33, v12  }
0x48d: {  	v32 =	vadd.f32 v32, v56;
	v48 =	vperm.xlane v31, v12;
	(erf) = vpow2.f32 v46  }
0x48e: {  	v45 =	vmul.f32 $1.442695020e+00, v45;
	v46 =	vperm.xlane v34, v13;
	v33 =	vadd.f32 v33, v47  }
0x48f: {  	v50 =	vperm.xlane v32, v12;
	v31 =	vadd.f32 v31, v48;
	(erf) = vpow2.f32 v44  }
0x490: {  	v34 =	vadd.f32 v34, v46;
	v44 =	vperm.xlane v33, v13;
	v46 =	vadd.f32 v49, v54  }
0x491: {  	v32 =	vadd.f32 v32, v50;
	v48 =	vperm.xlane v31, v13;
	(erf) = vpow2.f32 v45  }
0x492: {  	v45 =	vperm.xlane v34, v14;
	v33 =	vadd.f32 v33, v44;
	v44 =	vperm.xlane v46, v14;
	v47 =	vpop (erf)  }
0x493: {  	v31 =	vadd.f32 v31, v48;
	v48 =	vperm.xlane v32, v13;
	v47 =	vnsel vm0, $0x0, v47  }
0x494: {  	v47 =	vadd.f32 $0.0e+00, v47;
	v34 =	vadd.f32 v34, v45;
	v51 =	vperm.xlane v33, v14;
	v49 =	vpop (erf)  }
0x495: {  	v50 =	vperm.xlane v31, v14;
	v32 =	vadd.f32 v32, v48;
	v49 =	vsel vm4, $0x0, v49  }
0x496: {  	v49 =	vadd.f32 v49, v47;
	v34 =	vmin.f32 v34, $6.000000000e+01;
	v33 =	vadd.f32 v33, v51;
	v45 =	vpop (erf)  }
0x497: {  	v48 =	vperm.xlane v32, v14;
	v31 =	vadd.f32 v31, v50;
	v45 =	vsel vm10, $0x0, v45  }
0x498: {  	vm2 =	vcmask $0xB10;
	v34 =	vmul.f32 $1.442695020e+00, v34;
	v49 =	vadd.f32 v45, v49  }
0x499: {  	v33 =	vmin.f32 v33, $6.000000000e+01;
	v47 =	vpop (erf);
	v31 =	vmin.f32 v31, $6.000000000e+01;
	v32 =	vadd.f32 v32, v48  }
0x49a: {  	v47 =	vsel vm2, $0x0, v47;
	v33 =	vmul.f32 $1.442695020e+00, v33;
	(erf) = vpow2.f32 v34  }
0x49b: {  	v31 =	vmul.f32 $1.442695020e+00, v31;
	vm2 =	vcmask $0x1318;
	v34 =	vadd.f32 v47, v49;
	v45 =	vpop (erf)  }
0x49c: {  	v32 =	vmin.f32 v32, $6.000000000e+01;
	v45 =	vsel vm8, $0x0, v45;
	(erf) = vpow2.f32 v33  }
0x49d: {  	v43 =	vsel vm2, $0x0, v43;
	v33 =	vadd.f32 v45, v34;
	v34 =	vadd.f32 v46, v44  }
0x49e: {  	vm2 =	vcmask $0x171C;
	v32 =	vmul.f32 $1.442695020e+00, v32;
	(erf) = vpow2.f32 v31  }
0x49f: {  	v31 =	vadd.f32 v43, v33;
	v33 =	vmin.f32 v34, $6.000000000e+01;
	v34 =	vadd.f32 v42, v35  }
0x4a0: {  	v35 =	vsel vm2, $0x0, v41;
	v33 =	vmul.f32 $1.442695020e+00, v33;
	(erf) = vpow2.f32 v32  }
0x4a1: {  	v31 =	vadd.f32 v35, v31;
	v32 =	vmin.f32 v34, $6.000000000e+01;
	v34 =	vadd.f32 v39, v40  }
0x4a2: {  	v38 =	vsel vm11, $0x0, v38;
	v32 =	vmul.f32 $1.442695020e+00, v32;
	(erf) = vpow2.f32 v33  }
0x4a3: {  	v36 =	vadd.f32 v36, v37;
	v31 =	vadd.f32 v38, v31;
	v33 =	vmin.f32 v34, $6.000000000e+01;
	v35 =	vpop (erf)  }
0x4a4: {  	v35 =	vsel vm12, $0x0, v35;
	v37 =	vmul.f32 $1.442695020e+00, v33;
	(erf) = vpow2.f32 v32  }
0x4a5: {  	v32 =	vmin.f32 v36, $6.000000000e+01;
	v31 =	vadd.f32 v35, v31;
	v34 =	vpop (erf)  }
0x4a6: {  	v35 =	vmul.f32 $1.442695020e+00, v32;
	v34 =	vsel vm13, $0x0, v34;
	(erf) = vpow2.f32 v37  }
0x4a7: {  	v31 =	vadd.f32 v34, v31;
	v33 =	vpop (erf)  }
0x4a8: {  	v33 =	vsel vm14, $0x0, v33;
	(erf) = vpow2.f32 v35  }
0x4a9: {  	v31 =	vadd.f32 v33, v31;
	v32 =	vpop (erf)  }
0x4aa: {  	v33 =	vsel vm15, $0x0, v32  }
0x4ab: {  	v31 =	vadd.f32 v33, v31;
	v32 =	vpop (erf)  }
0x4ac: {  	v33 =	vsel vm1, $0x0, v32  }
0x4ad: {  	v31 =	vadd.f32 v33, v31;
	v32 =	vpop (erf)  }
0x4ae: {  	v33 =	vsel vm9, $0x0, v32  }
0x4af: {  	v31 =	vadd.f32 v33, v31;
	v32 =	vpop (erf)  }
0x4b0: {  	v33 =	vsel vm6, $0x0, v32  }
0x4b1: {  	v31 =	vadd.f32 v33, v31;
	v32 =	vpop (erf)  }
0x4b2: {  	v32 =	vsel vm7, $0x0, v32  }
0x4b3: {  	v31 =	vadd.f32 v32, v31  }
0x4b4: {  	s18 =	sadd.s32 $0x200, s18;
	s30 =	sadd.s32 $0x10, s30  }
0x4b5: {  	s1 =	sadd.s32 $0x80, s24;
	s19 =	sadd.s32 $0x100, s19;
	s25 =	sand.u32 $0x1800, s18;
	[tilespmem:s30+$0x0] =	vst v31  }
0x4b6: {  	s1 =	sand.u32 $0x380, s1;
	s25 =	sor.u32 $0x4300, s25;
	v31 =	vld [tilespmem:s19+$0x70]  }
0x4b7: {  	s1 =	sadd.s32 s1, s25;
	v32 =	vld [tilespmem:s19+$0x60]  }
0x4b8: {  	s20 =	sadd.s32 $0x100, s20;
	v33 =	vld [tilespmem:s1+$0x70]  }
0x4b9: {  	v34 =	vld [tilespmem:s20+$0x70]  }
0x4ba: {  	v35 =	vld [tilespmem:s19+$0x50]  }
0x4bb: {  	v36 =	vld [tilespmem:s1+$0x60]  }
0x4bc: {  	v37 =	vld [tilespmem:s20+$0x60]  }
0x4bd: {  	v38 =	vld [tilespmem:s19+$0x40]  }
0x4be: {  	v39 =	vld [tilespmem:s1+$0x50]  }
0x4bf: {  	v40 =	vld [tilespmem:s20+$0x50]  }
0x4c0: {  	v41 =	vld [tilespmem:s19+$0x30]  }
0x4c1: {  	v42 =	vld [tilespmem:s1+$0x40]  }
0x4c2: {  	v43 =	vld [tilespmem:s20+$0x40]  }
0x4c3: {  	v44 =	vld [tilespmem:s19+$0x20]  }
0x4c4: {  	v45 =	vld [tilespmem:s1+$0x30]  }
0x4c5: {  	v46 =	vld [tilespmem:s20+$0x30]  }
0x4c6: {  	v47 =	vld [tilespmem:s19+$0x10]  }
0x4c7: {  	v48 =	vld [tilespmem:s1+$0x20]  }
0x4c8: {  	v49 =	vld [tilespmem:s20+$0x20]  }
0x4c9: {  	v50 =	vld [tilespmem:s19+$0x0]  }
0x4ca: {  	v51 =	vld [tilespmem:s1+$0x10]  }
0x4cb: {  	v52 =	vld [tilespmem:s20+$0x10]  }
0x4cc: {  	v53 =	vld [tilespmem:s19+$0xFFFFFFF0]  }
0x4cd: {  	v54 =	vld [tilespmem:s1+$0x0]  }
0x4ce: {  	s1 =	sand.u32 $0x300, s24;
	v55 =	vld [tilespmem:s20+$0x0]  }
0x4cf: {  	v33 =	vadd.f32 v33, v34;
	s25 =	sadd.s32 s1, s25;
	v56 =	vld [tilespmem:s19+$0xFFFFFFE0]  }
0x4d0: {  	v34 =	vld [tilespmem:s25+$0x70]  }
0x4d1: {  	v31 =	vadd.f32 v31, v33;
	v36 =	vadd.f32 v36, v37;
	v57 =	vld [tilespmem:s20+$0xFFFFFFF0]  }
0x4d2: {  	v33 =	vadd.f32 v39, v40;
	v37 =	vld [tilespmem:s19+$0xFFFFFFD0]  }
0x4d3: {  	v32 =	vadd.f32 v32, v36;
	v36 =	vmul.f32 $9.999999770e-03, v31;
	v42 =	vadd.f32 v42, v43;
	v39 =	vld [tilespmem:s25+$0x60]  }
0x4d4: {  	vm2 =	vge.f32 v31, $0.0e+00;
	v33 =	vadd.f32 v35, v33;
	v35 =	vadd.f32 v45, v46;
	v40 =	vld [tilespmem:s20+$0xFFFFFFE0]  }
0x4d5: {  	vm3 =	vge.f32 v32, $0.0e+00;
	v36 =	vsel vm2, v31, v36;
	v31 =	vadd.f32 v38, v42;
	v43 =	vld [tilespmem:s19+$0xFFFFFFC0]  }
0x4d6: {  	v38 =	vmul.f32 $9.999999770e-03, v33;
	v42 =	vmul.f32 $9.999999770e-03, v32;
	v35 =	vadd.f32 v41, v35;
	v45 =	vld [tilespmem:s25+$0x50]  }
0x4d7: {  	vm2 =	vge.f32 v33, $0.0e+00;
	vm4 =	vge.f32 v31, $0.0e+00;
	v48 =	vadd.f32 v48, v49;
	v46 =	vld [tilespmem:s20+$0xFFFFFFD0]  }
0x4d8: {  	v42 =	vsel vm3, v32, v42;
	v49 =	vsel vm2, v33, v38;
	v32 =	vmul.f32 $9.999999770e-03, v35;
	v41 =	vld [tilespmem:s19+$0xFFFFFFB0]  }
0x4d9: {  	vm2 =	vge.f32 v35, $0.0e+00;
	v33 =	vadd.f32 v44, v48;
	v44 =	vmul.f32 $9.999999770e-03, v31;
	v38 =	vld [tilespmem:s25+$0x40]  }
0x4da: {  	v51 =	vadd.f32 v51, v52;
	v32 =	vsel vm2, v35, v32;
	v54 =	vadd.f32 v54, v55;
	v48 =	vld [tilespmem:s20+$0xFFFFFFC0]  }
0x4db: {  	v35 =	vsel vm4, v31, v44;
	vm4 =	vmmov vm5;
	v55 =	vmul.f32 $9.999999770e-03, v33;
	v52 =	vld [tilespmem:s19+$0xFFFFFFA0]  }
0x4dc: {  	vm2 =	vge.f32 v33, $0.0e+00;
	v47 =	vadd.f32 v47, v51;
	v50 =	vadd.f32 v50, v54;
	v44 =	vld [tilespmem:s25+$0x30]  }
0x4dd: {  	v31 =	vsel vm2, v33, v55;
	v34 =	vadd.f32 v34, v57;
	v39 =	vadd.f32 v39, v40;
	v51 =	vld [tilespmem:s20+$0xFFFFFFB0]  }
0x4de: {  	vm2 =	vge.f32 v47, $0.0e+00;
	v54 =	vmul.f32 $9.999999770e-03, v47;
	v33 =	vmul.f32 $9.999999770e-03, v50;
	v40 =	vld [tilespmem:s25+$0x20]  }
0x4df: {  	vm3 =	vge.f32 v50, $0.0e+00;
	v53 =	vadd.f32 v53, v34;
	v39 =	vadd.f32 v56, v39;
	v55 =	vld [tilespmem:$0xA680]  }
0x4e0: {  	v34 =	vsel vm3, v50, v33;
	v33 =	vsel vm2, v47, v54;
	v45 =	vadd.f32 v45, v46;
	v56 =	vld [tilespmem:s20+$0xFFFFFFA0]  }
0x4e1: {  	v47 =	vmul.f32 $9.999999770e-03, v39;
	v38 =	vadd.f32 v38, v48;
	v48 =	vmul.f32 $9.999999770e-03, v53;
	v46 =	vld [tilespmem:s19+$0xFFFFFF90]  }
0x4e2: {  	vm3 =	vge.f32 v53, $0.0e+00;
	vm2 =	vge.f32 v39, $0.0e+00;
	v37 =	vadd.f32 v37, v45;
	v50 =	vld [tilespmem:s25+$0x10]  }
0x4e3: {  	v39 =	vsel vm2, v39, v47;
	v43 =	vadd.f32 v43, v38;
	v38 =	vsel vm3, v53, v48;
	v45 =	vld [tilespmem:s20+$0xFFFFFF90]  }
0x4e4: {  	vm2 =	vge.f32 v37, $0.0e+00;
	v44 =	vadd.f32 v44, v51;
	v47 =	vld [tilespmem:s25+$0x0];
	v48 =	vmul.f32 v38, v55  }
0x4e5: {  	v51 =	vmul.f32 $9.999999770e-03, v37;
	v38 =	vadd.f32 v40, v56;
	v40 =	vmul.f32 $9.999999770e-03, v43;
	v53 =	vld [tilespmem:$0xA600]  }
0x4e6: {  	vm3 =	vge.f32 v43, $0.0e+00;
	v44 =	vadd.f32 v41, v44;
	v54 =	vld [tilespmem:$0xA580];
	v41 =	vperm.xlane v48, v11  }
0x4e7: {  	v37 =	vsel vm2, v37, v51;
	v56 =	vld [tilespmem:s20+$0xFFFFFF80];
	v38 =	vadd.f32 v52, v38;
	v40 =	vsel vm3, v43, v40  }
0x4e8: {  	vm2 =	vge.f32 v44, $0.0e+00;
	v43 =	vmul.f32 $9.999999770e-03, v44;
	v48 =	vadd.f32 v48, v41  }
0x4e9: {  	v36 =	vmul.f32 v36, v55;
	v45 =	vadd.f32 v50, v45;
	v51 =	vld [tilespmem:s19+$0xFFFFFF80];
	v41 =	vmul.f32 $9.999999770e-03, v38  }
0x4ea: {  	v43 =	vsel vm2, v44, v43;
	v39 =	vmul.f32 v39, v53;
	v50 =	vperm.xlane v48, v12  }
0x4eb: {  	v44 =	vadd.f32 v46, v45;
	v46 =	vperm.xlane v36, v11;
	v37 =	vmul.f32 v37, v54  }
0x4ec: {  	v47 =	vadd.f32 v47, v56;
	v52 =	vperm.xlane v39, v11;
	v48 =	vadd.f32 v48, v50  }
0x4ed: {  	v45 =	vmul.f32 $9.999999770e-03, v44;
	v36 =	vadd.f32 v36, v46;
	v50 =	vperm.xlane v37, v11  }
.Ltmp5:
0x4ee: {  	v46 =	vadd.f32 v51, v47;
	v52 =	vadd.f32 v39, v52;
	v51 =	vperm.xlane v48, v13;
	(pc) =	sbr.rel @p1 .LBB2_11-.Ltmp5, $4  }
0x4ef: {  	v39 =	vmul.f32 v42, v53;
	v42 =	vperm.xlane v36, v12;
	v37 =	vadd.f32 v37, v50  }
0x4f0: {  	v47 =	vmul.f32 $9.999999770e-03, v46;
	v53 =	vperm.xlane v52, v12;
	v48 =	vadd.f32 v48, v51  }
0x4f1: {  	v51 =	vperm.xlane v39, v11;
	v36 =	vadd.f32 v36, v42;
	v50 =	vperm.xlane v37, v12  }
0x4f2: {  	s24 =	sadd.s32 $0x100, s24;
	v49 =	vmul.f32 v49, v54;
	v42 =	vadd.f32 v52, v53;
	v52 =	vperm.xlane v48, v14  }
0x4f3: {  	v37 =	vadd.f32 v37, v50;
	v39 =	vadd.f32 v39, v51;
	v58 =	vperm.xlane v36, v13  }
0x4f4: {  	vm2 =	vge.f32 v46, $0.0e+00;
	v63 =	vperm.xlane v42, v13;
	v56 =	vperm.xlane v49, v11  }
0x4f5: {  	v51 =	vld [tilespmem:$0xA500];
	v48 =	vadd.f32 v48, v52;
	v46 =	vsel vm2, v46, v47;
	vm2 =	vge.f32 v44, $0.0e+00  }
0x4f6: {  	v57 =	vperm.xlane v37, v13;
	v53 =	vperm.xlane v39, v12;
	v36 =	vadd.f32 v36, v58  }
0x4f7: {  	v47 =	vld [tilespmem:$0xA400];
	v44 =	vsel vm2, v44, v45;
	v42 =	vadd.f32 v42, v63;
	v59 =	vmin.f32 v48, $6.000000000e+01  }
0x4f8: {  	v49 =	vadd.f32 v49, v56;
	v52 =	vadd.f32 v37, v57;
	v55 =	vmul.f32 $1.442695020e+00, v59  }
0x4f9: {  	v39 =	vadd.f32 v39, v53;
	v37 =	vperm.xlane v36, v14;
	v60 =	vperm.xlane v42, v14  }
0x4fa: {  	vm2 =	vge.f32 v38, $0.0e+00;
	v56 =	vld [tilespmem:$0xA380];
	v61 =	vperm.xlane v49, v12;
	v50 =	vmul.f32 v40, v51  }
0x4fb: {  	v38 =	vsel vm2, v38, v41;
	v62 =	vperm.xlane v52, v14;
	v54 =	vperm.xlane v39, v13  }
0x4fc: {  	(erf) = vpow2.f32 v55;
	v38 =	vmul.f32 v38, v47  }
0x4fd: {  	v31 =	vmul.f32 v31, v47;
	v42 =	vadd.f32 v42, v60;
	v63 =	vadd.f32 v49, v61  }
0x4fe: {  	v58 =	vadd.f32 v52, v62;
	v39 =	vadd.f32 v39, v54;
	v52 =	vld [tilespmem:$0xA300];
	v62 =	vperm.xlane v50, v11  }
0x4ff: {  	v44 =	vmul.f32 v44, v56;
	v33 =	vmul.f32 v33, v56;
	v59 =	vmin.f32 v42, $6.000000000e+01  }
0x500: {  	v60 =	vperm.xlane v63, v13;
	v61 =	vmul.f32 $1.442695020e+00, v59;
	v49 =	vmin.f32 v58, $6.000000000e+01  }
0x501: {  	v54 =	vld [tilespmem:$0xA480];
	v50 =	vadd.f32 v50, v62;
	v62 =	vperm.xlane v38, v11;
	v49 =	vmul.f32 $1.442695020e+00, v49  }
0x502: {  	v42 =	vadd.f32 v63, v60;
	v63 =	vmul.f32 v35, v51;
	(erf) = vpow2.f32 v61  }
0x503: {  	v58 =	vperm.xlane v50, v12;
	v46 =	vmul.f32 v46, v52  }
0x504: {  	v61 =	vperm.xlane v44, v11;
	(erf) = vpow2.f32 v49  }
0x505: {  	v57 =	vperm.xlane v63, v11;
	v59 =	vperm.xlane v46, v11  }
0x506: {  	v43 =	vmul.f32 v43, v54;
	v32 =	vmul.f32 v32, v54  }
0x507: {  	v34 =	vmul.f32 v34, v52;
	v45 =	vadd.f32 v50, v58;
	v41 =	vadd.f32 v46, v59  }
0x508: {  	v44 =	vadd.f32 v44, v61;
	v60 =	vperm.xlane v43, v11;
	v48 =	vadd.f32 v63, v57  }
0x509: {  	v38 =	vadd.f32 v38, v62;
	v50 =	vperm.xlane v45, v13;
	v63 =	vperm.xlane v41, v12  }
0x50a: {  	v58 =	vperm.xlane v44, v12;
	v43 =	vadd.f32 v43, v60;
	v55 =	vperm.xlane v48, v12  }
0x50b: {  	v59 =	vperm.xlane v38, v12;
	v45 =	vadd.f32 v45, v50;
	v41 =	vadd.f32 v41, v63  }
0x50c: {  	v44 =	vadd.f32 v44, v58;
	v57 =	vperm.xlane v43, v12;
	v46 =	vadd.f32 v48, v55  }
0x50d: {  	v38 =	vadd.f32 v38, v59;
	v55 =	vperm.xlane v32, v11;
	v51 =	vperm.xlane v41, v13  }
0x50e: {  	v60 =	vperm.xlane v45, v14;
	v62 =	vperm.xlane v44, v13;
	v43 =	vadd.f32 v43, v57  }
0x50f: {  	v50 =	vperm.xlane v46, v13;
	v63 =	vperm.xlane v38, v13;
	v41 =	vadd.f32 v41, v51  }
0x510: {  	v45 =	vadd.f32 v45, v60;
	v44 =	vadd.f32 v44, v62;
	v60 =	vperm.xlane v34, v11  }
0x511: {  	v62 =	vperm.xlane v33, v11;
	v54 =	vperm.xlane v41, v14  }
0x512: {  	v61 =	vperm.xlane v43, v13;
	v38 =	vadd.f32 v38, v63;
	v58 =	vperm.xlane v44, v14  }
0x513: {  	v45 =	vmin.f32 v45, $6.000000000e+01;
	v34 =	vadd.f32 v34, v60;
	v41 =	vadd.f32 v41, v54  }
0x514: {  	v43 =	vadd.f32 v43, v61;
	v59 =	vperm.xlane v38, v14;
	v44 =	vadd.f32 v44, v58  }
0x515: {  	v61 =	vperm.xlane v31, v11;
	v52 =	vmul.f32 $1.442695020e+00, v45;
	v41 =	vmin.f32 v41, $6.000000000e+01  }
0x516: {  	v57 =	vperm.xlane v43, v14;
	v44 =	vmin.f32 v44, $6.000000000e+01;
	v41 =	vmul.f32 $1.442695020e+00, v41  }
0x517: {  	v33 =	vadd.f32 v33, v62;
	v63 =	vperm.xlane v34, v12;
	v44 =	vmul.f32 $1.442695020e+00, v44  }
0x518: {  	v38 =	vadd.f32 v38, v59;
	v43 =	vadd.f32 v43, v57;
	(erf) = vpow2.f32 v41  }
0x519: {  	vm5 =	vcmask $0xB10;
	v48 =	vperm.xlane v33, v12;
	(erf) = vpow2.f32 v44  }
0x51a: {  	v31 =	vadd.f32 v31, v61;
	v38 =	vmin.f32 v38, $6.000000000e+01;
	v43 =	vmin.f32 v43, $6.000000000e+01  }
0x51b: {  	v32 =	vadd.f32 v32, v55;
	v38 =	vmul.f32 $1.442695020e+00, v38;
	v43 =	vmul.f32 $1.442695020e+00, v43  }
0x51c: {  	v34 =	vadd.f32 v34, v63;
	v33 =	vadd.f32 v33, v48;
	v51 =	vperm.xlane v31, v12  }
0x51d: {  	v46 =	vadd.f32 v46, v50;
	v54 =	vperm.xlane v32, v12;
	(erf) = vpow2.f32 v38  }
0x51e: {  	v53 =	vperm.xlane v34, v13;
	v55 =	vperm.xlane v33, v13;
	v31 =	vadd.f32 v31, v51;
	v41 =	vpop (erf)  }
0x51f: {  	v58 =	vperm.xlane v46, v14;
	v32 =	vadd.f32 v32, v54;
	(erf) = vpow2.f32 v43;
	v43 =	vpop (erf)  }
0x520: {  	v34 =	vadd.f32 v34, v53;
	v33 =	vadd.f32 v33, v55;
	v56 =	vperm.xlane v31, v13;
	v47 =	vpop (erf)  }
0x521: {  	vm2 =	vcmask $0x171C;
	v60 =	vperm.xlane v32, v13;
	(erf) = vpow2.f32 v52;
	v59 =	vpop (erf)  }
0x522: {  	v55 =	vadd.f32 v46, v58;
	v57 =	vperm.xlane v34, v14;
	v61 =	vperm.xlane v33, v14;
	v62 =	vpop (erf)  }
0x523: {  	v31 =	vadd.f32 v31, v56;
	v45 =	vnsel vm0, $0x0, v59;
	v49 =	vsel vm4, $0x0, v62  }
0x524: {  	v40 =	vperm.xlane v39, v14;
	v34 =	vadd.f32 v34, v57;
	v45 =	vadd.f32 $0.0e+00, v45  }
0x525: {  	v35 =	vperm.xlane v42, v14;
	v32 =	vadd.f32 v32, v60;
	v33 =	vadd.f32 v33, v61  }
0x526: {  	v63 =	vperm.xlane v31, v14;
	v34 =	vmin.f32 v34, $6.000000000e+01;
	v45 =	vadd.f32 v49, v45;
	v49 =	vpop (erf)  }
0x527: {  	v48 =	vperm.xlane v32, v14;
	v34 =	vmul.f32 $1.442695020e+00, v34;
	v38 =	vsel vm10, $0x0, v49  }
0x528: {  	v33 =	vmin.f32 v33, $6.000000000e+01;
	v31 =	vadd.f32 v31, v63;
	v51 =	vpop (erf);
	v38 =	vadd.f32 v38, v45  }
0x529: {  	v33 =	vmul.f32 $1.442695020e+00, v33;
	(erf) = vpow2.f32 v34;
	v45 =	vsel vm5, $0x0, v51  }
0x52a: {  	v32 =	vadd.f32 v32, v48;
	v31 =	vmin.f32 v31, $6.000000000e+01;
	v53 =	vpop (erf);
	v52 =	vadd.f32 v45, v38  }
0x52b: {  	v31 =	vmul.f32 $1.442695020e+00, v31;
	(erf) = vpow2.f32 v33;
	v38 =	vsel vm8, $0x0, v53  }
0x52c: {  	v32 =	vmin.f32 v32, $6.000000000e+01;
	vm8 =	vcmask $0x1318;
	v54 =	vadd.f32 v38, v52  }
0x52d: {  	v32 =	vmul.f32 $1.442695020e+00, v32;
	(erf) = vpow2.f32 v31;
	v56 =	vsel vm8, $0x0, v47  }
0x52e: {  	v58 =	vadd.f32 v42, v35;
	v57 =	vmin.f32 v55, $6.000000000e+01;
	v31 =	vadd.f32 v56, v54  }
0x52f: {  	v59 =	vsel vm2, $0x0, v43;
	v33 =	vmul.f32 $1.442695020e+00, v57;
	(erf) = vpow2.f32 v32  }
0x530: {  	v60 =	vmin.f32 v58, $6.000000000e+01;
	v61 =	vadd.f32 v39, v40;
	v31 =	vadd.f32 v59, v31  }
0x531: {  	v62 =	vsel vm11, $0x0, v41;
	v32 =	vmul.f32 $1.442695020e+00, v60;
	(erf) = vpow2.f32 v33  }
0x532: {  	v63 =	vmin.f32 v61, $6.000000000e+01;
	v38 =	vadd.f32 v36, v37;
	v39 =	vpop (erf);
	v31 =	vadd.f32 v62, v31  }
0x533: {  	v33 =	vmul.f32 $1.442695020e+00, v63;
	(erf) = vpow2.f32 v32;
	v35 =	vsel vm12, $0x0, v39  }
0x534: {  	v40 =	vmin.f32 v38, $6.000000000e+01;
	v41 =	vpop (erf);
	v31 =	vadd.f32 v35, v31  }
0x535: {  	v32 =	vmul.f32 $1.442695020e+00, v40;
	(erf) = vpow2.f32 v33;
	v34 =	vsel vm13, $0x0, v41  }
0x536: {  	v42 =	vpop (erf);
	v31 =	vadd.f32 v34, v31  }
0x537: {  	(erf) = vpow2.f32 v32;
	v33 =	vsel vm14, $0x0, v42  }
0x538: {  	v43 =	vpop (erf);
	v31 =	vadd.f32 v33, v31  }
0x539: {  	v32 =	vsel vm15, $0x0, v43  }
0x53a: {  	v44 =	vpop (erf);
	v31 =	vadd.f32 v32, v31  }
0x53b: {  	v32 =	vsel vm1, $0x0, v44  }
0x53c: {  	v45 =	vpop (erf);
	v31 =	vadd.f32 v32, v31  }
0x53d: {  	v32 =	vsel vm9, $0x0, v45  }
0x53e: {  	v46 =	vpop (erf);
	v31 =	vadd.f32 v32, v31  }
0x53f: {  	v32 =	vsel vm6, $0x0, v46  }
0x540: {  	v47 =	vpop (erf);
	v31 =	vadd.f32 v32, v31  }
0x541: {  	v32 =	vsel vm7, $0x0, v47  }
0x542: {  	v31 =	vadd.f32 v32, v31  }
0x543: {  	s1 =	sadd.s32 $0x10, s30  }
0x544: {  	[tilespmem:s1+$0x0] =	vst v31  }
0x545: {  	s29 =	sand.u32 $0x300, s29;
	v31 =	vld [tilespmem:s12+$0x0]  }
0x546: {  	s1 =	sadd.s32 s29, s2  }
0x547: {  	v48 =	vld [tilespmem:s1+$0x400];
	_ =	sdelay $0x2  }
0x548: {  	v49 =	vperm.xlane v31, v15;
	_ =	sdelay $0x1  }
0x549: {  	v32 =	vmul.f32 v48, v49  }
0x54a: {  	s18 =	simm.s32 $0x9380  }
0x54b: {  	[tilespmem:s18+$0xFFFFFF80] =	vst v32  }
0x54c: {  	v32 =	vld [tilespmem:s1+$0x410];
	_ =	sdelay $0x2  }
0x54d: {  	v50 =	vperm.xlane v31, v16;
	_ =	sdelay $0x1  }
0x54e: {  	v32 =	vmul.f32 v32, v50;
	_ =	sdelay $0x1  }
0x54f: {  	[tilespmem:s18+$0xFFFFFF90] =	vst v32  }
0x550: {  	v32 =	vld [tilespmem:s1+$0x420];
	_ =	sdelay $0x2  }
0x551: {  	v51 =	vperm.xlane v31, v17;
	_ =	sdelay $0x1  }
0x552: {  	v32 =	vmul.f32 v32, v51;
	_ =	sdelay $0x1  }
0x553: {  	[tilespmem:s18+$0xFFFFFFA0] =	vst v32  }
0x554: {  	v32 =	vld [tilespmem:s1+$0x430];
	_ =	sdelay $0x2  }
0x555: {  	v52 =	vperm.xlane v31, v18;
	_ =	sdelay $0x1  }
0x556: {  	v32 =	vmul.f32 v32, v52;
	_ =	sdelay $0x1  }
0x557: {  	[tilespmem:s18+$0xFFFFFFB0] =	vst v32  }
0x558: {  	v32 =	vld [tilespmem:s1+$0x440];
	_ =	sdelay $0x2  }
0x559: {  	v53 =	vperm.xlane v31, v19;
	_ =	sdelay $0x1  }
0x55a: {  	v32 =	vmul.f32 v32, v53;
	_ =	sdelay $0x1  }
0x55b: {  	[tilespmem:s18+$0xFFFFFFC0] =	vst v32  }
0x55c: {  	v32 =	vld [tilespmem:s1+$0x450];
	_ =	sdelay $0x2  }
0x55d: {  	v54 =	vperm.xlane v31, v20;
	_ =	sdelay $0x1  }
0x55e: {  	v32 =	vmul.f32 v32, v54;
	_ =	sdelay $0x1  }
0x55f: {  	[tilespmem:s18+$0xFFFFFFD0] =	vst v32  }
0x560: {  	v32 =	vld [tilespmem:s1+$0x460];
	_ =	sdelay $0x2  }
0x561: {  	v55 =	vperm.xlane v31, v21;
	_ =	sdelay $0x1  }
0x562: {  	v32 =	vmul.f32 v32, v55;
	_ =	sdelay $0x1  }
0x563: {  	[tilespmem:s18+$0xFFFFFFE0] =	vst v32  }
0x564: {  	v32 =	vld [tilespmem:s1+$0x470];
	_ =	sdelay $0x2  }
0x565: {  	v56 =	vperm.xlane v31, v22;
	_ =	sdelay $0x1  }
0x566: {  	s30 =	simm.s32 $0x80;
	v32 =	vmul.f32 v32, v56  }
0x567: {  	s1 =	sand.u32 $0x380, s30  }
0x568: {  	s1 =	sadd.s32 s1, s2;
	[tilespmem:s18+$0xFFFFFFF0] =	vst v32  }
0x569: {  	v32 =	vld [tilespmem:s1+$0x400];
	_ =	sdelay $0x2  }
0x56a: {  	v57 =	vperm.xlane v31, v23;
	_ =	sdelay $0x1  }
0x56b: {  	v32 =	vmul.f32 v32, v57;
	_ =	sdelay $0x1  }
0x56c: {  	[tilespmem:s18+$0x0] =	vst v32  }
0x56d: {  	v32 =	vld [tilespmem:s1+$0x410];
	_ =	sdelay $0x2  }
0x56e: {  	v58 =	vperm.xlane v31, v24;
	_ =	sdelay $0x1  }
0x56f: {  	v32 =	vmul.f32 v32, v58;
	_ =	sdelay $0x1  }
0x570: {  	[tilespmem:s18+$0x10] =	vst v32  }
0x571: {  	v32 =	vld [tilespmem:s1+$0x420];
	_ =	sdelay $0x2  }
0x572: {  	v59 =	vperm.xlane v31, v25;
	_ =	sdelay $0x1  }
0x573: {  	v32 =	vmul.f32 v32, v59;
	_ =	sdelay $0x1  }
0x574: {  	[tilespmem:s18+$0x20] =	vst v32  }
0x575: {  	v32 =	vld [tilespmem:s1+$0x430];
	_ =	sdelay $0x2  }
0x576: {  	v60 =	vperm.xlane v31, v26;
	_ =	sdelay $0x1  }
0x577: {  	v32 =	vmul.f32 v32, v60;
	_ =	sdelay $0x1  }
0x578: {  	[tilespmem:s18+$0x30] =	vst v32  }
0x579: {  	v32 =	vld [tilespmem:s1+$0x440];
	_ =	sdelay $0x2  }
0x57a: {  	v61 =	vperm.xlane v31, v27;
	_ =	sdelay $0x1  }
0x57b: {  	v32 =	vmul.f32 v32, v61;
	_ =	sdelay $0x1  }
0x57c: {  	[tilespmem:s18+$0x40] =	vst v32  }
0x57d: {  	v32 =	vld [tilespmem:s1+$0x450];
	_ =	sdelay $0x2  }
0x57e: {  	v62 =	vperm.xlane v31, v28;
	_ =	sdelay $0x1  }
0x57f: {  	v32 =	vmul.f32 v32, v62;
	_ =	sdelay $0x1  }
0x580: {  	[tilespmem:s18+$0x50] =	vst v32  }
0x581: {  	v32 =	vld [tilespmem:s1+$0x460];
	_ =	sdelay $0x2  }
0x582: {  	v63 =	vperm.xlane v31, v29;
	_ =	sdelay $0x1  }
0x583: {  	v32 =	vmul.f32 v32, v63;
	_ =	sdelay $0x1  }
0x584: {  	[tilespmem:s18+$0x60] =	vst v32  }
0x585: {  	v32 =	vld [tilespmem:s1+$0x470];
	_ =	sdelay $0x2  }
0x586: {  	v31 =	vperm.xlane v31, v30;
	_ =	sdelay $0x1  }
0x587: {  	v31 =	vmul.f32 v32, v31  }
0x588: {  	s19 =	simm.s32 $0x200;
	vm3 =	vmmov vm10;
	s2 =	simm.s32 $0x200  }
.LBB2_13:
0x589: {  	s1 =	sand.u32 $0x1800, s19;
	[tilespmem:s18+$0x70] =	vst v31;
	s12 =	sadd.s32 $0x10, s12;
	s18 =	sadd.s32 $0x100, s18  }
0x58a: {  	p1 =	sne.s32 s2, $0xF00;
	s24 =	sand.u32 $0x300, s11;
	v31 =	vld [tilespmem:s12+$0x0];
	s20 =	sor.u32 $0x4300, s1  }
0x58b: {  	s25 =	sadd.s32 s24, s20;
	s24 =	smov.u32 s2;
	s2 =	sadd.s32 $0x100, s2  }
0x58c: {  	v32 =	vld [tilespmem:s25+$0x400];
	_ =	sdelay $0x2  }
0x58d: {  	v33 =	vperm.xlane v31, v15;
	_ =	sdelay $0x1  }
0x58e: {  	v32 =	vmul.f32 v32, v33;
	_ =	sdelay $0x1  }
0x58f: {  	[tilespmem:s18+$0xFFFFFF80] =	vst v32  }
0x590: {  	v32 =	vld [tilespmem:s25+$0x410];
	_ =	sdelay $0x2  }
0x591: {  	v33 =	vperm.xlane v31, v16;
	_ =	sdelay $0x1  }
0x592: {  	v32 =	vmul.f32 v32, v33;
	_ =	sdelay $0x1  }
0x593: {  	[tilespmem:s18+$0xFFFFFF90] =	vst v32  }
0x594: {  	v32 =	vld [tilespmem:s25+$0x420];
	_ =	sdelay $0x2  }
0x595: {  	v33 =	vperm.xlane v31, v17;
	_ =	sdelay $0x1  }
0x596: {  	v32 =	vmul.f32 v32, v33;
	_ =	sdelay $0x1  }
0x597: {  	[tilespmem:s18+$0xFFFFFFA0] =	vst v32  }
0x598: {  	v32 =	vld [tilespmem:s25+$0x430];
	_ =	sdelay $0x2  }
0x599: {  	v33 =	vperm.xlane v31, v18;
	_ =	sdelay $0x1  }
0x59a: {  	v32 =	vmul.f32 v32, v33;
	_ =	sdelay $0x1  }
0x59b: {  	[tilespmem:s18+$0xFFFFFFB0] =	vst v32  }
0x59c: {  	v32 =	vld [tilespmem:s25+$0x440];
	_ =	sdelay $0x2  }
0x59d: {  	v33 =	vperm.xlane v31, v19;
	_ =	sdelay $0x1  }
0x59e: {  	v32 =	vmul.f32 v32, v33;
	_ =	sdelay $0x1  }
0x59f: {  	[tilespmem:s18+$0xFFFFFFC0] =	vst v32  }
0x5a0: {  	v32 =	vld [tilespmem:s25+$0x450];
	_ =	sdelay $0x2  }
0x5a1: {  	v33 =	vperm.xlane v31, v20;
	_ =	sdelay $0x1  }
0x5a2: {  	v32 =	vmul.f32 v32, v33;
	_ =	sdelay $0x1  }
0x5a3: {  	[tilespmem:s18+$0xFFFFFFD0] =	vst v32  }
0x5a4: {  	v32 =	vld [tilespmem:s25+$0x460];
	_ =	sdelay $0x2  }
0x5a5: {  	v33 =	vperm.xlane v31, v21;
	_ =	sdelay $0x1  }
0x5a6: {  	v32 =	vmul.f32 v32, v33;
	_ =	sdelay $0x1  }
0x5a7: {  	[tilespmem:s18+$0xFFFFFFE0] =	vst v32  }
0x5a8: {  	v32 =	vld [tilespmem:s25+$0x470];
	_ =	sdelay $0x2  }
0x5a9: {  	v33 =	vperm.xlane v31, v22;
	_ =	sdelay $0x1  }
0x5aa: {  	s1 =	sadd.s32 $0x80, s11;
	s11 =	smov.u32 s24;
	v32 =	vmul.f32 v32, v33  }
0x5ab: {  	s1 =	sand.u32 $0x380, s1  }
0x5ac: {  	s20 =	sadd.s32 s1, s20;
	[tilespmem:s18+$0xFFFFFFF0] =	vst v32  }
0x5ad: {  	v32 =	vld [tilespmem:s20+$0x400];
	_ =	sdelay $0x2  }
0x5ae: {  	v33 =	vperm.xlane v31, v23;
	_ =	sdelay $0x1  }
0x5af: {  	v32 =	vmul.f32 v32, v33;
	_ =	sdelay $0x1  }
0x5b0: {  	[tilespmem:s18+$0x0] =	vst v32  }
0x5b1: {  	v32 =	vld [tilespmem:s20+$0x410];
	_ =	sdelay $0x2  }
0x5b2: {  	v33 =	vperm.xlane v31, v24;
	_ =	sdelay $0x1  }
0x5b3: {  	v32 =	vmul.f32 v32, v33;
	_ =	sdelay $0x1  }
0x5b4: {  	[tilespmem:s18+$0x10] =	vst v32  }
0x5b5: {  	v32 =	vld [tilespmem:s20+$0x420];
	_ =	sdelay $0x2  }
0x5b6: {  	v33 =	vperm.xlane v31, v25;
	_ =	sdelay $0x1  }
0x5b7: {  	v32 =	vmul.f32 v32, v33;
	_ =	sdelay $0x1  }
0x5b8: {  	[tilespmem:s18+$0x20] =	vst v32  }
0x5b9: {  	v32 =	vld [tilespmem:s20+$0x430];
	_ =	sdelay $0x2  }
0x5ba: {  	v33 =	vperm.xlane v31, v26;
	_ =	sdelay $0x1  }
0x5bb: {  	v32 =	vmul.f32 v32, v33;
	_ =	sdelay $0x1  }
0x5bc: {  	[tilespmem:s18+$0x30] =	vst v32  }
0x5bd: {  	v32 =	vld [tilespmem:s20+$0x440];
	_ =	sdelay $0x2  }
0x5be: {  	v33 =	vperm.xlane v31, v27;
	_ =	sdelay $0x1  }
0x5bf: {  	v32 =	vmul.f32 v32, v33;
	_ =	sdelay $0x1  }
0x5c0: {  	[tilespmem:s18+$0x40] =	vst v32  }
0x5c1: {  	v32 =	vld [tilespmem:s20+$0x450];
	_ =	sdelay $0x2  }
0x5c2: {  	v33 =	vperm.xlane v31, v28;
	_ =	sdelay $0x1  }
0x5c3: {  	v32 =	vmul.f32 v32, v33;
	_ =	sdelay $0x1  }
0x5c4: {  	[tilespmem:s18+$0x50] =	vst v32  }
0x5c5: {  	v32 =	vld [tilespmem:s20+$0x460];
	_ =	sdelay $0x2  }
0x5c6: {  	v33 =	vperm.xlane v31, v29;
	_ =	sdelay $0x1  }
0x5c7: {  	v32 =	vmul.f32 v32, v33;
	_ =	sdelay $0x1  }
0x5c8: {  	[tilespmem:s18+$0x60] =	vst v32  }
0x5c9: {  	v32 =	vld [tilespmem:s20+$0x470];
	_ =	sdelay $0x1  }
.Ltmp6:
0x5ca: {  	(pc) =	sbr.rel @p1 .LBB2_13-.Ltmp6, $3  }
0x5cb: {  	v31 =	vperm.xlane v31, v30;
	_ =	sdelay $0x1  }
0x5cc: {  	v31 =	vmul.f32 v32, v31  }
0x5cd: {  	s19 =	sadd.s32 $0x200, s19  }
0x5ce: {  	s1 =	sand.u32 $0x1800, s19;
	[tilespmem:s18+$0x70] =	vst v31;
	s2 =	sadd.s32 $0x10, s12  }
0x5cf: {  	s25 =	sand.u32 $0x300, s11;
	v31 =	vld [tilespmem:s2+$0x0];
	s1 =	sor.u32 $0x4300, s1  }
0x5d0: {  	s29 =	sadd.s32 s25, s1  }
0x5d1: {  	v32 =	vld [tilespmem:s29+$0x400];
	_ =	sdelay $0x2  }
0x5d2: {  	v33 =	vperm.xlane v31, v15;
	_ =	sdelay $0x1  }
0x5d3: {  	v32 =	vmul.f32 v32, v33  }
0x5d4: {  	s30 =	sadd.s32 $0x100, s18  }
0x5d5: {  	[tilespmem:s30+$0xFFFFFF80] =	vst v32  }
0x5d6: {  	v32 =	vld [tilespmem:s29+$0x410];
	_ =	sdelay $0x2  }
0x5d7: {  	v50 =	vperm.xlane v31, v16;
	_ =	sdelay $0x1  }
0x5d8: {  	v32 =	vmul.f32 v32, v50;
	_ =	sdelay $0x1  }
0x5d9: {  	[tilespmem:s30+$0xFFFFFF90] =	vst v32  }
0x5da: {  	v32 =	vld [tilespmem:s29+$0x420];
	_ =	sdelay $0x2  }
0x5db: {  	v51 =	vperm.xlane v31, v17;
	_ =	sdelay $0x1  }
0x5dc: {  	v32 =	vmul.f32 v32, v51;
	_ =	sdelay $0x1  }
0x5dd: {  	[tilespmem:s30+$0xFFFFFFA0] =	vst v32  }
0x5de: {  	v32 =	vld [tilespmem:s29+$0x430];
	_ =	sdelay $0x2  }
0x5df: {  	v52 =	vperm.xlane v31, v18;
	_ =	sdelay $0x1  }
0x5e0: {  	v32 =	vmul.f32 v32, v52;
	_ =	sdelay $0x1  }
0x5e1: {  	[tilespmem:s30+$0xFFFFFFB0] =	vst v32  }
0x5e2: {  	v32 =	vld [tilespmem:s29+$0x440];
	_ =	sdelay $0x2  }
0x5e3: {  	v53 =	vperm.xlane v31, v19;
	_ =	sdelay $0x1  }
0x5e4: {  	v32 =	vmul.f32 v32, v53;
	_ =	sdelay $0x1  }
0x5e5: {  	[tilespmem:s30+$0xFFFFFFC0] =	vst v32  }
0x5e6: {  	v32 =	vld [tilespmem:s29+$0x450];
	_ =	sdelay $0x2  }
0x5e7: {  	v54 =	vperm.xlane v31, v20;
	_ =	sdelay $0x1  }
0x5e8: {  	v32 =	vmul.f32 v32, v54;
	_ =	sdelay $0x1  }
0x5e9: {  	[tilespmem:s30+$0xFFFFFFD0] =	vst v32  }
0x5ea: {  	v32 =	vld [tilespmem:s29+$0x460];
	_ =	sdelay $0x2  }
0x5eb: {  	v55 =	vperm.xlane v31, v21;
	_ =	sdelay $0x1  }
0x5ec: {  	v32 =	vmul.f32 v32, v55;
	_ =	sdelay $0x1  }
0x5ed: {  	[tilespmem:s30+$0xFFFFFFE0] =	vst v32  }
0x5ee: {  	v32 =	vld [tilespmem:s29+$0x470];
	_ =	sdelay $0x2  }
0x5ef: {  	v56 =	vperm.xlane v31, v22;
	_ =	sdelay $0x1  }
0x5f0: {  	s18 =	sadd.s32 $0x80, s11;
	v32 =	vmul.f32 v32, v56  }
0x5f1: {  	s11 =	sand.u32 $0x380, s18  }
0x5f2: {  	s1 =	sadd.s32 s11, s1;
	[tilespmem:s30+$0xFFFFFFF0] =	vst v32  }
0x5f3: {  	v32 =	vld [tilespmem:s1+$0x400];
	_ =	sdelay $0x2  }
0x5f4: {  	v57 =	vperm.xlane v31, v23;
	_ =	sdelay $0x1  }
0x5f5: {  	v32 =	vmul.f32 v32, v57;
	_ =	sdelay $0x1  }
0x5f6: {  	[tilespmem:s30+$0x0] =	vst v32  }
0x5f7: {  	v32 =	vld [tilespmem:s1+$0x410];
	_ =	sdelay $0x2  }
0x5f8: {  	v58 =	vperm.xlane v31, v24;
	_ =	sdelay $0x1  }
0x5f9: {  	v32 =	vmul.f32 v32, v58;
	_ =	sdelay $0x1  }
0x5fa: {  	[tilespmem:s30+$0x10] =	vst v32  }
0x5fb: {  	v32 =	vld [tilespmem:s1+$0x420];
	_ =	sdelay $0x2  }
0x5fc: {  	v59 =	vperm.xlane v31, v25;
	_ =	sdelay $0x1  }
0x5fd: {  	v32 =	vmul.f32 v32, v59;
	_ =	sdelay $0x1  }
0x5fe: {  	[tilespmem:s30+$0x20] =	vst v32  }
0x5ff: {  	v32 =	vld [tilespmem:s1+$0x430];
	_ =	sdelay $0x2  }
0x600: {  	v60 =	vperm.xlane v31, v26;
	_ =	sdelay $0x1  }
0x601: {  	v32 =	vmul.f32 v32, v60;
	_ =	sdelay $0x1  }
0x602: {  	[tilespmem:s30+$0x30] =	vst v32  }
0x603: {  	v32 =	vld [tilespmem:s1+$0x440];
	_ =	sdelay $0x2  }
0x604: {  	v61 =	vperm.xlane v31, v27;
	_ =	sdelay $0x1  }
0x605: {  	v32 =	vmul.f32 v32, v61;
	_ =	sdelay $0x1  }
0x606: {  	[tilespmem:s30+$0x40] =	vst v32  }
0x607: {  	v32 =	vld [tilespmem:s1+$0x450];
	_ =	sdelay $0x2  }
0x608: {  	v62 =	vperm.xlane v31, v28;
	_ =	sdelay $0x1  }
0x609: {  	v32 =	vmul.f32 v32, v62;
	_ =	sdelay $0x1  }
0x60a: {  	[tilespmem:s30+$0x50] =	vst v32  }
0x60b: {  	v32 =	vld [tilespmem:s1+$0x460];
	_ =	sdelay $0x2  }
0x60c: {  	v63 =	vperm.xlane v31, v29;
	_ =	sdelay $0x1  }
0x60d: {  	v32 =	vmul.f32 v32, v63;
	_ =	sdelay $0x1  }
0x60e: {  	[tilespmem:s30+$0x60] =	vst v32  }
0x60f: {  	v32 =	vld [tilespmem:s1+$0x470];
	_ =	sdelay $0x2  }
0x610: {  	v31 =	vperm.xlane v31, v30;
	_ =	sdelay $0x1  }
0x611: {  	v31 =	vmul.f32 v32, v31;
	_ =	sdelay $0x1  }
0x612: {  	s19 =	simm.s32 $0x280;
	s20 =	simm.s32 $0x9300;
	[tilespmem:s30+$0x70] =	vst v31  }
0x613: {  	[spmem:s3] =	stream.indirect.scatter.add.f32 [tilespmem:s20], [sflag:$0x6], $0x80, s19, s0, $0xb8;
	[tilespmem:$0x1FB00] =	vst v63  }
0x614: {  	s24 =	simm.s32 $0xAA00;
	s25 =	simm.s32 $0xA800  }
0x615: {  	[spmem:s5] =	stream.indirect.scatter.add.f32 [tilespmem:s25], [sflag:$0x6], $0x1, s24, s15, $0xb8;
	[tilespmem:$0x1FB00] =	vst v63  }
0x616: {  	s29 =	simm.s32 $0xAA80;
	s30 =	simm.s32 $0xA880  }
0x617: {  	[spmem:s5] =	stream.indirect.scatter.add.f32 [tilespmem:s30], [sflag:$0x6], $0x1, s29, s15, $0xb8;
	[tilespmem:$0x1FB00] =	vst v63  }
0x618: {  	_ =	swait.ge [sflag:s26], $0x1000  }
0x619: {  	[sflag:s26] =	ssyncset.done $0x0  }
0x61a: {  	[sflag:s26] =	ssyncadd.s32 $0xFFFFF000  }
0x61b: {  	p1 =	sgt.u32 s28, $0x9B;
	_ =	swait.ge [sflag:s26], $0x80  }
.Ltmp7:
0x61c: {  	[sflag:s26] =	ssyncset.done $0x0;
	(pc) =	sbr.rel @!p1 .LBB2_15-.Ltmp7, $4  }
0x61d: {  	[sflag:s26] =	ssyncadd.s32 $0xFFFFFF80  }
0x61e: {  	_ =	swait.ge [sflag:s26], $0x80  }
0x61f: {  	[sflag:s26] =	ssyncset.done $0x0  }
0x620: {  	[sflag:s26] =	ssyncadd.s32 $0xFFFFFF80  }
0x621: {  	v31 =	vld [tilespmem:$0x1FFF0]  }
.Ltmp8:
0x622: {  	_ = 	snop;
	(pc) =	sbr.rel @!p0 .LBB2_17-.Ltmp8, $4  }
0x623: {  	vm6 =	vcmask $0xF14  }
0x624: {  	vm11 =	vcmask $0x1B20;
	vm12 =	vcmask $0x1F24;
	vm13 =	vcmask $0x2328  }
0x625: {  	vm14 =	vcmask $0x272C;
	vm15 =	vcmask $0x2B30;
	vm1 =	vcmask $0x2F34  }
0x626: {  	vm9 =	vcmask $0x3338;
	vm10 =	vcmask $0x373C;
	vm0 =	vnez.u8 v31  }
0x627: {  	s1 =	simm.s32 $0x6  }
0x628: {  	_ =	swait.ge [sflag:s1], $0x1000  }
0x629: {  	[sflag:s1] =	ssyncset.done $0x0  }
0x62a: {  	[sflag:s1] =	ssyncadd.s32 $0xFFFFF000  }
0x62b: {  	_ =	swait.ge [sflag:s1], $0x80  }
0x62c: {  	[sflag:s1] =	ssyncset.done $0x0  }
0x62d: {  	[sflag:s1] =	ssyncadd.s32 $0xFFFFFF80  }
0x62e: {  	_ =	swait.ge [sflag:s1], $0x80  }
0x62f: {  	[sflag:s1] =	ssyncset.done $0x0  }
0x630: {  	[sflag:s1] =	ssyncadd.s32 $0xFFFFFF80  }
0x631: {  	[bflag:$0x0] =	sbarrier.arrive $0xFFFF  }
0x632: {  	s18 =	rddreg [dreg:$0x8]  }
0x633: {  	s25 =	rddreg [dreg:$0x10]  }
0x634: {  	s2 =	rddreg [dreg:$0x14]  }
0x635: {  	[hbm:s25], [sflag:s18] =	dma.local [spmem:s2], $0x2780  }
0x636: {  	s2 =	simm.s32 $0x7  }
0x637: {  	_ =	swait.ge [sflag:s2], $0x2780  }
0x638: {  	[sflag:s2] =	ssyncset.done $0x0;
	s28 =	rddreg [dreg:$0x11]  }
0x639: {  	s4 =	rddreg [dreg:$0x15];
	[sflag:s2] =	ssyncadd.s32 $0xFFFFD880  }
0x63a: {  	[hbm:s28], [sflag:s18] =	dma.local [spmem:s4], $0x280  }
0x63b: {  	_ =	swait.ge [sflag:s2], $0x280  }
0x63c: {  	s29 =	rddreg [dreg:$0x13]  }
0x63d: {  	s30 =	rddreg [dreg:$0x12];
	s4 =	sadd.s32 $0x1, s29  }
0x63e: {  	p0 =	sne.s32 s4, s30  }
.Ltmp9:
0x63f: {  	_ = 	snop;
	(pc) =	sbr.rel @p0 .LBB2_1-.Ltmp9, $3  }
0x640: {  	_ =	sdelay $0x1  }
0x641: {  	[sflag:s2] =	ssyncset.done $0x0  }
0x642: {  	[sflag:s2] =	ssyncadd.s32 $0xFFFFFD80  }
0x643: {  	_ =	sfence.sel $0x180000  }
0x644: {  	[bflag:$0x0] =	sbarrier.arrive $0xFFFF  }
0x645: {  	_ =	strace $0x90000047  }
0x646: {  	s0 =	stileid.u32;
	[bflag:$0x2] =	sbarrier.arrive $0xFFFF  }
0x647: {  	p0 =	sne.s32 s0, $0x0;
	s0 =	rddreg [dreg:$0x5]  }
0x648: {  	s0 =	sadd.s32 @!p0 $0x100000, s0  }
0x649: {  	[sflag:s0] =	ssyncadd.tile.s32 @!p0 $0x1;
	_ =	shalt  }
.Lfunc_end2:
_tile_overlayer_lowered:
.L_overlay_start_2:
0x64a: {  	(tag) =	ssettag $0x2  }
0x64b: {  	s0 =	rddreg [dreg:$0x0];
	s2 =	stileid.u32  }
0x64c: {  	s1 =	rddreg [dreg:$0x1];
	p0 =	sne.s32 s2, $0x0  }
0x64d: {  	s3 =	rddreg [dreg:$0x2];
	[bflag:$0x3] =	sbarrier.arrive $0xFFFF;
	s2 =	simm.s32 @!p0 $0x1C07  }
0x64e: {  	[timem:s3], [sflag:s2] =	dma.local @!p0 [hbm:s0], s1  }
0x64f: {  	s0 =	simm.s32 @!p0 $0x7  }
0x650: {  	_ =	swait.ge @!p0 [sflag:s0], s1  }
0x651: {  	s1 =	ssub.s32 @!p0 $0x0, s1;
	[sflag:s0] =	ssyncset.done @!p0 $0x0  }
0x652: {  	[sflag:s0] =	ssyncadd.s32 @!p0 s1  }
0x653: {  	[bflag:$0x3] =	sbarrier.arrive $0xFFFF  }
0x654: {  	_ =	shalt  }

</sc_bundles>
